<compile_context>
chip_gen: v7x
topology: tpu7x:2x2x1
jax: 0.10.2.dev20260603
libtpu: 0.0.44.dev20260713+nightly
codegen_flags: <defaults>
</compile_context>

<pallas_src>
import functools

import jax
import jax.numpy as jnp
from jax import lax
from jax.experimental import pallas as pl
from jax.experimental.pallas import tpu as pltpu
from jax.experimental.pallas import tpu_sc as plsc

_B, _S = 8, 32
_NCH, _NFEAT, _D = 4, 32, 2048
_NLEV = 100
_R = _B * _S * _NCH

_NC, _NS, _L = 2, 16, 16
_NW = _NC * _NS
_WC = 128
_WR = _R // 2
_NQ = _WC // _L
_FG = 4
_NG = _NFEAT // _FG


def _prep_body(samples_ref, vw_ref, fw_ref, cw_ref,
               av_ref, vwc_ref, off_ref):
    s = samples_ref[...]
    idxf = jnp.round((s + 1.0) / 2.0 * 99.0)
    av_ref[...] = jnp.clip(idxf, 0.0, 99.0).astype(jnp.int32)

    csum = jnp.sum(cw_ref[...], axis=0, keepdims=True)
    vwc_ref[...] = vw_ref[...] * csum

    fw = fw_ref[...]
    off = jnp.where(fw < 0.0, _NLEV, 0)
    off_ref[...] = jnp.where(fw == 0.0, 2 * _NLEV, off)


@functools.partial(
    pl.kernel,
    mesh=plsc.VectorSubcoreMesh(core_axis_name="c", subcore_axis_name="s"),
    out_type=jax.ShapeDtypeStruct((_R, _D), jnp.float32),
    scratch_types=[
        pltpu.VMEM((_WR * _NFEAT,), jnp.int32),
        pltpu.VMEM((3 * _NLEV, _WC), jnp.float32),
        pltpu.VMEM((_NFEAT, _WC), jnp.int32),
        pltpu.VMEM((_WR, _WC), jnp.float32),
    ],
    compiler_params=pltpu.CompilerParams(needs_layout_passes=False),
)
def _sc_s4(av_hbm, vwc_hbm, off_hbm, s4_hbm, av_v, tab_v, off_v, s4_v):
    wid = lax.axis_index("s") * _NC + lax.axis_index("c")
    ctile = wid // 2
    rhalf = wid % 2
    cols = pl.ds(ctile * _WC, _WC)
    pltpu.sync_copy(av_hbm.at[pl.ds(rhalf * _WR * _NFEAT, _WR * _NFEAT)],
                    av_v)
    pltpu.sync_copy(vwc_hbm.at[:, cols], tab_v.at[pl.ds(0, _NLEV)])
    pltpu.sync_copy(off_hbm.at[:, cols], off_v)

    zero = jnp.zeros((_L,), jnp.float32)

    def neg_body(i, _):
        for q in range(_NQ):
            v = tab_v[i, pl.ds(q * _L, _L)]
            tab_v[_NLEV + i, pl.ds(q * _L, _L)] = -v
            tab_v[2 * _NLEV + i, pl.ds(q * _L, _L)] = zero
        return 0

    lax.fori_loop(0, _NLEV, neg_body, 0)

    colqs = [lax.iota(jnp.int32, _L) + q * _L for q in range(_NQ)]

    for g in range(_NG):
        offs = [[off_v[g * _FG + f, pl.ds(q * _L, _L)] for q in range(_NQ)]
                for f in range(_FG)]

        def r_body(r, _, g=g, offs=offs):
            if g == 0:
                accs = [jnp.zeros((_L,), jnp.float32) for _ in range(_NQ)]
            else:
                accs = [s4_v[r, pl.ds(q * _L, _L)] for q in range(_NQ)]
            for f in range(_FG):
                ai = plsc.load_gather(
                    av_v, [jnp.full((_L,), r * _NFEAT + g * _FG + f,
                                    dtype=jnp.int32)])
                for q in range(_NQ):
                    accs[q] = accs[q] + plsc.load_gather(
                        tab_v, [ai + offs[f][q], colqs[q]])
            for q in range(_NQ):
                s4_v[r, pl.ds(q * _L, _L)] = accs[q]
            return 0

        lax.fori_loop(0, _WR, r_body, 0)

    pltpu.sync_copy(s4_v, s4_hbm.at[pl.ds(rhalf * _WR, _WR), cols])


def kernel(samples, component_weight, feat_weight, value_weight):
    samples_r = samples.reshape(_R, _NFEAT)
    av, vwc, off = pl.pallas_call(
        _prep_body,
        out_shape=(
            jax.ShapeDtypeStruct((_R, _NFEAT), jnp.int32),
            jax.ShapeDtypeStruct((_NLEV, _D), jnp.float32),
            jax.ShapeDtypeStruct((_NFEAT, _D), jnp.int32),
        ),
    )(samples_r, value_weight, feat_weight, component_weight)

    s4 = _sc_s4(av.reshape(-1), vwc, off).reshape(_B, _S, _NCH, _D)

    t_interp = jax.nn.sigmoid(s4[:, :, 2, :] + s4[:, :, 3, :])
    h = s4[:, :, 0, :] * (1.0 - t_interp) + t_interp * s4[:, :, 1, :]
    h = jnp.roll(h, shift=1, axis=0)
    h = h.at[0].set(jnp.zeros_like(h[0]))
    s4 = s4 + h[:, :, None, :]
    return jnp.sign(jnp.sum(s4.reshape(_B, _S, -1), axis=1))

# --- scband reference (transcript-rebuilt; emitter-appended) ---
"""Pipeline reference for scband-flow-ld-82660940579152 (READ-ONLY COPY).

The authoritative reference and input builder live on the scoring server;
editing this copy changes nothing except your own understanding.
"""

import jax, jax.numpy as jnp
import numpy as np

B, S = 8, 32
N_CH, N_FEAT, D = 4, 32, 2048
N_LEVELS, LOW, HIGH = 100, -1.0, 1.0
CFC = 4

def setup_inputs(seed: int = 0):
    key = jax.random.key(seed)
    k1, k2, k3, k4 = jax.random.split(key, 4)
    samples = jax.random.uniform(k1, (B, S, N_CH * N_FEAT), dtype=jnp.float32)
    # torchhd Random embeddings are random bipolar (MAP) hypervectors
    component_weight = jnp.sign(jax.random.normal(k2, (CFC, D), dtype=jnp.float32))
    feat_weight = jnp.sign(jax.random.normal(k3, (N_FEAT, D), dtype=jnp.float32))
    # torchhd Level embedding: table of n_levels bipolar hypervectors indexed by quantized value
    value_weight = jnp.sign(jax.random.normal(k4, (N_LEVELS, D), dtype=jnp.float32))
    return {"samples": samples, "component_weight": component_weight, "feat_weight": feat_weight, "value_weight": value_weight}

def reference(samples, component_weight, feat_weight, value_weight):
    batch, seq = samples.shape[0], samples.shape[1]
    # Level embedding lookup: value -> index -> gather
    idx = jnp.round((samples - LOW) / (HIGH - LOW) * (N_LEVELS - 1))
    idx = jnp.clip(idx, 0, N_LEVELS - 1).astype(jnp.int32)
    idx = idx.reshape(batch, seq, N_CH, N_FEAT)
    lv = jnp.take(value_weight, idx, axis=0)              # [B,S,ch,feat,D]
    # hash_table = multiset(bind(value_hvs, feat_hvs)): elementwise mul then sum over features
    bound = lv * feat_weight                               # broadcast [feat,D]
    ht = jnp.sum(bound, axis=-2)                           # [B,S,ch,D]
    # unsqueeze(3).repeat_interleave(4, dim=3) then mul component.weight
    x = ht[:, :, :, None, :] * component_weight            # [B,S,ch,CFC,D]
    # torch .view(batch, seq, 4, n_channel, -1) on contiguous tensor (pure reshape)
    x = x.reshape(batch, seq, CFC, N_CH, D)
    s4 = jnp.sum(x, axis=-2)                               # multiset over dim=-2 -> [B,S,4,D]
    t_interp = jax.nn.sigmoid(s4[:, :, 2, :] + s4[:, :, 3, :])
    h = s4[:, :, 0, :] * (1.0 - t_interp) + t_interp * s4[:, :, 1, :]
    h = jnp.roll(h, shift=1, axis=0)
    h = h.at[0].set(jnp.zeros_like(h[0]))
    s4 = s4 + h[:, :, None, :]
    out = jnp.sign(jnp.sum(s4.reshape(batch, seq, -1), axis=1))  # bundle_sequence then sign -> [B, 4*D]
    return out

if False:  # reference __main__ guard neutralized (emitter)
    inp = setup_inputs()
    o = reference(**inp)
    print(o.shape, o.dtype)

if __name__ == "__main__":
    import jax
    _d = setup_inputs()
    print(jax.jit(kernel)(*tuple(_d.values())))

</pallas_src>

<mosaic_0001>
#map = affine_map<(d0, d1) -> (0)>
#map1 = affine_map<(d0, d1) -> (0, 0)>
module attributes {stable_mosaic.version = 14 : i64} {
  func.func @_sc_s4(%arg0: i32, %arg1: i32, %arg2: memref<32768xi32, #tpu.memory_space<hbm>>, %arg3: memref<100x2048xf32, #tpu.memory_space<hbm>>, %arg4: memref<32x2048xi32, #tpu.memory_space<hbm>>, %arg5: memref<1024x2048xf32, #tpu.memory_space<hbm>>, %arg6: memref<16384xi32, #tpu.memory_space<vmem>>, %arg7: memref<300x128xf32, #tpu.memory_space<vmem>>, %arg8: memref<32x128xi32, #tpu.memory_space<vmem>>, %arg9: memref<512x128xf32, #tpu.memory_space<vmem>>) attributes {dimension_semantics = [#tpu.dimension_semantics<core_parallel>, #tpu.dimension_semantics<subcore_parallel>], iteration_bounds = array<i64: 2, 16>, scalar_prefetch = 0 : i64, scratch_operands = 4 : i64, tpu.core_type = #tpu.core_type<sc_vector_subcore>, window_params = [{transform_indices = #map}, {transform_indices = #map1}, {transform_indices = #map1}, {transform_indices = #map1}]} {
    %mul3A = arith.constant 2 : i32
    %mul3A_0 = arith.muli %arg1, %mul3A : i32
    %add3A = arith.addi %mul3A_0, %arg0 : i32
    %jit3A = arith.constant 2 : i32
    %div3A = arith.divsi %add3A, %jit3A : i32
    %sign3A = arith.constant 0 : i32
    %sign3A_1 = arith.cmpi sgt, %add3A, %sign3A : i32
    %sign3A_2 = arith.extui %sign3A_1 : i1 to i32
    %sign3A_3 = arith.constant 0 : i32
    %sign3A_4 = arith.cmpi slt, %add3A, %sign3A_3 : i32
    %sign3A_5 = arith.extui %sign3A_4 : i1 to i32
    %sign3A_6 = arith.subi %sign3A_2, %sign3A_5 : i32
    %sign3A_7 = arith.constant 0 : i32
    %sign3A_8 = arith.cmpi sgt, %jit3A, %sign3A_7 : i32
    %sign3A_9 = arith.extui %sign3A_8 : i1 to i32
    %sign3A_10 = arith.constant 0 : i32
    %sign3A_11 = arith.cmpi slt, %jit3A, %sign3A_10 : i32
    %sign3A_12 = arith.extui %sign3A_11 : i1 to i32
    %sign3A_13 = arith.subi %sign3A_9, %sign3A_12 : i32
    %ne3A = arith.cmpi ne, %sign3A_6, %sign3A_13 : i32
    %rem3A = arith.remsi %add3A, %jit3A : i32
    %ne3A_14 = arith.constant 0 : i32
    %ne3A_15 = arith.cmpi ne, %rem3A, %ne3A_14 : i32
    %and3A = arith.andi %ne3A, %ne3A_15 : i1
    %sub3A = arith.constant 1 : i32
    %sub3A_16 = arith.subi %div3A, %sub3A : i32
    %select_n3A = arith.select %and3A, %sub3A_16, %div3A : i32
    %jit3A_17 = arith.constant 2 : i32
    %eq3A = arith.constant 0 : i32
    %eq3A_18 = arith.cmpi eq, %jit3A_17, %eq3A : i32
    %jit3A_19 = arith.constant 1 : i32
    %select_n3A_20 = arith.select %eq3A_18, %jit3A_19, %jit3A_17 : i32
    %rem3A_21 = arith.remsi %add3A, %select_n3A_20 : i32
    %ne3A_22 = arith.constant 0 : i32
    %ne3A_23 = arith.cmpi ne, %rem3A_21, %ne3A_22 : i32
    %lt3A = arith.constant 0 : i32
    %lt3A_24 = arith.cmpi slt, %rem3A_21, %lt3A : i32
    %lt3A_25 = arith.constant 0 : i32
    %lt3A_26 = arith.cmpi slt, %select_n3A_20, %lt3A_25 : i32
    %ne3A_27 = arith.xori %lt3A_24, %lt3A_26 : i1
    %and3A_28 = arith.andi %ne3A_27, %ne3A_23 : i1
    %add3A_29 = arith.addi %rem3A_21, %select_n3A_20 : i32
    %select_n3A_30 = arith.select %and3A_28, %add3A_29, %rem3A_21 : i32
    %mul3A_31 = arith.constant 128 : i32
    %mul3A_32 = arith.muli %select_n3A, %mul3A_31 : i32
    %mul3A_33 = arith.constant 512 : i32
    %mul3A_34 = arith.muli %select_n3A_30, %mul3A_33 : i32
    %mul3A_35 = arith.constant 32 : i32
    %mul3A_36 = arith.muli %mul3A_34, %mul3A_35 : i32
    "tpu.region"() ({
      %run_scoped3A = tpu.sem_alloc : memref<!tpu.dma_semaphore, #tpu.memory_space<semaphore_mem>>
      %dma_start3A = tpu.memref_slice %arg2[%mul3A_36] : memref<32768xi32, #tpu.memory_space<hbm>> -> memref<16384xi32, #tpu.memory_space<hbm>>
      %dma_start3A_1156 = tpu.memref_slice %arg2[%mul3A_36] : memref<32768xi32, #tpu.memory_space<hbm>> -> memref<16384xi32, #tpu.memory_space<hbm>>
      tpu.enqueue_dma source(%dma_start3A_1156 : memref<16384xi32, #tpu.memory_space<hbm>>) target(%arg6 : memref<16384xi32, #tpu.memory_space<vmem>>) target_semaphore(%run_scoped3A : memref<!tpu.dma_semaphore, #tpu.memory_space<semaphore_mem>>)
      %dma_wait3A = tpu.memref_slice %arg2[%mul3A_36] : memref<32768xi32, #tpu.memory_space<hbm>> -> memref<16384xi32, #tpu.memory_space<hbm>>
      %dma_wait3A_1157 = tpu.memref_slice %arg2[%mul3A_36] : memref<32768xi32, #tpu.memory_space<hbm>> -> memref<16384xi32, #tpu.memory_space<hbm>>
      tpu.wait_dma2 semaphore(%run_scoped3A : memref<!tpu.dma_semaphore, #tpu.memory_space<semaphore_mem>>) src(%dma_wait3A_1157 : memref<16384xi32, #tpu.memory_space<hbm>>) dst(%arg6 : memref<16384xi32, #tpu.memory_space<vmem>>)
      tpu.yield
    }) : () -> ()
    "tpu.region"() ({
      %run_scoped3A = tpu.sem_alloc : memref<!tpu.dma_semaphore, #tpu.memory_space<semaphore_mem>>
      %dma_start3A = arith.constant 0 : i32
      %dma_start3A_1156 = arith.constant 0 : i32
      %dma_start3A_1157 = tpu.memref_slice %arg7[%dma_start3A, %dma_start3A_1156] : memref<300x128xf32, #tpu.memory_space<vmem>> -> memref<100x128xf32, #tpu.memory_space<vmem>>
      %dma_start3A_1158 = arith.constant 0 : i32
      %dma_start3A_1159 = tpu.memref_slice %arg3[%dma_start3A_1158, %mul3A_32] : memref<100x2048xf32, #tpu.memory_space<hbm>> -> memref<100x128xf32, #tpu.memory_space<hbm>>
      %dma_start3A_1160 = arith.constant 0 : i32
      %dma_start3A_1161 = arith.constant 0 : i32
      %dma_start3A_1162 = tpu.memref_slice %arg7[%dma_start3A_1160, %dma_start3A_1161] : memref<300x128xf32, #tpu.memory_space<vmem>> -> memref<100x128xf32, #tpu.memory_space<vmem>>
      %dma_start3A_1163 = arith.constant 0 : i32
      %dma_start3A_1164 = tpu.memref_slice %arg3[%dma_start3A_1163, %mul3A_32] : memref<100x2048xf32, #tpu.memory_space<hbm>> -> memref<100x128xf32, #tpu.memory_space<hbm>>
      tpu.enqueue_dma source(%dma_start3A_1164 : memref<100x128xf32, #tpu.memory_space<hbm>>) target(%dma_start3A_1162 : memref<100x128xf32, #tpu.memory_space<vmem>>) target_semaphore(%run_scoped3A : memref<!tpu.dma_semaphore, #tpu.memory_space<semaphore_mem>>)
      %dma_wait3A = arith.constant 0 : i32
      %dma_wait3A_1165 = arith.constant 0 : i32
      %dma_wait3A_1166 = tpu.memref_slice %arg7[%dma_wait3A, %dma_wait3A_1165] : memref<300x128xf32, #tpu.memory_space<vmem>> -> memref<100x128xf32, #tpu.memory_space<vmem>>
      %dma_wait3A_1167 = arith.constant 0 : i32
      %dma_wait3A_1168 = tpu.memref_slice %arg3[%dma_wait3A_1167, %mul3A_32] : memref<100x2048xf32, #tpu.memory_space<hbm>> -> memref<100x128xf32, #tpu.memory_space<hbm>>
      %dma_wait3A_1169 = arith.constant 0 : i32
      %dma_wait3A_1170 = arith.constant 0 : i32
      %dma_wait3A_1171 = tpu.memref_slice %arg7[%dma_wait3A_1169, %dma_wait3A_1170] : memref<300x128xf32, #tpu.memory_space<vmem>> -> memref<100x128xf32, #tpu.memory_space<vmem>>
      %dma_wait3A_1172 = arith.constant 0 : i32
      %dma_wait3A_1173 = tpu.memref_slice %arg3[%dma_wait3A_1172, %mul3A_32] : memref<100x2048xf32, #tpu.memory_space<hbm>> -> memref<100x128xf32, #tpu.memory_space<hbm>>
      tpu.wait_dma2 semaphore(%run_scoped3A : memref<!tpu.dma_semaphore, #tpu.memory_space<semaphore_mem>>) src(%dma_wait3A_1173 : memref<100x128xf32, #tpu.memory_space<hbm>>) dst(%dma_wait3A_1171 : memref<100x128xf32, #tpu.memory_space<vmem>>)
      tpu.yield
    }) : () -> ()
    "tpu.region"() ({
      %run_scoped3A = tpu.sem_alloc : memref<!tpu.dma_semaphore, #tpu.memory_space<semaphore_mem>>
      %dma_start3A = arith.constant 0 : i32
      %dma_start3A_1156 = tpu.memref_slice %arg4[%dma_start3A, %mul3A_32] : memref<32x2048xi32, #tpu.memory_space<hbm>> -> memref<32x128xi32, #tpu.memory_space<hbm>>
      %dma_start3A_1157 = arith.constant 0 : i32
      %dma_start3A_1158 = tpu.memref_slice %arg4[%dma_start3A_1157, %mul3A_32] : memref<32x2048xi32, #tpu.memory_space<hbm>> -> memref<32x128xi32, #tpu.memory_space<hbm>>
      tpu.enqueue_dma source(%dma_start3A_1158 : memref<32x128xi32, #tpu.memory_space<hbm>>) target(%arg8 : memref<32x128xi32, #tpu.memory_space<vmem>>) target_semaphore(%run_scoped3A : memref<!tpu.dma_semaphore, #tpu.memory_space<semaphore_mem>>)
      %dma_wait3A = arith.constant 0 : i32
      %dma_wait3A_1159 = tpu.memref_slice %arg4[%dma_wait3A, %mul3A_32] : memref<32x2048xi32, #tpu.memory_space<hbm>> -> memref<32x128xi32, #tpu.memory_space<hbm>>
      %dma_wait3A_1160 = arith.constant 0 : i32
      %dma_wait3A_1161 = tpu.memref_slice %arg4[%dma_wait3A_1160, %mul3A_32] : memref<32x2048xi32, #tpu.memory_space<hbm>> -> memref<32x128xi32, #tpu.memory_space<hbm>>
      tpu.wait_dma2 semaphore(%run_scoped3A : memref<!tpu.dma_semaphore, #tpu.memory_space<semaphore_mem>>) src(%dma_wait3A_1161 : memref<32x128xi32, #tpu.memory_space<hbm>>) dst(%arg8 : memref<32x128xi32, #tpu.memory_space<vmem>>)
      tpu.yield
    }) : () -> ()
    %broadcast_in_dim3A = arith.constant 0.000000e+00 : f32
    %broadcast_in_dim3A_37 = vector.broadcast %broadcast_in_dim3A : f32 to vector<16xf32>
    %scan3A = arith.constant 0 : i32
    %scan3A_38 = arith.constant 0 : i32
    %scan3A_39 = arith.constant 100 : i32
    %scan3A_40 = arith.addi %scan3A_38, %scan3A_39 : i32
    %scan3A_41 = arith.constant 1 : i32
    %scan3A_42 = scf.for %scan3A_1156 = %scan3A_38 to %scan3A_40 step %scan3A_41 iter_args(%scan3A_1157 = %scan3A) -> (i32)  : i32 {
      %get3A_1158 = arith.index_cast %scan3A_1156 : i32 to index
      %get3A_1159 = arith.constant 0 : index
      %get3A_1160 = tpu.vector_load %arg7[%get3A_1158, %get3A_1159] {strides = array<i32>} : memref<300x128xf32, #tpu.memory_space<vmem>>, vector<16xf32>,
      %neg3A = arith.constant 0.000000e+00 : f32
      %neg3A_1161 = vector.broadcast %neg3A : f32 to vector<16xf32>
      %neg3A_1162 = arith.subf %neg3A_1161, %get3A_1160 : vector<16xf32>
      %add3A_1163 = arith.constant 100 : i32
      %add3A_1164 = arith.addi %add3A_1163, %scan3A_1156 : i32
      %swap3A = arith.index_cast %add3A_1164 : i32 to index
      %swap3A_1165 = arith.constant 0 : index
      %swap3A_1166 = tpu.vector_load %arg7[%swap3A, %swap3A_1165] {strides = array<i32>} : memref<300x128xf32, #tpu.memory_space<vmem>>, vector<16xf32>,
      tpu.vector_store %arg7[%swap3A, %swap3A_1165], %neg3A_1162 {strides = array<i32>} : memref<300x128xf32, #tpu.memory_space<vmem>>, vector<16xf32>,
      %add3A_1167 = arith.constant 200 : i32
      %add3A_1168 = arith.addi %add3A_1167, %scan3A_1156 : i32
      %swap3A_1169 = arith.index_cast %add3A_1168 : i32 to index
      %swap3A_1170 = arith.constant 0 : index
      %swap3A_1171 = tpu.vector_load %arg7[%swap3A_1169, %swap3A_1170] {strides = array<i32>} : memref<300x128xf32, #tpu.memory_space<vmem>>, vector<16xf32>,
      tpu.vector_store %arg7[%swap3A_1169, %swap3A_1170], %broadcast_in_dim3A_37 {strides = array<i32>} : memref<300x128xf32, #tpu.memory_space<vmem>>, vector<16xf32>,
      %get3A_1172 = arith.index_cast %scan3A_1156 : i32 to index
      %get3A_1173 = arith.constant 16 : index
      %get3A_1174 = tpu.vector_load %arg7[%get3A_1172, %get3A_1173] {strides = array<i32>} : memref<300x128xf32, #tpu.memory_space<vmem>>, vector<16xf32>,
      %neg3A_1175 = arith.constant 0.000000e+00 : f32
      %neg3A_1176 = vector.broadcast %neg3A_1175 : f32 to vector<16xf32>
      %neg3A_1177 = arith.subf %neg3A_1176, %get3A_1174 : vector<16xf32>
      %add3A_1178 = arith.constant 100 : i32
      %add3A_1179 = arith.addi %add3A_1178, %scan3A_1156 : i32
      %swap3A_1180 = arith.index_cast %add3A_1179 : i32 to index
      %swap3A_1181 = arith.constant 16 : index
      %swap3A_1182 = tpu.vector_load %arg7[%swap3A_1180, %swap3A_1181] {strides = array<i32>} : memref<300x128xf32, #tpu.memory_space<vmem>>, vector<16xf32>,
      tpu.vector_store %arg7[%swap3A_1180, %swap3A_1181], %neg3A_1177 {strides = array<i32>} : memref<300x128xf32, #tpu.memory_space<vmem>>, vector<16xf32>,
      %add3A_1183 = arith.constant 200 : i32
      %add3A_1184 = arith.addi %add3A_1183, %scan3A_1156 : i32
      %swap3A_1185 = arith.index_cast %add3A_1184 : i32 to index
      %swap3A_1186 = arith.constant 16 : index
      %swap3A_1187 = tpu.vector_load %arg7[%swap3A_1185, %swap3A_1186] {strides = array<i32>} : memref<300x128xf32, #tpu.memory_space<vmem>>, vector<16xf32>,
      tpu.vector_store %arg7[%swap3A_1185, %swap3A_1186], %broadcast_in_dim3A_37 {strides = array<i32>} : memref<300x128xf32, #tpu.memory_space<vmem>>, vector<16xf32>,
      %get3A_1188 = arith.index_cast %scan3A_1156 : i32 to index
      %get3A_1189 = arith.constant 32 : index
      %get3A_1190 = tpu.vector_load %arg7[%get3A_1188, %get3A_1189] {strides = array<i32>} : memref<300x128xf32, #tpu.memory_space<vmem>>, vector<16xf32>,
      %neg3A_1191 = arith.constant 0.000000e+00 : f32
      %neg3A_1192 = vector.broadcast %neg3A_1191 : f32 to vector<16xf32>
      %neg3A_1193 = arith.subf %neg3A_1192, %get3A_1190 : vector<16xf32>
      %add3A_1194 = arith.constant 100 : i32
      %add3A_1195 = arith.addi %add3A_1194, %scan3A_1156 : i32
      %swap3A_1196 = arith.index_cast %add3A_1195 : i32 to index
      %swap3A_1197 = arith.constant 32 : index
      %swap3A_1198 = tpu.vector_load %arg7[%swap3A_1196, %swap3A_1197] {strides = array<i32>} : memref<300x128xf32, #tpu.memory_space<vmem>>, vector<16xf32>,
      tpu.vector_store %arg7[%swap3A_1196, %swap3A_1197], %neg3A_1193 {strides = array<i32>} : memref<300x128xf32, #tpu.memory_space<vmem>>, vector<16xf32>,
      %add3A_1199 = arith.constant 200 : i32
      %add3A_1200 = arith.addi %add3A_1199, %scan3A_1156 : i32
      %swap3A_1201 = arith.index_cast %add3A_1200 : i32 to index
      %swap3A_1202 = arith.constant 32 : index
      %swap3A_1203 = tpu.vector_load %arg7[%swap3A_1201, %swap3A_1202] {strides = array<i32>} : memref<300x128xf32, #tpu.memory_space<vmem>>, vector<16xf32>,
      tpu.vector_store %arg7[%swap3A_1201, %swap3A_1202], %broadcast_in_dim3A_37 {strides = array<i32>} : memref<300x128xf32, #tpu.memory_space<vmem>>, vector<16xf32>,
      %get3A_1204 = arith.index_cast %scan3A_1156 : i32 to index
      %get3A_1205 = arith.constant 48 : index
      %get3A_1206 = tpu.vector_load %arg7[%get3A_1204, %get3A_1205] {strides = array<i32>} : memref<300x128xf32, #tpu.memory_space<vmem>>, vector<16xf32>,
      %neg3A_1207 = arith.constant 0.000000e+00 : f32
      %neg3A_1208 = vector.broadcast %neg3A_1207 : f32 to vector<16xf32>
      %neg3A_1209 = arith.subf %neg3A_1208, %get3A_1206 : vector<16xf32>
      %add3A_1210 = arith.constant 100 : i32
      %add3A_1211 = arith.addi %add3A_1210, %scan3A_1156 : i32
      %swap3A_1212 = arith.index_cast %add3A_1211 : i32 to index
      %swap3A_1213 = arith.constant 48 : index
      %swap3A_1214 = tpu.vector_load %arg7[%swap3A_1212, %swap3A_1213] {strides = array<i32>} : memref<300x128xf32, #tpu.memory_space<vmem>>, vector<16xf32>,
      tpu.vector_store %arg7[%swap3A_1212, %swap3A_1213], %neg3A_1209 {strides = array<i32>} : memref<300x128xf32, #tpu.memory_space<vmem>>, vector<16xf32>,
      %add3A_1215 = arith.constant 200 : i32
      %add3A_1216 = arith.addi %add3A_1215, %scan3A_1156 : i32
      %swap3A_1217 = arith.index_cast %add3A_1216 : i32 to index
      %swap3A_1218 = arith.constant 48 : index
      %swap3A_1219 = tpu.vector_load %arg7[%swap3A_1217, %swap3A_1218] {strides = array<i32>} : memref<300x128xf32, #tpu.memory_space<vmem>>, vector<16xf32>,
      tpu.vector_store %arg7[%swap3A_1217, %swap3A_1218], %broadcast_in_dim3A_37 {strides = array<i32>} : memref<300x128xf32, #tpu.memory_space<vmem>>, vector<16xf32>,
      %get3A_1220 = arith.index_cast %scan3A_1156 : i32 to index
      %get3A_1221 = arith.constant 64 : index
      %get3A_1222 = tpu.vector_load %arg7[%get3A_1220, %get3A_1221] {strides = array<i32>} : memref<300x128xf32, #tpu.memory_space<vmem>>, vector<16xf32>,
      %neg3A_1223 = arith.constant 0.000000e+00 : f32
      %neg3A_1224 = vector.broadcast %neg3A_1223 : f32 to vector<16xf32>
      %neg3A_1225 = arith.subf %neg3A_1224, %get3A_1222 : vector<16xf32>
      %add3A_1226 = arith.constant 100 : i32
      %add3A_1227 = arith.addi %add3A_1226, %scan3A_1156 : i32
      %swap3A_1228 = arith.index_cast %add3A_1227 : i32 to index
      %swap3A_1229 = arith.constant 64 : index
      %swap3A_1230 = tpu.vector_load %arg7[%swap3A_1228, %swap3A_1229] {strides = array<i32>} : memref<300x128xf32, #tpu.memory_space<vmem>>, vector<16xf32>,
      tpu.vector_store %arg7[%swap3A_1228, %swap3A_1229], %neg3A_1225 {strides = array<i32>} : memref<300x128xf32, #tpu.memory_space<vmem>>, vector<16xf32>,
      %add3A_1231 = arith.constant 200 : i32
      %add3A_1232 = arith.addi %add3A_1231, %scan3A_1156 : i32
      %swap3A_1233 = arith.index_cast %add3A_1232 : i32 to index
      %swap3A_1234 = arith.constant 64 : index
      %swap3A_1235 = tpu.vector_load %arg7[%swap3A_1233, %swap3A_1234] {strides = array<i32>} : memref<300x128xf32, #tpu.memory_space<vmem>>, vector<16xf32>,
      tpu.vector_store %arg7[%swap3A_1233, %swap3A_1234], %broadcast_in_dim3A_37 {strides = array<i32>} : memref<300x128xf32, #tpu.memory_space<vmem>>, vector<16xf32>,
      %get3A_1236 = arith.index_cast %scan3A_1156 : i32 to index
      %get3A_1237 = arith.constant 80 : index
      %get3A_1238 = tpu.vector_load %arg7[%get3A_1236, %get3A_1237] {strides = array<i32>} : memref<300x128xf32, #tpu.memory_space<vmem>>, vector<16xf32>,
      %neg3A_1239 = arith.constant 0.000000e+00 : f32
      %neg3A_1240 = vector.broadcast %neg3A_1239 : f32 to vector<16xf32>
      %neg3A_1241 = arith.subf %neg3A_1240, %get3A_1238 : vector<16xf32>
      %add3A_1242 = arith.constant 100 : i32
      %add3A_1243 = arith.addi %add3A_1242, %scan3A_1156 : i32
      %swap3A_1244 = arith.index_cast %add3A_1243 : i32 to index
      %swap3A_1245 = arith.constant 80 : index
      %swap3A_1246 = tpu.vector_load %arg7[%swap3A_1244, %swap3A_1245] {strides = array<i32>} : memref<300x128xf32, #tpu.memory_space<vmem>>, vector<16xf32>,
      tpu.vector_store %arg7[%swap3A_1244, %swap3A_1245], %neg3A_1241 {strides = array<i32>} : memref<300x128xf32, #tpu.memory_space<vmem>>, vector<16xf32>,
      %add3A_1247 = arith.constant 200 : i32
      %add3A_1248 = arith.addi %add3A_1247, %scan3A_1156 : i32
      %swap3A_1249 = arith.index_cast %add3A_1248 : i32 to index
      %swap3A_1250 = arith.constant 80 : index
      %swap3A_1251 = tpu.vector_load %arg7[%swap3A_1249, %swap3A_1250] {strides = array<i32>} : memref<300x128xf32, #tpu.memory_space<vmem>>, vector<16xf32>,
      tpu.vector_store %arg7[%swap3A_1249, %swap3A_1250], %broadcast_in_dim3A_37 {strides = array<i32>} : memref<300x128xf32, #tpu.memory_space<vmem>>, vector<16xf32>,
      %get3A_1252 = arith.index_cast %scan3A_1156 : i32 to index
      %get3A_1253 = arith.constant 96 : index
      %get3A_1254 = tpu.vector_load %arg7[%get3A_1252, %get3A_1253] {strides = array<i32>} : memref<300x128xf32, #tpu.memory_space<vmem>>, vector<16xf32>,
      %neg3A_1255 = arith.constant 0.000000e+00 : f32
      %neg3A_1256 = vector.broadcast %neg3A_1255 : f32 to vector<16xf32>
      %neg3A_1257 = arith.subf %neg3A_1256, %get3A_1254 : vector<16xf32>
      %add3A_1258 = arith.constant 100 : i32
      %add3A_1259 = arith.addi %add3A_1258, %scan3A_1156 : i32
      %swap3A_1260 = arith.index_cast %add3A_1259 : i32 to index
      %swap3A_1261 = arith.constant 96 : index
      %swap3A_1262 = tpu.vector_load %arg7[%swap3A_1260, %swap3A_1261] {strides = array<i32>} : memref<300x128xf32, #tpu.memory_space<vmem>>, vector<16xf32>,
      tpu.vector_store %arg7[%swap3A_1260, %swap3A_1261], %neg3A_1257 {strides = array<i32>} : memref<300x128xf32, #tpu.memory_space<vmem>>, vector<16xf32>,
      %add3A_1263 = arith.constant 200 : i32
      %add3A_1264 = arith.addi %add3A_1263, %scan3A_1156 : i32
      %swap3A_1265 = arith.index_cast %add3A_1264 : i32 to index
      %swap3A_1266 = arith.constant 96 : index
      %swap3A_1267 = tpu.vector_load %arg7[%swap3A_1265, %swap3A_1266] {strides = array<i32>} : memref<300x128xf32, #tpu.memory_space<vmem>>, vector<16xf32>,
      tpu.vector_store %arg7[%swap3A_1265, %swap3A_1266], %broadcast_in_dim3A_37 {strides = array<i32>} : memref<300x128xf32, #tpu.memory_space<vmem>>, vector<16xf32>,
      %get3A_1268 = arith.index_cast %scan3A_1156 : i32 to index
      %get3A_1269 = arith.constant 112 : index
      %get3A_1270 = tpu.vector_load %arg7[%get3A_1268, %get3A_1269] {strides = array<i32>} : memref<300x128xf32, #tpu.memory_space<vmem>>, vector<16xf32>,
      %neg3A_1271 = arith.constant 0.000000e+00 : f32
      %neg3A_1272 = vector.broadcast %neg3A_1271 : f32 to vector<16xf32>
      %neg3A_1273 = arith.subf %neg3A_1272, %get3A_1270 : vector<16xf32>
      %add3A_1274 = arith.constant 100 : i32
      %add3A_1275 = arith.addi %add3A_1274, %scan3A_1156 : i32
      %swap3A_1276 = arith.index_cast %add3A_1275 : i32 to index
      %swap3A_1277 = arith.constant 112 : index
      %swap3A_1278 = tpu.vector_load %arg7[%swap3A_1276, %swap3A_1277] {strides = array<i32>} : memref<300x128xf32, #tpu.memory_space<vmem>>, vector<16xf32>,
      tpu.vector_store %arg7[%swap3A_1276, %swap3A_1277], %neg3A_1273 {strides = array<i32>} : memref<300x128xf32, #tpu.memory_space<vmem>>, vector<16xf32>,
      %add3A_1279 = arith.constant 200 : i32
      %add3A_1280 = arith.addi %add3A_1279, %scan3A_1156 : i32
      %swap3A_1281 = arith.index_cast %add3A_1280 : i32 to index
      %swap3A_1282 = arith.constant 112 : index
      %swap3A_1283 = tpu.vector_load %arg7[%swap3A_1281, %swap3A_1282] {strides = array<i32>} : memref<300x128xf32, #tpu.memory_space<vmem>>, vector<16xf32>,
      tpu.vector_store %arg7[%swap3A_1281, %swap3A_1282], %broadcast_in_dim3A_37 {strides = array<i32>} : memref<300x128xf32, #tpu.memory_space<vmem>>, vector<16xf32>,
      %scan3A_1284 = arith.constant 0 : i32
      scf.yield %scan3A_1284 : i32
    }
    %scan3A_43 = arith.constant 100 : i32
    %iota3A = tpu.iota {dimensions = array<i32: 0>} : vector<16xi32>
    %add3A_44 = arith.constant 0 : i32
    %add3A_45 = vector.broadcast %add3A_44 : i32 to vector<16xi32>
    %add3A_46 = arith.addi %iota3A, %add3A_45 : vector<16xi32>
    %iota3A_47 = tpu.iota {dimensions = array<i32: 0>} : vector<16xi32>
    %add3A_48 = arith.constant 16 : i32
    %add3A_49 = vector.broadcast %add3A_48 : i32 to vector<16xi32>
    %add3A_50 = arith.addi %iota3A_47, %add3A_49 : vector<16xi32>
    %iota3A_51 = tpu.iota {dimensions = array<i32: 0>} : vector<16xi32>
    %add3A_52 = arith.constant 32 : i32
    %add3A_53 = vector.broadcast %add3A_52 : i32 to vector<16xi32>
    %add3A_54 = arith.addi %iota3A_51, %add3A_53 : vector<16xi32>
    %iota3A_55 = tpu.iota {dimensions = array<i32: 0>} : vector<16xi32>
    %add3A_56 = arith.constant 48 : i32
    %add3A_57 = vector.broadcast %add3A_56 : i32 to vector<16xi32>
    %add3A_58 = arith.addi %iota3A_55, %add3A_57 : vector<16xi32>
    %iota3A_59 = tpu.iota {dimensions = array<i32: 0>} : vector<16xi32>
    %add3A_60 = arith.constant 64 : i32
    %add3A_61 = vector.broadcast %add3A_60 : i32 to vector<16xi32>
    %add3A_62 = arith.addi %iota3A_59, %add3A_61 : vector<16xi32>
    %iota3A_63 = tpu.iota {dimensions = array<i32: 0>} : vector<16xi32>
    %add3A_64 = arith.constant 80 : i32
    %add3A_65 = vector.broadcast %add3A_64 : i32 to vector<16xi32>
    %add3A_66 = arith.addi %iota3A_63, %add3A_65 : vector<16xi32>
    %iota3A_67 = tpu.iota {dimensions = array<i32: 0>} : vector<16xi32>
    %add3A_68 = arith.constant 96 : i32
    %add3A_69 = vector.broadcast %add3A_68 : i32 to vector<16xi32>
    %add3A_70 = arith.addi %iota3A_67, %add3A_69 : vector<16xi32>
    %iota3A_71 = tpu.iota {dimensions = array<i32: 0>} : vector<16xi32>
    %add3A_72 = arith.constant 112 : i32
    %add3A_73 = vector.broadcast %add3A_72 : i32 to vector<16xi32>
    %add3A_74 = arith.addi %iota3A_71, %add3A_73 : vector<16xi32>
    %get3A = arith.constant 0 : i32
    %get3A_75 = arith.index_cast %get3A : i32 to index
    %get3A_76 = arith.constant 0 : index
    %get3A_77 = tpu.vector_load %arg8[%get3A_75, %get3A_76] {strides = array<i32>} : memref<32x128xi32, #tpu.memory_space<vmem>>, vector<16xi32>,
    %get3A_78 = arith.constant 0 : i32
    %get3A_79 = arith.index_cast %get3A_78 : i32 to index
    %get3A_80 = arith.constant 16 : index
    %get3A_81 = tpu.vector_load %arg8[%get3A_79, %get3A_80] {strides = array<i32>} : memref<32x128xi32, #tpu.memory_space<vmem>>, vector<16xi32>,
    %get3A_82 = arith.constant 0 : i32
    %get3A_83 = arith.index_cast %get3A_82 : i32 to index
    %get3A_84 = arith.constant 32 : index
    %get3A_85 = tpu.vector_load %arg8[%get3A_83, %get3A_84] {strides = array<i32>} : memref<32x128xi32, #tpu.memory_space<vmem>>, vector<16xi32>,
    %get3A_86 = arith.constant 0 : i32
    %get3A_87 = arith.index_cast %get3A_86 : i32 to index
    %get3A_88 = arith.constant 48 : index
    %get3A_89 = tpu.vector_load %arg8[%get3A_87, %get3A_88] {strides = array<i32>} : memref<32x128xi32, #tpu.memory_space<vmem>>, vector<16xi32>,
    %get3A_90 = arith.constant 0 : i32
    %get3A_91 = arith.index_cast %get3A_90 : i32 to index
    %get3A_92 = arith.constant 64 : index
    %get3A_93 = tpu.vector_load %arg8[%get3A_91, %get3A_92] {strides = array<i32>} : memref<32x128xi32, #tpu.memory_space<vmem>>, vector<16xi32>,
    %get3A_94 = arith.constant 0 : i32
    %get3A_95 = arith.index_cast %get3A_94 : i32 to index
    %get3A_96 = arith.constant 80 : index
    %get3A_97 = tpu.vector_load %arg8[%get3A_95, %get3A_96] {strides = array<i32>} : memref<32x128xi32, #tpu.memory_space<vmem>>, vector<16xi32>,
    %get3A_98 = arith.constant 0 : i32
    %get3A_99 = arith.index_cast %get3A_98 : i32 to index
    %get3A_100 = arith.constant 96 : index
    %get3A_101 = tpu.vector_load %arg8[%get3A_99, %get3A_100] {strides = array<i32>} : memref<32x128xi32, #tpu.memory_space<vmem>>, vector<16xi32>,
    %get3A_102 = arith.constant 0 : i32
    %get3A_103 = arith.index_cast %get3A_102 : i32 to index
    %get3A_104 = arith.constant 112 : index
    %get3A_105 = tpu.vector_load %arg8[%get3A_103, %get3A_104] {strides = array<i32>} : memref<32x128xi32, #tpu.memory_space<vmem>>, vector<16xi32>,
    %get3A_106 = arith.constant 1 : i32
    %get3A_107 = arith.index_cast %get3A_106 : i32 to index
    %get3A_108 = arith.constant 0 : index
    %get3A_109 = tpu.vector_load %arg8[%get3A_107, %get3A_108] {strides = array<i32>} : memref<32x128xi32, #tpu.memory_space<vmem>>, vector<16xi32>,
    %get3A_110 = arith.constant 1 : i32
    %get3A_111 = arith.index_cast %get3A_110 : i32 to index
    %get3A_112 = arith.constant 16 : index
    %get3A_113 = tpu.vector_load %arg8[%get3A_111, %get3A_112] {strides = array<i32>} : memref<32x128xi32, #tpu.memory_space<vmem>>, vector<16xi32>,
    %get3A_114 = arith.constant 1 : i32
    %get3A_115 = arith.index_cast %get3A_114 : i32 to index
    %get3A_116 = arith.constant 32 : index
    %get3A_117 = tpu.vector_load %arg8[%get3A_115, %get3A_116] {strides = array<i32>} : memref<32x128xi32, #tpu.memory_space<vmem>>, vector<16xi32>,
    %get3A_118 = arith.constant 1 : i32
    %get3A_119 = arith.index_cast %get3A_118 : i32 to index
    %get3A_120 = arith.constant 48 : index
    %get3A_121 = tpu.vector_load %arg8[%get3A_119, %get3A_120] {strides = array<i32>} : memref<32x128xi32, #tpu.memory_space<vmem>>, vector<16xi32>,
    %get3A_122 = arith.constant 1 : i32
    %get3A_123 = arith.index_cast %get3A_122 : i32 to index
    %get3A_124 = arith.constant 64 : index
    %get3A_125 = tpu.vector_load %arg8[%get3A_123, %get3A_124] {strides = array<i32>} : memref<32x128xi32, #tpu.memory_space<vmem>>, vector<16xi32>,
    %get3A_126 = arith.constant 1 : i32
    %get3A_127 = arith.index_cast %get3A_126 : i32 to index
    %get3A_128 = arith.constant 80 : index
    %get3A_129 = tpu.vector_load %arg8[%get3A_127, %get3A_128] {strides = array<i32>} : memref<32x128xi32, #tpu.memory_space<vmem>>, vector<16xi32>,
    %get3A_130 = arith.constant 1 : i32
    %get3A_131 = arith.index_cast %get3A_130 : i32 to index
    %get3A_132 = arith.constant 96 : index
    %get3A_133 = tpu.vector_load %arg8[%get3A_131, %get3A_132] {strides = array<i32>} : memref<32x128xi32, #tpu.memory_space<vmem>>, vector<16xi32>,
    %get3A_134 = arith.constant 1 : i32
    %get3A_135 = arith.index_cast %get3A_134 : i32 to index
    %get3A_136 = arith.constant 112 : index
    %get3A_137 = tpu.vector_load %arg8[%get3A_135, %get3A_136] {strides = array<i32>} : memref<32x128xi32, #tpu.memory_space<vmem>>, vector<16xi32>,
    %get3A_138 = arith.constant 2 : i32
    %get3A_139 = arith.index_cast %get3A_138 : i32 to index
    %get3A_140 = arith.constant 0 : index
    %get3A_141 = tpu.vector_load %arg8[%get3A_139, %get3A_140] {strides = array<i32>} : memref<32x128xi32, #tpu.memory_space<vmem>>, vector<16xi32>,
    %get3A_142 = arith.constant 2 : i32
    %get3A_143 = arith.index_cast %get3A_142 : i32 to index
    %get3A_144 = arith.constant 16 : index
    %get3A_145 = tpu.vector_load %arg8[%get3A_143, %get3A_144] {strides = array<i32>} : memref<32x128xi32, #tpu.memory_space<vmem>>, vector<16xi32>,
    %get3A_146 = arith.constant 2 : i32
    %get3A_147 = arith.index_cast %get3A_146 : i32 to index
    %get3A_148 = arith.constant 32 : index
    %get3A_149 = tpu.vector_load %arg8[%get3A_147, %get3A_148] {strides = array<i32>} : memref<32x128xi32, #tpu.memory_space<vmem>>, vector<16xi32>,
    %get3A_150 = arith.constant 2 : i32
    %get3A_151 = arith.index_cast %get3A_150 : i32 to index
    %get3A_152 = arith.constant 48 : index
    %get3A_153 = tpu.vector_load %arg8[%get3A_151, %get3A_152] {strides = array<i32>} : memref<32x128xi32, #tpu.memory_space<vmem>>, vector<16xi32>,
    %get3A_154 = arith.constant 2 : i32
    %get3A_155 = arith.index_cast %get3A_154 : i32 to index
    %get3A_156 = arith.constant 64 : index
    %get3A_157 = tpu.vector_load %arg8[%get3A_155, %get3A_156] {strides = array<i32>} : memref<32x128xi32, #tpu.memory_space<vmem>>, vector<16xi32>,
    %get3A_158 = arith.constant 2 : i32
    %get3A_159 = arith.index_cast %get3A_158 : i32 to index
    %get3A_160 = arith.constant 80 : index
    %get3A_161 = tpu.vector_load %arg8[%get3A_159, %get3A_160] {strides = array<i32>} : memref<32x128xi32, #tpu.memory_space<vmem>>, vector<16xi32>,
    %get3A_162 = arith.constant 2 : i32
    %get3A_163 = arith.index_cast %get3A_162 : i32 to index
    %get3A_164 = arith.constant 96 : index
    %get3A_165 = tpu.vector_load %arg8[%get3A_163, %get3A_164] {strides = array<i32>} : memref<32x128xi32, #tpu.memory_space<vmem>>, vector<16xi32>,
    %get3A_166 = arith.constant 2 : i32
    %get3A_167 = arith.index_cast %get3A_166 : i32 to index
    %get3A_168 = arith.constant 112 : index
    %get3A_169 = tpu.vector_load %arg8[%get3A_167, %get3A_168] {strides = array<i32>} : memref<32x128xi32, #tpu.memory_space<vmem>>, vector<16xi32>,
    %get3A_170 = arith.constant 3 : i32
    %get3A_171 = arith.index_cast %get3A_170 : i32 to index
    %get3A_172 = arith.constant 0 : index
    %get3A_173 = tpu.vector_load %arg8[%get3A_171, %get3A_172] {strides = array<i32>} : memref<32x128xi32, #tpu.memory_space<vmem>>, vector<16xi32>,
    %get3A_174 = arith.constant 3 : i32
    %get3A_175 = arith.index_cast %get3A_174 : i32 to index
    %get3A_176 = arith.constant 16 : index
    %get3A_177 = tpu.vector_load %arg8[%get3A_175, %get3A_176] {strides = array<i32>} : memref<32x128xi32, #tpu.memory_space<vmem>>, vector<16xi32>,
    %get3A_178 = arith.constant 3 : i32
    %get3A_179 = arith.index_cast %get3A_178 : i32 to index
    %get3A_180 = arith.constant 32 : index
    %get3A_181 = tpu.vector_load %arg8[%get3A_179, %get3A_180] {strides = array<i32>} : memref<32x128xi32, #tpu.memory_space<vmem>>, vector<16xi32>,
    %get3A_182 = arith.constant 3 : i32
    %get3A_183 = arith.index_cast %get3A_182 : i32 to index
    %get3A_184 = arith.constant 48 : index
    %get3A_185 = tpu.vector_load %arg8[%get3A_183, %get3A_184] {strides = array<i32>} : memref<32x128xi32, #tpu.memory_space<vmem>>, vector<16xi32>,
    %get3A_186 = arith.constant 3 : i32
    %get3A_187 = arith.index_cast %get3A_186 : i32 to index
    %get3A_188 = arith.constant 64 : index
    %get3A_189 = tpu.vector_load %arg8[%get3A_187, %get3A_188] {strides = array<i32>} : memref<32x128xi32, #tpu.memory_space<vmem>>, vector<16xi32>,
    %get3A_190 = arith.constant 3 : i32
    %get3A_191 = arith.index_cast %get3A_190 : i32 to index
    %get3A_192 = arith.constant 80 : index
    %get3A_193 = tpu.vector_load %arg8[%get3A_191, %get3A_192] {strides = array<i32>} : memref<32x128xi32, #tpu.memory_space<vmem>>, vector<16xi32>,
    %get3A_194 = arith.constant 3 : i32
    %get3A_195 = arith.index_cast %get3A_194 : i32 to index
    %get3A_196 = arith.constant 96 : index
    %get3A_197 = tpu.vector_load %arg8[%get3A_195, %get3A_196] {strides = array<i32>} : memref<32x128xi32, #tpu.memory_space<vmem>>, vector<16xi32>,
    %get3A_198 = arith.constant 3 : i32
    %get3A_199 = arith.index_cast %get3A_198 : i32 to index
    %get3A_200 = arith.constant 112 : index
    %get3A_201 = tpu.vector_load %arg8[%get3A_199, %get3A_200] {strides = array<i32>} : memref<32x128xi32, #tpu.memory_space<vmem>>, vector<16xi32>,
    %scan3A_202 = arith.constant 0 : i32
    %scan3A_203 = arith.constant 0 : i32
    %scan3A_204 = arith.constant 512 : i32
    %scan3A_205 = arith.addi %scan3A_203, %scan3A_204 : i32
    %scan3A_206 = arith.constant 1 : i32
    %scan3A_207 = scf.for %scan3A_1156 = %scan3A_203 to %scan3A_205 step %scan3A_206 iter_args(%scan3A_1157 = %scan3A_202) -> (i32)  : i32 {
      %broadcast_in_dim3A_1158 = arith.constant 0.000000e+00 : f32
      %broadcast_in_dim3A_1159 = vector.broadcast %broadcast_in_dim3A_1158 : f32 to vector<16xf32>
      %broadcast_in_dim3A_1160 = arith.constant 0.000000e+00 : f32
      %broadcast_in_dim3A_1161 = vector.broadcast %broadcast_in_dim3A_1160 : f32 to vector<16xf32>
      %broadcast_in_dim3A_1162 = arith.constant 0.000000e+00 : f32
      %broadcast_in_dim3A_1163 = vector.broadcast %broadcast_in_dim3A_1162 : f32 to vector<16xf32>
      %broadcast_in_dim3A_1164 = arith.constant 0.000000e+00 : f32
      %broadcast_in_dim3A_1165 = vector.broadcast %broadcast_in_dim3A_1164 : f32 to vector<16xf32>
      %broadcast_in_dim3A_1166 = arith.constant 0.000000e+00 : f32
      %broadcast_in_dim3A_1167 = vector.broadcast %broadcast_in_dim3A_1166 : f32 to vector<16xf32>
      %broadcast_in_dim3A_1168 = arith.constant 0.000000e+00 : f32
      %broadcast_in_dim3A_1169 = vector.broadcast %broadcast_in_dim3A_1168 : f32 to vector<16xf32>
      %broadcast_in_dim3A_1170 = arith.constant 0.000000e+00 : f32
      %broadcast_in_dim3A_1171 = vector.broadcast %broadcast_in_dim3A_1170 : f32 to vector<16xf32>
      %broadcast_in_dim3A_1172 = arith.constant 0.000000e+00 : f32
      %broadcast_in_dim3A_1173 = vector.broadcast %broadcast_in_dim3A_1172 : f32 to vector<16xf32>
      %mul3A_1174 = arith.constant 32 : i32
      %mul3A_1175 = arith.muli %scan3A_1156, %mul3A_1174 : i32
      %add3A_1176 = arith.constant 0 : i32
      %add3A_1177 = arith.addi %mul3A_1175, %add3A_1176 : i32
      %add3A_1178 = arith.constant 0 : i32
      %add3A_1179 = arith.addi %add3A_1177, %add3A_1178 : i32
      %broadcast_in_dim3A_1180 = vector.broadcast %add3A_1179 : i32 to vector<16xi32>
      %gather3A = tpu.vector_load_idx %arg6[%broadcast_in_dim3A_1180] : memref<16384xi32, #tpu.memory_space<vmem>>[vector<16xi32>], vector<16xi32>,
      %add3A_1181 = arith.addi %gather3A, %get3A_77 : vector<16xi32>
      %gather3A_1182 = tpu.vector_load_idx %arg7[%add3A_1181, %add3A_46] : memref<300x128xf32, #tpu.memory_space<vmem>>[vector<16xi32>, vector<16xi32>], vector<16xf32>,
      %add3A_1183 = arith.addf %broadcast_in_dim3A_1159, %gather3A_1182 : vector<16xf32>
      %add3A_1184 = arith.addi %gather3A, %get3A_81 : vector<16xi32>
      %gather3A_1185 = tpu.vector_load_idx %arg7[%add3A_1184, %add3A_50] : memref<300x128xf32, #tpu.memory_space<vmem>>[vector<16xi32>, vector<16xi32>], vector<16xf32>,
      %add3A_1186 = arith.addf %broadcast_in_dim3A_1161, %gather3A_1185 : vector<16xf32>
      %add3A_1187 = arith.addi %gather3A, %get3A_85 : vector<16xi32>
      %gather3A_1188 = tpu.vector_load_idx %arg7[%add3A_1187, %add3A_54] : memref<300x128xf32, #tpu.memory_space<vmem>>[vector<16xi32>, vector<16xi32>], vector<16xf32>,
      %add3A_1189 = arith.addf %broadcast_in_dim3A_1163, %gather3A_1188 : vector<16xf32>
      %add3A_1190 = arith.addi %gather3A, %get3A_89 : vector<16xi32>
      %gather3A_1191 = tpu.vector_load_idx %arg7[%add3A_1190, %add3A_58] : memref<300x128xf32, #tpu.memory_space<vmem>>[vector<16xi32>, vector<16xi32>], vector<16xf32>,
      %add3A_1192 = arith.addf %broadcast_in_dim3A_1165, %gather3A_1191 : vector<16xf32>
      %add3A_1193 = arith.addi %gather3A, %get3A_93 : vector<16xi32>
      %gather3A_1194 = tpu.vector_load_idx %arg7[%add3A_1193, %add3A_62] : memref<300x128xf32, #tpu.memory_space<vmem>>[vector<16xi32>, vector<16xi32>], vector<16xf32>,
      %add3A_1195 = arith.addf %broadcast_in_dim3A_1167, %gather3A_1194 : vector<16xf32>
      %add3A_1196 = arith.addi %gather3A, %get3A_97 : vector<16xi32>
      %gather3A_1197 = tpu.vector_load_idx %arg7[%add3A_1196, %add3A_66] : memref<300x128xf32, #tpu.memory_space<vmem>>[vector<16xi32>, vector<16xi32>], vector<16xf32>,
      %add3A_1198 = arith.addf %broadcast_in_dim3A_1169, %gather3A_1197 : vector<16xf32>
      %add3A_1199 = arith.addi %gather3A, %get3A_101 : vector<16xi32>
      %gather3A_1200 = tpu.vector_load_idx %arg7[%add3A_1199, %add3A_70] : memref<300x128xf32, #tpu.memory_space<vmem>>[vector<16xi32>, vector<16xi32>], vector<16xf32>,
      %add3A_1201 = arith.addf %broadcast_in_dim3A_1171, %gather3A_1200 : vector<16xf32>
      %add3A_1202 = arith.addi %gather3A, %get3A_105 : vector<16xi32>
      %gather3A_1203 = tpu.vector_load_idx %arg7[%add3A_1202, %add3A_74] : memref<300x128xf32, #tpu.memory_space<vmem>>[vector<16xi32>, vector<16xi32>], vector<16xf32>,
      %add3A_1204 = arith.addf %broadcast_in_dim3A_1173, %gather3A_1203 : vector<16xf32>
      %mul3A_1205 = arith.constant 32 : i32
      %mul3A_1206 = arith.muli %scan3A_1156, %mul3A_1205 : i32
      %add3A_1207 = arith.constant 0 : i32
      %add3A_1208 = arith.addi %mul3A_1206, %add3A_1207 : i32
      %add3A_1209 = arith.constant 1 : i32
      %add3A_1210 = arith.addi %add3A_1208, %add3A_1209 : i32
      %broadcast_in_dim3A_1211 = vector.broadcast %add3A_1210 : i32 to vector<16xi32>
      %gather3A_1212 = tpu.vector_load_idx %arg6[%broadcast_in_dim3A_1211] : memref<16384xi32, #tpu.memory_space<vmem>>[vector<16xi32>], vector<16xi32>,
      %add3A_1213 = arith.addi %gather3A_1212, %get3A_109 : vector<16xi32>
      %gather3A_1214 = tpu.vector_load_idx %arg7[%add3A_1213, %add3A_46] : memref<300x128xf32, #tpu.memory_space<vmem>>[vector<16xi32>, vector<16xi32>], vector<16xf32>,
      %add3A_1215 = arith.addf %add3A_1183, %gather3A_1214 : vector<16xf32>
      %add3A_1216 = arith.addi %gather3A_1212, %get3A_113 : vector<16xi32>
      %gather3A_1217 = tpu.vector_load_idx %arg7[%add3A_1216, %add3A_50] : memref<300x128xf32, #tpu.memory_space<vmem>>[vector<16xi32>, vector<16xi32>], vector<16xf32>,
      %add3A_1218 = arith.addf %add3A_1186, %gather3A_1217 : vector<16xf32>
      %add3A_1219 = arith.addi %gather3A_1212, %get3A_117 : vector<16xi32>
      %gather3A_1220 = tpu.vector_load_idx %arg7[%add3A_1219, %add3A_54] : memref<300x128xf32, #tpu.memory_space<vmem>>[vector<16xi32>, vector<16xi32>], vector<16xf32>,
      %add3A_1221 = arith.addf %add3A_1189, %gather3A_1220 : vector<16xf32>
      %add3A_1222 = arith.addi %gather3A_1212, %get3A_121 : vector<16xi32>
      %gather3A_1223 = tpu.vector_load_idx %arg7[%add3A_1222, %add3A_58] : memref<300x128xf32, #tpu.memory_space<vmem>>[vector<16xi32>, vector<16xi32>], vector<16xf32>,
      %add3A_1224 = arith.addf %add3A_1192, %gather3A_1223 : vector<16xf32>
      %add3A_1225 = arith.addi %gather3A_1212, %get3A_125 : vector<16xi32>
      %gather3A_1226 = tpu.vector_load_idx %arg7[%add3A_1225, %add3A_62] : memref<300x128xf32, #tpu.memory_space<vmem>>[vector<16xi32>, vector<16xi32>], vector<16xf32>,
      %add3A_1227 = arith.addf %add3A_1195, %gather3A_1226 : vector<16xf32>
      %add3A_1228 = arith.addi %gather3A_1212, %get3A_129 : vector<16xi32>
      %gather3A_1229 = tpu.vector_load_idx %arg7[%add3A_1228, %add3A_66] : memref<300x128xf32, #tpu.memory_space<vmem>>[vector<16xi32>, vector<16xi32>], vector<16xf32>,
      %add3A_1230 = arith.addf %add3A_1198, %gather3A_1229 : vector<16xf32>
      %add3A_1231 = arith.addi %gather3A_1212, %get3A_133 : vector<16xi32>
      %gather3A_1232 = tpu.vector_load_idx %arg7[%add3A_1231, %add3A_70] : memref<300x128xf32, #tpu.memory_space<vmem>>[vector<16xi32>, vector<16xi32>], vector<16xf32>,
      %add3A_1233 = arith.addf %add3A_1201, %gather3A_1232 : vector<16xf32>
      %add3A_1234 = arith.addi %gather3A_1212, %get3A_137 : vector<16xi32>
      %gather3A_1235 = tpu.vector_load_idx %arg7[%add3A_1234, %add3A_74] : memref<300x128xf32, #tpu.memory_space<vmem>>[vector<16xi32>, vector<16xi32>], vector<16xf32>,
      %add3A_1236 = arith.addf %add3A_1204, %gather3A_1235 : vector<16xf32>
      %mul3A_1237 = arith.constant 32 : i32
      %mul3A_1238 = arith.muli %scan3A_1156, %mul3A_1237 : i32
      %add3A_1239 = arith.constant 0 : i32
      %add3A_1240 = arith.addi %mul3A_1238, %add3A_1239 : i32
      %add3A_1241 = arith.constant 2 : i32
      %add3A_1242 = arith.addi %add3A_1240, %add3A_1241 : i32
      %broadcast_in_dim3A_1243 = vector.broadcast %add3A_1242 : i32 to vector<16xi32>
      %gather3A_1244 = tpu.vector_load_idx %arg6[%broadcast_in_dim3A_1243] : memref<16384xi32, #tpu.memory_space<vmem>>[vector<16xi32>], vector<16xi32>,
      %add3A_1245 = arith.addi %gather3A_1244, %get3A_141 : vector<16xi32>
      %gather3A_1246 = tpu.vector_load_idx %arg7[%add3A_1245, %add3A_46] : memref<300x128xf32, #tpu.memory_space<vmem>>[vector<16xi32>, vector<16xi32>], vector<16xf32>,
      %add3A_1247 = arith.addf %add3A_1215, %gather3A_1246 : vector<16xf32>
      %add3A_1248 = arith.addi %gather3A_1244, %get3A_145 : vector<16xi32>
      %gather3A_1249 = tpu.vector_load_idx %arg7[%add3A_1248, %add3A_50] : memref<300x128xf32, #tpu.memory_space<vmem>>[vector<16xi32>, vector<16xi32>], vector<16xf32>,
      %add3A_1250 = arith.addf %add3A_1218, %gather3A_1249 : vector<16xf32>
      %add3A_1251 = arith.addi %gather3A_1244, %get3A_149 : vector<16xi32>
      %gather3A_1252 = tpu.vector_load_idx %arg7[%add3A_1251, %add3A_54] : memref<300x128xf32, #tpu.memory_space<vmem>>[vector<16xi32>, vector<16xi32>], vector<16xf32>,
      %add3A_1253 = arith.addf %add3A_1221, %gather3A_1252 : vector<16xf32>
      %add3A_1254 = arith.addi %gather3A_1244, %get3A_153 : vector<16xi32>
      %gather3A_1255 = tpu.vector_load_idx %arg7[%add3A_1254, %add3A_58] : memref<300x128xf32, #tpu.memory_space<vmem>>[vector<16xi32>, vector<16xi32>], vector<16xf32>,
      %add3A_1256 = arith.addf %add3A_1224, %gather3A_1255 : vector<16xf32>
      %add3A_1257 = arith.addi %gather3A_1244, %get3A_157 : vector<16xi32>
      %gather3A_1258 = tpu.vector_load_idx %arg7[%add3A_1257, %add3A_62] : memref<300x128xf32, #tpu.memory_space<vmem>>[vector<16xi32>, vector<16xi32>], vector<16xf32>,
      %add3A_1259 = arith.addf %add3A_1227, %gather3A_1258 : vector<16xf32>
      %add3A_1260 = arith.addi %gather3A_1244, %get3A_161 : vector<16xi32>
      %gather3A_1261 = tpu.vector_load_idx %arg7[%add3A_1260, %add3A_66] : memref<300x128xf32, #tpu.memory_space<vmem>>[vector<16xi32>, vector<16xi32>], vector<16xf32>,
      %add3A_1262 = arith.addf %add3A_1230, %gather3A_1261 : vector<16xf32>
      %add3A_1263 = arith.addi %gather3A_1244, %get3A_165 : vector<16xi32>
      %gather3A_1264 = tpu.vector_load_idx %arg7[%add3A_1263, %add3A_70] : memref<300x128xf32, #tpu.memory_space<vmem>>[vector<16xi32>, vector<16xi32>], vector<16xf32>,
      %add3A_1265 = arith.addf %add3A_1233, %gather3A_1264 : vector<16xf32>
      %add3A_1266 = arith.addi %gather3A_1244, %get3A_169 : vector<16xi32>
      %gather3A_1267 = tpu.vector_load_idx %arg7[%add3A_1266, %add3A_74] : memref<300x128xf32, #tpu.memory_space<vmem>>[vector<16xi32>, vector<16xi32>], vector<16xf32>,
      %add3A_1268 = arith.addf %add3A_1236, %gather3A_1267 : vector<16xf32>
      %mul3A_1269 = arith.constant 32 : i32
      %mul3A_1270 = arith.muli %scan3A_1156, %mul3A_1269 : i32
      %add3A_1271 = arith.constant 0 : i32
      %add3A_1272 = arith.addi %mul3A_1270, %add3A_1271 : i32
      %add3A_1273 = arith.constant 3 : i32
      %add3A_1274 = arith.addi %add3A_1272, %add3A_1273 : i32
      %broadcast_in_dim3A_1275 = vector.broadcast %add3A_1274 : i32 to vector<16xi32>
      %gather3A_1276 = tpu.vector_load_idx %arg6[%broadcast_in_dim3A_1275] : memref<16384xi32, #tpu.memory_space<vmem>>[vector<16xi32>], vector<16xi32>,
      %add3A_1277 = arith.addi %gather3A_1276, %get3A_173 : vector<16xi32>
      %gather3A_1278 = tpu.vector_load_idx %arg7[%add3A_1277, %add3A_46] : memref<300x128xf32, #tpu.memory_space<vmem>>[vector<16xi32>, vector<16xi32>], vector<16xf32>,
      %add3A_1279 = arith.addf %add3A_1247, %gather3A_1278 : vector<16xf32>
      %add3A_1280 = arith.addi %gather3A_1276, %get3A_177 : vector<16xi32>
      %gather3A_1281 = tpu.vector_load_idx %arg7[%add3A_1280, %add3A_50] : memref<300x128xf32, #tpu.memory_space<vmem>>[vector<16xi32>, vector<16xi32>], vector<16xf32>,
      %add3A_1282 = arith.addf %add3A_1250, %gather3A_1281 : vector<16xf32>
      %add3A_1283 = arith.addi %gather3A_1276, %get3A_181 : vector<16xi32>
      %gather3A_1284 = tpu.vector_load_idx %arg7[%add3A_1283, %add3A_54] : memref<300x128xf32, #tpu.memory_space<vmem>>[vector<16xi32>, vector<16xi32>], vector<16xf32>,
      %add3A_1285 = arith.addf %add3A_1253, %gather3A_1284 : vector<16xf32>
      %add3A_1286 = arith.addi %gather3A_1276, %get3A_185 : vector<16xi32>
      %gather3A_1287 = tpu.vector_load_idx %arg7[%add3A_1286, %add3A_58] : memref<300x128xf32, #tpu.memory_space<vmem>>[vector<16xi32>, vector<16xi32>], vector<16xf32>,
      %add3A_1288 = arith.addf %add3A_1256, %gather3A_1287 : vector<16xf32>
      %add3A_1289 = arith.addi %gather3A_1276, %get3A_189 : vector<16xi32>
      %gather3A_1290 = tpu.vector_load_idx %arg7[%add3A_1289, %add3A_62] : memref<300x128xf32, #tpu.memory_space<vmem>>[vector<16xi32>, vector<16xi32>], vector<16xf32>,
      %add3A_1291 = arith.addf %add3A_1259, %gather3A_1290 : vector<16xf32>
      %add3A_1292 = arith.addi %gather3A_1276, %get3A_193 : vector<16xi32>
      %gather3A_1293 = tpu.vector_load_idx %arg7[%add3A_1292, %add3A_66] : memref<300x128xf32, #tpu.memory_space<vmem>>[vector<16xi32>, vector<16xi32>], vector<16xf32>,
      %add3A_1294 = arith.addf %add3A_1262, %gather3A_1293 : vector<16xf32>
      %add3A_1295 = arith.addi %gather3A_1276, %get3A_197 : vector<16xi32>
      %gather3A_1296 = tpu.vector_load_idx %arg7[%add3A_1295, %add3A_70] : memref<300x128xf32, #tpu.memory_space<vmem>>[vector<16xi32>, vector<16xi32>], vector<16xf32>,
      %add3A_1297 = arith.addf %add3A_1265, %gather3A_1296 : vector<16xf32>
      %add3A_1298 = arith.addi %gather3A_1276, %get3A_201 : vector<16xi32>
      %gather3A_1299 = tpu.vector_load_idx %arg7[%add3A_1298, %add3A_74] : memref<300x128xf32, #tpu.memory_space<vmem>>[vector<16xi32>, vector<16xi32>], vector<16xf32>,
      %add3A_1300 = arith.addf %add3A_1268, %gather3A_1299 : vector<16xf32>
      %swap3A = arith.index_cast %scan3A_1156 : i32 to index
      %swap3A_1301 = arith.constant 0 : index
      %swap3A_1302 = tpu.vector_load %arg9[%swap3A, %swap3A_1301] {strides = array<i32>} : memref<512x128xf32, #tpu.memory_space<vmem>>, vector<16xf32>,
      tpu.vector_store %arg9[%swap3A, %swap3A_1301], %add3A_1279 {strides = array<i32>} : memref<512x128xf32, #tpu.memory_space<vmem>>, vector<16xf32>,
      %swap3A_1303 = arith.index_cast %scan3A_1156 : i32 to index
      %swap3A_1304 = arith.constant 16 : index
      %swap3A_1305 = tpu.vector_load %arg9[%swap3A_1303, %swap3A_1304] {strides = array<i32>} : memref<512x128xf32, #tpu.memory_space<vmem>>, vector<16xf32>,
      tpu.vector_store %arg9[%swap3A_1303, %swap3A_1304], %add3A_1282 {strides = array<i32>} : memref<512x128xf32, #tpu.memory_space<vmem>>, vector<16xf32>,
      %swap3A_1306 = arith.index_cast %scan3A_1156 : i32 to index
      %swap3A_1307 = arith.constant 32 : index
      %swap3A_1308 = tpu.vector_load %arg9[%swap3A_1306, %swap3A_1307] {strides = array<i32>} : memref<512x128xf32, #tpu.memory_space<vmem>>, vector<16xf32>,
      tpu.vector_store %arg9[%swap3A_1306, %swap3A_1307], %add3A_1285 {strides = array<i32>} : memref<512x128xf32, #tpu.memory_space<vmem>>, vector<16xf32>,
      %swap3A_1309 = arith.index_cast %scan3A_1156 : i32 to index
      %swap3A_1310 = arith.constant 48 : index
      %swap3A_1311 = tpu.vector_load %arg9[%swap3A_1309, %swap3A_1310] {strides = array<i32>} : memref<512x128xf32, #tpu.memory_space<vmem>>, vector<16xf32>,
      tpu.vector_store %arg9[%swap3A_1309, %swap3A_1310], %add3A_1288 {strides = array<i32>} : memref<512x128xf32, #tpu.memory_space<vmem>>, vector<16xf32>,
      %swap3A_1312 = arith.index_cast %scan3A_1156 : i32 to index
      %swap3A_1313 = arith.constant 64 : index
      %swap3A_1314 = tpu.vector_load %arg9[%swap3A_1312, %swap3A_1313] {strides = array<i32>} : memref<512x128xf32, #tpu.memory_space<vmem>>, vector<16xf32>,
      tpu.vector_store %arg9[%swap3A_1312, %swap3A_1313], %add3A_1291 {strides = array<i32>} : memref<512x128xf32, #tpu.memory_space<vmem>>, vector<16xf32>,
      %swap3A_1315 = arith.index_cast %scan3A_1156 : i32 to index
      %swap3A_1316 = arith.constant 80 : index
      %swap3A_1317 = tpu.vector_load %arg9[%swap3A_1315, %swap3A_1316] {strides = array<i32>} : memref<512x128xf32, #tpu.memory_space<vmem>>, vector<16xf32>,
      tpu.vector_store %arg9[%swap3A_1315, %swap3A_1316], %add3A_1294 {strides = array<i32>} : memref<512x128xf32, #tpu.memory_space<vmem>>, vector<16xf32>,
      %swap3A_1318 = arith.index_cast %scan3A_1156 : i32 to index
      %swap3A_1319 = arith.constant 96 : index
      %swap3A_1320 = tpu.vector_load %arg9[%swap3A_1318, %swap3A_1319] {strides = array<i32>} : memref<512x128xf32, #tpu.memory_space<vmem>>, vector<16xf32>,
      tpu.vector_store %arg9[%swap3A_1318, %swap3A_1319], %add3A_1297 {strides = array<i32>} : memref<512x128xf32, #tpu.memory_space<vmem>>, vector<16xf32>,
      %swap3A_1321 = arith.index_cast %scan3A_1156 : i32 to index
      %swap3A_1322 = arith.constant 112 : index
      %swap3A_1323 = tpu.vector_load %arg9[%swap3A_1321, %swap3A_1322] {strides = array<i32>} : memref<512x128xf32, #tpu.memory_space<vmem>>, vector<16xf32>,
      tpu.vector_store %arg9[%swap3A_1321, %swap3A_1322], %add3A_1300 {strides = array<i32>} : memref<512x128xf32, #tpu.memory_space<vmem>>, vector<16xf32>,
      %scan3A_1324 = arith.constant 0 : i32
      scf.yield %scan3A_1324 : i32
    }
    %scan3A_208 = arith.constant 512 : i32
    %get3A_209 = arith.constant 4 : i32
    %get3A_210 = arith.index_cast %get3A_209 : i32 to index
    %get3A_211 = arith.constant 0 : index
    %get3A_212 = tpu.vector_load %arg8[%get3A_210, %get3A_211] {strides = array<i32>} : memref<32x128xi32, #tpu.memory_space<vmem>>, vector<16xi32>,
    %get3A_213 = arith.constant 4 : i32
    %get3A_214 = arith.index_cast %get3A_213 : i32 to index
    %get3A_215 = arith.constant 16 : index
    %get3A_216 = tpu.vector_load %arg8[%get3A_214, %get3A_215] {strides = array<i32>} : memref<32x128xi32, #tpu.memory_space<vmem>>, vector<16xi32>,
    %get3A_217 = arith.constant 4 : i32
    %get3A_218 = arith.index_cast %get3A_217 : i32 to index
    %get3A_219 = arith.constant 32 : index
    %get3A_220 = tpu.vector_load %arg8[%get3A_218, %get3A_219] {strides = array<i32>} : memref<32x128xi32, #tpu.memory_space<vmem>>, vector<16xi32>,
    %get3A_221 = arith.constant 4 : i32
    %get3A_222 = arith.index_cast %get3A_221 : i32 to index
    %get3A_223 = arith.constant 48 : index
    %get3A_224 = tpu.vector_load %arg8[%get3A_222, %get3A_223] {strides = array<i32>} : memref<32x128xi32, #tpu.memory_space<vmem>>, vector<16xi32>,
    %get3A_225 = arith.constant 4 : i32
    %get3A_226 = arith.index_cast %get3A_225 : i32 to index
    %get3A_227 = arith.constant 64 : index
    %get3A_228 = tpu.vector_load %arg8[%get3A_226, %get3A_227] {strides = array<i32>} : memref<32x128xi32, #tpu.memory_space<vmem>>, vector<16xi32>,
    %get3A_229 = arith.constant 4 : i32
    %get3A_230 = arith.index_cast %get3A_229 : i32 to index
    %get3A_231 = arith.constant 80 : index
    %get3A_232 = tpu.vector_load %arg8[%get3A_230, %get3A_231] {strides = array<i32>} : memref<32x128xi32, #tpu.memory_space<vmem>>, vector<16xi32>,
    %get3A_233 = arith.constant 4 : i32
    %get3A_234 = arith.index_cast %get3A_233 : i32 to index
    %get3A_235 = arith.constant 96 : index
    %get3A_236 = tpu.vector_load %arg8[%get3A_234, %get3A_235] {strides = array<i32>} : memref<32x128xi32, #tpu.memory_space<vmem>>, vector<16xi32>,
    %get3A_237 = arith.constant 4 : i32
    %get3A_238 = arith.index_cast %get3A_237 : i32 to index
    %get3A_239 = arith.constant 112 : index
    %get3A_240 = tpu.vector_load %arg8[%get3A_238, %get3A_239] {strides = array<i32>} : memref<32x128xi32, #tpu.memory_space<vmem>>, vector<16xi32>,
    %get3A_241 = arith.constant 5 : i32
    %get3A_242 = arith.index_cast %get3A_241 : i32 to index
    %get3A_243 = arith.constant 0 : index
    %get3A_244 = tpu.vector_load %arg8[%get3A_242, %get3A_243] {strides = array<i32>} : memref<32x128xi32, #tpu.memory_space<vmem>>, vector<16xi32>,
    %get3A_245 = arith.constant 5 : i32
    %get3A_246 = arith.index_cast %get3A_245 : i32 to index
    %get3A_247 = arith.constant 16 : index
    %get3A_248 = tpu.vector_load %arg8[%get3A_246, %get3A_247] {strides = array<i32>} : memref<32x128xi32, #tpu.memory_space<vmem>>, vector<16xi32>,
    %get3A_249 = arith.constant 5 : i32
    %get3A_250 = arith.index_cast %get3A_249 : i32 to index
    %get3A_251 = arith.constant 32 : index
    %get3A_252 = tpu.vector_load %arg8[%get3A_250, %get3A_251] {strides = array<i32>} : memref<32x128xi32, #tpu.memory_space<vmem>>, vector<16xi32>,
    %get3A_253 = arith.constant 5 : i32
    %get3A_254 = arith.index_cast %get3A_253 : i32 to index
    %get3A_255 = arith.constant 48 : index
    %get3A_256 = tpu.vector_load %arg8[%get3A_254, %get3A_255] {strides = array<i32>} : memref<32x128xi32, #tpu.memory_space<vmem>>, vector<16xi32>,
    %get3A_257 = arith.constant 5 : i32
    %get3A_258 = arith.index_cast %get3A_257 : i32 to index
    %get3A_259 = arith.constant 64 : index
    %get3A_260 = tpu.vector_load %arg8[%get3A_258, %get3A_259] {strides = array<i32>} : memref<32x128xi32, #tpu.memory_space<vmem>>, vector<16xi32>,
    %get3A_261 = arith.constant 5 : i32
    %get3A_262 = arith.index_cast %get3A_261 : i32 to index
    %get3A_263 = arith.constant 80 : index
    %get3A_264 = tpu.vector_load %arg8[%get3A_262, %get3A_263] {strides = array<i32>} : memref<32x128xi32, #tpu.memory_space<vmem>>, vector<16xi32>,
    %get3A_265 = arith.constant 5 : i32
    %get3A_266 = arith.index_cast %get3A_265 : i32 to index
    %get3A_267 = arith.constant 96 : index
    %get3A_268 = tpu.vector_load %arg8[%get3A_266, %get3A_267] {strides = array<i32>} : memref<32x128xi32, #tpu.memory_space<vmem>>, vector<16xi32>,
    %get3A_269 = arith.constant 5 : i32
    %get3A_270 = arith.index_cast %get3A_269 : i32 to index
    %get3A_271 = arith.constant 112 : index
    %get3A_272 = tpu.vector_load %arg8[%get3A_270, %get3A_271] {strides = array<i32>} : memref<32x128xi32, #tpu.memory_space<vmem>>, vector<16xi32>,
    %get3A_273 = arith.constant 6 : i32
    %get3A_274 = arith.index_cast %get3A_273 : i32 to index
    %get3A_275 = arith.constant 0 : index
    %get3A_276 = tpu.vector_load %arg8[%get3A_274, %get3A_275] {strides = array<i32>} : memref<32x128xi32, #tpu.memory_space<vmem>>, vector<16xi32>,
    %get3A_277 = arith.constant 6 : i32
    %get3A_278 = arith.index_cast %get3A_277 : i32 to index
    %get3A_279 = arith.constant 16 : index
    %get3A_280 = tpu.vector_load %arg8[%get3A_278, %get3A_279] {strides = array<i32>} : memref<32x128xi32, #tpu.memory_space<vmem>>, vector<16xi32>,
    %get3A_281 = arith.constant 6 : i32
    %get3A_282 = arith.index_cast %get3A_281 : i32 to index
    %get3A_283 = arith.constant 32 : index
    %get3A_284 = tpu.vector_load %arg8[%get3A_282, %get3A_283] {strides = array<i32>} : memref<32x128xi32, #tpu.memory_space<vmem>>, vector<16xi32>,
    %get3A_285 = arith.constant 6 : i32
    %get3A_286 = arith.index_cast %get3A_285 : i32 to index
    %get3A_287 = arith.constant 48 : index
    %get3A_288 = tpu.vector_load %arg8[%get3A_286, %get3A_287] {strides = array<i32>} : memref<32x128xi32, #tpu.memory_space<vmem>>, vector<16xi32>,
    %get3A_289 = arith.constant 6 : i32
    %get3A_290 = arith.index_cast %get3A_289 : i32 to index
    %get3A_291 = arith.constant 64 : index
    %get3A_292 = tpu.vector_load %arg8[%get3A_290, %get3A_291] {strides = array<i32>} : memref<32x128xi32, #tpu.memory_space<vmem>>, vector<16xi32>,
    %get3A_293 = arith.constant 6 : i32
    %get3A_294 = arith.index_cast %get3A_293 : i32 to index
    %get3A_295 = arith.constant 80 : index
    %get3A_296 = tpu.vector_load %arg8[%get3A_294, %get3A_295] {strides = array<i32>} : memref<32x128xi32, #tpu.memory_space<vmem>>, vector<16xi32>,
    %get3A_297 = arith.constant 6 : i32
    %get3A_298 = arith.index_cast %get3A_297 : i32 to index
    %get3A_299 = arith.constant 96 : index
    %get3A_300 = tpu.vector_load %arg8[%get3A_298, %get3A_299] {strides = array<i32>} : memref<32x128xi32, #tpu.memory_space<vmem>>, vector<16xi32>,
    %get3A_301 = arith.constant 6 : i32
    %get3A_302 = arith.index_cast %get3A_301 : i32 to index
    %get3A_303 = arith.constant 112 : index
    %get3A_304 = tpu.vector_load %arg8[%get3A_302, %get3A_303] {strides = array<i32>} : memref<32x128xi32, #tpu.memory_space<vmem>>, vector<16xi32>,
    %get3A_305 = arith.constant 7 : i32
    %get3A_306 = arith.index_cast %get3A_305 : i32 to index
    %get3A_307 = arith.constant 0 : index
    %get3A_308 = tpu.vector_load %arg8[%get3A_306, %get3A_307] {strides = array<i32>} : memref<32x128xi32, #tpu.memory_space<vmem>>, vector<16xi32>,
    %get3A_309 = arith.constant 7 : i32
    %get3A_310 = arith.index_cast %get3A_309 : i32 to index
    %get3A_311 = arith.constant 16 : index
    %get3A_312 = tpu.vector_load %arg8[%get3A_310, %get3A_311] {strides = array<i32>} : memref<32x128xi32, #tpu.memory_space<vmem>>, vector<16xi32>,
    %get3A_313 = arith.constant 7 : i32
    %get3A_314 = arith.index_cast %get3A_313 : i32 to index
    %get3A_315 = arith.constant 32 : index
    %get3A_316 = tpu.vector_load %arg8[%get3A_314, %get3A_315] {strides = array<i32>} : memref<32x128xi32, #tpu.memory_space<vmem>>, vector<16xi32>,
    %get3A_317 = arith.constant 7 : i32
    %get3A_318 = arith.index_cast %get3A_317 : i32 to index
    %get3A_319 = arith.constant 48 : index
    %get3A_320 = tpu.vector_load %arg8[%get3A_318, %get3A_319] {strides = array<i32>} : memref<32x128xi32, #tpu.memory_space<vmem>>, vector<16xi32>,
    %get3A_321 = arith.constant 7 : i32
    %get3A_322 = arith.index_cast %get3A_321 : i32 to index
    %get3A_323 = arith.constant 64 : index
    %get3A_324 = tpu.vector_load %arg8[%get3A_322, %get3A_323] {strides = array<i32>} : memref<32x128xi32, #tpu.memory_space<vmem>>, vector<16xi32>,
    %get3A_325 = arith.constant 7 : i32
    %get3A_326 = arith.index_cast %get3A_325 : i32 to index
    %get3A_327 = arith.constant 80 : index
    %get3A_328 = tpu.vector_load %arg8[%get3A_326, %get3A_327] {strides = array<i32>} : memref<32x128xi32, #tpu.memory_space<vmem>>, vector<16xi32>,
    %get3A_329 = arith.constant 7 : i32
    %get3A_330 = arith.index_cast %get3A_329 : i32 to index
    %get3A_331 = arith.constant 96 : index
    %get3A_332 = tpu.vector_load %arg8[%get3A_330, %get3A_331] {strides = array<i32>} : memref<32x128xi32, #tpu.memory_space<vmem>>, vector<16xi32>,
    %get3A_333 = arith.constant 7 : i32
    %get3A_334 = arith.index_cast %get3A_333 : i32 to index
    %get3A_335 = arith.constant 112 : index
    %get3A_336 = tpu.vector_load %arg8[%get3A_334, %get3A_335] {strides = array<i32>} : memref<32x128xi32, #tpu.memory_space<vmem>>, vector<16xi32>,
    %scan3A_337 = arith.constant 0 : i32
    %scan3A_338 = arith.constant 0 : i32
    %scan3A_339 = arith.constant 512 : i32
    %scan3A_340 = arith.addi %scan3A_338, %scan3A_339 : i32
    %scan3A_341 = arith.constant 1 : i32
    %scan3A_342 = scf.for %scan3A_1156 = %scan3A_338 to %scan3A_340 step %scan3A_341 iter_args(%scan3A_1157 = %scan3A_337) -> (i32)  : i32 {
      %get3A_1158 = arith.index_cast %scan3A_1156 : i32 to index
      %get3A_1159 = arith.constant 0 : index
      %get3A_1160 = tpu.vector_load %arg9[%get3A_1158, %get3A_1159] {strides = array<i32>} : memref<512x128xf32, #tpu.memory_space<vmem>>, vector<16xf32>,
      %get3A_1161 = arith.index_cast %scan3A_1156 : i32 to index
      %get3A_1162 = arith.constant 16 : index
      %get3A_1163 = tpu.vector_load %arg9[%get3A_1161, %get3A_1162] {strides = array<i32>} : memref<512x128xf32, #tpu.memory_space<vmem>>, vector<16xf32>,
      %get3A_1164 = arith.index_cast %scan3A_1156 : i32 to index
      %get3A_1165 = arith.constant 32 : index
      %get3A_1166 = tpu.vector_load %arg9[%get3A_1164, %get3A_1165] {strides = array<i32>} : memref<512x128xf32, #tpu.memory_space<vmem>>, vector<16xf32>,
      %get3A_1167 = arith.index_cast %scan3A_1156 : i32 to index
      %get3A_1168 = arith.constant 48 : index
      %get3A_1169 = tpu.vector_load %arg9[%get3A_1167, %get3A_1168] {strides = array<i32>} : memref<512x128xf32, #tpu.memory_space<vmem>>, vector<16xf32>,
      %get3A_1170 = arith.index_cast %scan3A_1156 : i32 to index
      %get3A_1171 = arith.constant 64 : index
      %get3A_1172 = tpu.vector_load %arg9[%get3A_1170, %get3A_1171] {strides = array<i32>} : memref<512x128xf32, #tpu.memory_space<vmem>>, vector<16xf32>,
      %get3A_1173 = arith.index_cast %scan3A_1156 : i32 to index
      %get3A_1174 = arith.constant 80 : index
      %get3A_1175 = tpu.vector_load %arg9[%get3A_1173, %get3A_1174] {strides = array<i32>} : memref<512x128xf32, #tpu.memory_space<vmem>>, vector<16xf32>,
      %get3A_1176 = arith.index_cast %scan3A_1156 : i32 to index
      %get3A_1177 = arith.constant 96 : index
      %get3A_1178 = tpu.vector_load %arg9[%get3A_1176, %get3A_1177] {strides = array<i32>} : memref<512x128xf32, #tpu.memory_space<vmem>>, vector<16xf32>,
      %get3A_1179 = arith.index_cast %scan3A_1156 : i32 to index
      %get3A_1180 = arith.constant 112 : index
      %get3A_1181 = tpu.vector_load %arg9[%get3A_1179, %get3A_1180] {strides = array<i32>} : memref<512x128xf32, #tpu.memory_space<vmem>>, vector<16xf32>,
      %mul3A_1182 = arith.constant 32 : i32
      %mul3A_1183 = arith.muli %scan3A_1156, %mul3A_1182 : i32
      %add3A_1184 = arith.constant 4 : i32
      %add3A_1185 = arith.addi %mul3A_1183, %add3A_1184 : i32
      %add3A_1186 = arith.constant 0 : i32
      %add3A_1187 = arith.addi %add3A_1185, %add3A_1186 : i32
      %broadcast_in_dim3A_1188 = vector.broadcast %add3A_1187 : i32 to vector<16xi32>
      %gather3A = tpu.vector_load_idx %arg6[%broadcast_in_dim3A_1188] : memref<16384xi32, #tpu.memory_space<vmem>>[vector<16xi32>], vector<16xi32>,
      %add3A_1189 = arith.addi %gather3A, %get3A_212 : vector<16xi32>
      %gather3A_1190 = tpu.vector_load_idx %arg7[%add3A_1189, %add3A_46] : memref<300x128xf32, #tpu.memory_space<vmem>>[vector<16xi32>, vector<16xi32>], vector<16xf32>,
      %add3A_1191 = arith.addf %get3A_1160, %gather3A_1190 : vector<16xf32>
      %add3A_1192 = arith.addi %gather3A, %get3A_216 : vector<16xi32>
      %gather3A_1193 = tpu.vector_load_idx %arg7[%add3A_1192, %add3A_50] : memref<300x128xf32, #tpu.memory_space<vmem>>[vector<16xi32>, vector<16xi32>], vector<16xf32>,
      %add3A_1194 = arith.addf %get3A_1163, %gather3A_1193 : vector<16xf32>
      %add3A_1195 = arith.addi %gather3A, %get3A_220 : vector<16xi32>
      %gather3A_1196 = tpu.vector_load_idx %arg7[%add3A_1195, %add3A_54] : memref<300x128xf32, #tpu.memory_space<vmem>>[vector<16xi32>, vector<16xi32>], vector<16xf32>,
      %add3A_1197 = arith.addf %get3A_1166, %gather3A_1196 : vector<16xf32>
      %add3A_1198 = arith.addi %gather3A, %get3A_224 : vector<16xi32>
      %gather3A_1199 = tpu.vector_load_idx %arg7[%add3A_1198, %add3A_58] : memref<300x128xf32, #tpu.memory_space<vmem>>[vector<16xi32>, vector<16xi32>], vector<16xf32>,
      %add3A_1200 = arith.addf %get3A_1169, %gather3A_1199 : vector<16xf32>
      %add3A_1201 = arith.addi %gather3A, %get3A_228 : vector<16xi32>
      %gather3A_1202 = tpu.vector_load_idx %arg7[%add3A_1201, %add3A_62] : memref<300x128xf32, #tpu.memory_space<vmem>>[vector<16xi32>, vector<16xi32>], vector<16xf32>,
      %add3A_1203 = arith.addf %get3A_1172, %gather3A_1202 : vector<16xf32>
      %add3A_1204 = arith.addi %gather3A, %get3A_232 : vector<16xi32>
      %gather3A_1205 = tpu.vector_load_idx %arg7[%add3A_1204, %add3A_66] : memref<300x128xf32, #tpu.memory_space<vmem>>[vector<16xi32>, vector<16xi32>], vector<16xf32>,
      %add3A_1206 = arith.addf %get3A_1175, %gather3A_1205 : vector<16xf32>
      %add3A_1207 = arith.addi %gather3A, %get3A_236 : vector<16xi32>
      %gather3A_1208 = tpu.vector_load_idx %arg7[%add3A_1207, %add3A_70] : memref<300x128xf32, #tpu.memory_space<vmem>>[vector<16xi32>, vector<16xi32>], vector<16xf32>,
      %add3A_1209 = arith.addf %get3A_1178, %gather3A_1208 : vector<16xf32>
      %add3A_1210 = arith.addi %gather3A, %get3A_240 : vector<16xi32>
      %gather3A_1211 = tpu.vector_load_idx %arg7[%add3A_1210, %add3A_74] : memref<300x128xf32, #tpu.memory_space<vmem>>[vector<16xi32>, vector<16xi32>], vector<16xf32>,
      %add3A_1212 = arith.addf %get3A_1181, %gather3A_1211 : vector<16xf32>
      %mul3A_1213 = arith.constant 32 : i32
      %mul3A_1214 = arith.muli %scan3A_1156, %mul3A_1213 : i32
      %add3A_1215 = arith.constant 4 : i32
      %add3A_1216 = arith.addi %mul3A_1214, %add3A_1215 : i32
      %add3A_1217 = arith.constant 1 : i32
      %add3A_1218 = arith.addi %add3A_1216, %add3A_1217 : i32
      %broadcast_in_dim3A_1219 = vector.broadcast %add3A_1218 : i32 to vector<16xi32>
      %gather3A_1220 = tpu.vector_load_idx %arg6[%broadcast_in_dim3A_1219] : memref<16384xi32, #tpu.memory_space<vmem>>[vector<16xi32>], vector<16xi32>,
      %add3A_1221 = arith.addi %gather3A_1220, %get3A_244 : vector<16xi32>
      %gather3A_1222 = tpu.vector_load_idx %arg7[%add3A_1221, %add3A_46] : memref<300x128xf32, #tpu.memory_space<vmem>>[vector<16xi32>, vector<16xi32>], vector<16xf32>,
      %add3A_1223 = arith.addf %add3A_1191, %gather3A_1222 : vector<16xf32>
      %add3A_1224 = arith.addi %gather3A_1220, %get3A_248 : vector<16xi32>
      %gather3A_1225 = tpu.vector_load_idx %arg7[%add3A_1224, %add3A_50] : memref<300x128xf32, #tpu.memory_space<vmem>>[vector<16xi32>, vector<16xi32>], vector<16xf32>,
      %add3A_1226 = arith.addf %add3A_1194, %gather3A_1225 : vector<16xf32>
      %add3A_1227 = arith.addi %gather3A_1220, %get3A_252 : vector<16xi32>
      %gather3A_1228 = tpu.vector_load_idx %arg7[%add3A_1227, %add3A_54] : memref<300x128xf32, #tpu.memory_space<vmem>>[vector<16xi32>, vector<16xi32>], vector<16xf32>,
      %add3A_1229 = arith.addf %add3A_1197, %gather3A_1228 : vector<16xf32>
      %add3A_1230 = arith.addi %gather3A_1220, %get3A_256 : vector<16xi32>
      %gather3A_1231 = tpu.vector_load_idx %arg7[%add3A_1230, %add3A_58] : memref<300x128xf32, #tpu.memory_space<vmem>>[vector<16xi32>, vector<16xi32>], vector<16xf32>,
      %add3A_1232 = arith.addf %add3A_1200, %gather3A_1231 : vector<16xf32>
      %add3A_1233 = arith.addi %gather3A_1220, %get3A_260 : vector<16xi32>
      %gather3A_1234 = tpu.vector_load_idx %arg7[%add3A_1233, %add3A_62] : memref<300x128xf32, #tpu.memory_space<vmem>>[vector<16xi32>, vector<16xi32>], vector<16xf32>,
      %add3A_1235 = arith.addf %add3A_1203, %gather3A_1234 : vector<16xf32>
      %add3A_1236 = arith.addi %gather3A_1220, %get3A_264 : vector<16xi32>
      %gather3A_1237 = tpu.vector_load_idx %arg7[%add3A_1236, %add3A_66] : memref<300x128xf32, #tpu.memory_space<vmem>>[vector<16xi32>, vector<16xi32>], vector<16xf32>,
      %add3A_1238 = arith.addf %add3A_1206, %gather3A_1237 : vector<16xf32>
      %add3A_1239 = arith.addi %gather3A_1220, %get3A_268 : vector<16xi32>
      %gather3A_1240 = tpu.vector_load_idx %arg7[%add3A_1239, %add3A_70] : memref<300x128xf32, #tpu.memory_space<vmem>>[vector<16xi32>, vector<16xi32>], vector<16xf32>,
      %add3A_1241 = arith.addf %add3A_1209, %gather3A_1240 : vector<16xf32>
      %add3A_1242 = arith.addi %gather3A_1220, %get3A_272 : vector<16xi32>
      %gather3A_1243 = tpu.vector_load_idx %arg7[%add3A_1242, %add3A_74] : memref<300x128xf32, #tpu.memory_space<vmem>>[vector<16xi32>, vector<16xi32>], vector<16xf32>,
      %add3A_1244 = arith.addf %add3A_1212, %gather3A_1243 : vector<16xf32>
      %mul3A_1245 = arith.constant 32 : i32
      %mul3A_1246 = arith.muli %scan3A_1156, %mul3A_1245 : i32
      %add3A_1247 = arith.constant 4 : i32
      %add3A_1248 = arith.addi %mul3A_1246, %add3A_1247 : i32
      %add3A_1249 = arith.constant 2 : i32
      %add3A_1250 = arith.addi %add3A_1248, %add3A_1249 : i32
      %broadcast_in_dim3A_1251 = vector.broadcast %add3A_1250 : i32 to vector<16xi32>
      %gather3A_1252 = tpu.vector_load_idx %arg6[%broadcast_in_dim3A_1251] : memref<16384xi32, #tpu.memory_space<vmem>>[vector<16xi32>], vector<16xi32>,
      %add3A_1253 = arith.addi %gather3A_1252, %get3A_276 : vector<16xi32>
      %gather3A_1254 = tpu.vector_load_idx %arg7[%add3A_1253, %add3A_46] : memref<300x128xf32, #tpu.memory_space<vmem>>[vector<16xi32>, vector<16xi32>], vector<16xf32>,
      %add3A_1255 = arith.addf %add3A_1223, %gather3A_1254 : vector<16xf32>
      %add3A_1256 = arith.addi %gather3A_1252, %get3A_280 : vector<16xi32>
      %gather3A_1257 = tpu.vector_load_idx %arg7[%add3A_1256, %add3A_50] : memref<300x128xf32, #tpu.memory_space<vmem>>[vector<16xi32>, vector<16xi32>], vector<16xf32>,
      %add3A_1258 = arith.addf %add3A_1226, %gather3A_1257 : vector<16xf32>
      %add3A_1259 = arith.addi %gather3A_1252, %get3A_284 : vector<16xi32>
      %gather3A_1260 = tpu.vector_load_idx %arg7[%add3A_1259, %add3A_54] : memref<300x128xf32, #tpu.memory_space<vmem>>[vector<16xi32>, vector<16xi32>], vector<16xf32>,
      %add3A_1261 = arith.addf %add3A_1229, %gather3A_1260 : vector<16xf32>
      %add3A_1262 = arith.addi %gather3A_1252, %get3A_288 : vector<16xi32>
      %gather3A_1263 = tpu.vector_load_idx %arg7[%add3A_1262, %add3A_58] : memref<300x128xf32, #tpu.memory_space<vmem>>[vector<16xi32>, vector<16xi32>], vector<16xf32>,
      %add3A_1264 = arith.addf %add3A_1232, %gather3A_1263 : vector<16xf32>
      %add3A_1265 = arith.addi %gather3A_1252, %get3A_292 : vector<16xi32>
      %gather3A_1266 = tpu.vector_load_idx %arg7[%add3A_1265, %add3A_62] : memref<300x128xf32, #tpu.memory_space<vmem>>[vector<16xi32>, vector<16xi32>], vector<16xf32>,
      %add3A_1267 = arith.addf %add3A_1235, %gather3A_1266 : vector<16xf32>
      %add3A_1268 = arith.addi %gather3A_1252, %get3A_296 : vector<16xi32>
      %gather3A_1269 = tpu.vector_load_idx %arg7[%add3A_1268, %add3A_66] : memref<300x128xf32, #tpu.memory_space<vmem>>[vector<16xi32>, vector<16xi32>], vector<16xf32>,
      %add3A_1270 = arith.addf %add3A_1238, %gather3A_1269 : vector<16xf32>
      %add3A_1271 = arith.addi %gather3A_1252, %get3A_300 : vector<16xi32>
      %gather3A_1272 = tpu.vector_load_idx %arg7[%add3A_1271, %add3A_70] : memref<300x128xf32, #tpu.memory_space<vmem>>[vector<16xi32>, vector<16xi32>], vector<16xf32>,
      %add3A_1273 = arith.addf %add3A_1241, %gather3A_1272 : vector<16xf32>
      %add3A_1274 = arith.addi %gather3A_1252, %get3A_304 : vector<16xi32>
      %gather3A_1275 = tpu.vector_load_idx %arg7[%add3A_1274, %add3A_74] : memref<300x128xf32, #tpu.memory_space<vmem>>[vector<16xi32>, vector<16xi32>], vector<16xf32>,
      %add3A_1276 = arith.addf %add3A_1244, %gather3A_1275 : vector<16xf32>
      %mul3A_1277 = arith.constant 32 : i32
      %mul3A_1278 = arith.muli %scan3A_1156, %mul3A_1277 : i32
      %add3A_1279 = arith.constant 4 : i32
      %add3A_1280 = arith.addi %mul3A_1278, %add3A_1279 : i32
      %add3A_1281 = arith.constant 3 : i32
      %add3A_1282 = arith.addi %add3A_1280, %add3A_1281 : i32
      %broadcast_in_dim3A_1283 = vector.broadcast %add3A_1282 : i32 to vector<16xi32>
      %gather3A_1284 = tpu.vector_load_idx %arg6[%broadcast_in_dim3A_1283] : memref<16384xi32, #tpu.memory_space<vmem>>[vector<16xi32>], vector<16xi32>,
      %add3A_1285 = arith.addi %gather3A_1284, %get3A_308 : vector<16xi32>
      %gather3A_1286 = tpu.vector_load_idx %arg7[%add3A_1285, %add3A_46] : memref<300x128xf32, #tpu.memory_space<vmem>>[vector<16xi32>, vector<16xi32>], vector<16xf32>,
      %add3A_1287 = arith.addf %add3A_1255, %gather3A_1286 : vector<16xf32>
      %add3A_1288 = arith.addi %gather3A_1284, %get3A_312 : vector<16xi32>
      %gather3A_1289 = tpu.vector_load_idx %arg7[%add3A_1288, %add3A_50] : memref<300x128xf32, #tpu.memory_space<vmem>>[vector<16xi32>, vector<16xi32>], vector<16xf32>,
      %add3A_1290 = arith.addf %add3A_1258, %gather3A_1289 : vector<16xf32>
      %add3A_1291 = arith.addi %gather3A_1284, %get3A_316 : vector<16xi32>
      %gather3A_1292 = tpu.vector_load_idx %arg7[%add3A_1291, %add3A_54] : memref<300x128xf32, #tpu.memory_space<vmem>>[vector<16xi32>, vector<16xi32>], vector<16xf32>,
      %add3A_1293 = arith.addf %add3A_1261, %gather3A_1292 : vector<16xf32>
      %add3A_1294 = arith.addi %gather3A_1284, %get3A_320 : vector<16xi32>
      %gather3A_1295 = tpu.vector_load_idx %arg7[%add3A_1294, %add3A_58] : memref<300x128xf32, #tpu.memory_space<vmem>>[vector<16xi32>, vector<16xi32>], vector<16xf32>,
      %add3A_1296 = arith.addf %add3A_1264, %gather3A_1295 : vector<16xf32>
      %add3A_1297 = arith.addi %gather3A_1284, %get3A_324 : vector<16xi32>
      %gather3A_1298 = tpu.vector_load_idx %arg7[%add3A_1297, %add3A_62] : memref<300x128xf32, #tpu.memory_space<vmem>>[vector<16xi32>, vector<16xi32>], vector<16xf32>,
      %add3A_1299 = arith.addf %add3A_1267, %gather3A_1298 : vector<16xf32>
      %add3A_1300 = arith.addi %gather3A_1284, %get3A_328 : vector<16xi32>
      %gather3A_1301 = tpu.vector_load_idx %arg7[%add3A_1300, %add3A_66] : memref<300x128xf32, #tpu.memory_space<vmem>>[vector<16xi32>, vector<16xi32>], vector<16xf32>,
      %add3A_1302 = arith.addf %add3A_1270, %gather3A_1301 : vector<16xf32>
      %add3A_1303 = arith.addi %gather3A_1284, %get3A_332 : vector<16xi32>
      %gather3A_1304 = tpu.vector_load_idx %arg7[%add3A_1303, %add3A_70] : memref<300x128xf32, #tpu.memory_space<vmem>>[vector<16xi32>, vector<16xi32>], vector<16xf32>,
      %add3A_1305 = arith.addf %add3A_1273, %gather3A_1304 : vector<16xf32>
      %add3A_1306 = arith.addi %gather3A_1284, %get3A_336 : vector<16xi32>
      %gather3A_1307 = tpu.vector_load_idx %arg7[%add3A_1306, %add3A_74] : memref<300x128xf32, #tpu.memory_space<vmem>>[vector<16xi32>, vector<16xi32>], vector<16xf32>,
      %add3A_1308 = arith.addf %add3A_1276, %gather3A_1307 : vector<16xf32>
      %swap3A = arith.index_cast %scan3A_1156 : i32 to index
      %swap3A_1309 = arith.constant 0 : index
      %swap3A_1310 = tpu.vector_load %arg9[%swap3A, %swap3A_1309] {strides = array<i32>} : memref<512x128xf32, #tpu.memory_space<vmem>>, vector<16xf32>,
      tpu.vector_store %arg9[%swap3A, %swap3A_1309], %add3A_1287 {strides = array<i32>} : memref<512x128xf32, #tpu.memory_space<vmem>>, vector<16xf32>,
      %swap3A_1311 = arith.index_cast %scan3A_1156 : i32 to index
      %swap3A_1312 = arith.constant 16 : index
      %swap3A_1313 = tpu.vector_load %arg9[%swap3A_1311, %swap3A_1312] {strides = array<i32>} : memref<512x128xf32, #tpu.memory_space<vmem>>, vector<16xf32>,
      tpu.vector_store %arg9[%swap3A_1311, %swap3A_1312], %add3A_1290 {strides = array<i32>} : memref<512x128xf32, #tpu.memory_space<vmem>>, vector<16xf32>,
      %swap3A_1314 = arith.index_cast %scan3A_1156 : i32 to index
      %swap3A_1315 = arith.constant 32 : index
      %swap3A_1316 = tpu.vector_load %arg9[%swap3A_1314, %swap3A_1315] {strides = array<i32>} : memref<512x128xf32, #tpu.memory_space<vmem>>, vector<16xf32>,
      tpu.vector_store %arg9[%swap3A_1314, %swap3A_1315], %add3A_1293 {strides = array<i32>} : memref<512x128xf32, #tpu.memory_space<vmem>>, vector<16xf32>,
      %swap3A_1317 = arith.index_cast %scan3A_1156 : i32 to index
      %swap3A_1318 = arith.constant 48 : index
      %swap3A_1319 = tpu.vector_load %arg9[%swap3A_1317, %swap3A_1318] {strides = array<i32>} : memref<512x128xf32, #tpu.memory_space<vmem>>, vector<16xf32>,
      tpu.vector_store %arg9[%swap3A_1317, %swap3A_1318], %add3A_1296 {strides = array<i32>} : memref<512x128xf32, #tpu.memory_space<vmem>>, vector<16xf32>,
      %swap3A_1320 = arith.index_cast %scan3A_1156 : i32 to index
      %swap3A_1321 = arith.constant 64 : index
      %swap3A_1322 = tpu.vector_load %arg9[%swap3A_1320, %swap3A_1321] {strides = array<i32>} : memref<512x128xf32, #tpu.memory_space<vmem>>, vector<16xf32>,
      tpu.vector_store %arg9[%swap3A_1320, %swap3A_1321], %add3A_1299 {strides = array<i32>} : memref<512x128xf32, #tpu.memory_space<vmem>>, vector<16xf32>,
      %swap3A_1323 = arith.index_cast %scan3A_1156 : i32 to index
      %swap3A_1324 = arith.constant 80 : index
      %swap3A_1325 = tpu.vector_load %arg9[%swap3A_1323, %swap3A_1324] {strides = array<i32>} : memref<512x128xf32, #tpu.memory_space<vmem>>, vector<16xf32>,
      tpu.vector_store %arg9[%swap3A_1323, %swap3A_1324], %add3A_1302 {strides = array<i32>} : memref<512x128xf32, #tpu.memory_space<vmem>>, vector<16xf32>,
      %swap3A_1326 = arith.index_cast %scan3A_1156 : i32 to index
      %swap3A_1327 = arith.constant 96 : index
      %swap3A_1328 = tpu.vector_load %arg9[%swap3A_1326, %swap3A_1327] {strides = array<i32>} : memref<512x128xf32, #tpu.memory_space<vmem>>, vector<16xf32>,
      tpu.vector_store %arg9[%swap3A_1326, %swap3A_1327], %add3A_1305 {strides = array<i32>} : memref<512x128xf32, #tpu.memory_space<vmem>>, vector<16xf32>,
      %swap3A_1329 = arith.index_cast %scan3A_1156 : i32 to index
      %swap3A_1330 = arith.constant 112 : index
      %swap3A_1331 = tpu.vector_load %arg9[%swap3A_1329, %swap3A_1330] {strides = array<i32>} : memref<512x128xf32, #tpu.memory_space<vmem>>, vector<16xf32>,
      tpu.vector_store %arg9[%swap3A_1329, %swap3A_1330], %add3A_1308 {strides = array<i32>} : memref<512x128xf32, #tpu.memory_space<vmem>>, vector<16xf32>,
      %scan3A_1332 = arith.constant 0 : i32
      scf.yield %scan3A_1332 : i32
    }
    %scan3A_343 = arith.constant 512 : i32
    %get3A_344 = arith.constant 8 : i32
    %get3A_345 = arith.index_cast %get3A_344 : i32 to index
    %get3A_346 = arith.constant 0 : index
    %get3A_347 = tpu.vector_load %arg8[%get3A_345, %get3A_346] {strides = array<i32>} : memref<32x128xi32, #tpu.memory_space<vmem>>, vector<16xi32>,
    %get3A_348 = arith.constant 8 : i32
    %get3A_349 = arith.index_cast %get3A_348 : i32 to index
    %get3A_350 = arith.constant 16 : index
    %get3A_351 = tpu.vector_load %arg8[%get3A_349, %get3A_350] {strides = array<i32>} : memref<32x128xi32, #tpu.memory_space<vmem>>, vector<16xi32>,
    %get3A_352 = arith.constant 8 : i32
    %get3A_353 = arith.index_cast %get3A_352 : i32 to index
    %get3A_354 = arith.constant 32 : index
    %get3A_355 = tpu.vector_load %arg8[%get3A_353, %get3A_354] {strides = array<i32>} : memref<32x128xi32, #tpu.memory_space<vmem>>, vector<16xi32>,
    %get3A_356 = arith.constant 8 : i32
    %get3A_357 = arith.index_cast %get3A_356 : i32 to index
    %get3A_358 = arith.constant 48 : index
    %get3A_359 = tpu.vector_load %arg8[%get3A_357, %get3A_358] {strides = array<i32>} : memref<32x128xi32, #tpu.memory_space<vmem>>, vector<16xi32>,
    %get3A_360 = arith.constant 8 : i32
    %get3A_361 = arith.index_cast %get3A_360 : i32 to index
    %get3A_362 = arith.constant 64 : index
    %get3A_363 = tpu.vector_load %arg8[%get3A_361, %get3A_362] {strides = array<i32>} : memref<32x128xi32, #tpu.memory_space<vmem>>, vector<16xi32>,
    %get3A_364 = arith.constant 8 : i32
    %get3A_365 = arith.index_cast %get3A_364 : i32 to index
    %get3A_366 = arith.constant 80 : index
    %get3A_367 = tpu.vector_load %arg8[%get3A_365, %get3A_366] {strides = array<i32>} : memref<32x128xi32, #tpu.memory_space<vmem>>, vector<16xi32>,
    %get3A_368 = arith.constant 8 : i32
    %get3A_369 = arith.index_cast %get3A_368 : i32 to index
    %get3A_370 = arith.constant 96 : index
    %get3A_371 = tpu.vector_load %arg8[%get3A_369, %get3A_370] {strides = array<i32>} : memref<32x128xi32, #tpu.memory_space<vmem>>, vector<16xi32>,
    %get3A_372 = arith.constant 8 : i32
    %get3A_373 = arith.index_cast %get3A_372 : i32 to index
    %get3A_374 = arith.constant 112 : index
    %get3A_375 = tpu.vector_load %arg8[%get3A_373, %get3A_374] {strides = array<i32>} : memref<32x128xi32, #tpu.memory_space<vmem>>, vector<16xi32>,
    %get3A_376 = arith.constant 9 : i32
    %get3A_377 = arith.index_cast %get3A_376 : i32 to index
    %get3A_378 = arith.constant 0 : index
    %get3A_379 = tpu.vector_load %arg8[%get3A_377, %get3A_378] {strides = array<i32>} : memref<32x128xi32, #tpu.memory_space<vmem>>, vector<16xi32>,
    %get3A_380 = arith.constant 9 : i32
    %get3A_381 = arith.index_cast %get3A_380 : i32 to index
    %get3A_382 = arith.constant 16 : index
    %get3A_383 = tpu.vector_load %arg8[%get3A_381, %get3A_382] {strides = array<i32>} : memref<32x128xi32, #tpu.memory_space<vmem>>, vector<16xi32>,
    %get3A_384 = arith.constant 9 : i32
    %get3A_385 = arith.index_cast %get3A_384 : i32 to index
    %get3A_386 = arith.constant 32 : index
    %get3A_387 = tpu.vector_load %arg8[%get3A_385, %get3A_386] {strides = array<i32>} : memref<32x128xi32, #tpu.memory_space<vmem>>, vector<16xi32>,
    %get3A_388 = arith.constant 9 : i32
    %get3A_389 = arith.index_cast %get3A_388 : i32 to index
    %get3A_390 = arith.constant 48 : index
    %get3A_391 = tpu.vector_load %arg8[%get3A_389, %get3A_390] {strides = array<i32>} : memref<32x128xi32, #tpu.memory_space<vmem>>, vector<16xi32>,
    %get3A_392 = arith.constant 9 : i32
    %get3A_393 = arith.index_cast %get3A_392 : i32 to index
    %get3A_394 = arith.constant 64 : index
    %get3A_395 = tpu.vector_load %arg8[%get3A_393, %get3A_394] {strides = array<i32>} : memref<32x128xi32, #tpu.memory_space<vmem>>, vector<16xi32>,
    %get3A_396 = arith.constant 9 : i32
    %get3A_397 = arith.index_cast %get3A_396 : i32 to index
    %get3A_398 = arith.constant 80 : index
    %get3A_399 = tpu.vector_load %arg8[%get3A_397, %get3A_398] {strides = array<i32>} : memref<32x128xi32, #tpu.memory_space<vmem>>, vector<16xi32>,
    %get3A_400 = arith.constant 9 : i32
    %get3A_401 = arith.index_cast %get3A_400 : i32 to index
    %get3A_402 = arith.constant 96 : index
    %get3A_403 = tpu.vector_load %arg8[%get3A_401, %get3A_402] {strides = array<i32>} : memref<32x128xi32, #tpu.memory_space<vmem>>, vector<16xi32>,
    %get3A_404 = arith.constant 9 : i32
    %get3A_405 = arith.index_cast %get3A_404 : i32 to index
    %get3A_406 = arith.constant 112 : index
    %get3A_407 = tpu.vector_load %arg8[%get3A_405, %get3A_406] {strides = array<i32>} : memref<32x128xi32, #tpu.memory_space<vmem>>, vector<16xi32>,
    %get3A_408 = arith.constant 10 : i32
    %get3A_409 = arith.index_cast %get3A_408 : i32 to index
    %get3A_410 = arith.constant 0 : index
    %get3A_411 = tpu.vector_load %arg8[%get3A_409, %get3A_410] {strides = array<i32>} : memref<32x128xi32, #tpu.memory_space<vmem>>, vector<16xi32>,
    %get3A_412 = arith.constant 10 : i32
    %get3A_413 = arith.index_cast %get3A_412 : i32 to index
    %get3A_414 = arith.constant 16 : index
    %get3A_415 = tpu.vector_load %arg8[%get3A_413, %get3A_414] {strides = array<i32>} : memref<32x128xi32, #tpu.memory_space<vmem>>, vector<16xi32>,
    %get3A_416 = arith.constant 10 : i32
    %get3A_417 = arith.index_cast %get3A_416 : i32 to index
    %get3A_418 = arith.constant 32 : index
    %get3A_419 = tpu.vector_load %arg8[%get3A_417, %get3A_418] {strides = array<i32>} : memref<32x128xi32, #tpu.memory_space<vmem>>, vector<16xi32>,
    %get3A_420 = arith.constant 10 : i32
    %get3A_421 = arith.index_cast %get3A_420 : i32 to index
    %get3A_422 = arith.constant 48 : index
    %get3A_423 = tpu.vector_load %arg8[%get3A_421, %get3A_422] {strides = array<i32>} : memref<32x128xi32, #tpu.memory_space<vmem>>, vector<16xi32>,
    %get3A_424 = arith.constant 10 : i32
    %get3A_425 = arith.index_cast %get3A_424 : i32 to index
    %get3A_426 = arith.constant 64 : index
    %get3A_427 = tpu.vector_load %arg8[%get3A_425, %get3A_426] {strides = array<i32>} : memref<32x128xi32, #tpu.memory_space<vmem>>, vector<16xi32>,
    %get3A_428 = arith.constant 10 : i32
    %get3A_429 = arith.index_cast %get3A_428 : i32 to index
    %get3A_430 = arith.constant 80 : index
    %get3A_431 = tpu.vector_load %arg8[%get3A_429, %get3A_430] {strides = array<i32>} : memref<32x128xi32, #tpu.memory_space<vmem>>, vector<16xi32>,
    %get3A_432 = arith.constant 10 : i32
    %get3A_433 = arith.index_cast %get3A_432 : i32 to index
    %get3A_434 = arith.constant 96 : index
    %get3A_435 = tpu.vector_load %arg8[%get3A_433, %get3A_434] {strides = array<i32>} : memref<32x128xi32, #tpu.memory_space<vmem>>, vector<16xi32>,
    %get3A_436 = arith.constant 10 : i32
    %get3A_437 = arith.index_cast %get3A_436 : i32 to index
    %get3A_438 = arith.constant 112 : index
    %get3A_439 = tpu.vector_load %arg8[%get3A_437, %get3A_438] {strides = array<i32>} : memref<32x128xi32, #tpu.memory_space<vmem>>, vector<16xi32>,
    %get3A_440 = arith.constant 11 : i32
    %get3A_441 = arith.index_cast %get3A_440 : i32 to index
    %get3A_442 = arith.constant 0 : index
    %get3A_443 = tpu.vector_load %arg8[%get3A_441, %get3A_442] {strides = array<i32>} : memref<32x128xi32, #tpu.memory_space<vmem>>, vector<16xi32>,
    %get3A_444 = arith.constant 11 : i32
    %get3A_445 = arith.index_cast %get3A_444 : i32 to index
    %get3A_446 = arith.constant 16 : index
    %get3A_447 = tpu.vector_load %arg8[%get3A_445, %get3A_446] {strides = array<i32>} : memref<32x128xi32, #tpu.memory_space<vmem>>, vector<16xi32>,
    %get3A_448 = arith.constant 11 : i32
    %get3A_449 = arith.index_cast %get3A_448 : i32 to index
    %get3A_450 = arith.constant 32 : index
    %get3A_451 = tpu.vector_load %arg8[%get3A_449, %get3A_450] {strides = array<i32>} : memref<32x128xi32, #tpu.memory_space<vmem>>, vector<16xi32>,
    %get3A_452 = arith.constant 11 : i32
    %get3A_453 = arith.index_cast %get3A_452 : i32 to index
    %get3A_454 = arith.constant 48 : index
    %get3A_455 = tpu.vector_load %arg8[%get3A_453, %get3A_454] {strides = array<i32>} : memref<32x128xi32, #tpu.memory_space<vmem>>, vector<16xi32>,
    %get3A_456 = arith.constant 11 : i32
    %get3A_457 = arith.index_cast %get3A_456 : i32 to index
    %get3A_458 = arith.constant 64 : index
    %get3A_459 = tpu.vector_load %arg8[%get3A_457, %get3A_458] {strides = array<i32>} : memref<32x128xi32, #tpu.memory_space<vmem>>, vector<16xi32>,
    %get3A_460 = arith.constant 11 : i32
    %get3A_461 = arith.index_cast %get3A_460 : i32 to index
    %get3A_462 = arith.constant 80 : index
    %get3A_463 = tpu.vector_load %arg8[%get3A_461, %get3A_462] {strides = array<i32>} : memref<32x128xi32, #tpu.memory_space<vmem>>, vector<16xi32>,
    %get3A_464 = arith.constant 11 : i32
    %get3A_465 = arith.index_cast %get3A_464 : i32 to index
    %get3A_466 = arith.constant 96 : index
    %get3A_467 = tpu.vector_load %arg8[%get3A_465, %get3A_466] {strides = array<i32>} : memref<32x128xi32, #tpu.memory_space<vmem>>, vector<16xi32>,
    %get3A_468 = arith.constant 11 : i32
    %get3A_469 = arith.index_cast %get3A_468 : i32 to index
    %get3A_470 = arith.constant 112 : index
    %get3A_471 = tpu.vector_load %arg8[%get3A_469, %get3A_470] {strides = array<i32>} : memref<32x128xi32, #tpu.memory_space<vmem>>, vector<16xi32>,
    %scan3A_472 = arith.constant 0 : i32
    %scan3A_473 = arith.constant 0 : i32
    %scan3A_474 = arith.constant 512 : i32
    %scan3A_475 = arith.addi %scan3A_473, %scan3A_474 : i32
    %scan3A_476 = arith.constant 1 : i32
    %scan3A_477 = scf.for %scan3A_1156 = %scan3A_473 to %scan3A_475 step %scan3A_476 iter_args(%scan3A_1157 = %scan3A_472) -> (i32)  : i32 {
      %get3A_1158 = arith.index_cast %scan3A_1156 : i32 to index
      %get3A_1159 = arith.constant 0 : index
      %get3A_1160 = tpu.vector_load %arg9[%get3A_1158, %get3A_1159] {strides = array<i32>} : memref<512x128xf32, #tpu.memory_space<vmem>>, vector<16xf32>,
      %get3A_1161 = arith.index_cast %scan3A_1156 : i32 to index
      %get3A_1162 = arith.constant 16 : index
      %get3A_1163 = tpu.vector_load %arg9[%get3A_1161, %get3A_1162] {strides = array<i32>} : memref<512x128xf32, #tpu.memory_space<vmem>>, vector<16xf32>,
      %get3A_1164 = arith.index_cast %scan3A_1156 : i32 to index
      %get3A_1165 = arith.constant 32 : index
      %get3A_1166 = tpu.vector_load %arg9[%get3A_1164, %get3A_1165] {strides = array<i32>} : memref<512x128xf32, #tpu.memory_space<vmem>>, vector<16xf32>,
      %get3A_1167 = arith.index_cast %scan3A_1156 : i32 to index
      %get3A_1168 = arith.constant 48 : index
      %get3A_1169 = tpu.vector_load %arg9[%get3A_1167, %get3A_1168] {strides = array<i32>} : memref<512x128xf32, #tpu.memory_space<vmem>>, vector<16xf32>,
      %get3A_1170 = arith.index_cast %scan3A_1156 : i32 to index
      %get3A_1171 = arith.constant 64 : index
      %get3A_1172 = tpu.vector_load %arg9[%get3A_1170, %get3A_1171] {strides = array<i32>} : memref<512x128xf32, #tpu.memory_space<vmem>>, vector<16xf32>,
      %get3A_1173 = arith.index_cast %scan3A_1156 : i32 to index
      %get3A_1174 = arith.constant 80 : index
      %get3A_1175 = tpu.vector_load %arg9[%get3A_1173, %get3A_1174] {strides = array<i32>} : memref<512x128xf32, #tpu.memory_space<vmem>>, vector<16xf32>,
      %get3A_1176 = arith.index_cast %scan3A_1156 : i32 to index
      %get3A_1177 = arith.constant 96 : index
      %get3A_1178 = tpu.vector_load %arg9[%get3A_1176, %get3A_1177] {strides = array<i32>} : memref<512x128xf32, #tpu.memory_space<vmem>>, vector<16xf32>,
      %get3A_1179 = arith.index_cast %scan3A_1156 : i32 to index
      %get3A_1180 = arith.constant 112 : index
      %get3A_1181 = tpu.vector_load %arg9[%get3A_1179, %get3A_1180] {strides = array<i32>} : memref<512x128xf32, #tpu.memory_space<vmem>>, vector<16xf32>,
      %mul3A_1182 = arith.constant 32 : i32
      %mul3A_1183 = arith.muli %scan3A_1156, %mul3A_1182 : i32
      %add3A_1184 = arith.constant 8 : i32
      %add3A_1185 = arith.addi %mul3A_1183, %add3A_1184 : i32
      %add3A_1186 = arith.constant 0 : i32
      %add3A_1187 = arith.addi %add3A_1185, %add3A_1186 : i32
      %broadcast_in_dim3A_1188 = vector.broadcast %add3A_1187 : i32 to vector<16xi32>
      %gather3A = tpu.vector_load_idx %arg6[%broadcast_in_dim3A_1188] : memref<16384xi32, #tpu.memory_space<vmem>>[vector<16xi32>], vector<16xi32>,
      %add3A_1189 = arith.addi %gather3A, %get3A_347 : vector<16xi32>
      %gather3A_1190 = tpu.vector_load_idx %arg7[%add3A_1189, %add3A_46] : memref<300x128xf32, #tpu.memory_space<vmem>>[vector<16xi32>, vector<16xi32>], vector<16xf32>,
      %add3A_1191 = arith.addf %get3A_1160, %gather3A_1190 : vector<16xf32>
      %add3A_1192 = arith.addi %gather3A, %get3A_351 : vector<16xi32>
      %gather3A_1193 = tpu.vector_load_idx %arg7[%add3A_1192, %add3A_50] : memref<300x128xf32, #tpu.memory_space<vmem>>[vector<16xi32>, vector<16xi32>], vector<16xf32>,
      %add3A_1194 = arith.addf %get3A_1163, %gather3A_1193 : vector<16xf32>
      %add3A_1195 = arith.addi %gather3A, %get3A_355 : vector<16xi32>
      %gather3A_1196 = tpu.vector_load_idx %arg7[%add3A_1195, %add3A_54] : memref<300x128xf32, #tpu.memory_space<vmem>>[vector<16xi32>, vector<16xi32>], vector<16xf32>,
      %add3A_1197 = arith.addf %get3A_1166, %gather3A_1196 : vector<16xf32>
      %add3A_1198 = arith.addi %gather3A, %get3A_359 : vector<16xi32>
      %gather3A_1199 = tpu.vector_load_idx %arg7[%add3A_1198, %add3A_58] : memref<300x128xf32, #tpu.memory_space<vmem>>[vector<16xi32>, vector<16xi32>], vector<16xf32>,
      %add3A_1200 = arith.addf %get3A_1169, %gather3A_1199 : vector<16xf32>
      %add3A_1201 = arith.addi %gather3A, %get3A_363 : vector<16xi32>
      %gather3A_1202 = tpu.vector_load_idx %arg7[%add3A_1201, %add3A_62] : memref<300x128xf32, #tpu.memory_space<vmem>>[vector<16xi32>, vector<16xi32>], vector<16xf32>,
      %add3A_1203 = arith.addf %get3A_1172, %gather3A_1202 : vector<16xf32>
      %add3A_1204 = arith.addi %gather3A, %get3A_367 : vector<16xi32>
      %gather3A_1205 = tpu.vector_load_idx %arg7[%add3A_1204, %add3A_66] : memref<300x128xf32, #tpu.memory_space<vmem>>[vector<16xi32>, vector<16xi32>], vector<16xf32>,
      %add3A_1206 = arith.addf %get3A_1175, %gather3A_1205 : vector<16xf32>
      %add3A_1207 = arith.addi %gather3A, %get3A_371 : vector<16xi32>
      %gather3A_1208 = tpu.vector_load_idx %arg7[%add3A_1207, %add3A_70] : memref<300x128xf32, #tpu.memory_space<vmem>>[vector<16xi32>, vector<16xi32>], vector<16xf32>,
      %add3A_1209 = arith.addf %get3A_1178, %gather3A_1208 : vector<16xf32>
      %add3A_1210 = arith.addi %gather3A, %get3A_375 : vector<16xi32>
      %gather3A_1211 = tpu.vector_load_idx %arg7[%add3A_1210, %add3A_74] : memref<300x128xf32, #tpu.memory_space<vmem>>[vector<16xi32>, vector<16xi32>], vector<16xf32>,
      %add3A_1212 = arith.addf %get3A_1181, %gather3A_1211 : vector<16xf32>
      %mul3A_1213 = arith.constant 32 : i32
      %mul3A_1214 = arith.muli %scan3A_1156, %mul3A_1213 : i32
      %add3A_1215 = arith.constant 8 : i32
      %add3A_1216 = arith.addi %mul3A_1214, %add3A_1215 : i32
      %add3A_1217 = arith.constant 1 : i32
      %add3A_1218 = arith.addi %add3A_1216, %add3A_1217 : i32
      %broadcast_in_dim3A_1219 = vector.broadcast %add3A_1218 : i32 to vector<16xi32>
      %gather3A_1220 = tpu.vector_load_idx %arg6[%broadcast_in_dim3A_1219] : memref<16384xi32, #tpu.memory_space<vmem>>[vector<16xi32>], vector<16xi32>,
      %add3A_1221 = arith.addi %gather3A_1220, %get3A_379 : vector<16xi32>
      %gather3A_1222 = tpu.vector_load_idx %arg7[%add3A_1221, %add3A_46] : memref<300x128xf32, #tpu.memory_space<vmem>>[vector<16xi32>, vector<16xi32>], vector<16xf32>,
      %add3A_1223 = arith.addf %add3A_1191, %gather3A_1222 : vector<16xf32>
      %add3A_1224 = arith.addi %gather3A_1220, %get3A_383 : vector<16xi32>
      %gather3A_1225 = tpu.vector_load_idx %arg7[%add3A_1224, %add3A_50] : memref<300x128xf32, #tpu.memory_space<vmem>>[vector<16xi32>, vector<16xi32>], vector<16xf32>,
      %add3A_1226 = arith.addf %add3A_1194, %gather3A_1225 : vector<16xf32>
      %add3A_1227 = arith.addi %gather3A_1220, %get3A_387 : vector<16xi32>
      %gather3A_1228 = tpu.vector_load_idx %arg7[%add3A_1227, %add3A_54] : memref<300x128xf32, #tpu.memory_space<vmem>>[vector<16xi32>, vector<16xi32>], vector<16xf32>,
      %add3A_1229 = arith.addf %add3A_1197, %gather3A_1228 : vector<16xf32>
      %add3A_1230 = arith.addi %gather3A_1220, %get3A_391 : vector<16xi32>
      %gather3A_1231 = tpu.vector_load_idx %arg7[%add3A_1230, %add3A_58] : memref<300x128xf32, #tpu.memory_space<vmem>>[vector<16xi32>, vector<16xi32>], vector<16xf32>,
      %add3A_1232 = arith.addf %add3A_1200, %gather3A_1231 : vector<16xf32>
      %add3A_1233 = arith.addi %gather3A_1220, %get3A_395 : vector<16xi32>
      %gather3A_1234 = tpu.vector_load_idx %arg7[%add3A_1233, %add3A_62] : memref<300x128xf32, #tpu.memory_space<vmem>>[vector<16xi32>, vector<16xi32>], vector<16xf32>,
      %add3A_1235 = arith.addf %add3A_1203, %gather3A_1234 : vector<16xf32>
      %add3A_1236 = arith.addi %gather3A_1220, %get3A_399 : vector<16xi32>
      %gather3A_1237 = tpu.vector_load_idx %arg7[%add3A_1236, %add3A_66] : memref<300x128xf32, #tpu.memory_space<vmem>>[vector<16xi32>, vector<16xi32>], vector<16xf32>,
      %add3A_1238 = arith.addf %add3A_1206, %gather3A_1237 : vector<16xf32>
      %add3A_1239 = arith.addi %gather3A_1220, %get3A_403 : vector<16xi32>
      %gather3A_1240 = tpu.vector_load_idx %arg7[%add3A_1239, %add3A_70] : memref<300x128xf32, #tpu.memory_space<vmem>>[vector<16xi32>, vector<16xi32>], vector<16xf32>,
      %add3A_1241 = arith.addf %add3A_1209, %gather3A_1240 : vector<16xf32>
      %add3A_1242 = arith.addi %gather3A_1220, %get3A_407 : vector<16xi32>
      %gather3A_1243 = tpu.vector_load_idx %arg7[%add3A_1242, %add3A_74] : memref<300x128xf32, #tpu.memory_space<vmem>>[vector<16xi32>, vector<16xi32>], vector<16xf32>,
      %add3A_1244 = arith.addf %add3A_1212, %gather3A_1243 : vector<16xf32>
      %mul3A_1245 = arith.constant 32 : i32
      %mul3A_1246 = arith.muli %scan3A_1156, %mul3A_1245 : i32
      %add3A_1247 = arith.constant 8 : i32
      %add3A_1248 = arith.addi %mul3A_1246, %add3A_1247 : i32
      %add3A_1249 = arith.constant 2 : i32
      %add3A_1250 = arith.addi %add3A_1248, %add3A_1249 : i32
      %broadcast_in_dim3A_1251 = vector.broadcast %add3A_1250 : i32 to vector<16xi32>
      %gather3A_1252 = tpu.vector_load_idx %arg6[%broadcast_in_dim3A_1251] : memref<16384xi32, #tpu.memory_space<vmem>>[vector<16xi32>], vector<16xi32>,
      %add3A_1253 = arith.addi %gather3A_1252, %get3A_411 : vector<16xi32>
      %gather3A_1254 = tpu.vector_load_idx %arg7[%add3A_1253, %add3A_46] : memref<300x128xf32, #tpu.memory_space<vmem>>[vector<16xi32>, vector<16xi32>], vector<16xf32>,
      %add3A_1255 = arith.addf %add3A_1223, %gather3A_1254 : vector<16xf32>
      %add3A_1256 = arith.addi %gather3A_1252, %get3A_415 : vector<16xi32>
      %gather3A_1257 = tpu.vector_load_idx %arg7[%add3A_1256, %add3A_50] : memref<300x128xf32, #tpu.memory_space<vmem>>[vector<16xi32>, vector<16xi32>], vector<16xf32>,
      %add3A_1258 = arith.addf %add3A_1226, %gather3A_1257 : vector<16xf32>
      %add3A_1259 = arith.addi %gather3A_1252, %get3A_419 : vector<16xi32>
      %gather3A_1260 = tpu.vector_load_idx %arg7[%add3A_1259, %add3A_54] : memref<300x128xf32, #tpu.memory_space<vmem>>[vector<16xi32>, vector<16xi32>], vector<16xf32>,
      %add3A_1261 = arith.addf %add3A_1229, %gather3A_1260 : vector<16xf32>
      %add3A_1262 = arith.addi %gather3A_1252, %get3A_423 : vector<16xi32>
      %gather3A_1263 = tpu.vector_load_idx %arg7[%add3A_1262, %add3A_58] : memref<300x128xf32, #tpu.memory_space<vmem>>[vector<16xi32>, vector<16xi32>], vector<16xf32>,
      %add3A_1264 = arith.addf %add3A_1232, %gather3A_1263 : vector<16xf32>
      %add3A_1265 = arith.addi %gather3A_1252, %get3A_427 : vector<16xi32>
      %gather3A_1266 = tpu.vector_load_idx %arg7[%add3A_1265, %add3A_62] : memref<300x128xf32, #tpu.memory_space<vmem>>[vector<16xi32>, vector<16xi32>], vector<16xf32>,
      %add3A_1267 = arith.addf %add3A_1235, %gather3A_1266 : vector<16xf32>
      %add3A_1268 = arith.addi %gather3A_1252, %get3A_431 : vector<16xi32>
      %gather3A_1269 = tpu.vector_load_idx %arg7[%add3A_1268, %add3A_66] : memref<300x128xf32, #tpu.memory_space<vmem>>[vector<16xi32>, vector<16xi32>], vector<16xf32>,
      %add3A_1270 = arith.addf %add3A_1238, %gather3A_1269 : vector<16xf32>
      %add3A_1271 = arith.addi %gather3A_1252, %get3A_435 : vector<16xi32>
      %gather3A_1272 = tpu.vector_load_idx %arg7[%add3A_1271, %add3A_70] : memref<300x128xf32, #tpu.memory_space<vmem>>[vector<16xi32>, vector<16xi32>], vector<16xf32>,
      %add3A_1273 = arith.addf %add3A_1241, %gather3A_1272 : vector<16xf32>
      %add3A_1274 = arith.addi %gather3A_1252, %get3A_439 : vector<16xi32>
      %gather3A_1275 = tpu.vector_load_idx %arg7[%add3A_1274, %add3A_74] : memref<300x128xf32, #tpu.memory_space<vmem>>[vector<16xi32>, vector<16xi32>], vector<16xf32>,
      %add3A_1276 = arith.addf %add3A_1244, %gather3A_1275 : vector<16xf32>
      %mul3A_1277 = arith.constant 32 : i32
      %mul3A_1278 = arith.muli %scan3A_1156, %mul3A_1277 : i32
      %add3A_1279 = arith.constant 8 : i32
      %add3A_1280 = arith.addi %mul3A_1278, %add3A_1279 : i32
      %add3A_1281 = arith.constant 3 : i32
      %add3A_1282 = arith.addi %add3A_1280, %add3A_1281 : i32
      %broadcast_in_dim3A_1283 = vector.broadcast %add3A_1282 : i32 to vector<16xi32>
      %gather3A_1284 = tpu.vector_load_idx %arg6[%broadcast_in_dim3A_1283] : memref<16384xi32, #tpu.memory_space<vmem>>[vector<16xi32>], vector<16xi32>,
      %add3A_1285 = arith.addi %gather3A_1284, %get3A_443 : vector<16xi32>
      %gather3A_1286 = tpu.vector_load_idx %arg7[%add3A_1285, %add3A_46] : memref<300x128xf32, #tpu.memory_space<vmem>>[vector<16xi32>, vector<16xi32>], vector<16xf32>,
      %add3A_1287 = arith.addf %add3A_1255, %gather3A_1286 : vector<16xf32>
      %add3A_1288 = arith.addi %gather3A_1284, %get3A_447 : vector<16xi32>
      %gather3A_1289 = tpu.vector_load_idx %arg7[%add3A_1288, %add3A_50] : memref<300x128xf32, #tpu.memory_space<vmem>>[vector<16xi32>, vector<16xi32>], vector<16xf32>,
      %add3A_1290 = arith.addf %add3A_1258, %gather3A_1289 : vector<16xf32>
      %add3A_1291 = arith.addi %gather3A_1284, %get3A_451 : vector<16xi32>
      %gather3A_1292 = tpu.vector_load_idx %arg7[%add3A_1291, %add3A_54] : memref<300x128xf32, #tpu.memory_space<vmem>>[vector<16xi32>, vector<16xi32>], vector<16xf32>,
      %add3A_1293 = arith.addf %add3A_1261, %gather3A_1292 : vector<16xf32>
      %add3A_1294 = arith.addi %gather3A_1284, %get3A_455 : vector<16xi32>
      %gather3A_1295 = tpu.vector_load_idx %arg7[%add3A_1294, %add3A_58] : memref<300x128xf32, #tpu.memory_space<vmem>>[vector<16xi32>, vector<16xi32>], vector<16xf32>,
      %add3A_1296 = arith.addf %add3A_1264, %gather3A_1295 : vector<16xf32>
      %add3A_1297 = arith.addi %gather3A_1284, %get3A_459 : vector<16xi32>
      %gather3A_1298 = tpu.vector_load_idx %arg7[%add3A_1297, %add3A_62] : memref<300x128xf32, #tpu.memory_space<vmem>>[vector<16xi32>, vector<16xi32>], vector<16xf32>,
      %add3A_1299 = arith.addf %add3A_1267, %gather3A_1298 : vector<16xf32>
      %add3A_1300 = arith.addi %gather3A_1284, %get3A_463 : vector<16xi32>
      %gather3A_1301 = tpu.vector_load_idx %arg7[%add3A_1300, %add3A_66] : memref<300x128xf32, #tpu.memory_space<vmem>>[vector<16xi32>, vector<16xi32>], vector<16xf32>,
      %add3A_1302 = arith.addf %add3A_1270, %gather3A_1301 : vector<16xf32>
      %add3A_1303 = arith.addi %gather3A_1284, %get3A_467 : vector<16xi32>
      %gather3A_1304 = tpu.vector_load_idx %arg7[%add3A_1303, %add3A_70] : memref<300x128xf32, #tpu.memory_space<vmem>>[vector<16xi32>, vector<16xi32>], vector<16xf32>,
      %add3A_1305 = arith.addf %add3A_1273, %gather3A_1304 : vector<16xf32>
      %add3A_1306 = arith.addi %gather3A_1284, %get3A_471 : vector<16xi32>
      %gather3A_1307 = tpu.vector_load_idx %arg7[%add3A_1306, %add3A_74] : memref<300x128xf32, #tpu.memory_space<vmem>>[vector<16xi32>, vector<16xi32>], vector<16xf32>,
      %add3A_1308 = arith.addf %add3A_1276, %gather3A_1307 : vector<16xf32>
      %swap3A = arith.index_cast %scan3A_1156 : i32 to index
      %swap3A_1309 = arith.constant 0 : index
      %swap3A_1310 = tpu.vector_load %arg9[%swap3A, %swap3A_1309] {strides = array<i32>} : memref<512x128xf32, #tpu.memory_space<vmem>>, vector<16xf32>,
      tpu.vector_store %arg9[%swap3A, %swap3A_1309], %add3A_1287 {strides = array<i32>} : memref<512x128xf32, #tpu.memory_space<vmem>>, vector<16xf32>,
      %swap3A_1311 = arith.index_cast %scan3A_1156 : i32 to index
      %swap3A_1312 = arith.constant 16 : index
      %swap3A_1313 = tpu.vector_load %arg9[%swap3A_1311, %swap3A_1312] {strides = array<i32>} : memref<512x128xf32, #tpu.memory_space<vmem>>, vector<16xf32>,
      tpu.vector_store %arg9[%swap3A_1311, %swap3A_1312], %add3A_1290 {strides = array<i32>} : memref<512x128xf32, #tpu.memory_space<vmem>>, vector<16xf32>,
      %swap3A_1314 = arith.index_cast %scan3A_1156 : i32 to index
      %swap3A_1315 = arith.constant 32 : index
      %swap3A_1316 = tpu.vector_load %arg9[%swap3A_1314, %swap3A_1315] {strides = array<i32>} : memref<512x128xf32, #tpu.memory_space<vmem>>, vector<16xf32>,
      tpu.vector_store %arg9[%swap3A_1314, %swap3A_1315], %add3A_1293 {strides = array<i32>} : memref<512x128xf32, #tpu.memory_space<vmem>>, vector<16xf32>,
      %swap3A_1317 = arith.index_cast %scan3A_1156 : i32 to index
      %swap3A_1318 = arith.constant 48 : index
      %swap3A_1319 = tpu.vector_load %arg9[%swap3A_1317, %swap3A_1318] {strides = array<i32>} : memref<512x128xf32, #tpu.memory_space<vmem>>, vector<16xf32>,
      tpu.vector_store %arg9[%swap3A_1317, %swap3A_1318], %add3A_1296 {strides = array<i32>} : memref<512x128xf32, #tpu.memory_space<vmem>>, vector<16xf32>,
      %swap3A_1320 = arith.index_cast %scan3A_1156 : i32 to index
      %swap3A_1321 = arith.constant 64 : index
      %swap3A_1322 = tpu.vector_load %arg9[%swap3A_1320, %swap3A_1321] {strides = array<i32>} : memref<512x128xf32, #tpu.memory_space<vmem>>, vector<16xf32>,
      tpu.vector_store %arg9[%swap3A_1320, %swap3A_1321], %add3A_1299 {strides = array<i32>} : memref<512x128xf32, #tpu.memory_space<vmem>>, vector<16xf32>,
      %swap3A_1323 = arith.index_cast %scan3A_1156 : i32 to index
      %swap3A_1324 = arith.constant 80 : index
      %swap3A_1325 = tpu.vector_load %arg9[%swap3A_1323, %swap3A_1324] {strides = array<i32>} : memref<512x128xf32, #tpu.memory_space<vmem>>, vector<16xf32>,
      tpu.vector_store %arg9[%swap3A_1323, %swap3A_1324], %add3A_1302 {strides = array<i32>} : memref<512x128xf32, #tpu.memory_space<vmem>>, vector<16xf32>,
      %swap3A_1326 = arith.index_cast %scan3A_1156 : i32 to index
      %swap3A_1327 = arith.constant 96 : index
      %swap3A_1328 = tpu.vector_load %arg9[%swap3A_1326, %swap3A_1327] {strides = array<i32>} : memref<512x128xf32, #tpu.memory_space<vmem>>, vector<16xf32>,
      tpu.vector_store %arg9[%swap3A_1326, %swap3A_1327], %add3A_1305 {strides = array<i32>} : memref<512x128xf32, #tpu.memory_space<vmem>>, vector<16xf32>,
      %swap3A_1329 = arith.index_cast %scan3A_1156 : i32 to index
      %swap3A_1330 = arith.constant 112 : index
      %swap3A_1331 = tpu.vector_load %arg9[%swap3A_1329, %swap3A_1330] {strides = array<i32>} : memref<512x128xf32, #tpu.memory_space<vmem>>, vector<16xf32>,
      tpu.vector_store %arg9[%swap3A_1329, %swap3A_1330], %add3A_1308 {strides = array<i32>} : memref<512x128xf32, #tpu.memory_space<vmem>>, vector<16xf32>,
      %scan3A_1332 = arith.constant 0 : i32
      scf.yield %scan3A_1332 : i32
    }
    %scan3A_478 = arith.constant 512 : i32
    %get3A_479 = arith.constant 12 : i32
    %get3A_480 = arith.index_cast %get3A_479 : i32 to index
    %get3A_481 = arith.constant 0 : index
    %get3A_482 = tpu.vector_load %arg8[%get3A_480, %get3A_481] {strides = array<i32>} : memref<32x128xi32, #tpu.memory_space<vmem>>, vector<16xi32>,
    %get3A_483 = arith.constant 12 : i32
    %get3A_484 = arith.index_cast %get3A_483 : i32 to index
    %get3A_485 = arith.constant 16 : index
    %get3A_486 = tpu.vector_load %arg8[%get3A_484, %get3A_485] {strides = array<i32>} : memref<32x128xi32, #tpu.memory_space<vmem>>, vector<16xi32>,
    %get3A_487 = arith.constant 12 : i32
    %get3A_488 = arith.index_cast %get3A_487 : i32 to index
    %get3A_489 = arith.constant 32 : index
    %get3A_490 = tpu.vector_load %arg8[%get3A_488, %get3A_489] {strides = array<i32>} : memref<32x128xi32, #tpu.memory_space<vmem>>, vector<16xi32>,
    %get3A_491 = arith.constant 12 : i32
    %get3A_492 = arith.index_cast %get3A_491 : i32 to index
    %get3A_493 = arith.constant 48 : index
    %get3A_494 = tpu.vector_load %arg8[%get3A_492, %get3A_493] {strides = array<i32>} : memref<32x128xi32, #tpu.memory_space<vmem>>, vector<16xi32>,
    %get3A_495 = arith.constant 12 : i32
    %get3A_496 = arith.index_cast %get3A_495 : i32 to index
    %get3A_497 = arith.constant 64 : index
    %get3A_498 = tpu.vector_load %arg8[%get3A_496, %get3A_497] {strides = array<i32>} : memref<32x128xi32, #tpu.memory_space<vmem>>, vector<16xi32>,
    %get3A_499 = arith.constant 12 : i32
    %get3A_500 = arith.index_cast %get3A_499 : i32 to index
    %get3A_501 = arith.constant 80 : index
    %get3A_502 = tpu.vector_load %arg8[%get3A_500, %get3A_501] {strides = array<i32>} : memref<32x128xi32, #tpu.memory_space<vmem>>, vector<16xi32>,
    %get3A_503 = arith.constant 12 : i32
    %get3A_504 = arith.index_cast %get3A_503 : i32 to index
    %get3A_505 = arith.constant 96 : index
    %get3A_506 = tpu.vector_load %arg8[%get3A_504, %get3A_505] {strides = array<i32>} : memref<32x128xi32, #tpu.memory_space<vmem>>, vector<16xi32>,
    %get3A_507 = arith.constant 12 : i32
    %get3A_508 = arith.index_cast %get3A_507 : i32 to index
    %get3A_509 = arith.constant 112 : index
    %get3A_510 = tpu.vector_load %arg8[%get3A_508, %get3A_509] {strides = array<i32>} : memref<32x128xi32, #tpu.memory_space<vmem>>, vector<16xi32>,
    %get3A_511 = arith.constant 13 : i32
    %get3A_512 = arith.index_cast %get3A_511 : i32 to index
    %get3A_513 = arith.constant 0 : index
    %get3A_514 = tpu.vector_load %arg8[%get3A_512, %get3A_513] {strides = array<i32>} : memref<32x128xi32, #tpu.memory_space<vmem>>, vector<16xi32>,
    %get3A_515 = arith.constant 13 : i32
    %get3A_516 = arith.index_cast %get3A_515 : i32 to index
    %get3A_517 = arith.constant 16 : index
    %get3A_518 = tpu.vector_load %arg8[%get3A_516, %get3A_517] {strides = array<i32>} : memref<32x128xi32, #tpu.memory_space<vmem>>, vector<16xi32>,
    %get3A_519 = arith.constant 13 : i32
    %get3A_520 = arith.index_cast %get3A_519 : i32 to index
    %get3A_521 = arith.constant 32 : index
    %get3A_522 = tpu.vector_load %arg8[%get3A_520, %get3A_521] {strides = array<i32>} : memref<32x128xi32, #tpu.memory_space<vmem>>, vector<16xi32>,
    %get3A_523 = arith.constant 13 : i32
    %get3A_524 = arith.index_cast %get3A_523 : i32 to index
    %get3A_525 = arith.constant 48 : index
    %get3A_526 = tpu.vector_load %arg8[%get3A_524, %get3A_525] {strides = array<i32>} : memref<32x128xi32, #tpu.memory_space<vmem>>, vector<16xi32>,
    %get3A_527 = arith.constant 13 : i32
    %get3A_528 = arith.index_cast %get3A_527 : i32 to index
    %get3A_529 = arith.constant 64 : index
    %get3A_530 = tpu.vector_load %arg8[%get3A_528, %get3A_529] {strides = array<i32>} : memref<32x128xi32, #tpu.memory_space<vmem>>, vector<16xi32>,
    %get3A_531 = arith.constant 13 : i32
    %get3A_532 = arith.index_cast %get3A_531 : i32 to index
    %get3A_533 = arith.constant 80 : index
    %get3A_534 = tpu.vector_load %arg8[%get3A_532, %get3A_533] {strides = array<i32>} : memref<32x128xi32, #tpu.memory_space<vmem>>, vector<16xi32>,
    %get3A_535 = arith.constant 13 : i32
    %get3A_536 = arith.index_cast %get3A_535 : i32 to index
    %get3A_537 = arith.constant 96 : index
    %get3A_538 = tpu.vector_load %arg8[%get3A_536, %get3A_537] {strides = array<i32>} : memref<32x128xi32, #tpu.memory_space<vmem>>, vector<16xi32>,
    %get3A_539 = arith.constant 13 : i32
    %get3A_540 = arith.index_cast %get3A_539 : i32 to index
    %get3A_541 = arith.constant 112 : index
    %get3A_542 = tpu.vector_load %arg8[%get3A_540, %get3A_541] {strides = array<i32>} : memref<32x128xi32, #tpu.memory_space<vmem>>, vector<16xi32>,
    %get3A_543 = arith.constant 14 : i32
    %get3A_544 = arith.index_cast %get3A_543 : i32 to index
    %get3A_545 = arith.constant 0 : index
    %get3A_546 = tpu.vector_load %arg8[%get3A_544, %get3A_545] {strides = array<i32>} : memref<32x128xi32, #tpu.memory_space<vmem>>, vector<16xi32>,
    %get3A_547 = arith.constant 14 : i32
    %get3A_548 = arith.index_cast %get3A_547 : i32 to index
    %get3A_549 = arith.constant 16 : index
    %get3A_550 = tpu.vector_load %arg8[%get3A_548, %get3A_549] {strides = array<i32>} : memref<32x128xi32, #tpu.memory_space<vmem>>, vector<16xi32>,
    %get3A_551 = arith.constant 14 : i32
    %get3A_552 = arith.index_cast %get3A_551 : i32 to index
    %get3A_553 = arith.constant 32 : index
    %get3A_554 = tpu.vector_load %arg8[%get3A_552, %get3A_553] {strides = array<i32>} : memref<32x128xi32, #tpu.memory_space<vmem>>, vector<16xi32>,
    %get3A_555 = arith.constant 14 : i32
    %get3A_556 = arith.index_cast %get3A_555 : i32 to index
    %get3A_557 = arith.constant 48 : index
    %get3A_558 = tpu.vector_load %arg8[%get3A_556, %get3A_557] {strides = array<i32>} : memref<32x128xi32, #tpu.memory_space<vmem>>, vector<16xi32>,
    %get3A_559 = arith.constant 14 : i32
    %get3A_560 = arith.index_cast %get3A_559 : i32 to index
    %get3A_561 = arith.constant 64 : index
    %get3A_562 = tpu.vector_load %arg8[%get3A_560, %get3A_561] {strides = array<i32>} : memref<32x128xi32, #tpu.memory_space<vmem>>, vector<16xi32>,
    %get3A_563 = arith.constant 14 : i32
    %get3A_564 = arith.index_cast %get3A_563 : i32 to index
    %get3A_565 = arith.constant 80 : index
    %get3A_566 = tpu.vector_load %arg8[%get3A_564, %get3A_565] {strides = array<i32>} : memref<32x128xi32, #tpu.memory_space<vmem>>, vector<16xi32>,
    %get3A_567 = arith.constant 14 : i32
    %get3A_568 = arith.index_cast %get3A_567 : i32 to index
    %get3A_569 = arith.constant 96 : index
    %get3A_570 = tpu.vector_load %arg8[%get3A_568, %get3A_569] {strides = array<i32>} : memref<32x128xi32, #tpu.memory_space<vmem>>, vector<16xi32>,
    %get3A_571 = arith.constant 14 : i32
    %get3A_572 = arith.index_cast %get3A_571 : i32 to index
    %get3A_573 = arith.constant 112 : index
    %get3A_574 = tpu.vector_load %arg8[%get3A_572, %get3A_573] {strides = array<i32>} : memref<32x128xi32, #tpu.memory_space<vmem>>, vector<16xi32>,
    %get3A_575 = arith.constant 15 : i32
    %get3A_576 = arith.index_cast %get3A_575 : i32 to index
    %get3A_577 = arith.constant 0 : index
    %get3A_578 = tpu.vector_load %arg8[%get3A_576, %get3A_577] {strides = array<i32>} : memref<32x128xi32, #tpu.memory_space<vmem>>, vector<16xi32>,
    %get3A_579 = arith.constant 15 : i32
    %get3A_580 = arith.index_cast %get3A_579 : i32 to index
    %get3A_581 = arith.constant 16 : index
    %get3A_582 = tpu.vector_load %arg8[%get3A_580, %get3A_581] {strides = array<i32>} : memref<32x128xi32, #tpu.memory_space<vmem>>, vector<16xi32>,
    %get3A_583 = arith.constant 15 : i32
    %get3A_584 = arith.index_cast %get3A_583 : i32 to index
    %get3A_585 = arith.constant 32 : index
    %get3A_586 = tpu.vector_load %arg8[%get3A_584, %get3A_585] {strides = array<i32>} : memref<32x128xi32, #tpu.memory_space<vmem>>, vector<16xi32>,
    %get3A_587 = arith.constant 15 : i32
    %get3A_588 = arith.index_cast %get3A_587 : i32 to index
    %get3A_589 = arith.constant 48 : index
    %get3A_590 = tpu.vector_load %arg8[%get3A_588, %get3A_589] {strides = array<i32>} : memref<32x128xi32, #tpu.memory_space<vmem>>, vector<16xi32>,
    %get3A_591 = arith.constant 15 : i32
    %get3A_592 = arith.index_cast %get3A_591 : i32 to index
    %get3A_593 = arith.constant 64 : index
    %get3A_594 = tpu.vector_load %arg8[%get3A_592, %get3A_593] {strides = array<i32>} : memref<32x128xi32, #tpu.memory_space<vmem>>, vector<16xi32>,
    %get3A_595 = arith.constant 15 : i32
    %get3A_596 = arith.index_cast %get3A_595 : i32 to index
    %get3A_597 = arith.constant 80 : index
    %get3A_598 = tpu.vector_load %arg8[%get3A_596, %get3A_597] {strides = array<i32>} : memref<32x128xi32, #tpu.memory_space<vmem>>, vector<16xi32>,
    %get3A_599 = arith.constant 15 : i32
    %get3A_600 = arith.index_cast %get3A_599 : i32 to index
    %get3A_601 = arith.constant 96 : index
    %get3A_602 = tpu.vector_load %arg8[%get3A_600, %get3A_601] {strides = array<i32>} : memref<32x128xi32, #tpu.memory_space<vmem>>, vector<16xi32>,
    %get3A_603 = arith.constant 15 : i32
    %get3A_604 = arith.index_cast %get3A_603 : i32 to index
    %get3A_605 = arith.constant 112 : index
    %get3A_606 = tpu.vector_load %arg8[%get3A_604, %get3A_605] {strides = array<i32>} : memref<32x128xi32, #tpu.memory_space<vmem>>, vector<16xi32>,
    %scan3A_607 = arith.constant 0 : i32
    %scan3A_608 = arith.constant 0 : i32
    %scan3A_609 = arith.constant 512 : i32
    %scan3A_610 = arith.addi %scan3A_608, %scan3A_609 : i32
    %scan3A_611 = arith.constant 1 : i32
    %scan3A_612 = scf.for %scan3A_1156 = %scan3A_608 to %scan3A_610 step %scan3A_611 iter_args(%scan3A_1157 = %scan3A_607) -> (i32)  : i32 {
      %get3A_1158 = arith.index_cast %scan3A_1156 : i32 to index
      %get3A_1159 = arith.constant 0 : index
      %get3A_1160 = tpu.vector_load %arg9[%get3A_1158, %get3A_1159] {strides = array<i32>} : memref<512x128xf32, #tpu.memory_space<vmem>>, vector<16xf32>,
      %get3A_1161 = arith.index_cast %scan3A_1156 : i32 to index
      %get3A_1162 = arith.constant 16 : index
      %get3A_1163 = tpu.vector_load %arg9[%get3A_1161, %get3A_1162] {strides = array<i32>} : memref<512x128xf32, #tpu.memory_space<vmem>>, vector<16xf32>,
      %get3A_1164 = arith.index_cast %scan3A_1156 : i32 to index
      %get3A_1165 = arith.constant 32 : index
      %get3A_1166 = tpu.vector_load %arg9[%get3A_1164, %get3A_1165] {strides = array<i32>} : memref<512x128xf32, #tpu.memory_space<vmem>>, vector<16xf32>,
      %get3A_1167 = arith.index_cast %scan3A_1156 : i32 to index
      %get3A_1168 = arith.constant 48 : index
      %get3A_1169 = tpu.vector_load %arg9[%get3A_1167, %get3A_1168] {strides = array<i32>} : memref<512x128xf32, #tpu.memory_space<vmem>>, vector<16xf32>,
      %get3A_1170 = arith.index_cast %scan3A_1156 : i32 to index
      %get3A_1171 = arith.constant 64 : index
      %get3A_1172 = tpu.vector_load %arg9[%get3A_1170, %get3A_1171] {strides = array<i32>} : memref<512x128xf32, #tpu.memory_space<vmem>>, vector<16xf32>,
      %get3A_1173 = arith.index_cast %scan3A_1156 : i32 to index
      %get3A_1174 = arith.constant 80 : index
      %get3A_1175 = tpu.vector_load %arg9[%get3A_1173, %get3A_1174] {strides = array<i32>} : memref<512x128xf32, #tpu.memory_space<vmem>>, vector<16xf32>,
      %get3A_1176 = arith.index_cast %scan3A_1156 : i32 to index
      %get3A_1177 = arith.constant 96 : index
      %get3A_1178 = tpu.vector_load %arg9[%get3A_1176, %get3A_1177] {strides = array<i32>} : memref<512x128xf32, #tpu.memory_space<vmem>>, vector<16xf32>,
      %get3A_1179 = arith.index_cast %scan3A_1156 : i32 to index
      %get3A_1180 = arith.constant 112 : index
      %get3A_1181 = tpu.vector_load %arg9[%get3A_1179, %get3A_1180] {strides = array<i32>} : memref<512x128xf32, #tpu.memory_space<vmem>>, vector<16xf32>,
      %mul3A_1182 = arith.constant 32 : i32
      %mul3A_1183 = arith.muli %scan3A_1156, %mul3A_1182 : i32
      %add3A_1184 = arith.constant 12 : i32
      %add3A_1185 = arith.addi %mul3A_1183, %add3A_1184 : i32
      %add3A_1186 = arith.constant 0 : i32
      %add3A_1187 = arith.addi %add3A_1185, %add3A_1186 : i32
      %broadcast_in_dim3A_1188 = vector.broadcast %add3A_1187 : i32 to vector<16xi32>
      %gather3A = tpu.vector_load_idx %arg6[%broadcast_in_dim3A_1188] : memref<16384xi32, #tpu.memory_space<vmem>>[vector<16xi32>], vector<16xi32>,
      %add3A_1189 = arith.addi %gather3A, %get3A_482 : vector<16xi32>
      %gather3A_1190 = tpu.vector_load_idx %arg7[%add3A_1189, %add3A_46] : memref<300x128xf32, #tpu.memory_space<vmem>>[vector<16xi32>, vector<16xi32>], vector<16xf32>,
      %add3A_1191 = arith.addf %get3A_1160, %gather3A_1190 : vector<16xf32>
      %add3A_1192 = arith.addi %gather3A, %get3A_486 : vector<16xi32>
      %gather3A_1193 = tpu.vector_load_idx %arg7[%add3A_1192, %add3A_50] : memref<300x128xf32, #tpu.memory_space<vmem>>[vector<16xi32>, vector<16xi32>], vector<16xf32>,
      %add3A_1194 = arith.addf %get3A_1163, %gather3A_1193 : vector<16xf32>
      %add3A_1195 = arith.addi %gather3A, %get3A_490 : vector<16xi32>
      %gather3A_1196 = tpu.vector_load_idx %arg7[%add3A_1195, %add3A_54] : memref<300x128xf32, #tpu.memory_space<vmem>>[vector<16xi32>, vector<16xi32>], vector<16xf32>,
      %add3A_1197 = arith.addf %get3A_1166, %gather3A_1196 : vector<16xf32>
      %add3A_1198 = arith.addi %gather3A, %get3A_494 : vector<16xi32>
      %gather3A_1199 = tpu.vector_load_idx %arg7[%add3A_1198, %add3A_58] : memref<300x128xf32, #tpu.memory_space<vmem>>[vector<16xi32>, vector<16xi32>], vector<16xf32>,
      %add3A_1200 = arith.addf %get3A_1169, %gather3A_1199 : vector<16xf32>
      %add3A_1201 = arith.addi %gather3A, %get3A_498 : vector<16xi32>
      %gather3A_1202 = tpu.vector_load_idx %arg7[%add3A_1201, %add3A_62] : memref<300x128xf32, #tpu.memory_space<vmem>>[vector<16xi32>, vector<16xi32>], vector<16xf32>,
      %add3A_1203 = arith.addf %get3A_1172, %gather3A_1202 : vector<16xf32>
      %add3A_1204 = arith.addi %gather3A, %get3A_502 : vector<16xi32>
      %gather3A_1205 = tpu.vector_load_idx %arg7[%add3A_1204, %add3A_66] : memref<300x128xf32, #tpu.memory_space<vmem>>[vector<16xi32>, vector<16xi32>], vector<16xf32>,
      %add3A_1206 = arith.addf %get3A_1175, %gather3A_1205 : vector<16xf32>
      %add3A_1207 = arith.addi %gather3A, %get3A_506 : vector<16xi32>
      %gather3A_1208 = tpu.vector_load_idx %arg7[%add3A_1207, %add3A_70] : memref<300x128xf32, #tpu.memory_space<vmem>>[vector<16xi32>, vector<16xi32>], vector<16xf32>,
      %add3A_1209 = arith.addf %get3A_1178, %gather3A_1208 : vector<16xf32>
      %add3A_1210 = arith.addi %gather3A, %get3A_510 : vector<16xi32>
      %gather3A_1211 = tpu.vector_load_idx %arg7[%add3A_1210, %add3A_74] : memref<300x128xf32, #tpu.memory_space<vmem>>[vector<16xi32>, vector<16xi32>], vector<16xf32>,
      %add3A_1212 = arith.addf %get3A_1181, %gather3A_1211 : vector<16xf32>
      %mul3A_1213 = arith.constant 32 : i32
      %mul3A_1214 = arith.muli %scan3A_1156, %mul3A_1213 : i32
      %add3A_1215 = arith.constant 12 : i32
      %add3A_1216 = arith.addi %mul3A_1214, %add3A_1215 : i32
      %add3A_1217 = arith.constant 1 : i32
      %add3A_1218 = arith.addi %add3A_1216, %add3A_1217 : i32
      %broadcast_in_dim3A_1219 = vector.broadcast %add3A_1218 : i32 to vector<16xi32>
      %gather3A_1220 = tpu.vector_load_idx %arg6[%broadcast_in_dim3A_1219] : memref<16384xi32, #tpu.memory_space<vmem>>[vector<16xi32>], vector<16xi32>,
      %add3A_1221 = arith.addi %gather3A_1220, %get3A_514 : vector<16xi32>
      %gather3A_1222 = tpu.vector_load_idx %arg7[%add3A_1221, %add3A_46] : memref<300x128xf32, #tpu.memory_space<vmem>>[vector<16xi32>, vector<16xi32>], vector<16xf32>,
      %add3A_1223 = arith.addf %add3A_1191, %gather3A_1222 : vector<16xf32>
      %add3A_1224 = arith.addi %gather3A_1220, %get3A_518 : vector<16xi32>
      %gather3A_1225 = tpu.vector_load_idx %arg7[%add3A_1224, %add3A_50] : memref<300x128xf32, #tpu.memory_space<vmem>>[vector<16xi32>, vector<16xi32>], vector<16xf32>,
      %add3A_1226 = arith.addf %add3A_1194, %gather3A_1225 : vector<16xf32>
      %add3A_1227 = arith.addi %gather3A_1220, %get3A_522 : vector<16xi32>
      %gather3A_1228 = tpu.vector_load_idx %arg7[%add3A_1227, %add3A_54] : memref<300x128xf32, #tpu.memory_space<vmem>>[vector<16xi32>, vector<16xi32>], vector<16xf32>,
      %add3A_1229 = arith.addf %add3A_1197, %gather3A_1228 : vector<16xf32>
      %add3A_1230 = arith.addi %gather3A_1220, %get3A_526 : vector<16xi32>
      %gather3A_1231 = tpu.vector_load_idx %arg7[%add3A_1230, %add3A_58] : memref<300x128xf32, #tpu.memory_space<vmem>>[vector<16xi32>, vector<16xi32>], vector<16xf32>,
      %add3A_1232 = arith.addf %add3A_1200, %gather3A_1231 : vector<16xf32>
      %add3A_1233 = arith.addi %gather3A_1220, %get3A_530 : vector<16xi32>
      %gather3A_1234 = tpu.vector_load_idx %arg7[%add3A_1233, %add3A_62] : memref<300x128xf32, #tpu.memory_space<vmem>>[vector<16xi32>, vector<16xi32>], vector<16xf32>,
      %add3A_1235 = arith.addf %add3A_1203, %gather3A_1234 : vector<16xf32>
      %add3A_1236 = arith.addi %gather3A_1220, %get3A_534 : vector<16xi32>
      %gather3A_1237 = tpu.vector_load_idx %arg7[%add3A_1236, %add3A_66] : memref<300x128xf32, #tpu.memory_space<vmem>>[vector<16xi32>, vector<16xi32>], vector<16xf32>,
      %add3A_1238 = arith.addf %add3A_1206, %gather3A_1237 : vector<16xf32>
      %add3A_1239 = arith.addi %gather3A_1220, %get3A_538 : vector<16xi32>
      %gather3A_1240 = tpu.vector_load_idx %arg7[%add3A_1239, %add3A_70] : memref<300x128xf32, #tpu.memory_space<vmem>>[vector<16xi32>, vector<16xi32>], vector<16xf32>,
      %add3A_1241 = arith.addf %add3A_1209, %gather3A_1240 : vector<16xf32>
      %add3A_1242 = arith.addi %gather3A_1220, %get3A_542 : vector<16xi32>
      %gather3A_1243 = tpu.vector_load_idx %arg7[%add3A_1242, %add3A_74] : memref<300x128xf32, #tpu.memory_space<vmem>>[vector<16xi32>, vector<16xi32>], vector<16xf32>,
      %add3A_1244 = arith.addf %add3A_1212, %gather3A_1243 : vector<16xf32>
      %mul3A_1245 = arith.constant 32 : i32
      %mul3A_1246 = arith.muli %scan3A_1156, %mul3A_1245 : i32
      %add3A_1247 = arith.constant 12 : i32
      %add3A_1248 = arith.addi %mul3A_1246, %add3A_1247 : i32
      %add3A_1249 = arith.constant 2 : i32
      %add3A_1250 = arith.addi %add3A_1248, %add3A_1249 : i32
      %broadcast_in_dim3A_1251 = vector.broadcast %add3A_1250 : i32 to vector<16xi32>
      %gather3A_1252 = tpu.vector_load_idx %arg6[%broadcast_in_dim3A_1251] : memref<16384xi32, #tpu.memory_space<vmem>>[vector<16xi32>], vector<16xi32>,
      %add3A_1253 = arith.addi %gather3A_1252, %get3A_546 : vector<16xi32>
      %gather3A_1254 = tpu.vector_load_idx %arg7[%add3A_1253, %add3A_46] : memref<300x128xf32, #tpu.memory_space<vmem>>[vector<16xi32>, vector<16xi32>], vector<16xf32>,
      %add3A_1255 = arith.addf %add3A_1223, %gather3A_1254 : vector<16xf32>
      %add3A_1256 = arith.addi %gather3A_1252, %get3A_550 : vector<16xi32>
      %gather3A_1257 = tpu.vector_load_idx %arg7[%add3A_1256, %add3A_50] : memref<300x128xf32, #tpu.memory_space<vmem>>[vector<16xi32>, vector<16xi32>], vector<16xf32>,
      %add3A_1258 = arith.addf %add3A_1226, %gather3A_1257 : vector<16xf32>
      %add3A_1259 = arith.addi %gather3A_1252, %get3A_554 : vector<16xi32>
      %gather3A_1260 = tpu.vector_load_idx %arg7[%add3A_1259, %add3A_54] : memref<300x128xf32, #tpu.memory_space<vmem>>[vector<16xi32>, vector<16xi32>], vector<16xf32>,
      %add3A_1261 = arith.addf %add3A_1229, %gather3A_1260 : vector<16xf32>
      %add3A_1262 = arith.addi %gather3A_1252, %get3A_558 : vector<16xi32>
      %gather3A_1263 = tpu.vector_load_idx %arg7[%add3A_1262, %add3A_58] : memref<300x128xf32, #tpu.memory_space<vmem>>[vector<16xi32>, vector<16xi32>], vector<16xf32>,
      %add3A_1264 = arith.addf %add3A_1232, %gather3A_1263 : vector<16xf32>
      %add3A_1265 = arith.addi %gather3A_1252, %get3A_562 : vector<16xi32>
      %gather3A_1266 = tpu.vector_load_idx %arg7[%add3A_1265, %add3A_62] : memref<300x128xf32, #tpu.memory_space<vmem>>[vector<16xi32>, vector<16xi32>], vector<16xf32>,
      %add3A_1267 = arith.addf %add3A_1235, %gather3A_1266 : vector<16xf32>
      %add3A_1268 = arith.addi %gather3A_1252, %get3A_566 : vector<16xi32>
      %gather3A_1269 = tpu.vector_load_idx %arg7[%add3A_1268, %add3A_66] : memref<300x128xf32, #tpu.memory_space<vmem>>[vector<16xi32>, vector<16xi32>], vector<16xf32>,
      %add3A_1270 = arith.addf %add3A_1238, %gather3A_1269 : vector<16xf32>
      %add3A_1271 = arith.addi %gather3A_1252, %get3A_570 : vector<16xi32>
      %gather3A_1272 = tpu.vector_load_idx %arg7[%add3A_1271, %add3A_70] : memref<300x128xf32, #tpu.memory_space<vmem>>[vector<16xi32>, vector<16xi32>], vector<16xf32>,
      %add3A_1273 = arith.addf %add3A_1241, %gather3A_1272 : vector<16xf32>
      %add3A_1274 = arith.addi %gather3A_1252, %get3A_574 : vector<16xi32>
      %gather3A_1275 = tpu.vector_load_idx %arg7[%add3A_1274, %add3A_74] : memref<300x128xf32, #tpu.memory_space<vmem>>[vector<16xi32>, vector<16xi32>], vector<16xf32>,
      %add3A_1276 = arith.addf %add3A_1244, %gather3A_1275 : vector<16xf32>
      %mul3A_1277 = arith.constant 32 : i32
      %mul3A_1278 = arith.muli %scan3A_1156, %mul3A_1277 : i32
      %add3A_1279 = arith.constant 12 : i32
      %add3A_1280 = arith.addi %mul3A_1278, %add3A_1279 : i32
      %add3A_1281 = arith.constant 3 : i32
      %add3A_1282 = arith.addi %add3A_1280, %add3A_1281 : i32
      %broadcast_in_dim3A_1283 = vector.broadcast %add3A_1282 : i32 to vector<16xi32>
      %gather3A_1284 = tpu.vector_load_idx %arg6[%broadcast_in_dim3A_1283] : memref<16384xi32, #tpu.memory_space<vmem>>[vector<16xi32>], vector<16xi32>,
      %add3A_1285 = arith.addi %gather3A_1284, %get3A_578 : vector<16xi32>
      %gather3A_1286 = tpu.vector_load_idx %arg7[%add3A_1285, %add3A_46] : memref<300x128xf32, #tpu.memory_space<vmem>>[vector<16xi32>, vector<16xi32>], vector<16xf32>,
      %add3A_1287 = arith.addf %add3A_1255, %gather3A_1286 : vector<16xf32>
      %add3A_1288 = arith.addi %gather3A_1284, %get3A_582 : vector<16xi32>
      %gather3A_1289 = tpu.vector_load_idx %arg7[%add3A_1288, %add3A_50] : memref<300x128xf32, #tpu.memory_space<vmem>>[vector<16xi32>, vector<16xi32>], vector<16xf32>,
      %add3A_1290 = arith.addf %add3A_1258, %gather3A_1289 : vector<16xf32>
      %add3A_1291 = arith.addi %gather3A_1284, %get3A_586 : vector<16xi32>
      %gather3A_1292 = tpu.vector_load_idx %arg7[%add3A_1291, %add3A_54] : memref<300x128xf32, #tpu.memory_space<vmem>>[vector<16xi32>, vector<16xi32>], vector<16xf32>,
      %add3A_1293 = arith.addf %add3A_1261, %gather3A_1292 : vector<16xf32>
      %add3A_1294 = arith.addi %gather3A_1284, %get3A_590 : vector<16xi32>
      %gather3A_1295 = tpu.vector_load_idx %arg7[%add3A_1294, %add3A_58] : memref<300x128xf32, #tpu.memory_space<vmem>>[vector<16xi32>, vector<16xi32>], vector<16xf32>,
      %add3A_1296 = arith.addf %add3A_1264, %gather3A_1295 : vector<16xf32>
      %add3A_1297 = arith.addi %gather3A_1284, %get3A_594 : vector<16xi32>
      %gather3A_1298 = tpu.vector_load_idx %arg7[%add3A_1297, %add3A_62] : memref<300x128xf32, #tpu.memory_space<vmem>>[vector<16xi32>, vector<16xi32>], vector<16xf32>,
      %add3A_1299 = arith.addf %add3A_1267, %gather3A_1298 : vector<16xf32>
      %add3A_1300 = arith.addi %gather3A_1284, %get3A_598 : vector<16xi32>
      %gather3A_1301 = tpu.vector_load_idx %arg7[%add3A_1300, %add3A_66] : memref<300x128xf32, #tpu.memory_space<vmem>>[vector<16xi32>, vector<16xi32>], vector<16xf32>,
      %add3A_1302 = arith.addf %add3A_1270, %gather3A_1301 : vector<16xf32>
      %add3A_1303 = arith.addi %gather3A_1284, %get3A_602 : vector<16xi32>
      %gather3A_1304 = tpu.vector_load_idx %arg7[%add3A_1303, %add3A_70] : memref<300x128xf32, #tpu.memory_space<vmem>>[vector<16xi32>, vector<16xi32>], vector<16xf32>,
      %add3A_1305 = arith.addf %add3A_1273, %gather3A_1304 : vector<16xf32>
      %add3A_1306 = arith.addi %gather3A_1284, %get3A_606 : vector<16xi32>
      %gather3A_1307 = tpu.vector_load_idx %arg7[%add3A_1306, %add3A_74] : memref<300x128xf32, #tpu.memory_space<vmem>>[vector<16xi32>, vector<16xi32>], vector<16xf32>,
      %add3A_1308 = arith.addf %add3A_1276, %gather3A_1307 : vector<16xf32>
      %swap3A = arith.index_cast %scan3A_1156 : i32 to index
      %swap3A_1309 = arith.constant 0 : index
      %swap3A_1310 = tpu.vector_load %arg9[%swap3A, %swap3A_1309] {strides = array<i32>} : memref<512x128xf32, #tpu.memory_space<vmem>>, vector<16xf32>,
      tpu.vector_store %arg9[%swap3A, %swap3A_1309], %add3A_1287 {strides = array<i32>} : memref<512x128xf32, #tpu.memory_space<vmem>>, vector<16xf32>,
      %swap3A_1311 = arith.index_cast %scan3A_1156 : i32 to index
      %swap3A_1312 = arith.constant 16 : index
      %swap3A_1313 = tpu.vector_load %arg9[%swap3A_1311, %swap3A_1312] {strides = array<i32>} : memref<512x128xf32, #tpu.memory_space<vmem>>, vector<16xf32>,
      tpu.vector_store %arg9[%swap3A_1311, %swap3A_1312], %add3A_1290 {strides = array<i32>} : memref<512x128xf32, #tpu.memory_space<vmem>>, vector<16xf32>,
      %swap3A_1314 = arith.index_cast %scan3A_1156 : i32 to index
      %swap3A_1315 = arith.constant 32 : index
      %swap3A_1316 = tpu.vector_load %arg9[%swap3A_1314, %swap3A_1315] {strides = array<i32>} : memref<512x128xf32, #tpu.memory_space<vmem>>, vector<16xf32>,
      tpu.vector_store %arg9[%swap3A_1314, %swap3A_1315], %add3A_1293 {strides = array<i32>} : memref<512x128xf32, #tpu.memory_space<vmem>>, vector<16xf32>,
      %swap3A_1317 = arith.index_cast %scan3A_1156 : i32 to index
      %swap3A_1318 = arith.constant 48 : index
      %swap3A_1319 = tpu.vector_load %arg9[%swap3A_1317, %swap3A_1318] {strides = array<i32>} : memref<512x128xf32, #tpu.memory_space<vmem>>, vector<16xf32>,
      tpu.vector_store %arg9[%swap3A_1317, %swap3A_1318], %add3A_1296 {strides = array<i32>} : memref<512x128xf32, #tpu.memory_space<vmem>>, vector<16xf32>,
      %swap3A_1320 = arith.index_cast %scan3A_1156 : i32 to index
      %swap3A_1321 = arith.constant 64 : index
      %swap3A_1322 = tpu.vector_load %arg9[%swap3A_1320, %swap3A_1321] {strides = array<i32>} : memref<512x128xf32, #tpu.memory_space<vmem>>, vector<16xf32>,
      tpu.vector_store %arg9[%swap3A_1320, %swap3A_1321], %add3A_1299 {strides = array<i32>} : memref<512x128xf32, #tpu.memory_space<vmem>>, vector<16xf32>,
      %swap3A_1323 = arith.index_cast %scan3A_1156 : i32 to index
      %swap3A_1324 = arith.constant 80 : index
      %swap3A_1325 = tpu.vector_load %arg9[%swap3A_1323, %swap3A_1324] {strides = array<i32>} : memref<512x128xf32, #tpu.memory_space<vmem>>, vector<16xf32>,
      tpu.vector_store %arg9[%swap3A_1323, %swap3A_1324], %add3A_1302 {strides = array<i32>} : memref<512x128xf32, #tpu.memory_space<vmem>>, vector<16xf32>,
      %swap3A_1326 = arith.index_cast %scan3A_1156 : i32 to index
      %swap3A_1327 = arith.constant 96 : index
      %swap3A_1328 = tpu.vector_load %arg9[%swap3A_1326, %swap3A_1327] {strides = array<i32>} : memref<512x128xf32, #tpu.memory_space<vmem>>, vector<16xf32>,
      tpu.vector_store %arg9[%swap3A_1326, %swap3A_1327], %add3A_1305 {strides = array<i32>} : memref<512x128xf32, #tpu.memory_space<vmem>>, vector<16xf32>,
      %swap3A_1329 = arith.index_cast %scan3A_1156 : i32 to index
      %swap3A_1330 = arith.constant 112 : index
      %swap3A_1331 = tpu.vector_load %arg9[%swap3A_1329, %swap3A_1330] {strides = array<i32>} : memref<512x128xf32, #tpu.memory_space<vmem>>, vector<16xf32>,
      tpu.vector_store %arg9[%swap3A_1329, %swap3A_1330], %add3A_1308 {strides = array<i32>} : memref<512x128xf32, #tpu.memory_space<vmem>>, vector<16xf32>,
      %scan3A_1332 = arith.constant 0 : i32
      scf.yield %scan3A_1332 : i32
    }
    %scan3A_613 = arith.constant 512 : i32
    %get3A_614 = arith.constant 16 : i32
    %get3A_615 = arith.index_cast %get3A_614 : i32 to index
    %get3A_616 = arith.constant 0 : index
    %get3A_617 = tpu.vector_load %arg8[%get3A_615, %get3A_616] {strides = array<i32>} : memref<32x128xi32, #tpu.memory_space<vmem>>, vector<16xi32>,
    %get3A_618 = arith.constant 16 : i32
    %get3A_619 = arith.index_cast %get3A_618 : i32 to index
    %get3A_620 = arith.constant 16 : index
    %get3A_621 = tpu.vector_load %arg8[%get3A_619, %get3A_620] {strides = array<i32>} : memref<32x128xi32, #tpu.memory_space<vmem>>, vector<16xi32>,
    %get3A_622 = arith.constant 16 : i32
    %get3A_623 = arith.index_cast %get3A_622 : i32 to index
    %get3A_624 = arith.constant 32 : index
    %get3A_625 = tpu.vector_load %arg8[%get3A_623, %get3A_624] {strides = array<i32>} : memref<32x128xi32, #tpu.memory_space<vmem>>, vector<16xi32>,
    %get3A_626 = arith.constant 16 : i32
    %get3A_627 = arith.index_cast %get3A_626 : i32 to index
    %get3A_628 = arith.constant 48 : index
    %get3A_629 = tpu.vector_load %arg8[%get3A_627, %get3A_628] {strides = array<i32>} : memref<32x128xi32, #tpu.memory_space<vmem>>, vector<16xi32>,
    %get3A_630 = arith.constant 16 : i32
    %get3A_631 = arith.index_cast %get3A_630 : i32 to index
    %get3A_632 = arith.constant 64 : index
    %get3A_633 = tpu.vector_load %arg8[%get3A_631, %get3A_632] {strides = array<i32>} : memref<32x128xi32, #tpu.memory_space<vmem>>, vector<16xi32>,
    %get3A_634 = arith.constant 16 : i32
    %get3A_635 = arith.index_cast %get3A_634 : i32 to index
    %get3A_636 = arith.constant 80 : index
    %get3A_637 = tpu.vector_load %arg8[%get3A_635, %get3A_636] {strides = array<i32>} : memref<32x128xi32, #tpu.memory_space<vmem>>, vector<16xi32>,
    %get3A_638 = arith.constant 16 : i32
    %get3A_639 = arith.index_cast %get3A_638 : i32 to index
    %get3A_640 = arith.constant 96 : index
    %get3A_641 = tpu.vector_load %arg8[%get3A_639, %get3A_640] {strides = array<i32>} : memref<32x128xi32, #tpu.memory_space<vmem>>, vector<16xi32>,
    %get3A_642 = arith.constant 16 : i32
    %get3A_643 = arith.index_cast %get3A_642 : i32 to index
    %get3A_644 = arith.constant 112 : index
    %get3A_645 = tpu.vector_load %arg8[%get3A_643, %get3A_644] {strides = array<i32>} : memref<32x128xi32, #tpu.memory_space<vmem>>, vector<16xi32>,
    %get3A_646 = arith.constant 17 : i32
    %get3A_647 = arith.index_cast %get3A_646 : i32 to index
    %get3A_648 = arith.constant 0 : index
    %get3A_649 = tpu.vector_load %arg8[%get3A_647, %get3A_648] {strides = array<i32>} : memref<32x128xi32, #tpu.memory_space<vmem>>, vector<16xi32>,
    %get3A_650 = arith.constant 17 : i32
    %get3A_651 = arith.index_cast %get3A_650 : i32 to index
    %get3A_652 = arith.constant 16 : index
    %get3A_653 = tpu.vector_load %arg8[%get3A_651, %get3A_652] {strides = array<i32>} : memref<32x128xi32, #tpu.memory_space<vmem>>, vector<16xi32>,
    %get3A_654 = arith.constant 17 : i32
    %get3A_655 = arith.index_cast %get3A_654 : i32 to index
    %get3A_656 = arith.constant 32 : index
    %get3A_657 = tpu.vector_load %arg8[%get3A_655, %get3A_656] {strides = array<i32>} : memref<32x128xi32, #tpu.memory_space<vmem>>, vector<16xi32>,
    %get3A_658 = arith.constant 17 : i32
    %get3A_659 = arith.index_cast %get3A_658 : i32 to index
    %get3A_660 = arith.constant 48 : index
    %get3A_661 = tpu.vector_load %arg8[%get3A_659, %get3A_660] {strides = array<i32>} : memref<32x128xi32, #tpu.memory_space<vmem>>, vector<16xi32>,
    %get3A_662 = arith.constant 17 : i32
    %get3A_663 = arith.index_cast %get3A_662 : i32 to index
    %get3A_664 = arith.constant 64 : index
    %get3A_665 = tpu.vector_load %arg8[%get3A_663, %get3A_664] {strides = array<i32>} : memref<32x128xi32, #tpu.memory_space<vmem>>, vector<16xi32>,
    %get3A_666 = arith.constant 17 : i32
    %get3A_667 = arith.index_cast %get3A_666 : i32 to index
    %get3A_668 = arith.constant 80 : index
    %get3A_669 = tpu.vector_load %arg8[%get3A_667, %get3A_668] {strides = array<i32>} : memref<32x128xi32, #tpu.memory_space<vmem>>, vector<16xi32>,
    %get3A_670 = arith.constant 17 : i32
    %get3A_671 = arith.index_cast %get3A_670 : i32 to index
    %get3A_672 = arith.constant 96 : index
    %get3A_673 = tpu.vector_load %arg8[%get3A_671, %get3A_672] {strides = array<i32>} : memref<32x128xi32, #tpu.memory_space<vmem>>, vector<16xi32>,
    %get3A_674 = arith.constant 17 : i32
    %get3A_675 = arith.index_cast %get3A_674 : i32 to index
    %get3A_676 = arith.constant 112 : index
    %get3A_677 = tpu.vector_load %arg8[%get3A_675, %get3A_676] {strides = array<i32>} : memref<32x128xi32, #tpu.memory_space<vmem>>, vector<16xi32>,
    %get3A_678 = arith.constant 18 : i32
    %get3A_679 = arith.index_cast %get3A_678 : i32 to index
    %get3A_680 = arith.constant 0 : index
    %get3A_681 = tpu.vector_load %arg8[%get3A_679, %get3A_680] {strides = array<i32>} : memref<32x128xi32, #tpu.memory_space<vmem>>, vector<16xi32>,
    %get3A_682 = arith.constant 18 : i32
    %get3A_683 = arith.index_cast %get3A_682 : i32 to index
    %get3A_684 = arith.constant 16 : index
    %get3A_685 = tpu.vector_load %arg8[%get3A_683, %get3A_684] {strides = array<i32>} : memref<32x128xi32, #tpu.memory_space<vmem>>, vector<16xi32>,
    %get3A_686 = arith.constant 18 : i32
    %get3A_687 = arith.index_cast %get3A_686 : i32 to index
    %get3A_688 = arith.constant 32 : index
    %get3A_689 = tpu.vector_load %arg8[%get3A_687, %get3A_688] {strides = array<i32>} : memref<32x128xi32, #tpu.memory_space<vmem>>, vector<16xi32>,
    %get3A_690 = arith.constant 18 : i32
    %get3A_691 = arith.index_cast %get3A_690 : i32 to index
    %get3A_692 = arith.constant 48 : index
    %get3A_693 = tpu.vector_load %arg8[%get3A_691, %get3A_692] {strides = array<i32>} : memref<32x128xi32, #tpu.memory_space<vmem>>, vector<16xi32>,
    %get3A_694 = arith.constant 18 : i32
    %get3A_695 = arith.index_cast %get3A_694 : i32 to index
    %get3A_696 = arith.constant 64 : index
    %get3A_697 = tpu.vector_load %arg8[%get3A_695, %get3A_696] {strides = array<i32>} : memref<32x128xi32, #tpu.memory_space<vmem>>, vector<16xi32>,
    %get3A_698 = arith.constant 18 : i32
    %get3A_699 = arith.index_cast %get3A_698 : i32 to index
    %get3A_700 = arith.constant 80 : index
    %get3A_701 = tpu.vector_load %arg8[%get3A_699, %get3A_700] {strides = array<i32>} : memref<32x128xi32, #tpu.memory_space<vmem>>, vector<16xi32>,
    %get3A_702 = arith.constant 18 : i32
    %get3A_703 = arith.index_cast %get3A_702 : i32 to index
    %get3A_704 = arith.constant 96 : index
    %get3A_705 = tpu.vector_load %arg8[%get3A_703, %get3A_704] {strides = array<i32>} : memref<32x128xi32, #tpu.memory_space<vmem>>, vector<16xi32>,
    %get3A_706 = arith.constant 18 : i32
    %get3A_707 = arith.index_cast %get3A_706 : i32 to index
    %get3A_708 = arith.constant 112 : index
    %get3A_709 = tpu.vector_load %arg8[%get3A_707, %get3A_708] {strides = array<i32>} : memref<32x128xi32, #tpu.memory_space<vmem>>, vector<16xi32>,
    %get3A_710 = arith.constant 19 : i32
    %get3A_711 = arith.index_cast %get3A_710 : i32 to index
    %get3A_712 = arith.constant 0 : index
    %get3A_713 = tpu.vector_load %arg8[%get3A_711, %get3A_712] {strides = array<i32>} : memref<32x128xi32, #tpu.memory_space<vmem>>, vector<16xi32>,
    %get3A_714 = arith.constant 19 : i32
    %get3A_715 = arith.index_cast %get3A_714 : i32 to index
    %get3A_716 = arith.constant 16 : index
    %get3A_717 = tpu.vector_load %arg8[%get3A_715, %get3A_716] {strides = array<i32>} : memref<32x128xi32, #tpu.memory_space<vmem>>, vector<16xi32>,
    %get3A_718 = arith.constant 19 : i32
    %get3A_719 = arith.index_cast %get3A_718 : i32 to index
    %get3A_720 = arith.constant 32 : index
    %get3A_721 = tpu.vector_load %arg8[%get3A_719, %get3A_720] {strides = array<i32>} : memref<32x128xi32, #tpu.memory_space<vmem>>, vector<16xi32>,
    %get3A_722 = arith.constant 19 : i32
    %get3A_723 = arith.index_cast %get3A_722 : i32 to index
    %get3A_724 = arith.constant 48 : index
    %get3A_725 = tpu.vector_load %arg8[%get3A_723, %get3A_724] {strides = array<i32>} : memref<32x128xi32, #tpu.memory_space<vmem>>, vector<16xi32>,
    %get3A_726 = arith.constant 19 : i32
    %get3A_727 = arith.index_cast %get3A_726 : i32 to index
    %get3A_728 = arith.constant 64 : index
    %get3A_729 = tpu.vector_load %arg8[%get3A_727, %get3A_728] {strides = array<i32>} : memref<32x128xi32, #tpu.memory_space<vmem>>, vector<16xi32>,
    %get3A_730 = arith.constant 19 : i32
    %get3A_731 = arith.index_cast %get3A_730 : i32 to index
    %get3A_732 = arith.constant 80 : index
    %get3A_733 = tpu.vector_load %arg8[%get3A_731, %get3A_732] {strides = array<i32>} : memref<32x128xi32, #tpu.memory_space<vmem>>, vector<16xi32>,
    %get3A_734 = arith.constant 19 : i32
    %get3A_735 = arith.index_cast %get3A_734 : i32 to index
    %get3A_736 = arith.constant 96 : index
    %get3A_737 = tpu.vector_load %arg8[%get3A_735, %get3A_736] {strides = array<i32>} : memref<32x128xi32, #tpu.memory_space<vmem>>, vector<16xi32>,
    %get3A_738 = arith.constant 19 : i32
    %get3A_739 = arith.index_cast %get3A_738 : i32 to index
    %get3A_740 = arith.constant 112 : index
    %get3A_741 = tpu.vector_load %arg8[%get3A_739, %get3A_740] {strides = array<i32>} : memref<32x128xi32, #tpu.memory_space<vmem>>, vector<16xi32>,
    %scan3A_742 = arith.constant 0 : i32
    %scan3A_743 = arith.constant 0 : i32
    %scan3A_744 = arith.constant 512 : i32
    %scan3A_745 = arith.addi %scan3A_743, %scan3A_744 : i32
    %scan3A_746 = arith.constant 1 : i32
    %scan3A_747 = scf.for %scan3A_1156 = %scan3A_743 to %scan3A_745 step %scan3A_746 iter_args(%scan3A_1157 = %scan3A_742) -> (i32)  : i32 {
      %get3A_1158 = arith.index_cast %scan3A_1156 : i32 to index
      %get3A_1159 = arith.constant 0 : index
      %get3A_1160 = tpu.vector_load %arg9[%get3A_1158, %get3A_1159] {strides = array<i32>} : memref<512x128xf32, #tpu.memory_space<vmem>>, vector<16xf32>,
      %get3A_1161 = arith.index_cast %scan3A_1156 : i32 to index
      %get3A_1162 = arith.constant 16 : index
      %get3A_1163 = tpu.vector_load %arg9[%get3A_1161, %get3A_1162] {strides = array<i32>} : memref<512x128xf32, #tpu.memory_space<vmem>>, vector<16xf32>,
      %get3A_1164 = arith.index_cast %scan3A_1156 : i32 to index
      %get3A_1165 = arith.constant 32 : index
      %get3A_1166 = tpu.vector_load %arg9[%get3A_1164, %get3A_1165] {strides = array<i32>} : memref<512x128xf32, #tpu.memory_space<vmem>>, vector<16xf32>,
      %get3A_1167 = arith.index_cast %scan3A_1156 : i32 to index
      %get3A_1168 = arith.constant 48 : index
      %get3A_1169 = tpu.vector_load %arg9[%get3A_1167, %get3A_1168] {strides = array<i32>} : memref<512x128xf32, #tpu.memory_space<vmem>>, vector<16xf32>,
      %get3A_1170 = arith.index_cast %scan3A_1156 : i32 to index
      %get3A_1171 = arith.constant 64 : index
      %get3A_1172 = tpu.vector_load %arg9[%get3A_1170, %get3A_1171] {strides = array<i32>} : memref<512x128xf32, #tpu.memory_space<vmem>>, vector<16xf32>,
      %get3A_1173 = arith.index_cast %scan3A_1156 : i32 to index
      %get3A_1174 = arith.constant 80 : index
      %get3A_1175 = tpu.vector_load %arg9[%get3A_1173, %get3A_1174] {strides = array<i32>} : memref<512x128xf32, #tpu.memory_space<vmem>>, vector<16xf32>,
      %get3A_1176 = arith.index_cast %scan3A_1156 : i32 to index
      %get3A_1177 = arith.constant 96 : index
      %get3A_1178 = tpu.vector_load %arg9[%get3A_1176, %get3A_1177] {strides = array<i32>} : memref<512x128xf32, #tpu.memory_space<vmem>>, vector<16xf32>,
      %get3A_1179 = arith.index_cast %scan3A_1156 : i32 to index
      %get3A_1180 = arith.constant 112 : index
      %get3A_1181 = tpu.vector_load %arg9[%get3A_1179, %get3A_1180] {strides = array<i32>} : memref<512x128xf32, #tpu.memory_space<vmem>>, vector<16xf32>,
      %mul3A_1182 = arith.constant 32 : i32
      %mul3A_1183 = arith.muli %scan3A_1156, %mul3A_1182 : i32
      %add3A_1184 = arith.constant 16 : i32
      %add3A_1185 = arith.addi %mul3A_1183, %add3A_1184 : i32
      %add3A_1186 = arith.constant 0 : i32
      %add3A_1187 = arith.addi %add3A_1185, %add3A_1186 : i32
      %broadcast_in_dim3A_1188 = vector.broadcast %add3A_1187 : i32 to vector<16xi32>
      %gather3A = tpu.vector_load_idx %arg6[%broadcast_in_dim3A_1188] : memref<16384xi32, #tpu.memory_space<vmem>>[vector<16xi32>], vector<16xi32>,
      %add3A_1189 = arith.addi %gather3A, %get3A_617 : vector<16xi32>
      %gather3A_1190 = tpu.vector_load_idx %arg7[%add3A_1189, %add3A_46] : memref<300x128xf32, #tpu.memory_space<vmem>>[vector<16xi32>, vector<16xi32>], vector<16xf32>,
      %add3A_1191 = arith.addf %get3A_1160, %gather3A_1190 : vector<16xf32>
      %add3A_1192 = arith.addi %gather3A, %get3A_621 : vector<16xi32>
      %gather3A_1193 = tpu.vector_load_idx %arg7[%add3A_1192, %add3A_50] : memref<300x128xf32, #tpu.memory_space<vmem>>[vector<16xi32>, vector<16xi32>], vector<16xf32>,
      %add3A_1194 = arith.addf %get3A_1163, %gather3A_1193 : vector<16xf32>
      %add3A_1195 = arith.addi %gather3A, %get3A_625 : vector<16xi32>
      %gather3A_1196 = tpu.vector_load_idx %arg7[%add3A_1195, %add3A_54] : memref<300x128xf32, #tpu.memory_space<vmem>>[vector<16xi32>, vector<16xi32>], vector<16xf32>,
      %add3A_1197 = arith.addf %get3A_1166, %gather3A_1196 : vector<16xf32>
      %add3A_1198 = arith.addi %gather3A, %get3A_629 : vector<16xi32>
      %gather3A_1199 = tpu.vector_load_idx %arg7[%add3A_1198, %add3A_58] : memref<300x128xf32, #tpu.memory_space<vmem>>[vector<16xi32>, vector<16xi32>], vector<16xf32>,
      %add3A_1200 = arith.addf %get3A_1169, %gather3A_1199 : vector<16xf32>
      %add3A_1201 = arith.addi %gather3A, %get3A_633 : vector<16xi32>
      %gather3A_1202 = tpu.vector_load_idx %arg7[%add3A_1201, %add3A_62] : memref<300x128xf32, #tpu.memory_space<vmem>>[vector<16xi32>, vector<16xi32>], vector<16xf32>,
      %add3A_1203 = arith.addf %get3A_1172, %gather3A_1202 : vector<16xf32>
      %add3A_1204 = arith.addi %gather3A, %get3A_637 : vector<16xi32>
      %gather3A_1205 = tpu.vector_load_idx %arg7[%add3A_1204, %add3A_66] : memref<300x128xf32, #tpu.memory_space<vmem>>[vector<16xi32>, vector<16xi32>], vector<16xf32>,
      %add3A_1206 = arith.addf %get3A_1175, %gather3A_1205 : vector<16xf32>
      %add3A_1207 = arith.addi %gather3A, %get3A_641 : vector<16xi32>
      %gather3A_1208 = tpu.vector_load_idx %arg7[%add3A_1207, %add3A_70] : memref<300x128xf32, #tpu.memory_space<vmem>>[vector<16xi32>, vector<16xi32>], vector<16xf32>,
      %add3A_1209 = arith.addf %get3A_1178, %gather3A_1208 : vector<16xf32>
      %add3A_1210 = arith.addi %gather3A, %get3A_645 : vector<16xi32>
      %gather3A_1211 = tpu.vector_load_idx %arg7[%add3A_1210, %add3A_74] : memref<300x128xf32, #tpu.memory_space<vmem>>[vector<16xi32>, vector<16xi32>], vector<16xf32>,
      %add3A_1212 = arith.addf %get3A_1181, %gather3A_1211 : vector<16xf32>
      %mul3A_1213 = arith.constant 32 : i32
      %mul3A_1214 = arith.muli %scan3A_1156, %mul3A_1213 : i32
      %add3A_1215 = arith.constant 16 : i32
      %add3A_1216 = arith.addi %mul3A_1214, %add3A_1215 : i32
      %add3A_1217 = arith.constant 1 : i32
      %add3A_1218 = arith.addi %add3A_1216, %add3A_1217 : i32
      %broadcast_in_dim3A_1219 = vector.broadcast %add3A_1218 : i32 to vector<16xi32>
      %gather3A_1220 = tpu.vector_load_idx %arg6[%broadcast_in_dim3A_1219] : memref<16384xi32, #tpu.memory_space<vmem>>[vector<16xi32>], vector<16xi32>,
      %add3A_1221 = arith.addi %gather3A_1220, %get3A_649 : vector<16xi32>
      %gather3A_1222 = tpu.vector_load_idx %arg7[%add3A_1221, %add3A_46] : memref<300x128xf32, #tpu.memory_space<vmem>>[vector<16xi32>, vector<16xi32>], vector<16xf32>,
      %add3A_1223 = arith.addf %add3A_1191, %gather3A_1222 : vector<16xf32>
      %add3A_1224 = arith.addi %gather3A_1220, %get3A_653 : vector<16xi32>
      %gather3A_1225 = tpu.vector_load_idx %arg7[%add3A_1224, %add3A_50] : memref<300x128xf32, #tpu.memory_space<vmem>>[vector<16xi32>, vector<16xi32>], vector<16xf32>,
      %add3A_1226 = arith.addf %add3A_1194, %gather3A_1225 : vector<16xf32>
      %add3A_1227 = arith.addi %gather3A_1220, %get3A_657 : vector<16xi32>
      %gather3A_1228 = tpu.vector_load_idx %arg7[%add3A_1227, %add3A_54] : memref<300x128xf32, #tpu.memory_space<vmem>>[vector<16xi32>, vector<16xi32>], vector<16xf32>,
      %add3A_1229 = arith.addf %add3A_1197, %gather3A_1228 : vector<16xf32>
      %add3A_1230 = arith.addi %gather3A_1220, %get3A_661 : vector<16xi32>
      %gather3A_1231 = tpu.vector_load_idx %arg7[%add3A_1230, %add3A_58] : memref<300x128xf32, #tpu.memory_space<vmem>>[vector<16xi32>, vector<16xi32>], vector<16xf32>,
      %add3A_1232 = arith.addf %add3A_1200, %gather3A_1231 : vector<16xf32>
      %add3A_1233 = arith.addi %gather3A_1220, %get3A_665 : vector<16xi32>
      %gather3A_1234 = tpu.vector_load_idx %arg7[%add3A_1233, %add3A_62] : memref<300x128xf32, #tpu.memory_space<vmem>>[vector<16xi32>, vector<16xi32>], vector<16xf32>,
      %add3A_1235 = arith.addf %add3A_1203, %gather3A_1234 : vector<16xf32>
      %add3A_1236 = arith.addi %gather3A_1220, %get3A_669 : vector<16xi32>
      %gather3A_1237 = tpu.vector_load_idx %arg7[%add3A_1236, %add3A_66] : memref<300x128xf32, #tpu.memory_space<vmem>>[vector<16xi32>, vector<16xi32>], vector<16xf32>,
      %add3A_1238 = arith.addf %add3A_1206, %gather3A_1237 : vector<16xf32>
      %add3A_1239 = arith.addi %gather3A_1220, %get3A_673 : vector<16xi32>
      %gather3A_1240 = tpu.vector_load_idx %arg7[%add3A_1239, %add3A_70] : memref<300x128xf32, #tpu.memory_space<vmem>>[vector<16xi32>, vector<16xi32>], vector<16xf32>,
      %add3A_1241 = arith.addf %add3A_1209, %gather3A_1240 : vector<16xf32>
      %add3A_1242 = arith.addi %gather3A_1220, %get3A_677 : vector<16xi32>
      %gather3A_1243 = tpu.vector_load_idx %arg7[%add3A_1242, %add3A_74] : memref<300x128xf32, #tpu.memory_space<vmem>>[vector<16xi32>, vector<16xi32>], vector<16xf32>,
      %add3A_1244 = arith.addf %add3A_1212, %gather3A_1243 : vector<16xf32>
      %mul3A_1245 = arith.constant 32 : i32
      %mul3A_1246 = arith.muli %scan3A_1156, %mul3A_1245 : i32
      %add3A_1247 = arith.constant 16 : i32
      %add3A_1248 = arith.addi %mul3A_1246, %add3A_1247 : i32
      %add3A_1249 = arith.constant 2 : i32
      %add3A_1250 = arith.addi %add3A_1248, %add3A_1249 : i32
      %broadcast_in_dim3A_1251 = vector.broadcast %add3A_1250 : i32 to vector<16xi32>
      %gather3A_1252 = tpu.vector_load_idx %arg6[%broadcast_in_dim3A_1251] : memref<16384xi32, #tpu.memory_space<vmem>>[vector<16xi32>], vector<16xi32>,
      %add3A_1253 = arith.addi %gather3A_1252, %get3A_681 : vector<16xi32>
      %gather3A_1254 = tpu.vector_load_idx %arg7[%add3A_1253, %add3A_46] : memref<300x128xf32, #tpu.memory_space<vmem>>[vector<16xi32>, vector<16xi32>], vector<16xf32>,
      %add3A_1255 = arith.addf %add3A_1223, %gather3A_1254 : vector<16xf32>
      %add3A_1256 = arith.addi %gather3A_1252, %get3A_685 : vector<16xi32>
      %gather3A_1257 = tpu.vector_load_idx %arg7[%add3A_1256, %add3A_50] : memref<300x128xf32, #tpu.memory_space<vmem>>[vector<16xi32>, vector<16xi32>], vector<16xf32>,
      %add3A_1258 = arith.addf %add3A_1226, %gather3A_1257 : vector<16xf32>
      %add3A_1259 = arith.addi %gather3A_1252, %get3A_689 : vector<16xi32>
      %gather3A_1260 = tpu.vector_load_idx %arg7[%add3A_1259, %add3A_54] : memref<300x128xf32, #tpu.memory_space<vmem>>[vector<16xi32>, vector<16xi32>], vector<16xf32>,
      %add3A_1261 = arith.addf %add3A_1229, %gather3A_1260 : vector<16xf32>
      %add3A_1262 = arith.addi %gather3A_1252, %get3A_693 : vector<16xi32>
      %gather3A_1263 = tpu.vector_load_idx %arg7[%add3A_1262, %add3A_58] : memref<300x128xf32, #tpu.memory_space<vmem>>[vector<16xi32>, vector<16xi32>], vector<16xf32>,
      %add3A_1264 = arith.addf %add3A_1232, %gather3A_1263 : vector<16xf32>
      %add3A_1265 = arith.addi %gather3A_1252, %get3A_697 : vector<16xi32>
      %gather3A_1266 = tpu.vector_load_idx %arg7[%add3A_1265, %add3A_62] : memref<300x128xf32, #tpu.memory_space<vmem>>[vector<16xi32>, vector<16xi32>], vector<16xf32>,
      %add3A_1267 = arith.addf %add3A_1235, %gather3A_1266 : vector<16xf32>
      %add3A_1268 = arith.addi %gather3A_1252, %get3A_701 : vector<16xi32>
      %gather3A_1269 = tpu.vector_load_idx %arg7[%add3A_1268, %add3A_66] : memref<300x128xf32, #tpu.memory_space<vmem>>[vector<16xi32>, vector<16xi32>], vector<16xf32>,
      %add3A_1270 = arith.addf %add3A_1238, %gather3A_1269 : vector<16xf32>
      %add3A_1271 = arith.addi %gather3A_1252, %get3A_705 : vector<16xi32>
      %gather3A_1272 = tpu.vector_load_idx %arg7[%add3A_1271, %add3A_70] : memref<300x128xf32, #tpu.memory_space<vmem>>[vector<16xi32>, vector<16xi32>], vector<16xf32>,
      %add3A_1273 = arith.addf %add3A_1241, %gather3A_1272 : vector<16xf32>
      %add3A_1274 = arith.addi %gather3A_1252, %get3A_709 : vector<16xi32>
      %gather3A_1275 = tpu.vector_load_idx %arg7[%add3A_1274, %add3A_74] : memref<300x128xf32, #tpu.memory_space<vmem>>[vector<16xi32>, vector<16xi32>], vector<16xf32>,
      %add3A_1276 = arith.addf %add3A_1244, %gather3A_1275 : vector<16xf32>
      %mul3A_1277 = arith.constant 32 : i32
      %mul3A_1278 = arith.muli %scan3A_1156, %mul3A_1277 : i32
      %add3A_1279 = arith.constant 16 : i32
      %add3A_1280 = arith.addi %mul3A_1278, %add3A_1279 : i32
      %add3A_1281 = arith.constant 3 : i32
      %add3A_1282 = arith.addi %add3A_1280, %add3A_1281 : i32
      %broadcast_in_dim3A_1283 = vector.broadcast %add3A_1282 : i32 to vector<16xi32>
      %gather3A_1284 = tpu.vector_load_idx %arg6[%broadcast_in_dim3A_1283] : memref<16384xi32, #tpu.memory_space<vmem>>[vector<16xi32>], vector<16xi32>,
      %add3A_1285 = arith.addi %gather3A_1284, %get3A_713 : vector<16xi32>
      %gather3A_1286 = tpu.vector_load_idx %arg7[%add3A_1285, %add3A_46] : memref<300x128xf32, #tpu.memory_space<vmem>>[vector<16xi32>, vector<16xi32>], vector<16xf32>,
      %add3A_1287 = arith.addf %add3A_1255, %gather3A_1286 : vector<16xf32>
      %add3A_1288 = arith.addi %gather3A_1284, %get3A_717 : vector<16xi32>
      %gather3A_1289 = tpu.vector_load_idx %arg7[%add3A_1288, %add3A_50] : memref<300x128xf32, #tpu.memory_space<vmem>>[vector<16xi32>, vector<16xi32>], vector<16xf32>,
      %add3A_1290 = arith.addf %add3A_1258, %gather3A_1289 : vector<16xf32>
      %add3A_1291 = arith.addi %gather3A_1284, %get3A_721 : vector<16xi32>
      %gather3A_1292 = tpu.vector_load_idx %arg7[%add3A_1291, %add3A_54] : memref<300x128xf32, #tpu.memory_space<vmem>>[vector<16xi32>, vector<16xi32>], vector<16xf32>,
      %add3A_1293 = arith.addf %add3A_1261, %gather3A_1292 : vector<16xf32>
      %add3A_1294 = arith.addi %gather3A_1284, %get3A_725 : vector<16xi32>
      %gather3A_1295 = tpu.vector_load_idx %arg7[%add3A_1294, %add3A_58] : memref<300x128xf32, #tpu.memory_space<vmem>>[vector<16xi32>, vector<16xi32>], vector<16xf32>,
      %add3A_1296 = arith.addf %add3A_1264, %gather3A_1295 : vector<16xf32>
      %add3A_1297 = arith.addi %gather3A_1284, %get3A_729 : vector<16xi32>
      %gather3A_1298 = tpu.vector_load_idx %arg7[%add3A_1297, %add3A_62] : memref<300x128xf32, #tpu.memory_space<vmem>>[vector<16xi32>, vector<16xi32>], vector<16xf32>,
      %add3A_1299 = arith.addf %add3A_1267, %gather3A_1298 : vector<16xf32>
      %add3A_1300 = arith.addi %gather3A_1284, %get3A_733 : vector<16xi32>
      %gather3A_1301 = tpu.vector_load_idx %arg7[%add3A_1300, %add3A_66] : memref<300x128xf32, #tpu.memory_space<vmem>>[vector<16xi32>, vector<16xi32>], vector<16xf32>,
      %add3A_1302 = arith.addf %add3A_1270, %gather3A_1301 : vector<16xf32>
      %add3A_1303 = arith.addi %gather3A_1284, %get3A_737 : vector<16xi32>
      %gather3A_1304 = tpu.vector_load_idx %arg7[%add3A_1303, %add3A_70] : memref<300x128xf32, #tpu.memory_space<vmem>>[vector<16xi32>, vector<16xi32>], vector<16xf32>,
      %add3A_1305 = arith.addf %add3A_1273, %gather3A_1304 : vector<16xf32>
      %add3A_1306 = arith.addi %gather3A_1284, %get3A_741 : vector<16xi32>
      %gather3A_1307 = tpu.vector_load_idx %arg7[%add3A_1306, %add3A_74] : memref<300x128xf32, #tpu.memory_space<vmem>>[vector<16xi32>, vector<16xi32>], vector<16xf32>,
      %add3A_1308 = arith.addf %add3A_1276, %gather3A_1307 : vector<16xf32>
      %swap3A = arith.index_cast %scan3A_1156 : i32 to index
      %swap3A_1309 = arith.constant 0 : index
      %swap3A_1310 = tpu.vector_load %arg9[%swap3A, %swap3A_1309] {strides = array<i32>} : memref<512x128xf32, #tpu.memory_space<vmem>>, vector<16xf32>,
      tpu.vector_store %arg9[%swap3A, %swap3A_1309], %add3A_1287 {strides = array<i32>} : memref<512x128xf32, #tpu.memory_space<vmem>>, vector<16xf32>,
      %swap3A_1311 = arith.index_cast %scan3A_1156 : i32 to index
      %swap3A_1312 = arith.constant 16 : index
      %swap3A_1313 = tpu.vector_load %arg9[%swap3A_1311, %swap3A_1312] {strides = array<i32>} : memref<512x128xf32, #tpu.memory_space<vmem>>, vector<16xf32>,
      tpu.vector_store %arg9[%swap3A_1311, %swap3A_1312], %add3A_1290 {strides = array<i32>} : memref<512x128xf32, #tpu.memory_space<vmem>>, vector<16xf32>,
      %swap3A_1314 = arith.index_cast %scan3A_1156 : i32 to index
      %swap3A_1315 = arith.constant 32 : index
      %swap3A_1316 = tpu.vector_load %arg9[%swap3A_1314, %swap3A_1315] {strides = array<i32>} : memref<512x128xf32, #tpu.memory_space<vmem>>, vector<16xf32>,
      tpu.vector_store %arg9[%swap3A_1314, %swap3A_1315], %add3A_1293 {strides = array<i32>} : memref<512x128xf32, #tpu.memory_space<vmem>>, vector<16xf32>,
      %swap3A_1317 = arith.index_cast %scan3A_1156 : i32 to index
      %swap3A_1318 = arith.constant 48 : index
      %swap3A_1319 = tpu.vector_load %arg9[%swap3A_1317, %swap3A_1318] {strides = array<i32>} : memref<512x128xf32, #tpu.memory_space<vmem>>, vector<16xf32>,
      tpu.vector_store %arg9[%swap3A_1317, %swap3A_1318], %add3A_1296 {strides = array<i32>} : memref<512x128xf32, #tpu.memory_space<vmem>>, vector<16xf32>,
      %swap3A_1320 = arith.index_cast %scan3A_1156 : i32 to index
      %swap3A_1321 = arith.constant 64 : index
      %swap3A_1322 = tpu.vector_load %arg9[%swap3A_1320, %swap3A_1321] {strides = array<i32>} : memref<512x128xf32, #tpu.memory_space<vmem>>, vector<16xf32>,
      tpu.vector_store %arg9[%swap3A_1320, %swap3A_1321], %add3A_1299 {strides = array<i32>} : memref<512x128xf32, #tpu.memory_space<vmem>>, vector<16xf32>,
      %swap3A_1323 = arith.index_cast %scan3A_1156 : i32 to index
      %swap3A_1324 = arith.constant 80 : index
      %swap3A_1325 = tpu.vector_load %arg9[%swap3A_1323, %swap3A_1324] {strides = array<i32>} : memref<512x128xf32, #tpu.memory_space<vmem>>, vector<16xf32>,
      tpu.vector_store %arg9[%swap3A_1323, %swap3A_1324], %add3A_1302 {strides = array<i32>} : memref<512x128xf32, #tpu.memory_space<vmem>>, vector<16xf32>,
      %swap3A_1326 = arith.index_cast %scan3A_1156 : i32 to index
      %swap3A_1327 = arith.constant 96 : index
      %swap3A_1328 = tpu.vector_load %arg9[%swap3A_1326, %swap3A_1327] {strides = array<i32>} : memref<512x128xf32, #tpu.memory_space<vmem>>, vector<16xf32>,
      tpu.vector_store %arg9[%swap3A_1326, %swap3A_1327], %add3A_1305 {strides = array<i32>} : memref<512x128xf32, #tpu.memory_space<vmem>>, vector<16xf32>,
      %swap3A_1329 = arith.index_cast %scan3A_1156 : i32 to index
      %swap3A_1330 = arith.constant 112 : index
      %swap3A_1331 = tpu.vector_load %arg9[%swap3A_1329, %swap3A_1330] {strides = array<i32>} : memref<512x128xf32, #tpu.memory_space<vmem>>, vector<16xf32>,
      tpu.vector_store %arg9[%swap3A_1329, %swap3A_1330], %add3A_1308 {strides = array<i32>} : memref<512x128xf32, #tpu.memory_space<vmem>>, vector<16xf32>,
      %scan3A_1332 = arith.constant 0 : i32
      scf.yield %scan3A_1332 : i32
    }
    %scan3A_748 = arith.constant 512 : i32
    %get3A_749 = arith.constant 20 : i32
    %get3A_750 = arith.index_cast %get3A_749 : i32 to index
    %get3A_751 = arith.constant 0 : index
    %get3A_752 = tpu.vector_load %arg8[%get3A_750, %get3A_751] {strides = array<i32>} : memref<32x128xi32, #tpu.memory_space<vmem>>, vector<16xi32>,
    %get3A_753 = arith.constant 20 : i32
    %get3A_754 = arith.index_cast %get3A_753 : i32 to index
    %get3A_755 = arith.constant 16 : index
    %get3A_756 = tpu.vector_load %arg8[%get3A_754, %get3A_755] {strides = array<i32>} : memref<32x128xi32, #tpu.memory_space<vmem>>, vector<16xi32>,
    %get3A_757 = arith.constant 20 : i32
    %get3A_758 = arith.index_cast %get3A_757 : i32 to index
    %get3A_759 = arith.constant 32 : index
    %get3A_760 = tpu.vector_load %arg8[%get3A_758, %get3A_759] {strides = array<i32>} : memref<32x128xi32, #tpu.memory_space<vmem>>, vector<16xi32>,
    %get3A_761 = arith.constant 20 : i32
    %get3A_762 = arith.index_cast %get3A_761 : i32 to index
    %get3A_763 = arith.constant 48 : index
    %get3A_764 = tpu.vector_load %arg8[%get3A_762, %get3A_763] {strides = array<i32>} : memref<32x128xi32, #tpu.memory_space<vmem>>, vector<16xi32>,
    %get3A_765 = arith.constant 20 : i32
    %get3A_766 = arith.index_cast %get3A_765 : i32 to index
    %get3A_767 = arith.constant 64 : index
    %get3A_768 = tpu.vector_load %arg8[%get3A_766, %get3A_767] {strides = array<i32>} : memref<32x128xi32, #tpu.memory_space<vmem>>, vector<16xi32>,
    %get3A_769 = arith.constant 20 : i32
    %get3A_770 = arith.index_cast %get3A_769 : i32 to index
    %get3A_771 = arith.constant 80 : index
    %get3A_772 = tpu.vector_load %arg8[%get3A_770, %get3A_771] {strides = array<i32>} : memref<32x128xi32, #tpu.memory_space<vmem>>, vector<16xi32>,
    %get3A_773 = arith.constant 20 : i32
    %get3A_774 = arith.index_cast %get3A_773 : i32 to index
    %get3A_775 = arith.constant 96 : index
    %get3A_776 = tpu.vector_load %arg8[%get3A_774, %get3A_775] {strides = array<i32>} : memref<32x128xi32, #tpu.memory_space<vmem>>, vector<16xi32>,
    %get3A_777 = arith.constant 20 : i32
    %get3A_778 = arith.index_cast %get3A_777 : i32 to index
    %get3A_779 = arith.constant 112 : index
    %get3A_780 = tpu.vector_load %arg8[%get3A_778, %get3A_779] {strides = array<i32>} : memref<32x128xi32, #tpu.memory_space<vmem>>, vector<16xi32>,
    %get3A_781 = arith.constant 21 : i32
    %get3A_782 = arith.index_cast %get3A_781 : i32 to index
    %get3A_783 = arith.constant 0 : index
    %get3A_784 = tpu.vector_load %arg8[%get3A_782, %get3A_783] {strides = array<i32>} : memref<32x128xi32, #tpu.memory_space<vmem>>, vector<16xi32>,
    %get3A_785 = arith.constant 21 : i32
    %get3A_786 = arith.index_cast %get3A_785 : i32 to index
    %get3A_787 = arith.constant 16 : index
    %get3A_788 = tpu.vector_load %arg8[%get3A_786, %get3A_787] {strides = array<i32>} : memref<32x128xi32, #tpu.memory_space<vmem>>, vector<16xi32>,
    %get3A_789 = arith.constant 21 : i32
    %get3A_790 = arith.index_cast %get3A_789 : i32 to index
    %get3A_791 = arith.constant 32 : index
    %get3A_792 = tpu.vector_load %arg8[%get3A_790, %get3A_791] {strides = array<i32>} : memref<32x128xi32, #tpu.memory_space<vmem>>, vector<16xi32>,
    %get3A_793 = arith.constant 21 : i32
    %get3A_794 = arith.index_cast %get3A_793 : i32 to index
    %get3A_795 = arith.constant 48 : index
    %get3A_796 = tpu.vector_load %arg8[%get3A_794, %get3A_795] {strides = array<i32>} : memref<32x128xi32, #tpu.memory_space<vmem>>, vector<16xi32>,
    %get3A_797 = arith.constant 21 : i32
    %get3A_798 = arith.index_cast %get3A_797 : i32 to index
    %get3A_799 = arith.constant 64 : index
    %get3A_800 = tpu.vector_load %arg8[%get3A_798, %get3A_799] {strides = array<i32>} : memref<32x128xi32, #tpu.memory_space<vmem>>, vector<16xi32>,
    %get3A_801 = arith.constant 21 : i32
    %get3A_802 = arith.index_cast %get3A_801 : i32 to index
    %get3A_803 = arith.constant 80 : index
    %get3A_804 = tpu.vector_load %arg8[%get3A_802, %get3A_803] {strides = array<i32>} : memref<32x128xi32, #tpu.memory_space<vmem>>, vector<16xi32>,
    %get3A_805 = arith.constant 21 : i32
    %get3A_806 = arith.index_cast %get3A_805 : i32 to index
    %get3A_807 = arith.constant 96 : index
    %get3A_808 = tpu.vector_load %arg8[%get3A_806, %get3A_807] {strides = array<i32>} : memref<32x128xi32, #tpu.memory_space<vmem>>, vector<16xi32>,
    %get3A_809 = arith.constant 21 : i32
    %get3A_810 = arith.index_cast %get3A_809 : i32 to index
    %get3A_811 = arith.constant 112 : index
    %get3A_812 = tpu.vector_load %arg8[%get3A_810, %get3A_811] {strides = array<i32>} : memref<32x128xi32, #tpu.memory_space<vmem>>, vector<16xi32>,
    %get3A_813 = arith.constant 22 : i32
    %get3A_814 = arith.index_cast %get3A_813 : i32 to index
    %get3A_815 = arith.constant 0 : index
    %get3A_816 = tpu.vector_load %arg8[%get3A_814, %get3A_815] {strides = array<i32>} : memref<32x128xi32, #tpu.memory_space<vmem>>, vector<16xi32>,
    %get3A_817 = arith.constant 22 : i32
    %get3A_818 = arith.index_cast %get3A_817 : i32 to index
    %get3A_819 = arith.constant 16 : index
    %get3A_820 = tpu.vector_load %arg8[%get3A_818, %get3A_819] {strides = array<i32>} : memref<32x128xi32, #tpu.memory_space<vmem>>, vector<16xi32>,
    %get3A_821 = arith.constant 22 : i32
    %get3A_822 = arith.index_cast %get3A_821 : i32 to index
    %get3A_823 = arith.constant 32 : index
    %get3A_824 = tpu.vector_load %arg8[%get3A_822, %get3A_823] {strides = array<i32>} : memref<32x128xi32, #tpu.memory_space<vmem>>, vector<16xi32>,
    %get3A_825 = arith.constant 22 : i32
    %get3A_826 = arith.index_cast %get3A_825 : i32 to index
    %get3A_827 = arith.constant 48 : index
    %get3A_828 = tpu.vector_load %arg8[%get3A_826, %get3A_827] {strides = array<i32>} : memref<32x128xi32, #tpu.memory_space<vmem>>, vector<16xi32>,
    %get3A_829 = arith.constant 22 : i32
    %get3A_830 = arith.index_cast %get3A_829 : i32 to index
    %get3A_831 = arith.constant 64 : index
    %get3A_832 = tpu.vector_load %arg8[%get3A_830, %get3A_831] {strides = array<i32>} : memref<32x128xi32, #tpu.memory_space<vmem>>, vector<16xi32>,
    %get3A_833 = arith.constant 22 : i32
    %get3A_834 = arith.index_cast %get3A_833 : i32 to index
    %get3A_835 = arith.constant 80 : index
    %get3A_836 = tpu.vector_load %arg8[%get3A_834, %get3A_835] {strides = array<i32>} : memref<32x128xi32, #tpu.memory_space<vmem>>, vector<16xi32>,
    %get3A_837 = arith.constant 22 : i32
    %get3A_838 = arith.index_cast %get3A_837 : i32 to index
    %get3A_839 = arith.constant 96 : index
    %get3A_840 = tpu.vector_load %arg8[%get3A_838, %get3A_839] {strides = array<i32>} : memref<32x128xi32, #tpu.memory_space<vmem>>, vector<16xi32>,
    %get3A_841 = arith.constant 22 : i32
    %get3A_842 = arith.index_cast %get3A_841 : i32 to index
    %get3A_843 = arith.constant 112 : index
    %get3A_844 = tpu.vector_load %arg8[%get3A_842, %get3A_843] {strides = array<i32>} : memref<32x128xi32, #tpu.memory_space<vmem>>, vector<16xi32>,
    %get3A_845 = arith.constant 23 : i32
    %get3A_846 = arith.index_cast %get3A_845 : i32 to index
    %get3A_847 = arith.constant 0 : index
    %get3A_848 = tpu.vector_load %arg8[%get3A_846, %get3A_847] {strides = array<i32>} : memref<32x128xi32, #tpu.memory_space<vmem>>, vector<16xi32>,
    %get3A_849 = arith.constant 23 : i32
    %get3A_850 = arith.index_cast %get3A_849 : i32 to index
    %get3A_851 = arith.constant 16 : index
    %get3A_852 = tpu.vector_load %arg8[%get3A_850, %get3A_851] {strides = array<i32>} : memref<32x128xi32, #tpu.memory_space<vmem>>, vector<16xi32>,
    %get3A_853 = arith.constant 23 : i32
    %get3A_854 = arith.index_cast %get3A_853 : i32 to index
    %get3A_855 = arith.constant 32 : index
    %get3A_856 = tpu.vector_load %arg8[%get3A_854, %get3A_855] {strides = array<i32>} : memref<32x128xi32, #tpu.memory_space<vmem>>, vector<16xi32>,
    %get3A_857 = arith.constant 23 : i32
    %get3A_858 = arith.index_cast %get3A_857 : i32 to index
    %get3A_859 = arith.constant 48 : index
    %get3A_860 = tpu.vector_load %arg8[%get3A_858, %get3A_859] {strides = array<i32>} : memref<32x128xi32, #tpu.memory_space<vmem>>, vector<16xi32>,
    %get3A_861 = arith.constant 23 : i32
    %get3A_862 = arith.index_cast %get3A_861 : i32 to index
    %get3A_863 = arith.constant 64 : index
    %get3A_864 = tpu.vector_load %arg8[%get3A_862, %get3A_863] {strides = array<i32>} : memref<32x128xi32, #tpu.memory_space<vmem>>, vector<16xi32>,
    %get3A_865 = arith.constant 23 : i32
    %get3A_866 = arith.index_cast %get3A_865 : i32 to index
    %get3A_867 = arith.constant 80 : index
    %get3A_868 = tpu.vector_load %arg8[%get3A_866, %get3A_867] {strides = array<i32>} : memref<32x128xi32, #tpu.memory_space<vmem>>, vector<16xi32>,
    %get3A_869 = arith.constant 23 : i32
    %get3A_870 = arith.index_cast %get3A_869 : i32 to index
    %get3A_871 = arith.constant 96 : index
    %get3A_872 = tpu.vector_load %arg8[%get3A_870, %get3A_871] {strides = array<i32>} : memref<32x128xi32, #tpu.memory_space<vmem>>, vector<16xi32>,
    %get3A_873 = arith.constant 23 : i32
    %get3A_874 = arith.index_cast %get3A_873 : i32 to index
    %get3A_875 = arith.constant 112 : index
    %get3A_876 = tpu.vector_load %arg8[%get3A_874, %get3A_875] {strides = array<i32>} : memref<32x128xi32, #tpu.memory_space<vmem>>, vector<16xi32>,
    %scan3A_877 = arith.constant 0 : i32
    %scan3A_878 = arith.constant 0 : i32
    %scan3A_879 = arith.constant 512 : i32
    %scan3A_880 = arith.addi %scan3A_878, %scan3A_879 : i32
    %scan3A_881 = arith.constant 1 : i32
    %scan3A_882 = scf.for %scan3A_1156 = %scan3A_878 to %scan3A_880 step %scan3A_881 iter_args(%scan3A_1157 = %scan3A_877) -> (i32)  : i32 {
      %get3A_1158 = arith.index_cast %scan3A_1156 : i32 to index
      %get3A_1159 = arith.constant 0 : index
      %get3A_1160 = tpu.vector_load %arg9[%get3A_1158, %get3A_1159] {strides = array<i32>} : memref<512x128xf32, #tpu.memory_space<vmem>>, vector<16xf32>,
      %get3A_1161 = arith.index_cast %scan3A_1156 : i32 to index
      %get3A_1162 = arith.constant 16 : index
      %get3A_1163 = tpu.vector_load %arg9[%get3A_1161, %get3A_1162] {strides = array<i32>} : memref<512x128xf32, #tpu.memory_space<vmem>>, vector<16xf32>,
      %get3A_1164 = arith.index_cast %scan3A_1156 : i32 to index
      %get3A_1165 = arith.constant 32 : index
      %get3A_1166 = tpu.vector_load %arg9[%get3A_1164, %get3A_1165] {strides = array<i32>} : memref<512x128xf32, #tpu.memory_space<vmem>>, vector<16xf32>,
      %get3A_1167 = arith.index_cast %scan3A_1156 : i32 to index
      %get3A_1168 = arith.constant 48 : index
      %get3A_1169 = tpu.vector_load %arg9[%get3A_1167, %get3A_1168] {strides = array<i32>} : memref<512x128xf32, #tpu.memory_space<vmem>>, vector<16xf32>,
      %get3A_1170 = arith.index_cast %scan3A_1156 : i32 to index
      %get3A_1171 = arith.constant 64 : index
      %get3A_1172 = tpu.vector_load %arg9[%get3A_1170, %get3A_1171] {strides = array<i32>} : memref<512x128xf32, #tpu.memory_space<vmem>>, vector<16xf32>,
      %get3A_1173 = arith.index_cast %scan3A_1156 : i32 to index
      %get3A_1174 = arith.constant 80 : index
      %get3A_1175 = tpu.vector_load %arg9[%get3A_1173, %get3A_1174] {strides = array<i32>} : memref<512x128xf32, #tpu.memory_space<vmem>>, vector<16xf32>,
      %get3A_1176 = arith.index_cast %scan3A_1156 : i32 to index
      %get3A_1177 = arith.constant 96 : index
      %get3A_1178 = tpu.vector_load %arg9[%get3A_1176, %get3A_1177] {strides = array<i32>} : memref<512x128xf32, #tpu.memory_space<vmem>>, vector<16xf32>,
      %get3A_1179 = arith.index_cast %scan3A_1156 : i32 to index
      %get3A_1180 = arith.constant 112 : index
      %get3A_1181 = tpu.vector_load %arg9[%get3A_1179, %get3A_1180] {strides = array<i32>} : memref<512x128xf32, #tpu.memory_space<vmem>>, vector<16xf32>,
      %mul3A_1182 = arith.constant 32 : i32
      %mul3A_1183 = arith.muli %scan3A_1156, %mul3A_1182 : i32
      %add3A_1184 = arith.constant 20 : i32
      %add3A_1185 = arith.addi %mul3A_1183, %add3A_1184 : i32
      %add3A_1186 = arith.constant 0 : i32
      %add3A_1187 = arith.addi %add3A_1185, %add3A_1186 : i32
      %broadcast_in_dim3A_1188 = vector.broadcast %add3A_1187 : i32 to vector<16xi32>
      %gather3A = tpu.vector_load_idx %arg6[%broadcast_in_dim3A_1188] : memref<16384xi32, #tpu.memory_space<vmem>>[vector<16xi32>], vector<16xi32>,
      %add3A_1189 = arith.addi %gather3A, %get3A_752 : vector<16xi32>
      %gather3A_1190 = tpu.vector_load_idx %arg7[%add3A_1189, %add3A_46] : memref<300x128xf32, #tpu.memory_space<vmem>>[vector<16xi32>, vector<16xi32>], vector<16xf32>,
      %add3A_1191 = arith.addf %get3A_1160, %gather3A_1190 : vector<16xf32>
      %add3A_1192 = arith.addi %gather3A, %get3A_756 : vector<16xi32>
      %gather3A_1193 = tpu.vector_load_idx %arg7[%add3A_1192, %add3A_50] : memref<300x128xf32, #tpu.memory_space<vmem>>[vector<16xi32>, vector<16xi32>], vector<16xf32>,
      %add3A_1194 = arith.addf %get3A_1163, %gather3A_1193 : vector<16xf32>
      %add3A_1195 = arith.addi %gather3A, %get3A_760 : vector<16xi32>
      %gather3A_1196 = tpu.vector_load_idx %arg7[%add3A_1195, %add3A_54] : memref<300x128xf32, #tpu.memory_space<vmem>>[vector<16xi32>, vector<16xi32>], vector<16xf32>,
      %add3A_1197 = arith.addf %get3A_1166, %gather3A_1196 : vector<16xf32>
      %add3A_1198 = arith.addi %gather3A, %get3A_764 : vector<16xi32>
      %gather3A_1199 = tpu.vector_load_idx %arg7[%add3A_1198, %add3A_58] : memref<300x128xf32, #tpu.memory_space<vmem>>[vector<16xi32>, vector<16xi32>], vector<16xf32>,
      %add3A_1200 = arith.addf %get3A_1169, %gather3A_1199 : vector<16xf32>
      %add3A_1201 = arith.addi %gather3A, %get3A_768 : vector<16xi32>
      %gather3A_1202 = tpu.vector_load_idx %arg7[%add3A_1201, %add3A_62] : memref<300x128xf32, #tpu.memory_space<vmem>>[vector<16xi32>, vector<16xi32>], vector<16xf32>,
      %add3A_1203 = arith.addf %get3A_1172, %gather3A_1202 : vector<16xf32>
      %add3A_1204 = arith.addi %gather3A, %get3A_772 : vector<16xi32>
      %gather3A_1205 = tpu.vector_load_idx %arg7[%add3A_1204, %add3A_66] : memref<300x128xf32, #tpu.memory_space<vmem>>[vector<16xi32>, vector<16xi32>], vector<16xf32>,
      %add3A_1206 = arith.addf %get3A_1175, %gather3A_1205 : vector<16xf32>
      %add3A_1207 = arith.addi %gather3A, %get3A_776 : vector<16xi32>
      %gather3A_1208 = tpu.vector_load_idx %arg7[%add3A_1207, %add3A_70] : memref<300x128xf32, #tpu.memory_space<vmem>>[vector<16xi32>, vector<16xi32>], vector<16xf32>,
      %add3A_1209 = arith.addf %get3A_1178, %gather3A_1208 : vector<16xf32>
      %add3A_1210 = arith.addi %gather3A, %get3A_780 : vector<16xi32>
      %gather3A_1211 = tpu.vector_load_idx %arg7[%add3A_1210, %add3A_74] : memref<300x128xf32, #tpu.memory_space<vmem>>[vector<16xi32>, vector<16xi32>], vector<16xf32>,
      %add3A_1212 = arith.addf %get3A_1181, %gather3A_1211 : vector<16xf32>
      %mul3A_1213 = arith.constant 32 : i32
      %mul3A_1214 = arith.muli %scan3A_1156, %mul3A_1213 : i32
      %add3A_1215 = arith.constant 20 : i32
      %add3A_1216 = arith.addi %mul3A_1214, %add3A_1215 : i32
      %add3A_1217 = arith.constant 1 : i32
      %add3A_1218 = arith.addi %add3A_1216, %add3A_1217 : i32
      %broadcast_in_dim3A_1219 = vector.broadcast %add3A_1218 : i32 to vector<16xi32>
      %gather3A_1220 = tpu.vector_load_idx %arg6[%broadcast_in_dim3A_1219] : memref<16384xi32, #tpu.memory_space<vmem>>[vector<16xi32>], vector<16xi32>,
      %add3A_1221 = arith.addi %gather3A_1220, %get3A_784 : vector<16xi32>
      %gather3A_1222 = tpu.vector_load_idx %arg7[%add3A_1221, %add3A_46] : memref<300x128xf32, #tpu.memory_space<vmem>>[vector<16xi32>, vector<16xi32>], vector<16xf32>,
      %add3A_1223 = arith.addf %add3A_1191, %gather3A_1222 : vector<16xf32>
      %add3A_1224 = arith.addi %gather3A_1220, %get3A_788 : vector<16xi32>
      %gather3A_1225 = tpu.vector_load_idx %arg7[%add3A_1224, %add3A_50] : memref<300x128xf32, #tpu.memory_space<vmem>>[vector<16xi32>, vector<16xi32>], vector<16xf32>,
      %add3A_1226 = arith.addf %add3A_1194, %gather3A_1225 : vector<16xf32>
      %add3A_1227 = arith.addi %gather3A_1220, %get3A_792 : vector<16xi32>
      %gather3A_1228 = tpu.vector_load_idx %arg7[%add3A_1227, %add3A_54] : memref<300x128xf32, #tpu.memory_space<vmem>>[vector<16xi32>, vector<16xi32>], vector<16xf32>,
      %add3A_1229 = arith.addf %add3A_1197, %gather3A_1228 : vector<16xf32>
      %add3A_1230 = arith.addi %gather3A_1220, %get3A_796 : vector<16xi32>
      %gather3A_1231 = tpu.vector_load_idx %arg7[%add3A_1230, %add3A_58] : memref<300x128xf32, #tpu.memory_space<vmem>>[vector<16xi32>, vector<16xi32>], vector<16xf32>,
      %add3A_1232 = arith.addf %add3A_1200, %gather3A_1231 : vector<16xf32>
      %add3A_1233 = arith.addi %gather3A_1220, %get3A_800 : vector<16xi32>
      %gather3A_1234 = tpu.vector_load_idx %arg7[%add3A_1233, %add3A_62] : memref<300x128xf32, #tpu.memory_space<vmem>>[vector<16xi32>, vector<16xi32>], vector<16xf32>,
      %add3A_1235 = arith.addf %add3A_1203, %gather3A_1234 : vector<16xf32>
      %add3A_1236 = arith.addi %gather3A_1220, %get3A_804 : vector<16xi32>
      %gather3A_1237 = tpu.vector_load_idx %arg7[%add3A_1236, %add3A_66] : memref<300x128xf32, #tpu.memory_space<vmem>>[vector<16xi32>, vector<16xi32>], vector<16xf32>,
      %add3A_1238 = arith.addf %add3A_1206, %gather3A_1237 : vector<16xf32>
      %add3A_1239 = arith.addi %gather3A_1220, %get3A_808 : vector<16xi32>
      %gather3A_1240 = tpu.vector_load_idx %arg7[%add3A_1239, %add3A_70] : memref<300x128xf32, #tpu.memory_space<vmem>>[vector<16xi32>, vector<16xi32>], vector<16xf32>,
      %add3A_1241 = arith.addf %add3A_1209, %gather3A_1240 : vector<16xf32>
      %add3A_1242 = arith.addi %gather3A_1220, %get3A_812 : vector<16xi32>
      %gather3A_1243 = tpu.vector_load_idx %arg7[%add3A_1242, %add3A_74] : memref<300x128xf32, #tpu.memory_space<vmem>>[vector<16xi32>, vector<16xi32>], vector<16xf32>,
      %add3A_1244 = arith.addf %add3A_1212, %gather3A_1243 : vector<16xf32>
      %mul3A_1245 = arith.constant 32 : i32
      %mul3A_1246 = arith.muli %scan3A_1156, %mul3A_1245 : i32
      %add3A_1247 = arith.constant 20 : i32
      %add3A_1248 = arith.addi %mul3A_1246, %add3A_1247 : i32
      %add3A_1249 = arith.constant 2 : i32
      %add3A_1250 = arith.addi %add3A_1248, %add3A_1249 : i32
      %broadcast_in_dim3A_1251 = vector.broadcast %add3A_1250 : i32 to vector<16xi32>
      %gather3A_1252 = tpu.vector_load_idx %arg6[%broadcast_in_dim3A_1251] : memref<16384xi32, #tpu.memory_space<vmem>>[vector<16xi32>], vector<16xi32>,
      %add3A_1253 = arith.addi %gather3A_1252, %get3A_816 : vector<16xi32>
      %gather3A_1254 = tpu.vector_load_idx %arg7[%add3A_1253, %add3A_46] : memref<300x128xf32, #tpu.memory_space<vmem>>[vector<16xi32>, vector<16xi32>], vector<16xf32>,
      %add3A_1255 = arith.addf %add3A_1223, %gather3A_1254 : vector<16xf32>
      %add3A_1256 = arith.addi %gather3A_1252, %get3A_820 : vector<16xi32>
      %gather3A_1257 = tpu.vector_load_idx %arg7[%add3A_1256, %add3A_50] : memref<300x128xf32, #tpu.memory_space<vmem>>[vector<16xi32>, vector<16xi32>], vector<16xf32>,
      %add3A_1258 = arith.addf %add3A_1226, %gather3A_1257 : vector<16xf32>
      %add3A_1259 = arith.addi %gather3A_1252, %get3A_824 : vector<16xi32>
      %gather3A_1260 = tpu.vector_load_idx %arg7[%add3A_1259, %add3A_54] : memref<300x128xf32, #tpu.memory_space<vmem>>[vector<16xi32>, vector<16xi32>], vector<16xf32>,
      %add3A_1261 = arith.addf %add3A_1229, %gather3A_1260 : vector<16xf32>
      %add3A_1262 = arith.addi %gather3A_1252, %get3A_828 : vector<16xi32>
      %gather3A_1263 = tpu.vector_load_idx %arg7[%add3A_1262, %add3A_58] : memref<300x128xf32, #tpu.memory_space<vmem>>[vector<16xi32>, vector<16xi32>], vector<16xf32>,
      %add3A_1264 = arith.addf %add3A_1232, %gather3A_1263 : vector<16xf32>
      %add3A_1265 = arith.addi %gather3A_1252, %get3A_832 : vector<16xi32>
      %gather3A_1266 = tpu.vector_load_idx %arg7[%add3A_1265, %add3A_62] : memref<300x128xf32, #tpu.memory_space<vmem>>[vector<16xi32>, vector<16xi32>], vector<16xf32>,
      %add3A_1267 = arith.addf %add3A_1235, %gather3A_1266 : vector<16xf32>
      %add3A_1268 = arith.addi %gather3A_1252, %get3A_836 : vector<16xi32>
      %gather3A_1269 = tpu.vector_load_idx %arg7[%add3A_1268, %add3A_66] : memref<300x128xf32, #tpu.memory_space<vmem>>[vector<16xi32>, vector<16xi32>], vector<16xf32>,
      %add3A_1270 = arith.addf %add3A_1238, %gather3A_1269 : vector<16xf32>
      %add3A_1271 = arith.addi %gather3A_1252, %get3A_840 : vector<16xi32>
      %gather3A_1272 = tpu.vector_load_idx %arg7[%add3A_1271, %add3A_70] : memref<300x128xf32, #tpu.memory_space<vmem>>[vector<16xi32>, vector<16xi32>], vector<16xf32>,
      %add3A_1273 = arith.addf %add3A_1241, %gather3A_1272 : vector<16xf32>
      %add3A_1274 = arith.addi %gather3A_1252, %get3A_844 : vector<16xi32>
      %gather3A_1275 = tpu.vector_load_idx %arg7[%add3A_1274, %add3A_74] : memref<300x128xf32, #tpu.memory_space<vmem>>[vector<16xi32>, vector<16xi32>], vector<16xf32>,
      %add3A_1276 = arith.addf %add3A_1244, %gather3A_1275 : vector<16xf32>
      %mul3A_1277 = arith.constant 32 : i32
      %mul3A_1278 = arith.muli %scan3A_1156, %mul3A_1277 : i32
      %add3A_1279 = arith.constant 20 : i32
      %add3A_1280 = arith.addi %mul3A_1278, %add3A_1279 : i32
      %add3A_1281 = arith.constant 3 : i32
      %add3A_1282 = arith.addi %add3A_1280, %add3A_1281 : i32
      %broadcast_in_dim3A_1283 = vector.broadcast %add3A_1282 : i32 to vector<16xi32>
      %gather3A_1284 = tpu.vector_load_idx %arg6[%broadcast_in_dim3A_1283] : memref<16384xi32, #tpu.memory_space<vmem>>[vector<16xi32>], vector<16xi32>,
      %add3A_1285 = arith.addi %gather3A_1284, %get3A_848 : vector<16xi32>
      %gather3A_1286 = tpu.vector_load_idx %arg7[%add3A_1285, %add3A_46] : memref<300x128xf32, #tpu.memory_space<vmem>>[vector<16xi32>, vector<16xi32>], vector<16xf32>,
      %add3A_1287 = arith.addf %add3A_1255, %gather3A_1286 : vector<16xf32>
      %add3A_1288 = arith.addi %gather3A_1284, %get3A_852 : vector<16xi32>
      %gather3A_1289 = tpu.vector_load_idx %arg7[%add3A_1288, %add3A_50] : memref<300x128xf32, #tpu.memory_space<vmem>>[vector<16xi32>, vector<16xi32>], vector<16xf32>,
      %add3A_1290 = arith.addf %add3A_1258, %gather3A_1289 : vector<16xf32>
      %add3A_1291 = arith.addi %gather3A_1284, %get3A_856 : vector<16xi32>
      %gather3A_1292 = tpu.vector_load_idx %arg7[%add3A_1291, %add3A_54] : memref<300x128xf32, #tpu.memory_space<vmem>>[vector<16xi32>, vector<16xi32>], vector<16xf32>,
      %add3A_1293 = arith.addf %add3A_1261, %gather3A_1292 : vector<16xf32>
      %add3A_1294 = arith.addi %gather3A_1284, %get3A_860 : vector<16xi32>
      %gather3A_1295 = tpu.vector_load_idx %arg7[%add3A_1294, %add3A_58] : memref<300x128xf32, #tpu.memory_space<vmem>>[vector<16xi32>, vector<16xi32>], vector<16xf32>,
      %add3A_1296 = arith.addf %add3A_1264, %gather3A_1295 : vector<16xf32>
      %add3A_1297 = arith.addi %gather3A_1284, %get3A_864 : vector<16xi32>
      %gather3A_1298 = tpu.vector_load_idx %arg7[%add3A_1297, %add3A_62] : memref<300x128xf32, #tpu.memory_space<vmem>>[vector<16xi32>, vector<16xi32>], vector<16xf32>,
      %add3A_1299 = arith.addf %add3A_1267, %gather3A_1298 : vector<16xf32>
      %add3A_1300 = arith.addi %gather3A_1284, %get3A_868 : vector<16xi32>
      %gather3A_1301 = tpu.vector_load_idx %arg7[%add3A_1300, %add3A_66] : memref<300x128xf32, #tpu.memory_space<vmem>>[vector<16xi32>, vector<16xi32>], vector<16xf32>,
      %add3A_1302 = arith.addf %add3A_1270, %gather3A_1301 : vector<16xf32>
      %add3A_1303 = arith.addi %gather3A_1284, %get3A_872 : vector<16xi32>
      %gather3A_1304 = tpu.vector_load_idx %arg7[%add3A_1303, %add3A_70] : memref<300x128xf32, #tpu.memory_space<vmem>>[vector<16xi32>, vector<16xi32>], vector<16xf32>,
      %add3A_1305 = arith.addf %add3A_1273, %gather3A_1304 : vector<16xf32>
      %add3A_1306 = arith.addi %gather3A_1284, %get3A_876 : vector<16xi32>
      %gather3A_1307 = tpu.vector_load_idx %arg7[%add3A_1306, %add3A_74] : memref<300x128xf32, #tpu.memory_space<vmem>>[vector<16xi32>, vector<16xi32>], vector<16xf32>,
      %add3A_1308 = arith.addf %add3A_1276, %gather3A_1307 : vector<16xf32>
      %swap3A = arith.index_cast %scan3A_1156 : i32 to index
      %swap3A_1309 = arith.constant 0 : index
      %swap3A_1310 = tpu.vector_load %arg9[%swap3A, %swap3A_1309] {strides = array<i32>} : memref<512x128xf32, #tpu.memory_space<vmem>>, vector<16xf32>,
      tpu.vector_store %arg9[%swap3A, %swap3A_1309], %add3A_1287 {strides = array<i32>} : memref<512x128xf32, #tpu.memory_space<vmem>>, vector<16xf32>,
      %swap3A_1311 = arith.index_cast %scan3A_1156 : i32 to index
      %swap3A_1312 = arith.constant 16 : index
      %swap3A_1313 = tpu.vector_load %arg9[%swap3A_1311, %swap3A_1312] {strides = array<i32>} : memref<512x128xf32, #tpu.memory_space<vmem>>, vector<16xf32>,
      tpu.vector_store %arg9[%swap3A_1311, %swap3A_1312], %add3A_1290 {strides = array<i32>} : memref<512x128xf32, #tpu.memory_space<vmem>>, vector<16xf32>,
      %swap3A_1314 = arith.index_cast %scan3A_1156 : i32 to index
      %swap3A_1315 = arith.constant 32 : index
      %swap3A_1316 = tpu.vector_load %arg9[%swap3A_1314, %swap3A_1315] {strides = array<i32>} : memref<512x128xf32, #tpu.memory_space<vmem>>, vector<16xf32>,
      tpu.vector_store %arg9[%swap3A_1314, %swap3A_1315], %add3A_1293 {strides = array<i32>} : memref<512x128xf32, #tpu.memory_space<vmem>>, vector<16xf32>,
      %swap3A_1317 = arith.index_cast %scan3A_1156 : i32 to index
      %swap3A_1318 = arith.constant 48 : index
      %swap3A_1319 = tpu.vector_load %arg9[%swap3A_1317, %swap3A_1318] {strides = array<i32>} : memref<512x128xf32, #tpu.memory_space<vmem>>, vector<16xf32>,
      tpu.vector_store %arg9[%swap3A_1317, %swap3A_1318], %add3A_1296 {strides = array<i32>} : memref<512x128xf32, #tpu.memory_space<vmem>>, vector<16xf32>,
      %swap3A_1320 = arith.index_cast %scan3A_1156 : i32 to index
      %swap3A_1321 = arith.constant 64 : index
      %swap3A_1322 = tpu.vector_load %arg9[%swap3A_1320, %swap3A_1321] {strides = array<i32>} : memref<512x128xf32, #tpu.memory_space<vmem>>, vector<16xf32>,
      tpu.vector_store %arg9[%swap3A_1320, %swap3A_1321], %add3A_1299 {strides = array<i32>} : memref<512x128xf32, #tpu.memory_space<vmem>>, vector<16xf32>,
      %swap3A_1323 = arith.index_cast %scan3A_1156 : i32 to index
      %swap3A_1324 = arith.constant 80 : index
      %swap3A_1325 = tpu.vector_load %arg9[%swap3A_1323, %swap3A_1324] {strides = array<i32>} : memref<512x128xf32, #tpu.memory_space<vmem>>, vector<16xf32>,
      tpu.vector_store %arg9[%swap3A_1323, %swap3A_1324], %add3A_1302 {strides = array<i32>} : memref<512x128xf32, #tpu.memory_space<vmem>>, vector<16xf32>,
      %swap3A_1326 = arith.index_cast %scan3A_1156 : i32 to index
      %swap3A_1327 = arith.constant 96 : index
      %swap3A_1328 = tpu.vector_load %arg9[%swap3A_1326, %swap3A_1327] {strides = array<i32>} : memref<512x128xf32, #tpu.memory_space<vmem>>, vector<16xf32>,
      tpu.vector_store %arg9[%swap3A_1326, %swap3A_1327], %add3A_1305 {strides = array<i32>} : memref<512x128xf32, #tpu.memory_space<vmem>>, vector<16xf32>,
      %swap3A_1329 = arith.index_cast %scan3A_1156 : i32 to index
      %swap3A_1330 = arith.constant 112 : index
      %swap3A_1331 = tpu.vector_load %arg9[%swap3A_1329, %swap3A_1330] {strides = array<i32>} : memref<512x128xf32, #tpu.memory_space<vmem>>, vector<16xf32>,
      tpu.vector_store %arg9[%swap3A_1329, %swap3A_1330], %add3A_1308 {strides = array<i32>} : memref<512x128xf32, #tpu.memory_space<vmem>>, vector<16xf32>,
      %scan3A_1332 = arith.constant 0 : i32
      scf.yield %scan3A_1332 : i32
    }
    %scan3A_883 = arith.constant 512 : i32
    %get3A_884 = arith.constant 24 : i32
    %get3A_885 = arith.index_cast %get3A_884 : i32 to index
    %get3A_886 = arith.constant 0 : index
    %get3A_887 = tpu.vector_load %arg8[%get3A_885, %get3A_886] {strides = array<i32>} : memref<32x128xi32, #tpu.memory_space<vmem>>, vector<16xi32>,
    %get3A_888 = arith.constant 24 : i32
    %get3A_889 = arith.index_cast %get3A_888 : i32 to index
    %get3A_890 = arith.constant 16 : index
    %get3A_891 = tpu.vector_load %arg8[%get3A_889, %get3A_890] {strides = array<i32>} : memref<32x128xi32, #tpu.memory_space<vmem>>, vector<16xi32>,
    %get3A_892 = arith.constant 24 : i32
    %get3A_893 = arith.index_cast %get3A_892 : i32 to index
    %get3A_894 = arith.constant 32 : index
    %get3A_895 = tpu.vector_load %arg8[%get3A_893, %get3A_894] {strides = array<i32>} : memref<32x128xi32, #tpu.memory_space<vmem>>, vector<16xi32>,
    %get3A_896 = arith.constant 24 : i32
    %get3A_897 = arith.index_cast %get3A_896 : i32 to index
    %get3A_898 = arith.constant 48 : index
    %get3A_899 = tpu.vector_load %arg8[%get3A_897, %get3A_898] {strides = array<i32>} : memref<32x128xi32, #tpu.memory_space<vmem>>, vector<16xi32>,
    %get3A_900 = arith.constant 24 : i32
    %get3A_901 = arith.index_cast %get3A_900 : i32 to index
    %get3A_902 = arith.constant 64 : index
    %get3A_903 = tpu.vector_load %arg8[%get3A_901, %get3A_902] {strides = array<i32>} : memref<32x128xi32, #tpu.memory_space<vmem>>, vector<16xi32>,
    %get3A_904 = arith.constant 24 : i32
    %get3A_905 = arith.index_cast %get3A_904 : i32 to index
    %get3A_906 = arith.constant 80 : index
    %get3A_907 = tpu.vector_load %arg8[%get3A_905, %get3A_906] {strides = array<i32>} : memref<32x128xi32, #tpu.memory_space<vmem>>, vector<16xi32>,
    %get3A_908 = arith.constant 24 : i32
    %get3A_909 = arith.index_cast %get3A_908 : i32 to index
    %get3A_910 = arith.constant 96 : index
    %get3A_911 = tpu.vector_load %arg8[%get3A_909, %get3A_910] {strides = array<i32>} : memref<32x128xi32, #tpu.memory_space<vmem>>, vector<16xi32>,
    %get3A_912 = arith.constant 24 : i32
    %get3A_913 = arith.index_cast %get3A_912 : i32 to index
    %get3A_914 = arith.constant 112 : index
    %get3A_915 = tpu.vector_load %arg8[%get3A_913, %get3A_914] {strides = array<i32>} : memref<32x128xi32, #tpu.memory_space<vmem>>, vector<16xi32>,
    %get3A_916 = arith.constant 25 : i32
    %get3A_917 = arith.index_cast %get3A_916 : i32 to index
    %get3A_918 = arith.constant 0 : index
    %get3A_919 = tpu.vector_load %arg8[%get3A_917, %get3A_918] {strides = array<i32>} : memref<32x128xi32, #tpu.memory_space<vmem>>, vector<16xi32>,
    %get3A_920 = arith.constant 25 : i32
    %get3A_921 = arith.index_cast %get3A_920 : i32 to index
    %get3A_922 = arith.constant 16 : index
    %get3A_923 = tpu.vector_load %arg8[%get3A_921, %get3A_922] {strides = array<i32>} : memref<32x128xi32, #tpu.memory_space<vmem>>, vector<16xi32>,
    %get3A_924 = arith.constant 25 : i32
    %get3A_925 = arith.index_cast %get3A_924 : i32 to index
    %get3A_926 = arith.constant 32 : index
    %get3A_927 = tpu.vector_load %arg8[%get3A_925, %get3A_926] {strides = array<i32>} : memref<32x128xi32, #tpu.memory_space<vmem>>, vector<16xi32>,
    %get3A_928 = arith.constant 25 : i32
    %get3A_929 = arith.index_cast %get3A_928 : i32 to index
    %get3A_930 = arith.constant 48 : index
    %get3A_931 = tpu.vector_load %arg8[%get3A_929, %get3A_930] {strides = array<i32>} : memref<32x128xi32, #tpu.memory_space<vmem>>, vector<16xi32>,
    %get3A_932 = arith.constant 25 : i32
    %get3A_933 = arith.index_cast %get3A_932 : i32 to index
    %get3A_934 = arith.constant 64 : index
    %get3A_935 = tpu.vector_load %arg8[%get3A_933, %get3A_934] {strides = array<i32>} : memref<32x128xi32, #tpu.memory_space<vmem>>, vector<16xi32>,
    %get3A_936 = arith.constant 25 : i32
    %get3A_937 = arith.index_cast %get3A_936 : i32 to index
    %get3A_938 = arith.constant 80 : index
    %get3A_939 = tpu.vector_load %arg8[%get3A_937, %get3A_938] {strides = array<i32>} : memref<32x128xi32, #tpu.memory_space<vmem>>, vector<16xi32>,
    %get3A_940 = arith.constant 25 : i32
    %get3A_941 = arith.index_cast %get3A_940 : i32 to index
    %get3A_942 = arith.constant 96 : index
    %get3A_943 = tpu.vector_load %arg8[%get3A_941, %get3A_942] {strides = array<i32>} : memref<32x128xi32, #tpu.memory_space<vmem>>, vector<16xi32>,
    %get3A_944 = arith.constant 25 : i32
    %get3A_945 = arith.index_cast %get3A_944 : i32 to index
    %get3A_946 = arith.constant 112 : index
    %get3A_947 = tpu.vector_load %arg8[%get3A_945, %get3A_946] {strides = array<i32>} : memref<32x128xi32, #tpu.memory_space<vmem>>, vector<16xi32>,
    %get3A_948 = arith.constant 26 : i32
    %get3A_949 = arith.index_cast %get3A_948 : i32 to index
    %get3A_950 = arith.constant 0 : index
    %get3A_951 = tpu.vector_load %arg8[%get3A_949, %get3A_950] {strides = array<i32>} : memref<32x128xi32, #tpu.memory_space<vmem>>, vector<16xi32>,
    %get3A_952 = arith.constant 26 : i32
    %get3A_953 = arith.index_cast %get3A_952 : i32 to index
    %get3A_954 = arith.constant 16 : index
    %get3A_955 = tpu.vector_load %arg8[%get3A_953, %get3A_954] {strides = array<i32>} : memref<32x128xi32, #tpu.memory_space<vmem>>, vector<16xi32>,
    %get3A_956 = arith.constant 26 : i32
    %get3A_957 = arith.index_cast %get3A_956 : i32 to index
    %get3A_958 = arith.constant 32 : index
    %get3A_959 = tpu.vector_load %arg8[%get3A_957, %get3A_958] {strides = array<i32>} : memref<32x128xi32, #tpu.memory_space<vmem>>, vector<16xi32>,
    %get3A_960 = arith.constant 26 : i32
    %get3A_961 = arith.index_cast %get3A_960 : i32 to index
    %get3A_962 = arith.constant 48 : index
    %get3A_963 = tpu.vector_load %arg8[%get3A_961, %get3A_962] {strides = array<i32>} : memref<32x128xi32, #tpu.memory_space<vmem>>, vector<16xi32>,
    %get3A_964 = arith.constant 26 : i32
    %get3A_965 = arith.index_cast %get3A_964 : i32 to index
    %get3A_966 = arith.constant 64 : index
    %get3A_967 = tpu.vector_load %arg8[%get3A_965, %get3A_966] {strides = array<i32>} : memref<32x128xi32, #tpu.memory_space<vmem>>, vector<16xi32>,
    %get3A_968 = arith.constant 26 : i32
    %get3A_969 = arith.index_cast %get3A_968 : i32 to index
    %get3A_970 = arith.constant 80 : index
    %get3A_971 = tpu.vector_load %arg8[%get3A_969, %get3A_970] {strides = array<i32>} : memref<32x128xi32, #tpu.memory_space<vmem>>, vector<16xi32>,
    %get3A_972 = arith.constant 26 : i32
    %get3A_973 = arith.index_cast %get3A_972 : i32 to index
    %get3A_974 = arith.constant 96 : index
    %get3A_975 = tpu.vector_load %arg8[%get3A_973, %get3A_974] {strides = array<i32>} : memref<32x128xi32, #tpu.memory_space<vmem>>, vector<16xi32>,
    %get3A_976 = arith.constant 26 : i32
    %get3A_977 = arith.index_cast %get3A_976 : i32 to index
    %get3A_978 = arith.constant 112 : index
    %get3A_979 = tpu.vector_load %arg8[%get3A_977, %get3A_978] {strides = array<i32>} : memref<32x128xi32, #tpu.memory_space<vmem>>, vector<16xi32>,
    %get3A_980 = arith.constant 27 : i32
    %get3A_981 = arith.index_cast %get3A_980 : i32 to index
    %get3A_982 = arith.constant 0 : index
    %get3A_983 = tpu.vector_load %arg8[%get3A_981, %get3A_982] {strides = array<i32>} : memref<32x128xi32, #tpu.memory_space<vmem>>, vector<16xi32>,
    %get3A_984 = arith.constant 27 : i32
    %get3A_985 = arith.index_cast %get3A_984 : i32 to index
    %get3A_986 = arith.constant 16 : index
    %get3A_987 = tpu.vector_load %arg8[%get3A_985, %get3A_986] {strides = array<i32>} : memref<32x128xi32, #tpu.memory_space<vmem>>, vector<16xi32>,
    %get3A_988 = arith.constant 27 : i32
    %get3A_989 = arith.index_cast %get3A_988 : i32 to index
    %get3A_990 = arith.constant 32 : index
    %get3A_991 = tpu.vector_load %arg8[%get3A_989, %get3A_990] {strides = array<i32>} : memref<32x128xi32, #tpu.memory_space<vmem>>, vector<16xi32>,
    %get3A_992 = arith.constant 27 : i32
    %get3A_993 = arith.index_cast %get3A_992 : i32 to index
    %get3A_994 = arith.constant 48 : index
    %get3A_995 = tpu.vector_load %arg8[%get3A_993, %get3A_994] {strides = array<i32>} : memref<32x128xi32, #tpu.memory_space<vmem>>, vector<16xi32>,
    %get3A_996 = arith.constant 27 : i32
    %get3A_997 = arith.index_cast %get3A_996 : i32 to index
    %get3A_998 = arith.constant 64 : index
    %get3A_999 = tpu.vector_load %arg8[%get3A_997, %get3A_998] {strides = array<i32>} : memref<32x128xi32, #tpu.memory_space<vmem>>, vector<16xi32>,
    %get3A_1000 = arith.constant 27 : i32
    %get3A_1001 = arith.index_cast %get3A_1000 : i32 to index
    %get3A_1002 = arith.constant 80 : index
    %get3A_1003 = tpu.vector_load %arg8[%get3A_1001, %get3A_1002] {strides = array<i32>} : memref<32x128xi32, #tpu.memory_space<vmem>>, vector<16xi32>,
    %get3A_1004 = arith.constant 27 : i32
    %get3A_1005 = arith.index_cast %get3A_1004 : i32 to index
    %get3A_1006 = arith.constant 96 : index
    %get3A_1007 = tpu.vector_load %arg8[%get3A_1005, %get3A_1006] {strides = array<i32>} : memref<32x128xi32, #tpu.memory_space<vmem>>, vector<16xi32>,
    %get3A_1008 = arith.constant 27 : i32
    %get3A_1009 = arith.index_cast %get3A_1008 : i32 to index
    %get3A_1010 = arith.constant 112 : index
    %get3A_1011 = tpu.vector_load %arg8[%get3A_1009, %get3A_1010] {strides = array<i32>} : memref<32x128xi32, #tpu.memory_space<vmem>>, vector<16xi32>,
    %scan3A_1012 = arith.constant 0 : i32
    %scan3A_1013 = arith.constant 0 : i32
    %scan3A_1014 = arith.constant 512 : i32
    %scan3A_1015 = arith.addi %scan3A_1013, %scan3A_1014 : i32
    %scan3A_1016 = arith.constant 1 : i32
    %scan3A_1017 = scf.for %scan3A_1156 = %scan3A_1013 to %scan3A_1015 step %scan3A_1016 iter_args(%scan3A_1157 = %scan3A_1012) -> (i32)  : i32 {
      %get3A_1158 = arith.index_cast %scan3A_1156 : i32 to index
      %get3A_1159 = arith.constant 0 : index
      %get3A_1160 = tpu.vector_load %arg9[%get3A_1158, %get3A_1159] {strides = array<i32>} : memref<512x128xf32, #tpu.memory_space<vmem>>, vector<16xf32>,
      %get3A_1161 = arith.index_cast %scan3A_1156 : i32 to index
      %get3A_1162 = arith.constant 16 : index
      %get3A_1163 = tpu.vector_load %arg9[%get3A_1161, %get3A_1162] {strides = array<i32>} : memref<512x128xf32, #tpu.memory_space<vmem>>, vector<16xf32>,
      %get3A_1164 = arith.index_cast %scan3A_1156 : i32 to index
      %get3A_1165 = arith.constant 32 : index
      %get3A_1166 = tpu.vector_load %arg9[%get3A_1164, %get3A_1165] {strides = array<i32>} : memref<512x128xf32, #tpu.memory_space<vmem>>, vector<16xf32>,
      %get3A_1167 = arith.index_cast %scan3A_1156 : i32 to index
      %get3A_1168 = arith.constant 48 : index
      %get3A_1169 = tpu.vector_load %arg9[%get3A_1167, %get3A_1168] {strides = array<i32>} : memref<512x128xf32, #tpu.memory_space<vmem>>, vector<16xf32>,
      %get3A_1170 = arith.index_cast %scan3A_1156 : i32 to index
      %get3A_1171 = arith.constant 64 : index
      %get3A_1172 = tpu.vector_load %arg9[%get3A_1170, %get3A_1171] {strides = array<i32>} : memref<512x128xf32, #tpu.memory_space<vmem>>, vector<16xf32>,
      %get3A_1173 = arith.index_cast %scan3A_1156 : i32 to index
      %get3A_1174 = arith.constant 80 : index
      %get3A_1175 = tpu.vector_load %arg9[%get3A_1173, %get3A_1174] {strides = array<i32>} : memref<512x128xf32, #tpu.memory_space<vmem>>, vector<16xf32>,
      %get3A_1176 = arith.index_cast %scan3A_1156 : i32 to index
      %get3A_1177 = arith.constant 96 : index
      %get3A_1178 = tpu.vector_load %arg9[%get3A_1176, %get3A_1177] {strides = array<i32>} : memref<512x128xf32, #tpu.memory_space<vmem>>, vector<16xf32>,
      %get3A_1179 = arith.index_cast %scan3A_1156 : i32 to index
      %get3A_1180 = arith.constant 112 : index
      %get3A_1181 = tpu.vector_load %arg9[%get3A_1179, %get3A_1180] {strides = array<i32>} : memref<512x128xf32, #tpu.memory_space<vmem>>, vector<16xf32>,
      %mul3A_1182 = arith.constant 32 : i32
      %mul3A_1183 = arith.muli %scan3A_1156, %mul3A_1182 : i32
      %add3A_1184 = arith.constant 24 : i32
      %add3A_1185 = arith.addi %mul3A_1183, %add3A_1184 : i32
      %add3A_1186 = arith.constant 0 : i32
      %add3A_1187 = arith.addi %add3A_1185, %add3A_1186 : i32
      %broadcast_in_dim3A_1188 = vector.broadcast %add3A_1187 : i32 to vector<16xi32>
      %gather3A = tpu.vector_load_idx %arg6[%broadcast_in_dim3A_1188] : memref<16384xi32, #tpu.memory_space<vmem>>[vector<16xi32>], vector<16xi32>,
      %add3A_1189 = arith.addi %gather3A, %get3A_887 : vector<16xi32>
      %gather3A_1190 = tpu.vector_load_idx %arg7[%add3A_1189, %add3A_46] : memref<300x128xf32, #tpu.memory_space<vmem>>[vector<16xi32>, vector<16xi32>], vector<16xf32>,
      %add3A_1191 = arith.addf %get3A_1160, %gather3A_1190 : vector<16xf32>
      %add3A_1192 = arith.addi %gather3A, %get3A_891 : vector<16xi32>
      %gather3A_1193 = tpu.vector_load_idx %arg7[%add3A_1192, %add3A_50] : memref<300x128xf32, #tpu.memory_space<vmem>>[vector<16xi32>, vector<16xi32>], vector<16xf32>,
      %add3A_1194 = arith.addf %get3A_1163, %gather3A_1193 : vector<16xf32>
      %add3A_1195 = arith.addi %gather3A, %get3A_895 : vector<16xi32>
      %gather3A_1196 = tpu.vector_load_idx %arg7[%add3A_1195, %add3A_54] : memref<300x128xf32, #tpu.memory_space<vmem>>[vector<16xi32>, vector<16xi32>], vector<16xf32>,
      %add3A_1197 = arith.addf %get3A_1166, %gather3A_1196 : vector<16xf32>
      %add3A_1198 = arith.addi %gather3A, %get3A_899 : vector<16xi32>
      %gather3A_1199 = tpu.vector_load_idx %arg7[%add3A_1198, %add3A_58] : memref<300x128xf32, #tpu.memory_space<vmem>>[vector<16xi32>, vector<16xi32>], vector<16xf32>,
      %add3A_1200 = arith.addf %get3A_1169, %gather3A_1199 : vector<16xf32>
      %add3A_1201 = arith.addi %gather3A, %get3A_903 : vector<16xi32>
      %gather3A_1202 = tpu.vector_load_idx %arg7[%add3A_1201, %add3A_62] : memref<300x128xf32, #tpu.memory_space<vmem>>[vector<16xi32>, vector<16xi32>], vector<16xf32>,
      %add3A_1203 = arith.addf %get3A_1172, %gather3A_1202 : vector<16xf32>
      %add3A_1204 = arith.addi %gather3A, %get3A_907 : vector<16xi32>
      %gather3A_1205 = tpu.vector_load_idx %arg7[%add3A_1204, %add3A_66] : memref<300x128xf32, #tpu.memory_space<vmem>>[vector<16xi32>, vector<16xi32>], vector<16xf32>,
      %add3A_1206 = arith.addf %get3A_1175, %gather3A_1205 : vector<16xf32>
      %add3A_1207 = arith.addi %gather3A, %get3A_911 : vector<16xi32>
      %gather3A_1208 = tpu.vector_load_idx %arg7[%add3A_1207, %add3A_70] : memref<300x128xf32, #tpu.memory_space<vmem>>[vector<16xi32>, vector<16xi32>], vector<16xf32>,
      %add3A_1209 = arith.addf %get3A_1178, %gather3A_1208 : vector<16xf32>
      %add3A_1210 = arith.addi %gather3A, %get3A_915 : vector<16xi32>
      %gather3A_1211 = tpu.vector_load_idx %arg7[%add3A_1210, %add3A_74] : memref<300x128xf32, #tpu.memory_space<vmem>>[vector<16xi32>, vector<16xi32>], vector<16xf32>,
      %add3A_1212 = arith.addf %get3A_1181, %gather3A_1211 : vector<16xf32>
      %mul3A_1213 = arith.constant 32 : i32
      %mul3A_1214 = arith.muli %scan3A_1156, %mul3A_1213 : i32
      %add3A_1215 = arith.constant 24 : i32
      %add3A_1216 = arith.addi %mul3A_1214, %add3A_1215 : i32
      %add3A_1217 = arith.constant 1 : i32
      %add3A_1218 = arith.addi %add3A_1216, %add3A_1217 : i32
      %broadcast_in_dim3A_1219 = vector.broadcast %add3A_1218 : i32 to vector<16xi32>
      %gather3A_1220 = tpu.vector_load_idx %arg6[%broadcast_in_dim3A_1219] : memref<16384xi32, #tpu.memory_space<vmem>>[vector<16xi32>], vector<16xi32>,
      %add3A_1221 = arith.addi %gather3A_1220, %get3A_919 : vector<16xi32>
      %gather3A_1222 = tpu.vector_load_idx %arg7[%add3A_1221, %add3A_46] : memref<300x128xf32, #tpu.memory_space<vmem>>[vector<16xi32>, vector<16xi32>], vector<16xf32>,
      %add3A_1223 = arith.addf %add3A_1191, %gather3A_1222 : vector<16xf32>
      %add3A_1224 = arith.addi %gather3A_1220, %get3A_923 : vector<16xi32>
      %gather3A_1225 = tpu.vector_load_idx %arg7[%add3A_1224, %add3A_50] : memref<300x128xf32, #tpu.memory_space<vmem>>[vector<16xi32>, vector<16xi32>], vector<16xf32>,
      %add3A_1226 = arith.addf %add3A_1194, %gather3A_1225 : vector<16xf32>
      %add3A_1227 = arith.addi %gather3A_1220, %get3A_927 : vector<16xi32>
      %gather3A_1228 = tpu.vector_load_idx %arg7[%add3A_1227, %add3A_54] : memref<300x128xf32, #tpu.memory_space<vmem>>[vector<16xi32>, vector<16xi32>], vector<16xf32>,
      %add3A_1229 = arith.addf %add3A_1197, %gather3A_1228 : vector<16xf32>
      %add3A_1230 = arith.addi %gather3A_1220, %get3A_931 : vector<16xi32>
      %gather3A_1231 = tpu.vector_load_idx %arg7[%add3A_1230, %add3A_58] : memref<300x128xf32, #tpu.memory_space<vmem>>[vector<16xi32>, vector<16xi32>], vector<16xf32>,
      %add3A_1232 = arith.addf %add3A_1200, %gather3A_1231 : vector<16xf32>
      %add3A_1233 = arith.addi %gather3A_1220, %get3A_935 : vector<16xi32>
      %gather3A_1234 = tpu.vector_load_idx %arg7[%add3A_1233, %add3A_62] : memref<300x128xf32, #tpu.memory_space<vmem>>[vector<16xi32>, vector<16xi32>], vector<16xf32>,
      %add3A_1235 = arith.addf %add3A_1203, %gather3A_1234 : vector<16xf32>
      %add3A_1236 = arith.addi %gather3A_1220, %get3A_939 : vector<16xi32>
      %gather3A_1237 = tpu.vector_load_idx %arg7[%add3A_1236, %add3A_66] : memref<300x128xf32, #tpu.memory_space<vmem>>[vector<16xi32>, vector<16xi32>], vector<16xf32>,
      %add3A_1238 = arith.addf %add3A_1206, %gather3A_1237 : vector<16xf32>
      %add3A_1239 = arith.addi %gather3A_1220, %get3A_943 : vector<16xi32>
      %gather3A_1240 = tpu.vector_load_idx %arg7[%add3A_1239, %add3A_70] : memref<300x128xf32, #tpu.memory_space<vmem>>[vector<16xi32>, vector<16xi32>], vector<16xf32>,
      %add3A_1241 = arith.addf %add3A_1209, %gather3A_1240 : vector<16xf32>
      %add3A_1242 = arith.addi %gather3A_1220, %get3A_947 : vector<16xi32>
      %gather3A_1243 = tpu.vector_load_idx %arg7[%add3A_1242, %add3A_74] : memref<300x128xf32, #tpu.memory_space<vmem>>[vector<16xi32>, vector<16xi32>], vector<16xf32>,
      %add3A_1244 = arith.addf %add3A_1212, %gather3A_1243 : vector<16xf32>
      %mul3A_1245 = arith.constant 32 : i32
      %mul3A_1246 = arith.muli %scan3A_1156, %mul3A_1245 : i32
      %add3A_1247 = arith.constant 24 : i32
      %add3A_1248 = arith.addi %mul3A_1246, %add3A_1247 : i32
      %add3A_1249 = arith.constant 2 : i32
      %add3A_1250 = arith.addi %add3A_1248, %add3A_1249 : i32
      %broadcast_in_dim3A_1251 = vector.broadcast %add3A_1250 : i32 to vector<16xi32>
      %gather3A_1252 = tpu.vector_load_idx %arg6[%broadcast_in_dim3A_1251] : memref<16384xi32, #tpu.memory_space<vmem>>[vector<16xi32>], vector<16xi32>,
      %add3A_1253 = arith.addi %gather3A_1252, %get3A_951 : vector<16xi32>
      %gather3A_1254 = tpu.vector_load_idx %arg7[%add3A_1253, %add3A_46] : memref<300x128xf32, #tpu.memory_space<vmem>>[vector<16xi32>, vector<16xi32>], vector<16xf32>,
      %add3A_1255 = arith.addf %add3A_1223, %gather3A_1254 : vector<16xf32>
      %add3A_1256 = arith.addi %gather3A_1252, %get3A_955 : vector<16xi32>
      %gather3A_1257 = tpu.vector_load_idx %arg7[%add3A_1256, %add3A_50] : memref<300x128xf32, #tpu.memory_space<vmem>>[vector<16xi32>, vector<16xi32>], vector<16xf32>,
      %add3A_1258 = arith.addf %add3A_1226, %gather3A_1257 : vector<16xf32>
      %add3A_1259 = arith.addi %gather3A_1252, %get3A_959 : vector<16xi32>
      %gather3A_1260 = tpu.vector_load_idx %arg7[%add3A_1259, %add3A_54] : memref<300x128xf32, #tpu.memory_space<vmem>>[vector<16xi32>, vector<16xi32>], vector<16xf32>,
      %add3A_1261 = arith.addf %add3A_1229, %gather3A_1260 : vector<16xf32>
      %add3A_1262 = arith.addi %gather3A_1252, %get3A_963 : vector<16xi32>
      %gather3A_1263 = tpu.vector_load_idx %arg7[%add3A_1262, %add3A_58] : memref<300x128xf32, #tpu.memory_space<vmem>>[vector<16xi32>, vector<16xi32>], vector<16xf32>,
      %add3A_1264 = arith.addf %add3A_1232, %gather3A_1263 : vector<16xf32>
      %add3A_1265 = arith.addi %gather3A_1252, %get3A_967 : vector<16xi32>
      %gather3A_1266 = tpu.vector_load_idx %arg7[%add3A_1265, %add3A_62] : memref<300x128xf32, #tpu.memory_space<vmem>>[vector<16xi32>, vector<16xi32>], vector<16xf32>,
      %add3A_1267 = arith.addf %add3A_1235, %gather3A_1266 : vector<16xf32>
      %add3A_1268 = arith.addi %gather3A_1252, %get3A_971 : vector<16xi32>
      %gather3A_1269 = tpu.vector_load_idx %arg7[%add3A_1268, %add3A_66] : memref<300x128xf32, #tpu.memory_space<vmem>>[vector<16xi32>, vector<16xi32>], vector<16xf32>,
      %add3A_1270 = arith.addf %add3A_1238, %gather3A_1269 : vector<16xf32>
      %add3A_1271 = arith.addi %gather3A_1252, %get3A_975 : vector<16xi32>
      %gather3A_1272 = tpu.vector_load_idx %arg7[%add3A_1271, %add3A_70] : memref<300x128xf32, #tpu.memory_space<vmem>>[vector<16xi32>, vector<16xi32>], vector<16xf32>,
      %add3A_1273 = arith.addf %add3A_1241, %gather3A_1272 : vector<16xf32>
      %add3A_1274 = arith.addi %gather3A_1252, %get3A_979 : vector<16xi32>
      %gather3A_1275 = tpu.vector_load_idx %arg7[%add3A_1274, %add3A_74] : memref<300x128xf32, #tpu.memory_space<vmem>>[vector<16xi32>, vector<16xi32>], vector<16xf32>,
      %add3A_1276 = arith.addf %add3A_1244, %gather3A_1275 : vector<16xf32>
      %mul3A_1277 = arith.constant 32 : i32
      %mul3A_1278 = arith.muli %scan3A_1156, %mul3A_1277 : i32
      %add3A_1279 = arith.constant 24 : i32
      %add3A_1280 = arith.addi %mul3A_1278, %add3A_1279 : i32
      %add3A_1281 = arith.constant 3 : i32
      %add3A_1282 = arith.addi %add3A_1280, %add3A_1281 : i32
      %broadcast_in_dim3A_1283 = vector.broadcast %add3A_1282 : i32 to vector<16xi32>
      %gather3A_1284 = tpu.vector_load_idx %arg6[%broadcast_in_dim3A_1283] : memref<16384xi32, #tpu.memory_space<vmem>>[vector<16xi32>], vector<16xi32>,
      %add3A_1285 = arith.addi %gather3A_1284, %get3A_983 : vector<16xi32>
      %gather3A_1286 = tpu.vector_load_idx %arg7[%add3A_1285, %add3A_46] : memref<300x128xf32, #tpu.memory_space<vmem>>[vector<16xi32>, vector<16xi32>], vector<16xf32>,
      %add3A_1287 = arith.addf %add3A_1255, %gather3A_1286 : vector<16xf32>
      %add3A_1288 = arith.addi %gather3A_1284, %get3A_987 : vector<16xi32>
      %gather3A_1289 = tpu.vector_load_idx %arg7[%add3A_1288, %add3A_50] : memref<300x128xf32, #tpu.memory_space<vmem>>[vector<16xi32>, vector<16xi32>], vector<16xf32>,
      %add3A_1290 = arith.addf %add3A_1258, %gather3A_1289 : vector<16xf32>
      %add3A_1291 = arith.addi %gather3A_1284, %get3A_991 : vector<16xi32>
      %gather3A_1292 = tpu.vector_load_idx %arg7[%add3A_1291, %add3A_54] : memref<300x128xf32, #tpu.memory_space<vmem>>[vector<16xi32>, vector<16xi32>], vector<16xf32>,
      %add3A_1293 = arith.addf %add3A_1261, %gather3A_1292 : vector<16xf32>
      %add3A_1294 = arith.addi %gather3A_1284, %get3A_995 : vector<16xi32>
      %gather3A_1295 = tpu.vector_load_idx %arg7[%add3A_1294, %add3A_58] : memref<300x128xf32, #tpu.memory_space<vmem>>[vector<16xi32>, vector<16xi32>], vector<16xf32>,
      %add3A_1296 = arith.addf %add3A_1264, %gather3A_1295 : vector<16xf32>
      %add3A_1297 = arith.addi %gather3A_1284, %get3A_999 : vector<16xi32>
      %gather3A_1298 = tpu.vector_load_idx %arg7[%add3A_1297, %add3A_62] : memref<300x128xf32, #tpu.memory_space<vmem>>[vector<16xi32>, vector<16xi32>], vector<16xf32>,
      %add3A_1299 = arith.addf %add3A_1267, %gather3A_1298 : vector<16xf32>
      %add3A_1300 = arith.addi %gather3A_1284, %get3A_1003 : vector<16xi32>
      %gather3A_1301 = tpu.vector_load_idx %arg7[%add3A_1300, %add3A_66] : memref<300x128xf32, #tpu.memory_space<vmem>>[vector<16xi32>, vector<16xi32>], vector<16xf32>,
      %add3A_1302 = arith.addf %add3A_1270, %gather3A_1301 : vector<16xf32>
      %add3A_1303 = arith.addi %gather3A_1284, %get3A_1007 : vector<16xi32>
      %gather3A_1304 = tpu.vector_load_idx %arg7[%add3A_1303, %add3A_70] : memref<300x128xf32, #tpu.memory_space<vmem>>[vector<16xi32>, vector<16xi32>], vector<16xf32>,
      %add3A_1305 = arith.addf %add3A_1273, %gather3A_1304 : vector<16xf32>
      %add3A_1306 = arith.addi %gather3A_1284, %get3A_1011 : vector<16xi32>
      %gather3A_1307 = tpu.vector_load_idx %arg7[%add3A_1306, %add3A_74] : memref<300x128xf32, #tpu.memory_space<vmem>>[vector<16xi32>, vector<16xi32>], vector<16xf32>,
      %add3A_1308 = arith.addf %add3A_1276, %gather3A_1307 : vector<16xf32>
      %swap3A = arith.index_cast %scan3A_1156 : i32 to index
      %swap3A_1309 = arith.constant 0 : index
      %swap3A_1310 = tpu.vector_load %arg9[%swap3A, %swap3A_1309] {strides = array<i32>} : memref<512x128xf32, #tpu.memory_space<vmem>>, vector<16xf32>,
      tpu.vector_store %arg9[%swap3A, %swap3A_1309], %add3A_1287 {strides = array<i32>} : memref<512x128xf32, #tpu.memory_space<vmem>>, vector<16xf32>,
      %swap3A_1311 = arith.index_cast %scan3A_1156 : i32 to index
      %swap3A_1312 = arith.constant 16 : index
      %swap3A_1313 = tpu.vector_load %arg9[%swap3A_1311, %swap3A_1312] {strides = array<i32>} : memref<512x128xf32, #tpu.memory_space<vmem>>, vector<16xf32>,
      tpu.vector_store %arg9[%swap3A_1311, %swap3A_1312], %add3A_1290 {strides = array<i32>} : memref<512x128xf32, #tpu.memory_space<vmem>>, vector<16xf32>,
      %swap3A_1314 = arith.index_cast %scan3A_1156 : i32 to index
      %swap3A_1315 = arith.constant 32 : index
      %swap3A_1316 = tpu.vector_load %arg9[%swap3A_1314, %swap3A_1315] {strides = array<i32>} : memref<512x128xf32, #tpu.memory_space<vmem>>, vector<16xf32>,
      tpu.vector_store %arg9[%swap3A_1314, %swap3A_1315], %add3A_1293 {strides = array<i32>} : memref<512x128xf32, #tpu.memory_space<vmem>>, vector<16xf32>,
      %swap3A_1317 = arith.index_cast %scan3A_1156 : i32 to index
      %swap3A_1318 = arith.constant 48 : index
      %swap3A_1319 = tpu.vector_load %arg9[%swap3A_1317, %swap3A_1318] {strides = array<i32>} : memref<512x128xf32, #tpu.memory_space<vmem>>, vector<16xf32>,
      tpu.vector_store %arg9[%swap3A_1317, %swap3A_1318], %add3A_1296 {strides = array<i32>} : memref<512x128xf32, #tpu.memory_space<vmem>>, vector<16xf32>,
      %swap3A_1320 = arith.index_cast %scan3A_1156 : i32 to index
      %swap3A_1321 = arith.constant 64 : index
      %swap3A_1322 = tpu.vector_load %arg9[%swap3A_1320, %swap3A_1321] {strides = array<i32>} : memref<512x128xf32, #tpu.memory_space<vmem>>, vector<16xf32>,
      tpu.vector_store %arg9[%swap3A_1320, %swap3A_1321], %add3A_1299 {strides = array<i32>} : memref<512x128xf32, #tpu.memory_space<vmem>>, vector<16xf32>,
      %swap3A_1323 = arith.index_cast %scan3A_1156 : i32 to index
      %swap3A_1324 = arith.constant 80 : index
      %swap3A_1325 = tpu.vector_load %arg9[%swap3A_1323, %swap3A_1324] {strides = array<i32>} : memref<512x128xf32, #tpu.memory_space<vmem>>, vector<16xf32>,
      tpu.vector_store %arg9[%swap3A_1323, %swap3A_1324], %add3A_1302 {strides = array<i32>} : memref<512x128xf32, #tpu.memory_space<vmem>>, vector<16xf32>,
      %swap3A_1326 = arith.index_cast %scan3A_1156 : i32 to index
      %swap3A_1327 = arith.constant 96 : index
      %swap3A_1328 = tpu.vector_load %arg9[%swap3A_1326, %swap3A_1327] {strides = array<i32>} : memref<512x128xf32, #tpu.memory_space<vmem>>, vector<16xf32>,
      tpu.vector_store %arg9[%swap3A_1326, %swap3A_1327], %add3A_1305 {strides = array<i32>} : memref<512x128xf32, #tpu.memory_space<vmem>>, vector<16xf32>,
      %swap3A_1329 = arith.index_cast %scan3A_1156 : i32 to index
      %swap3A_1330 = arith.constant 112 : index
      %swap3A_1331 = tpu.vector_load %arg9[%swap3A_1329, %swap3A_1330] {strides = array<i32>} : memref<512x128xf32, #tpu.memory_space<vmem>>, vector<16xf32>,
      tpu.vector_store %arg9[%swap3A_1329, %swap3A_1330], %add3A_1308 {strides = array<i32>} : memref<512x128xf32, #tpu.memory_space<vmem>>, vector<16xf32>,
      %scan3A_1332 = arith.constant 0 : i32
      scf.yield %scan3A_1332 : i32
    }
    %scan3A_1018 = arith.constant 512 : i32
    %get3A_1019 = arith.constant 28 : i32
    %get3A_1020 = arith.index_cast %get3A_1019 : i32 to index
    %get3A_1021 = arith.constant 0 : index
    %get3A_1022 = tpu.vector_load %arg8[%get3A_1020, %get3A_1021] {strides = array<i32>} : memref<32x128xi32, #tpu.memory_space<vmem>>, vector<16xi32>,
    %get3A_1023 = arith.constant 28 : i32
    %get3A_1024 = arith.index_cast %get3A_1023 : i32 to index
    %get3A_1025 = arith.constant 16 : index
    %get3A_1026 = tpu.vector_load %arg8[%get3A_1024, %get3A_1025] {strides = array<i32>} : memref<32x128xi32, #tpu.memory_space<vmem>>, vector<16xi32>,
    %get3A_1027 = arith.constant 28 : i32
    %get3A_1028 = arith.index_cast %get3A_1027 : i32 to index
    %get3A_1029 = arith.constant 32 : index
    %get3A_1030 = tpu.vector_load %arg8[%get3A_1028, %get3A_1029] {strides = array<i32>} : memref<32x128xi32, #tpu.memory_space<vmem>>, vector<16xi32>,
    %get3A_1031 = arith.constant 28 : i32
    %get3A_1032 = arith.index_cast %get3A_1031 : i32 to index
    %get3A_1033 = arith.constant 48 : index
    %get3A_1034 = tpu.vector_load %arg8[%get3A_1032, %get3A_1033] {strides = array<i32>} : memref<32x128xi32, #tpu.memory_space<vmem>>, vector<16xi32>,
    %get3A_1035 = arith.constant 28 : i32
    %get3A_1036 = arith.index_cast %get3A_1035 : i32 to index
    %get3A_1037 = arith.constant 64 : index
    %get3A_1038 = tpu.vector_load %arg8[%get3A_1036, %get3A_1037] {strides = array<i32>} : memref<32x128xi32, #tpu.memory_space<vmem>>, vector<16xi32>,
    %get3A_1039 = arith.constant 28 : i32
    %get3A_1040 = arith.index_cast %get3A_1039 : i32 to index
    %get3A_1041 = arith.constant 80 : index
    %get3A_1042 = tpu.vector_load %arg8[%get3A_1040, %get3A_1041] {strides = array<i32>} : memref<32x128xi32, #tpu.memory_space<vmem>>, vector<16xi32>,
    %get3A_1043 = arith.constant 28 : i32
    %get3A_1044 = arith.index_cast %get3A_1043 : i32 to index
    %get3A_1045 = arith.constant 96 : index
    %get3A_1046 = tpu.vector_load %arg8[%get3A_1044, %get3A_1045] {strides = array<i32>} : memref<32x128xi32, #tpu.memory_space<vmem>>, vector<16xi32>,
    %get3A_1047 = arith.constant 28 : i32
    %get3A_1048 = arith.index_cast %get3A_1047 : i32 to index
    %get3A_1049 = arith.constant 112 : index
    %get3A_1050 = tpu.vector_load %arg8[%get3A_1048, %get3A_1049] {strides = array<i32>} : memref<32x128xi32, #tpu.memory_space<vmem>>, vector<16xi32>,
    %get3A_1051 = arith.constant 29 : i32
    %get3A_1052 = arith.index_cast %get3A_1051 : i32 to index
    %get3A_1053 = arith.constant 0 : index
    %get3A_1054 = tpu.vector_load %arg8[%get3A_1052, %get3A_1053] {strides = array<i32>} : memref<32x128xi32, #tpu.memory_space<vmem>>, vector<16xi32>,
    %get3A_1055 = arith.constant 29 : i32
    %get3A_1056 = arith.index_cast %get3A_1055 : i32 to index
    %get3A_1057 = arith.constant 16 : index
    %get3A_1058 = tpu.vector_load %arg8[%get3A_1056, %get3A_1057] {strides = array<i32>} : memref<32x128xi32, #tpu.memory_space<vmem>>, vector<16xi32>,
    %get3A_1059 = arith.constant 29 : i32
    %get3A_1060 = arith.index_cast %get3A_1059 : i32 to index
    %get3A_1061 = arith.constant 32 : index
    %get3A_1062 = tpu.vector_load %arg8[%get3A_1060, %get3A_1061] {strides = array<i32>} : memref<32x128xi32, #tpu.memory_space<vmem>>, vector<16xi32>,
    %get3A_1063 = arith.constant 29 : i32
    %get3A_1064 = arith.index_cast %get3A_1063 : i32 to index
    %get3A_1065 = arith.constant 48 : index
    %get3A_1066 = tpu.vector_load %arg8[%get3A_1064, %get3A_1065] {strides = array<i32>} : memref<32x128xi32, #tpu.memory_space<vmem>>, vector<16xi32>,
    %get3A_1067 = arith.constant 29 : i32
    %get3A_1068 = arith.index_cast %get3A_1067 : i32 to index
    %get3A_1069 = arith.constant 64 : index
    %get3A_1070 = tpu.vector_load %arg8[%get3A_1068, %get3A_1069] {strides = array<i32>} : memref<32x128xi32, #tpu.memory_space<vmem>>, vector<16xi32>,
    %get3A_1071 = arith.constant 29 : i32
    %get3A_1072 = arith.index_cast %get3A_1071 : i32 to index
    %get3A_1073 = arith.constant 80 : index
    %get3A_1074 = tpu.vector_load %arg8[%get3A_1072, %get3A_1073] {strides = array<i32>} : memref<32x128xi32, #tpu.memory_space<vmem>>, vector<16xi32>,
    %get3A_1075 = arith.constant 29 : i32
    %get3A_1076 = arith.index_cast %get3A_1075 : i32 to index
    %get3A_1077 = arith.constant 96 : index
    %get3A_1078 = tpu.vector_load %arg8[%get3A_1076, %get3A_1077] {strides = array<i32>} : memref<32x128xi32, #tpu.memory_space<vmem>>, vector<16xi32>,
    %get3A_1079 = arith.constant 29 : i32
    %get3A_1080 = arith.index_cast %get3A_1079 : i32 to index
    %get3A_1081 = arith.constant 112 : index
    %get3A_1082 = tpu.vector_load %arg8[%get3A_1080, %get3A_1081] {strides = array<i32>} : memref<32x128xi32, #tpu.memory_space<vmem>>, vector<16xi32>,
    %get3A_1083 = arith.constant 30 : i32
    %get3A_1084 = arith.index_cast %get3A_1083 : i32 to index
    %get3A_1085 = arith.constant 0 : index
    %get3A_1086 = tpu.vector_load %arg8[%get3A_1084, %get3A_1085] {strides = array<i32>} : memref<32x128xi32, #tpu.memory_space<vmem>>, vector<16xi32>,
    %get3A_1087 = arith.constant 30 : i32
    %get3A_1088 = arith.index_cast %get3A_1087 : i32 to index
    %get3A_1089 = arith.constant 16 : index
    %get3A_1090 = tpu.vector_load %arg8[%get3A_1088, %get3A_1089] {strides = array<i32>} : memref<32x128xi32, #tpu.memory_space<vmem>>, vector<16xi32>,
    %get3A_1091 = arith.constant 30 : i32
    %get3A_1092 = arith.index_cast %get3A_1091 : i32 to index
    %get3A_1093 = arith.constant 32 : index
    %get3A_1094 = tpu.vector_load %arg8[%get3A_1092, %get3A_1093] {strides = array<i32>} : memref<32x128xi32, #tpu.memory_space<vmem>>, vector<16xi32>,
    %get3A_1095 = arith.constant 30 : i32
    %get3A_1096 = arith.index_cast %get3A_1095 : i32 to index
    %get3A_1097 = arith.constant 48 : index
    %get3A_1098 = tpu.vector_load %arg8[%get3A_1096, %get3A_1097] {strides = array<i32>} : memref<32x128xi32, #tpu.memory_space<vmem>>, vector<16xi32>,
    %get3A_1099 = arith.constant 30 : i32
    %get3A_1100 = arith.index_cast %get3A_1099 : i32 to index
    %get3A_1101 = arith.constant 64 : index
    %get3A_1102 = tpu.vector_load %arg8[%get3A_1100, %get3A_1101] {strides = array<i32>} : memref<32x128xi32, #tpu.memory_space<vmem>>, vector<16xi32>,
    %get3A_1103 = arith.constant 30 : i32
    %get3A_1104 = arith.index_cast %get3A_1103 : i32 to index
    %get3A_1105 = arith.constant 80 : index
    %get3A_1106 = tpu.vector_load %arg8[%get3A_1104, %get3A_1105] {strides = array<i32>} : memref<32x128xi32, #tpu.memory_space<vmem>>, vector<16xi32>,
    %get3A_1107 = arith.constant 30 : i32
    %get3A_1108 = arith.index_cast %get3A_1107 : i32 to index
    %get3A_1109 = arith.constant 96 : index
    %get3A_1110 = tpu.vector_load %arg8[%get3A_1108, %get3A_1109] {strides = array<i32>} : memref<32x128xi32, #tpu.memory_space<vmem>>, vector<16xi32>,
    %get3A_1111 = arith.constant 30 : i32
    %get3A_1112 = arith.index_cast %get3A_1111 : i32 to index
    %get3A_1113 = arith.constant 112 : index
    %get3A_1114 = tpu.vector_load %arg8[%get3A_1112, %get3A_1113] {strides = array<i32>} : memref<32x128xi32, #tpu.memory_space<vmem>>, vector<16xi32>,
    %get3A_1115 = arith.constant 31 : i32
    %get3A_1116 = arith.index_cast %get3A_1115 : i32 to index
    %get3A_1117 = arith.constant 0 : index
    %get3A_1118 = tpu.vector_load %arg8[%get3A_1116, %get3A_1117] {strides = array<i32>} : memref<32x128xi32, #tpu.memory_space<vmem>>, vector<16xi32>,
    %get3A_1119 = arith.constant 31 : i32
    %get3A_1120 = arith.index_cast %get3A_1119 : i32 to index
    %get3A_1121 = arith.constant 16 : index
    %get3A_1122 = tpu.vector_load %arg8[%get3A_1120, %get3A_1121] {strides = array<i32>} : memref<32x128xi32, #tpu.memory_space<vmem>>, vector<16xi32>,
    %get3A_1123 = arith.constant 31 : i32
    %get3A_1124 = arith.index_cast %get3A_1123 : i32 to index
    %get3A_1125 = arith.constant 32 : index
    %get3A_1126 = tpu.vector_load %arg8[%get3A_1124, %get3A_1125] {strides = array<i32>} : memref<32x128xi32, #tpu.memory_space<vmem>>, vector<16xi32>,
    %get3A_1127 = arith.constant 31 : i32
    %get3A_1128 = arith.index_cast %get3A_1127 : i32 to index
    %get3A_1129 = arith.constant 48 : index
    %get3A_1130 = tpu.vector_load %arg8[%get3A_1128, %get3A_1129] {strides = array<i32>} : memref<32x128xi32, #tpu.memory_space<vmem>>, vector<16xi32>,
    %get3A_1131 = arith.constant 31 : i32
    %get3A_1132 = arith.index_cast %get3A_1131 : i32 to index
    %get3A_1133 = arith.constant 64 : index
    %get3A_1134 = tpu.vector_load %arg8[%get3A_1132, %get3A_1133] {strides = array<i32>} : memref<32x128xi32, #tpu.memory_space<vmem>>, vector<16xi32>,
    %get3A_1135 = arith.constant 31 : i32
    %get3A_1136 = arith.index_cast %get3A_1135 : i32 to index
    %get3A_1137 = arith.constant 80 : index
    %get3A_1138 = tpu.vector_load %arg8[%get3A_1136, %get3A_1137] {strides = array<i32>} : memref<32x128xi32, #tpu.memory_space<vmem>>, vector<16xi32>,
    %get3A_1139 = arith.constant 31 : i32
    %get3A_1140 = arith.index_cast %get3A_1139 : i32 to index
    %get3A_1141 = arith.constant 96 : index
    %get3A_1142 = tpu.vector_load %arg8[%get3A_1140, %get3A_1141] {strides = array<i32>} : memref<32x128xi32, #tpu.memory_space<vmem>>, vector<16xi32>,
    %get3A_1143 = arith.constant 31 : i32
    %get3A_1144 = arith.index_cast %get3A_1143 : i32 to index
    %get3A_1145 = arith.constant 112 : index
    %get3A_1146 = tpu.vector_load %arg8[%get3A_1144, %get3A_1145] {strides = array<i32>} : memref<32x128xi32, #tpu.memory_space<vmem>>, vector<16xi32>,
    %scan3A_1147 = arith.constant 0 : i32
    %scan3A_1148 = arith.constant 0 : i32
    %scan3A_1149 = arith.constant 512 : i32
    %scan3A_1150 = arith.addi %scan3A_1148, %scan3A_1149 : i32
    %scan3A_1151 = arith.constant 1 : i32
    %scan3A_1152 = scf.for %scan3A_1156 = %scan3A_1148 to %scan3A_1150 step %scan3A_1151 iter_args(%scan3A_1157 = %scan3A_1147) -> (i32)  : i32 {
      %get3A_1158 = arith.index_cast %scan3A_1156 : i32 to index
      %get3A_1159 = arith.constant 0 : index
      %get3A_1160 = tpu.vector_load %arg9[%get3A_1158, %get3A_1159] {strides = array<i32>} : memref<512x128xf32, #tpu.memory_space<vmem>>, vector<16xf32>,
      %get3A_1161 = arith.index_cast %scan3A_1156 : i32 to index
      %get3A_1162 = arith.constant 16 : index
      %get3A_1163 = tpu.vector_load %arg9[%get3A_1161, %get3A_1162] {strides = array<i32>} : memref<512x128xf32, #tpu.memory_space<vmem>>, vector<16xf32>,
      %get3A_1164 = arith.index_cast %scan3A_1156 : i32 to index
      %get3A_1165 = arith.constant 32 : index
      %get3A_1166 = tpu.vector_load %arg9[%get3A_1164, %get3A_1165] {strides = array<i32>} : memref<512x128xf32, #tpu.memory_space<vmem>>, vector<16xf32>,
      %get3A_1167 = arith.index_cast %scan3A_1156 : i32 to index
      %get3A_1168 = arith.constant 48 : index
      %get3A_1169 = tpu.vector_load %arg9[%get3A_1167, %get3A_1168] {strides = array<i32>} : memref<512x128xf32, #tpu.memory_space<vmem>>, vector<16xf32>,
      %get3A_1170 = arith.index_cast %scan3A_1156 : i32 to index
      %get3A_1171 = arith.constant 64 : index
      %get3A_1172 = tpu.vector_load %arg9[%get3A_1170, %get3A_1171] {strides = array<i32>} : memref<512x128xf32, #tpu.memory_space<vmem>>, vector<16xf32>,
      %get3A_1173 = arith.index_cast %scan3A_1156 : i32 to index
      %get3A_1174 = arith.constant 80 : index
      %get3A_1175 = tpu.vector_load %arg9[%get3A_1173, %get3A_1174] {strides = array<i32>} : memref<512x128xf32, #tpu.memory_space<vmem>>, vector<16xf32>,
      %get3A_1176 = arith.index_cast %scan3A_1156 : i32 to index
      %get3A_1177 = arith.constant 96 : index
      %get3A_1178 = tpu.vector_load %arg9[%get3A_1176, %get3A_1177] {strides = array<i32>} : memref<512x128xf32, #tpu.memory_space<vmem>>, vector<16xf32>,
      %get3A_1179 = arith.index_cast %scan3A_1156 : i32 to index
      %get3A_1180 = arith.constant 112 : index
      %get3A_1181 = tpu.vector_load %arg9[%get3A_1179, %get3A_1180] {strides = array<i32>} : memref<512x128xf32, #tpu.memory_space<vmem>>, vector<16xf32>,
      %mul3A_1182 = arith.constant 32 : i32
      %mul3A_1183 = arith.muli %scan3A_1156, %mul3A_1182 : i32
      %add3A_1184 = arith.constant 28 : i32
      %add3A_1185 = arith.addi %mul3A_1183, %add3A_1184 : i32
      %add3A_1186 = arith.constant 0 : i32
      %add3A_1187 = arith.addi %add3A_1185, %add3A_1186 : i32
      %broadcast_in_dim3A_1188 = vector.broadcast %add3A_1187 : i32 to vector<16xi32>
      %gather3A = tpu.vector_load_idx %arg6[%broadcast_in_dim3A_1188] : memref<16384xi32, #tpu.memory_space<vmem>>[vector<16xi32>], vector<16xi32>,
      %add3A_1189 = arith.addi %gather3A, %get3A_1022 : vector<16xi32>
      %gather3A_1190 = tpu.vector_load_idx %arg7[%add3A_1189, %add3A_46] : memref<300x128xf32, #tpu.memory_space<vmem>>[vector<16xi32>, vector<16xi32>], vector<16xf32>,
      %add3A_1191 = arith.addf %get3A_1160, %gather3A_1190 : vector<16xf32>
      %add3A_1192 = arith.addi %gather3A, %get3A_1026 : vector<16xi32>
      %gather3A_1193 = tpu.vector_load_idx %arg7[%add3A_1192, %add3A_50] : memref<300x128xf32, #tpu.memory_space<vmem>>[vector<16xi32>, vector<16xi32>], vector<16xf32>,
      %add3A_1194 = arith.addf %get3A_1163, %gather3A_1193 : vector<16xf32>
      %add3A_1195 = arith.addi %gather3A, %get3A_1030 : vector<16xi32>
      %gather3A_1196 = tpu.vector_load_idx %arg7[%add3A_1195, %add3A_54] : memref<300x128xf32, #tpu.memory_space<vmem>>[vector<16xi32>, vector<16xi32>], vector<16xf32>,
      %add3A_1197 = arith.addf %get3A_1166, %gather3A_1196 : vector<16xf32>
      %add3A_1198 = arith.addi %gather3A, %get3A_1034 : vector<16xi32>
      %gather3A_1199 = tpu.vector_load_idx %arg7[%add3A_1198, %add3A_58] : memref<300x128xf32, #tpu.memory_space<vmem>>[vector<16xi32>, vector<16xi32>], vector<16xf32>,
      %add3A_1200 = arith.addf %get3A_1169, %gather3A_1199 : vector<16xf32>
      %add3A_1201 = arith.addi %gather3A, %get3A_1038 : vector<16xi32>
      %gather3A_1202 = tpu.vector_load_idx %arg7[%add3A_1201, %add3A_62] : memref<300x128xf32, #tpu.memory_space<vmem>>[vector<16xi32>, vector<16xi32>], vector<16xf32>,
      %add3A_1203 = arith.addf %get3A_1172, %gather3A_1202 : vector<16xf32>
      %add3A_1204 = arith.addi %gather3A, %get3A_1042 : vector<16xi32>
      %gather3A_1205 = tpu.vector_load_idx %arg7[%add3A_1204, %add3A_66] : memref<300x128xf32, #tpu.memory_space<vmem>>[vector<16xi32>, vector<16xi32>], vector<16xf32>,
      %add3A_1206 = arith.addf %get3A_1175, %gather3A_1205 : vector<16xf32>
      %add3A_1207 = arith.addi %gather3A, %get3A_1046 : vector<16xi32>
      %gather3A_1208 = tpu.vector_load_idx %arg7[%add3A_1207, %add3A_70] : memref<300x128xf32, #tpu.memory_space<vmem>>[vector<16xi32>, vector<16xi32>], vector<16xf32>,
      %add3A_1209 = arith.addf %get3A_1178, %gather3A_1208 : vector<16xf32>
      %add3A_1210 = arith.addi %gather3A, %get3A_1050 : vector<16xi32>
      %gather3A_1211 = tpu.vector_load_idx %arg7[%add3A_1210, %add3A_74] : memref<300x128xf32, #tpu.memory_space<vmem>>[vector<16xi32>, vector<16xi32>], vector<16xf32>,
      %add3A_1212 = arith.addf %get3A_1181, %gather3A_1211 : vector<16xf32>
      %mul3A_1213 = arith.constant 32 : i32
      %mul3A_1214 = arith.muli %scan3A_1156, %mul3A_1213 : i32
      %add3A_1215 = arith.constant 28 : i32
      %add3A_1216 = arith.addi %mul3A_1214, %add3A_1215 : i32
      %add3A_1217 = arith.constant 1 : i32
      %add3A_1218 = arith.addi %add3A_1216, %add3A_1217 : i32
      %broadcast_in_dim3A_1219 = vector.broadcast %add3A_1218 : i32 to vector<16xi32>
      %gather3A_1220 = tpu.vector_load_idx %arg6[%broadcast_in_dim3A_1219] : memref<16384xi32, #tpu.memory_space<vmem>>[vector<16xi32>], vector<16xi32>,
      %add3A_1221 = arith.addi %gather3A_1220, %get3A_1054 : vector<16xi32>
      %gather3A_1222 = tpu.vector_load_idx %arg7[%add3A_1221, %add3A_46] : memref<300x128xf32, #tpu.memory_space<vmem>>[vector<16xi32>, vector<16xi32>], vector<16xf32>,
      %add3A_1223 = arith.addf %add3A_1191, %gather3A_1222 : vector<16xf32>
      %add3A_1224 = arith.addi %gather3A_1220, %get3A_1058 : vector<16xi32>
      %gather3A_1225 = tpu.vector_load_idx %arg7[%add3A_1224, %add3A_50] : memref<300x128xf32, #tpu.memory_space<vmem>>[vector<16xi32>, vector<16xi32>], vector<16xf32>,
      %add3A_1226 = arith.addf %add3A_1194, %gather3A_1225 : vector<16xf32>
      %add3A_1227 = arith.addi %gather3A_1220, %get3A_1062 : vector<16xi32>
      %gather3A_1228 = tpu.vector_load_idx %arg7[%add3A_1227, %add3A_54] : memref<300x128xf32, #tpu.memory_space<vmem>>[vector<16xi32>, vector<16xi32>], vector<16xf32>,
      %add3A_1229 = arith.addf %add3A_1197, %gather3A_1228 : vector<16xf32>
      %add3A_1230 = arith.addi %gather3A_1220, %get3A_1066 : vector<16xi32>
      %gather3A_1231 = tpu.vector_load_idx %arg7[%add3A_1230, %add3A_58] : memref<300x128xf32, #tpu.memory_space<vmem>>[vector<16xi32>, vector<16xi32>], vector<16xf32>,
      %add3A_1232 = arith.addf %add3A_1200, %gather3A_1231 : vector<16xf32>
      %add3A_1233 = arith.addi %gather3A_1220, %get3A_1070 : vector<16xi32>
      %gather3A_1234 = tpu.vector_load_idx %arg7[%add3A_1233, %add3A_62] : memref<300x128xf32, #tpu.memory_space<vmem>>[vector<16xi32>, vector<16xi32>], vector<16xf32>,
      %add3A_1235 = arith.addf %add3A_1203, %gather3A_1234 : vector<16xf32>
      %add3A_1236 = arith.addi %gather3A_1220, %get3A_1074 : vector<16xi32>
      %gather3A_1237 = tpu.vector_load_idx %arg7[%add3A_1236, %add3A_66] : memref<300x128xf32, #tpu.memory_space<vmem>>[vector<16xi32>, vector<16xi32>], vector<16xf32>,
      %add3A_1238 = arith.addf %add3A_1206, %gather3A_1237 : vector<16xf32>
      %add3A_1239 = arith.addi %gather3A_1220, %get3A_1078 : vector<16xi32>
      %gather3A_1240 = tpu.vector_load_idx %arg7[%add3A_1239, %add3A_70] : memref<300x128xf32, #tpu.memory_space<vmem>>[vector<16xi32>, vector<16xi32>], vector<16xf32>,
      %add3A_1241 = arith.addf %add3A_1209, %gather3A_1240 : vector<16xf32>
      %add3A_1242 = arith.addi %gather3A_1220, %get3A_1082 : vector<16xi32>
      %gather3A_1243 = tpu.vector_load_idx %arg7[%add3A_1242, %add3A_74] : memref<300x128xf32, #tpu.memory_space<vmem>>[vector<16xi32>, vector<16xi32>], vector<16xf32>,
      %add3A_1244 = arith.addf %add3A_1212, %gather3A_1243 : vector<16xf32>
      %mul3A_1245 = arith.constant 32 : i32
      %mul3A_1246 = arith.muli %scan3A_1156, %mul3A_1245 : i32
      %add3A_1247 = arith.constant 28 : i32
      %add3A_1248 = arith.addi %mul3A_1246, %add3A_1247 : i32
      %add3A_1249 = arith.constant 2 : i32
      %add3A_1250 = arith.addi %add3A_1248, %add3A_1249 : i32
      %broadcast_in_dim3A_1251 = vector.broadcast %add3A_1250 : i32 to vector<16xi32>
      %gather3A_1252 = tpu.vector_load_idx %arg6[%broadcast_in_dim3A_1251] : memref<16384xi32, #tpu.memory_space<vmem>>[vector<16xi32>], vector<16xi32>,
      %add3A_1253 = arith.addi %gather3A_1252, %get3A_1086 : vector<16xi32>
      %gather3A_1254 = tpu.vector_load_idx %arg7[%add3A_1253, %add3A_46] : memref<300x128xf32, #tpu.memory_space<vmem>>[vector<16xi32>, vector<16xi32>], vector<16xf32>,
      %add3A_1255 = arith.addf %add3A_1223, %gather3A_1254 : vector<16xf32>
      %add3A_1256 = arith.addi %gather3A_1252, %get3A_1090 : vector<16xi32>
      %gather3A_1257 = tpu.vector_load_idx %arg7[%add3A_1256, %add3A_50] : memref<300x128xf32, #tpu.memory_space<vmem>>[vector<16xi32>, vector<16xi32>], vector<16xf32>,
      %add3A_1258 = arith.addf %add3A_1226, %gather3A_1257 : vector<16xf32>
      %add3A_1259 = arith.addi %gather3A_1252, %get3A_1094 : vector<16xi32>
      %gather3A_1260 = tpu.vector_load_idx %arg7[%add3A_1259, %add3A_54] : memref<300x128xf32, #tpu.memory_space<vmem>>[vector<16xi32>, vector<16xi32>], vector<16xf32>,
      %add3A_1261 = arith.addf %add3A_1229, %gather3A_1260 : vector<16xf32>
      %add3A_1262 = arith.addi %gather3A_1252, %get3A_1098 : vector<16xi32>
      %gather3A_1263 = tpu.vector_load_idx %arg7[%add3A_1262, %add3A_58] : memref<300x128xf32, #tpu.memory_space<vmem>>[vector<16xi32>, vector<16xi32>], vector<16xf32>,
      %add3A_1264 = arith.addf %add3A_1232, %gather3A_1263 : vector<16xf32>
      %add3A_1265 = arith.addi %gather3A_1252, %get3A_1102 : vector<16xi32>
      %gather3A_1266 = tpu.vector_load_idx %arg7[%add3A_1265, %add3A_62] : memref<300x128xf32, #tpu.memory_space<vmem>>[vector<16xi32>, vector<16xi32>], vector<16xf32>,
      %add3A_1267 = arith.addf %add3A_1235, %gather3A_1266 : vector<16xf32>
      %add3A_1268 = arith.addi %gather3A_1252, %get3A_1106 : vector<16xi32>
      %gather3A_1269 = tpu.vector_load_idx %arg7[%add3A_1268, %add3A_66] : memref<300x128xf32, #tpu.memory_space<vmem>>[vector<16xi32>, vector<16xi32>], vector<16xf32>,
      %add3A_1270 = arith.addf %add3A_1238, %gather3A_1269 : vector<16xf32>
      %add3A_1271 = arith.addi %gather3A_1252, %get3A_1110 : vector<16xi32>
      %gather3A_1272 = tpu.vector_load_idx %arg7[%add3A_1271, %add3A_70] : memref<300x128xf32, #tpu.memory_space<vmem>>[vector<16xi32>, vector<16xi32>], vector<16xf32>,
      %add3A_1273 = arith.addf %add3A_1241, %gather3A_1272 : vector<16xf32>
      %add3A_1274 = arith.addi %gather3A_1252, %get3A_1114 : vector<16xi32>
      %gather3A_1275 = tpu.vector_load_idx %arg7[%add3A_1274, %add3A_74] : memref<300x128xf32, #tpu.memory_space<vmem>>[vector<16xi32>, vector<16xi32>], vector<16xf32>,
      %add3A_1276 = arith.addf %add3A_1244, %gather3A_1275 : vector<16xf32>
      %mul3A_1277 = arith.constant 32 : i32
      %mul3A_1278 = arith.muli %scan3A_1156, %mul3A_1277 : i32
      %add3A_1279 = arith.constant 28 : i32
      %add3A_1280 = arith.addi %mul3A_1278, %add3A_1279 : i32
      %add3A_1281 = arith.constant 3 : i32
      %add3A_1282 = arith.addi %add3A_1280, %add3A_1281 : i32
      %broadcast_in_dim3A_1283 = vector.broadcast %add3A_1282 : i32 to vector<16xi32>
      %gather3A_1284 = tpu.vector_load_idx %arg6[%broadcast_in_dim3A_1283] : memref<16384xi32, #tpu.memory_space<vmem>>[vector<16xi32>], vector<16xi32>,
      %add3A_1285 = arith.addi %gather3A_1284, %get3A_1118 : vector<16xi32>
      %gather3A_1286 = tpu.vector_load_idx %arg7[%add3A_1285, %add3A_46] : memref<300x128xf32, #tpu.memory_space<vmem>>[vector<16xi32>, vector<16xi32>], vector<16xf32>,
      %add3A_1287 = arith.addf %add3A_1255, %gather3A_1286 : vector<16xf32>
      %add3A_1288 = arith.addi %gather3A_1284, %get3A_1122 : vector<16xi32>
      %gather3A_1289 = tpu.vector_load_idx %arg7[%add3A_1288, %add3A_50] : memref<300x128xf32, #tpu.memory_space<vmem>>[vector<16xi32>, vector<16xi32>], vector<16xf32>,
      %add3A_1290 = arith.addf %add3A_1258, %gather3A_1289 : vector<16xf32>
      %add3A_1291 = arith.addi %gather3A_1284, %get3A_1126 : vector<16xi32>
      %gather3A_1292 = tpu.vector_load_idx %arg7[%add3A_1291, %add3A_54] : memref<300x128xf32, #tpu.memory_space<vmem>>[vector<16xi32>, vector<16xi32>], vector<16xf32>,
      %add3A_1293 = arith.addf %add3A_1261, %gather3A_1292 : vector<16xf32>
      %add3A_1294 = arith.addi %gather3A_1284, %get3A_1130 : vector<16xi32>
      %gather3A_1295 = tpu.vector_load_idx %arg7[%add3A_1294, %add3A_58] : memref<300x128xf32, #tpu.memory_space<vmem>>[vector<16xi32>, vector<16xi32>], vector<16xf32>,
      %add3A_1296 = arith.addf %add3A_1264, %gather3A_1295 : vector<16xf32>
      %add3A_1297 = arith.addi %gather3A_1284, %get3A_1134 : vector<16xi32>
      %gather3A_1298 = tpu.vector_load_idx %arg7[%add3A_1297, %add3A_62] : memref<300x128xf32, #tpu.memory_space<vmem>>[vector<16xi32>, vector<16xi32>], vector<16xf32>,
      %add3A_1299 = arith.addf %add3A_1267, %gather3A_1298 : vector<16xf32>
      %add3A_1300 = arith.addi %gather3A_1284, %get3A_1138 : vector<16xi32>
      %gather3A_1301 = tpu.vector_load_idx %arg7[%add3A_1300, %add3A_66] : memref<300x128xf32, #tpu.memory_space<vmem>>[vector<16xi32>, vector<16xi32>], vector<16xf32>,
      %add3A_1302 = arith.addf %add3A_1270, %gather3A_1301 : vector<16xf32>
      %add3A_1303 = arith.addi %gather3A_1284, %get3A_1142 : vector<16xi32>
      %gather3A_1304 = tpu.vector_load_idx %arg7[%add3A_1303, %add3A_70] : memref<300x128xf32, #tpu.memory_space<vmem>>[vector<16xi32>, vector<16xi32>], vector<16xf32>,
      %add3A_1305 = arith.addf %add3A_1273, %gather3A_1304 : vector<16xf32>
      %add3A_1306 = arith.addi %gather3A_1284, %get3A_1146 : vector<16xi32>
      %gather3A_1307 = tpu.vector_load_idx %arg7[%add3A_1306, %add3A_74] : memref<300x128xf32, #tpu.memory_space<vmem>>[vector<16xi32>, vector<16xi32>], vector<16xf32>,
      %add3A_1308 = arith.addf %add3A_1276, %gather3A_1307 : vector<16xf32>
      %swap3A = arith.index_cast %scan3A_1156 : i32 to index
      %swap3A_1309 = arith.constant 0 : index
      %swap3A_1310 = tpu.vector_load %arg9[%swap3A, %swap3A_1309] {strides = array<i32>} : memref<512x128xf32, #tpu.memory_space<vmem>>, vector<16xf32>,
      tpu.vector_store %arg9[%swap3A, %swap3A_1309], %add3A_1287 {strides = array<i32>} : memref<512x128xf32, #tpu.memory_space<vmem>>, vector<16xf32>,
      %swap3A_1311 = arith.index_cast %scan3A_1156 : i32 to index
      %swap3A_1312 = arith.constant 16 : index
      %swap3A_1313 = tpu.vector_load %arg9[%swap3A_1311, %swap3A_1312] {strides = array<i32>} : memref<512x128xf32, #tpu.memory_space<vmem>>, vector<16xf32>,
      tpu.vector_store %arg9[%swap3A_1311, %swap3A_1312], %add3A_1290 {strides = array<i32>} : memref<512x128xf32, #tpu.memory_space<vmem>>, vector<16xf32>,
      %swap3A_1314 = arith.index_cast %scan3A_1156 : i32 to index
      %swap3A_1315 = arith.constant 32 : index
      %swap3A_1316 = tpu.vector_load %arg9[%swap3A_1314, %swap3A_1315] {strides = array<i32>} : memref<512x128xf32, #tpu.memory_space<vmem>>, vector<16xf32>,
      tpu.vector_store %arg9[%swap3A_1314, %swap3A_1315], %add3A_1293 {strides = array<i32>} : memref<512x128xf32, #tpu.memory_space<vmem>>, vector<16xf32>,
      %swap3A_1317 = arith.index_cast %scan3A_1156 : i32 to index
      %swap3A_1318 = arith.constant 48 : index
      %swap3A_1319 = tpu.vector_load %arg9[%swap3A_1317, %swap3A_1318] {strides = array<i32>} : memref<512x128xf32, #tpu.memory_space<vmem>>, vector<16xf32>,
      tpu.vector_store %arg9[%swap3A_1317, %swap3A_1318], %add3A_1296 {strides = array<i32>} : memref<512x128xf32, #tpu.memory_space<vmem>>, vector<16xf32>,
      %swap3A_1320 = arith.index_cast %scan3A_1156 : i32 to index
      %swap3A_1321 = arith.constant 64 : index
      %swap3A_1322 = tpu.vector_load %arg9[%swap3A_1320, %swap3A_1321] {strides = array<i32>} : memref<512x128xf32, #tpu.memory_space<vmem>>, vector<16xf32>,
      tpu.vector_store %arg9[%swap3A_1320, %swap3A_1321], %add3A_1299 {strides = array<i32>} : memref<512x128xf32, #tpu.memory_space<vmem>>, vector<16xf32>,
      %swap3A_1323 = arith.index_cast %scan3A_1156 : i32 to index
      %swap3A_1324 = arith.constant 80 : index
      %swap3A_1325 = tpu.vector_load %arg9[%swap3A_1323, %swap3A_1324] {strides = array<i32>} : memref<512x128xf32, #tpu.memory_space<vmem>>, vector<16xf32>,
      tpu.vector_store %arg9[%swap3A_1323, %swap3A_1324], %add3A_1302 {strides = array<i32>} : memref<512x128xf32, #tpu.memory_space<vmem>>, vector<16xf32>,
      %swap3A_1326 = arith.index_cast %scan3A_1156 : i32 to index
      %swap3A_1327 = arith.constant 96 : index
      %swap3A_1328 = tpu.vector_load %arg9[%swap3A_1326, %swap3A_1327] {strides = array<i32>} : memref<512x128xf32, #tpu.memory_space<vmem>>, vector<16xf32>,
      tpu.vector_store %arg9[%swap3A_1326, %swap3A_1327], %add3A_1305 {strides = array<i32>} : memref<512x128xf32, #tpu.memory_space<vmem>>, vector<16xf32>,
      %swap3A_1329 = arith.index_cast %scan3A_1156 : i32 to index
      %swap3A_1330 = arith.constant 112 : index
      %swap3A_1331 = tpu.vector_load %arg9[%swap3A_1329, %swap3A_1330] {strides = array<i32>} : memref<512x128xf32, #tpu.memory_space<vmem>>, vector<16xf32>,
      tpu.vector_store %arg9[%swap3A_1329, %swap3A_1330], %add3A_1308 {strides = array<i32>} : memref<512x128xf32, #tpu.memory_space<vmem>>, vector<16xf32>,
      %scan3A_1332 = arith.constant 0 : i32
      scf.yield %scan3A_1332 : i32
    }
    %scan3A_1153 = arith.constant 512 : i32
    %mul3A_1154 = arith.constant 512 : i32
    %mul3A_1155 = arith.muli %select_n3A_30, %mul3A_1154 : i32
    "tpu.region"() ({
      %run_scoped3A = tpu.sem_alloc : memref<!tpu.dma_semaphore, #tpu.memory_space<semaphore_mem>>
      %dma_start3A = tpu.memref_slice %arg5[%mul3A_1155, %mul3A_32] : memref<1024x2048xf32, #tpu.memory_space<hbm>> -> memref<512x128xf32, #tpu.memory_space<hbm>>
      %dma_start3A_1156 = tpu.memref_slice %arg5[%mul3A_1155, %mul3A_32] : memref<1024x2048xf32, #tpu.memory_space<hbm>> -> memref<512x128xf32, #tpu.memory_space<hbm>>
      tpu.enqueue_dma source(%arg9 : memref<512x128xf32, #tpu.memory_space<vmem>>) target(%dma_start3A_1156 : memref<512x128xf32, #tpu.memory_space<hbm>>) target_semaphore(%run_scoped3A : memref<!tpu.dma_semaphore, #tpu.memory_space<semaphore_mem>>)
      %dma_wait3A = tpu.memref_slice %arg5[%mul3A_1155, %mul3A_32] : memref<1024x2048xf32, #tpu.memory_space<hbm>> -> memref<512x128xf32, #tpu.memory_space<hbm>>
      %dma_wait3A_1157 = tpu.memref_slice %arg5[%mul3A_1155, %mul3A_32] : memref<1024x2048xf32, #tpu.memory_space<hbm>> -> memref<512x128xf32, #tpu.memory_space<hbm>>
      tpu.wait_dma2 semaphore(%run_scoped3A : memref<!tpu.dma_semaphore, #tpu.memory_space<semaphore_mem>>) src(%arg9 : memref<512x128xf32, #tpu.memory_space<vmem>>) dst(%dma_wait3A_1157 : memref<512x128xf32, #tpu.memory_space<hbm>>)
      tpu.yield
    }) : () -> ()
    return
  }
}

module attributes {stable_mosaic.version = 14 : i64} {
  func.func @_prep_body(%arg0: memref<1024x32xf32, #tpu.memory_space<vmem>>, %arg1: memref<100x2048xf32, #tpu.memory_space<vmem>>, %arg2: memref<32x2048xf32, #tpu.memory_space<vmem>>, %arg3: memref<4x2048xf32, #tpu.memory_space<vmem>>, %arg4: memref<1024x32xi32, #tpu.memory_space<vmem>>, %arg5: memref<100x2048xf32, #tpu.memory_space<vmem>>, %arg6: memref<32x2048xi32, #tpu.memory_space<vmem>>) attributes {dimension_semantics = [], scalar_prefetch = 0 : i64, scratch_operands = 0 : i64, tpu.core_type = #tpu.core_type<tc>} {
    %get3A = arith.constant 0 : index
    %get3A_0 = arith.constant 0 : index
    %get3A_1 = vector.load %arg0[%get3A, %get3A_0] : memref<1024x32xf32, #tpu.memory_space<vmem>>, vector<1024x32xf32>
    %add3A = arith.constant 1.000000e+00 : f32
    %add3A_2 = vector.broadcast %add3A : f32 to vector<1024x32xf32>
    %add3A_3 = arith.addf %get3A_1, %add3A_2 : vector<1024x32xf32>
    %div3A = arith.constant 2.000000e+00 : f32
    %div3A_4 = vector.broadcast %div3A : f32 to vector<1024x32xf32>
    %div3A_5 = arith.divf %add3A_3, %div3A_4 : vector<1024x32xf32>
    %mul3A = arith.constant 9.900000e+01 : f32
    %mul3A_6 = vector.broadcast %mul3A : f32 to vector<1024x32xf32>
    %mul3A_7 = arith.mulf %div3A_5, %mul3A_6 : vector<1024x32xf32>
    %round3A = math.roundeven %mul3A_7 : vector<1024x32xf32>
    %jit3A = arith.constant 0.000000e+00 : f32
    %jit3A_8 = arith.constant 9.900000e+01 : f32
    %max3A = vector.broadcast %jit3A : f32 to vector<1024x32xf32>
    %max3A_9 = arith.maximumf %max3A, %round3A : vector<1024x32xf32>
    %min3A = vector.broadcast %jit3A_8 : f32 to vector<1024x32xf32>
    %min3A_10 = arith.minimumf %min3A, %max3A_9 : vector<1024x32xf32>
    %convert_element_type3A = arith.fptosi %min3A_10 : vector<1024x32xf32> to vector<1024x32xi32>
    %swap3A = arith.constant 0 : index
    %swap3A_11 = arith.constant 0 : index
    %swap3A_12 = vector.load %arg4[%swap3A, %swap3A_11] : memref<1024x32xi32, #tpu.memory_space<vmem>>, vector<1024x32xi32>
    tpu.vector_store %arg4[%swap3A, %swap3A_11], %convert_element_type3A {strides = array<i32>} : memref<1024x32xi32, #tpu.memory_space<vmem>>, vector<1024x32xi32>,
    %get3A_13 = arith.constant 0 : index
    %get3A_14 = arith.constant 0 : index
    %get3A_15 = vector.load %arg3[%get3A_13, %get3A_14] : memref<4x2048xf32, #tpu.memory_space<vmem>>, vector<4x2048xf32>
    %reduce_sum3A = arith.constant dense<0.000000e+00> : vector<2048xf32>
    %reduce_sum3A_16 = vector.multi_reduction <add>, %get3A_15, %reduce_sum3A [0] : vector<4x2048xf32> to vector<2048xf32>
    %broadcast_in_dim3A = vector.shape_cast %reduce_sum3A_16 : vector<2048xf32> to vector<1x2048xf32>
    %get3A_17 = arith.constant 0 : index
    %get3A_18 = arith.constant 0 : index
    %get3A_19 = vector.load %arg1[%get3A_17, %get3A_18] : memref<100x2048xf32, #tpu.memory_space<vmem>>, vector<100x2048xf32>
    %mul3A_20 = vector.broadcast %broadcast_in_dim3A : vector<1x2048xf32> to vector<100x2048xf32>
    %mul3A_21 = arith.mulf %get3A_19, %mul3A_20 : vector<100x2048xf32>
    %swap3A_22 = arith.constant 0 : index
    %swap3A_23 = arith.constant 0 : index
    %swap3A_24 = vector.load %arg5[%swap3A_22, %swap3A_23] : memref<100x2048xf32, #tpu.memory_space<vmem>>, vector<100x2048xf32>
    tpu.vector_store %arg5[%swap3A_22, %swap3A_23], %mul3A_21 {strides = array<i32>} : memref<100x2048xf32, #tpu.memory_space<vmem>>, vector<100x2048xf32>,
    %get3A_25 = arith.constant 0 : index
    %get3A_26 = arith.constant 0 : index
    %get3A_27 = vector.load %arg2[%get3A_25, %get3A_26] : memref<32x2048xf32, #tpu.memory_space<vmem>>, vector<32x2048xf32>
    %lt3A = arith.constant 0.000000e+00 : f32
    %lt3A_28 = vector.broadcast %lt3A : f32 to vector<32x2048xf32>
    %lt3A_29 = arith.cmpf olt, %get3A_27, %lt3A_28 : vector<32x2048xf32>
    %jit3A_30 = arith.constant 100 : i32
    %jit3A_31 = arith.constant 0 : i32
    %broadcast_in_dim3A_32 = vector.broadcast %jit3A_30 : i32 to vector<32x2048xi32>
    %broadcast_in_dim3A_33 = vector.broadcast %jit3A_31 : i32 to vector<32x2048xi32>
    %select_n3A = arith.select %lt3A_29, %broadcast_in_dim3A_32, %broadcast_in_dim3A_33 : vector<32x2048xi1>, vector<32x2048xi32>
    %eq3A = arith.constant 0.000000e+00 : f32
    %eq3A_34 = vector.broadcast %eq3A : f32 to vector<32x2048xf32>
    %eq3A_35 = arith.cmpf oeq, %get3A_27, %eq3A_34 : vector<32x2048xf32>
    %jit3A_36 = arith.constant 200 : i32
    %broadcast_in_dim3A_37 = vector.broadcast %jit3A_36 : i32 to vector<32x2048xi32>
    %select_n3A_38 = arith.select %eq3A_35, %broadcast_in_dim3A_37, %select_n3A : vector<32x2048xi1>, vector<32x2048xi32>
    %swap3A_39 = arith.constant 0 : index
    %swap3A_40 = arith.constant 0 : index
    %swap3A_41 = vector.load %arg6[%swap3A_39, %swap3A_40] : memref<32x2048xi32, #tpu.memory_space<vmem>>, vector<32x2048xi32>
    tpu.vector_store %arg6[%swap3A_39, %swap3A_40], %select_n3A_38 {strides = array<i32>} : memref<32x2048xi32, #tpu.memory_space<vmem>>, vector<32x2048xi32>,
    return
  }
}

</mosaic_0001>

<sc_bundles>
// kernel: kernel.4.cloned.1.call-start
scs
__scs_entry_jumppad:
0x0: {  	(pc) =	sbr.rel $0x88, $3  }
0x1: {  	(tag) =	ssettag $0x0;
	lr =	simm.s32 $0x1  }
0x2: {  	[smem:$0x3F9D] =	sst lr;
	_ =	strace $0xD0000000  }
0x3: {  	_ = 	snop  }
0x4: {  	_ = 	snop  }
0x5: {  	_ = 	snop  }
0x6: {  	_ = 	snop  }
0x7: {  	_ = 	snop  }
__scs_overlays_trampoline_lowered:
0x8: {  	[smem:$0x3FAC] =	sst s0  }
0x9: {  	[smem:$0x3FAD] =	sst s1  }
0xa: {  	[smem:$0x3FAE] =	sst s2  }
0xb: {  	[smem:$0x3FAF] =	sst s3  }
0xc: {  	[smem:$0x3FB0] =	sst s4  }
0xd: {  	[smem:$0x3FB1] =	sst s5  }
0xe: {  	[smem:$0x3FB2] =	sst s6  }
0xf: {  	[smem:$0x3FB3] =	sst s7  }
0x10: {  	[smem:$0x3FB4] =	sst s8  }
0x11: {  	[smem:$0x3FB5] =	sst s9;
	s0 =	simm.s32 @!p0 $0x0  }
0x12: {  	s1 =	sld [smem:$0x3F9B];
	s0 =	simm.s32 @p0 $0x1  }
0x13: {  	[smem:$0x3FB6] =	sst s0;
	s0 =	simm.s32 @!p1 $0x0  }
0x14: {  	s2 =	sld [smem:$0x3F9A];
	s0 =	simm.s32 @p1 $0x1  }
0x15: {  	[smem:$0x3FB7] =	sst s0;
	s0 =	simm.s32 @!p2 $0x0  }
0x16: {  	s3 =	sld [smem:$0x3FDB];
	s0 =	simm.s32 @p2 $0x1  }
0x17: {  	s4 =	simm.s32 $0x1BF5;
	[smem:$0x3FB9] =	sst s0  }
0x18: {  	s0 =	sld [smem:$0x3F9C];
	_ =	swait.ge [sflag:s4], $0x0  }
0x19: {  	s7 =	sld [smem:$0x3F9D]  }
0x1a: {  	s8 =	sadd.s32 $0xFFFFE003, lr  }
0x1b: {  	s9 =	sadd.s32 $0xFFFFFEF7, lr;
	s5 =	simm.s32 $0xFFFFFFFF;
	p2 =	slt.u32 s8, $0xFFFFF086  }
0x1c: {  	p1 =	slt.u32 s9, $0xF7A;
	s5 =	simm.s32 @!p2 $0x0  }
0x1d: {  	s5 =	simm.s32 @p1 $0x1;
	p0 =	seq.s32 s7, s2  }
0x1e: {  	s7 =	smul.u32 @!p0 $0xF7A, s2;
	p2 =	seq.s32 @!p0 s5, $0x0  }
0x1f: {  	s9 =	smul.u32 $0xF7A, s1;
	s8 =	simm.s32 @!p0 $0x1BF5;
	p2 =	por !p2, p0  }
0x20: {  	[sflag:s8] =	ssyncset.s32 @!p0 $0xFFFFF086;
	s6 =	sadd.s32 @!p0 s3, s7;
	s7 =	simm.s32 @!p0 $0x108  }
0x21: {  	s3 =	sadd.s32 s3, s9;
	s6 =	sadd.s32 @!p0 $0x88, s6;
	s7 =	simm.s32 @p2 $0x1082  }
0x22: {  	[simem:s7], [sflag:s8] =	dma.local @!p0 [hbm:s6], $0xF7A  }
0x23: {  	s9 =	sor.u32 $0xD0000000, s2;
	s6 =	simm.s32 $0x108;
	_ =	swait.ge @!p0 [sflag:s8], $0x0  }
0x24: {  	s3 =	sadd.s32 $0x88, s3;
	s6 =	simm.s32 @!p1 $0x1082;
	[sflag:s4] =	ssyncset.s32 $0xFFFFF086  }
0x25: {  	[simem:s6], [sflag:s4] =	dma.local [hbm:s3], $0xF7A  }
0x26: {  	[smem:$0x3F9D] =	sst s1;
	(tag) =	ssettag s2;
	_ =	strace s9  }
0x27: {  	s1 =	sld [smem:$0x3FAD]  }
0x28: {  	s2 =	sld [smem:$0x3FAE]  }
0x29: {  	s4 =	sld [smem:$0x3FB0]  }
0x2a: {  	p0 =	seq.s32 s5, $0x0;
	s5 =	sld [smem:$0x3FB1]  }
0x2b: {  	s6 =	sld [smem:$0x3FB2]  }
0x2c: {  	s7 =	sld [smem:$0x3FB3]  }
0x2d: {  	s3 =	simm.s32 $0x108;
	s8 =	sld [smem:$0x3FB4]  }
0x2e: {  	s3 =	simm.s32 @!p0 $0x1082;
	s9 =	sld [smem:$0x3FB5]  }
0x2f: {  	lr =	sadd.s32 s0, s3;
	s0 =	sld [smem:$0x3FAC]  }
0x30: {  	s3 =	sld [smem:$0x3FAF]  }
0x31: {  	[smem:$0x3FB8] =	sst s10  }
0x32: {  	s10 =	sld [smem:$0x3FB6];
	_ =	sdelay $0x3  }
0x33: {  	p0 =	seq.s32 s10, $0x1;
	s10 =	sld [smem:$0x3FB8];
	_ =	sdelay $0x3  }
0x34: {  	[smem:$0x3FB8] =	sst s10  }
0x35: {  	s10 =	sld [smem:$0x3FB7];
	_ =	sdelay $0x3  }
0x36: {  	p1 =	seq.s32 s10, $0x1;
	s10 =	sld [smem:$0x3FB8];
	_ =	sdelay $0x3  }
0x37: {  	[smem:$0x3FB8] =	sst s10  }
0x38: {  	s10 =	sld [smem:$0x3FB9]  }
0x39: {  	_ = 	snop;
	(pc) =	sbr.ind lr, $3  }
0x3a: {  	_ = 	snop  }
0x3b: {  	_ = 	snop  }
0x3c: {  	p2 =	seq.s32 s10, $0x1;
	s10 =	sld [smem:$0x3FB8]  }
0x3d: {  	_ =	shalt  }
0x3e: {  	_ =	shalt  }
0x3f: {  	_ =	shalt  }
0x40: {  	_ =	shalt  }
0x41: {  	_ =	shalt  }
0x42: {  	_ =	shalt  }
0x43: {  	_ =	shalt  }
0x44: {  	_ =	shalt  }
0x45: {  	_ =	shalt  }
0x46: {  	_ =	shalt  }
0x47: {  	_ =	shalt  }
0x48: {  	_ =	shalt  }
0x49: {  	_ =	shalt  }
0x4a: {  	_ =	shalt  }
0x4b: {  	_ =	shalt  }
0x4c: {  	_ =	shalt  }
0x4d: {  	_ =	shalt  }
0x4e: {  	_ =	shalt  }
0x4f: {  	_ =	shalt  }
0x50: {  	_ =	shalt  }
0x51: {  	_ =	shalt  }
0x52: {  	_ =	shalt  }
0x53: {  	_ =	shalt  }
0x54: {  	_ =	shalt  }
0x55: {  	_ =	shalt  }
0x56: {  	_ =	shalt  }
0x57: {  	_ =	shalt  }
0x58: {  	_ =	shalt  }
0x59: {  	_ =	shalt  }
0x5a: {  	_ =	shalt  }
0x5b: {  	_ =	shalt  }
0x5c: {  	_ =	shalt  }
0x5d: {  	_ =	shalt  }
0x5e: {  	_ =	shalt  }
0x5f: {  	_ =	shalt  }
0x60: {  	_ =	shalt  }
0x61: {  	_ =	shalt  }
0x62: {  	_ =	shalt  }
0x63: {  	_ =	shalt  }
0x64: {  	_ =	shalt  }
0x65: {  	_ =	shalt  }
0x66: {  	_ =	shalt  }
0x67: {  	_ =	shalt  }
0x68: {  	_ =	shalt  }
0x69: {  	_ =	shalt  }
0x6a: {  	_ =	shalt  }
0x6b: {  	_ =	shalt  }
0x6c: {  	_ =	shalt  }
0x6d: {  	_ =	shalt  }
0x6e: {  	_ =	shalt  }
0x6f: {  	_ =	shalt  }
0x70: {  	_ =	shalt  }
0x71: {  	_ =	shalt  }
0x72: {  	_ =	shalt  }
0x73: {  	_ =	shalt  }
0x74: {  	_ =	shalt  }
0x75: {  	_ =	shalt  }
0x76: {  	_ =	shalt  }
0x77: {  	_ =	shalt  }
0x78: {  	_ =	shalt  }
0x79: {  	_ =	shalt  }
0x7a: {  	_ =	shalt  }
0x7b: {  	_ =	shalt  }
0x7c: {  	_ =	shalt  }
0x7d: {  	_ =	shalt  }
0x7e: {  	_ =	shalt  }
0x7f: {  	_ =	shalt  }
0x80: {  	_ =	shalt  }
0x81: {  	_ =	shalt  }
0x82: {  	_ =	shalt  }
0x83: {  	_ =	shalt  }
0x84: {  	_ =	shalt  }
0x85: {  	_ =	shalt  }
0x86: {  	_ =	shalt  }
0x87: {  	_ =	shalt  }
.Lfunc_end0:
.L_simem_size_0:
called_computation_lowered:
.L_overlay_start_0:
0x88: {  	s2 =	sld [smem:$0x3FD9]  }
0x89: {  	s3 =	sld [smem:$0x3FFE];
	_ =	sdelay $0x1  }
0x8a: {  	s1 =	srdreg.scid  }
0x8b: {  	s0 =	sand.u32 $0x1, s1  }
0x8c: {  	s17 =	sshll.u32 s0, $0xA;
	s2 =	sadd.s32 s3, s2  }
0x8d: {  	s2 =	sadd.s32 s2, s17  }
0x8e: {  	[smem:$0x3FC4] =	sst s2  }
0x8f: {  	_ = 	snop  }
0x90: {  	s2 =	sld [smem:$0x3FD0];
	(tm) =	ssettm $0x1  }
0x91: {  	s18 =	sld [smem:$0x3FFB];
	_ =	sdelay $0x3  }
0x92: {  	_ =	strace s18  }
0x93: {  	s3 =	sld [smem:$0x3FFC];
	_ =	sdelay $0x3  }
0x94: {  	_ =	strace s3  }
0x95: {  	s3 =	sld [smem:$0x3FFD];
	_ =	sdelay $0x3  }
0x96: {  	_ =	strace s3  }
0x97: {  	_ =	strace $0x8FFFFFFF  }
0x98: {  	s19 =	sld [smem:$0x3FDB];
	_ =	sdelay $0x1  }
0x99: {  	s4 =	simm.s32 $_scs_section_size  }
0x9a: {  	s5 =	simm.s32 $_size__tile_overlayer_lowered;
	s6 =	simm.s32 $_tile_overlayer_lowered  }
0x9b: {  	s22 =	simm.s32 $0x1BFF;
	s21 =	sshll.u32 s6, $0x1;
	s3 =	sadd.s32 s4, s19  }
0x9c: {  	s7 =	simm.s32 $0x0;
	s20 =	sshll.u32 s5, $0x1;
	s5 =	sadd.s32 s21, s3  }
0x9d: {  	[timem:s7], [sflag:s22] =	dma.local [hbm:s5], s20  }
0x9e: {  	_ =	swait.ge [sflag:s22], s20  }
0x9f: {  	s4 =	ssub.s32 $0x0, s20;
	[sflag:s22] =	ssyncset.done $0x0  }
0xa0: {  	[sflag:s22] =	ssyncadd.s32 s4;
	_ =	sdelay $0x1  }
0xa1: {  	s23 =	simm.s32 $0x1B8B  }
0xa2: {  	_ =	swait.ge [sflag:s23], $0x1  }
0xa3: {  	[sflag:s23] =	ssyncset.done $0x0  }
0xa4: {  	s25 =	simm.s32 $0x1B8E;
	s24 =	sld [smem:$0x3FFE];
	[sflag:s23] =	ssyncadd.s32 $0xFFFFFFFF  }
0xa5: {  	s26 =	simm.s32 $execute0_lowered;
	[smem:$0x3FD2] =	sst s25  }
0xa6: {  	s5 =	sshll.u32 s26, $0x1;
	_ =	strace $0x80000046;
	[dreg:$0x1] =	wrdreg $0xFFFFFFFF  }
0xa7: {  	s28 =	simm.s32 $_size_execute0_lowered;
	s3 =	sadd.s32 s3, s5;
	[dreg:$0x0] =	wrdreg $0x0  }
0xa8: {  	s5 =	sshll.u32 s28, $0x1;
	[dreg:$0x2] =	wrdreg s3  }
0xa9: {  	[dreg:$0x3] =	wrdreg s5  }
0xaa: {  	[dreg:$0x4] =	wrdreg $0xC0  }
0xab: {  	_ =	task [dreg:s7], $0x5FFFF  }
0xac: {  	[dreg:$0x1] =	wrdreg $0xFFFFFFFF  }
0xad: {  	[dreg:$0x0] =	wrdreg $0x60  }
0xae: {  	[dreg:$0x2] =	wrdreg s24  }
0xaf: {  	[dreg:$0x3] =	wrdreg s2  }
0xb0: {  	[dreg:$0x4] =	wrdreg $0x9  }
0xb1: {  	_ =	task.clear_ibuf [dreg:s7], $0x5FFFF;
	_ =	strace $0x90000046  }
0xb2: {  	s29 =	simm.s32 $0x9;
	_ =	strace $0x80000048  }
0xb3: {  	_ =	swait.ge [sflag:s29], $0x1  }
0xb4: {  	[sflag:s29] =	ssyncadd.s32 $0xFFFFFFFF  }
0xb5: {  	_ =	strace $0x90000048  }
0xb6: {  	_ =	sfence  }
0xb7: {  	s30 =	sld [smem:$0x0];
	_ =	sdelay $0x2  }
0xb8: {  	s31 =	sshll.u32 s1, $0xD;
	s1 =	sshrl.u32 s1, $0x2  }
0xb9: {  	s3 =	sand.u32 $0x4000, s31;
	s1 =	sadd.s32 s1, s30  }
0xba: {  	s0 =	sor.u32 s3, s0;
	s1 =	sshll.u32 s1, $0x11  }
0xbb: {  	s0 =	sor.u32 s1, s0  }
0xbc: {  	s0 =	sadd.s32 $0x8F2B, s0  }
0xbd: {  	[sflag:s0] =	ssyncadd.remote.s32 $0x1  }
0xbe: {  	_ =	sfence.sel $0xFFFF  }
0xbf: {  	[dreg:$0x0] =	wrdreg $0xFFFFFFFF;
	(pc) =	sbr.abs _section_cstart, $3  }
0xc0: {  	[dreg:$0x1] =	wrdreg $0xFFFFFFFF  }
0xc1: {  	_ =	task.clear_ibuf [dreg:s7], $0x2FFFF;
	_ =	strace $0x9FFFFFFF  }
0xc2: {  	(tm) =	ssettm $0x7FFFFFFF  }
0xc3: {  	_ =	shalt  }
tec
execute0_lowered:
.L_overlay_start_1:
0x0: {  	(tag) =	ssettag $0x1  }
0x1: {  	s5 =	rddreg [dreg:$0x0]  }
0x2: {  	s0 =	srdreg.scid;
	s6 =	rddreg [dreg:$0x1]  }
0x3: {  	s2 =	simm.s32 $0x0;
	s4 =	sand.u32 $0x1, s0;
	s0 =	stileid.u32  }
0x4: {  	s3 =	simm.s32 $0x1;
	s12 =	simm.s32 $0x7000;
	s1 =	sor.u32 s4, s0  }
0x5: {  	s13 =	simm.s32 $0xD800;
	p1 =	seq.s32 s4, $0x1;
	p0 =	seq.s32 s1, $0x0  }
0x6: {  	s14 =	simm.s32 $0xE800;
	s15 =	simm.s32 $0x0;
	p0 =	por !p0, !p1  }
0x7: {  	[smem:$0x7FF] =	sst s2;
	s7 =	sshll.u32 s4, $0xB;
	p0 =	por !p0, !p0  }
0x8: {  	s9 =	sshll.u32 s4, $0x14;
	s4 =	ssub.s32 $0x2, s4;
	s3 =	simm.s32 @!p0 $0x0  }
0x9: {  	s1 =	rddreg [dreg:$0x2];
	_ =	strace $0x80000047;
	s3 =	ssub.s32 s0, s3  }
0xa: {  	s7 =	sadd.s32 s7, s5;
	s10 =	sshrl.u32 s4, $0x1;
	s8 =	sshll.u32 s3, $0xA  }
0xb: {  	s10 =	ssub.s32 s4, s10;
	s4 =	sadd.s32 $0x7C00, s7;
	s9 =	sadd.s32 s9, s8  }
0xc: {  	v0 =	vlaneseq.u32;
	s3 =	simm.s32 $0x1;
	s8 =	sshrl.u32 s8, $0x3;
	s9 =	sshrl.u32 s9, $0x3  }
0xd: {  	v16 =	vimm.f32 $0.0e+00;
	v2 =	vor.u32 $0x10, v0;
	s11 =	sadd.s32 s8, s5;
	s6 =	sadd.s32 s6, s8;
	s8 =	smax.u32 s10, $0x1  }
0xe: {  	v3 =	vor.u32 $0x20, v0;
	v4 =	vor.u32 $0x30, v0;
	v5 =	vor.u32 $0x40, v0;
	s10 =	simm.s32 $0x4000;
	s9 =	sadd.s32 s9, s5;
	s5 =	sadd.s32 $0x1400, s11  }
0xf: {  	v6 =	vor.u32 $0x50, v0;
	v7 =	vor.u32 $0x60, v0;
	v8 =	vor.u32 $0x70, v0;
	s7 =	sadd.s32 $0x8C00, s9;
	s9 =	simm.s32 $0x400;
	s11 =	sadd.s32 $0x6000, s5  }
.LBB2_1:
0x10: {  	[tilespmem:s2], [sflag:$0x1] =	stream.linear.gather [hbm4b:s4+s2], $0x4000, $0x38;
	[tilespmem:$0x1E800] =	vst v63  }
0x11: {  	_ =	swait.ge [sflag:s3], $0x4000  }
0x12: {  	[sflag:s3] =	ssyncset.done $0x0  }
0x13: {  	[sflag:s3] =	ssyncadd.s32 $0xFFFFC000  }
0x14: {  	[tilespmem:s10], [sflag:$0x1] =	stream.strided.gather [hbm4b:s5+s9], $0x3000, s10, s9, $0x38;
	[tilespmem:$0x1E800] =	vst v63  }
0x15: {  	_ = 	snop  }
0x16: {  	[tilespmem:s12], [sflag:$0x1] =	stream.linear.gather [hbm4b:s11+s2], $0x200, $0x38;
	[tilespmem:$0x1E800] =	vst v63  }
0x17: {  	_ =	swait.ge [sflag:s3], $0x3200  }
0x18: {  	[sflag:s3] =	ssyncset.done $0x0  }
0x19: {  	[sflag:s3] =	ssyncadd.s32 $0xFFFFCE00  }
0x1a: {  	[tilespmem:s13], [sflag:$0x1] =	stream.strided.gather [hbm4b:s6+s9], $0x1000, s10, s9, $0x38;
	[tilespmem:$0x1E800] =	vst v63  }
0x1b: {  	_ =	swait.ge [sflag:s3], $0x1000  }
0x1c: {  	[sflag:s3] =	ssyncset.done $0x0  }
0x1d: {  	s16 =	simm.s32 $0x0;
	s17 =	simm.s32 $0x200;
	[sflag:s3] =	ssyncadd.s32 $0xFFFFF000  }
.LBB2_2:
0x1e: {  	p0 =	sne.s32 s17, $0xC600;
	[tilespmem:s16+$0xA400] =	vst v16;
	v1 =	vld [tilespmem:s16+$0x4070]  }
0x1f: {  	v9 =	vld [tilespmem:s16+$0x4000];
	[tilespmem:s16+$0xA410] =	vst v16  }
0x20: {  	v10 =	vld [tilespmem:s16+$0x4010];
	[tilespmem:s16+$0xA420] =	vst v16  }
0x21: {  	v11 =	vld [tilespmem:s16+$0x4020];
	[tilespmem:s16+$0xA430] =	vst v16  }
0x22: {  	v12 =	vld [tilespmem:s16+$0x4030];
	[tilespmem:s16+$0xA440] =	vst v16  }
0x23: {  	v13 =	vld [tilespmem:s16+$0x4040];
	[tilespmem:s16+$0xA450] =	vst v16;
	v1 =	vsub.f32 $0.0e+00, v1  }
0x24: {  	v9 =	vsub.f32 $0.0e+00, v9;
	v14 =	vld [tilespmem:s16+$0x4050];
	[tilespmem:s16+$0xA460] =	vst v16  }
0x25: {  	v10 =	vsub.f32 $0.0e+00, v10;
	v15 =	vld [tilespmem:s16+$0x4060];
	[tilespmem:s16+$0x7270] =	vst v1  }
0x26: {  	[tilespmem:s16+$0x7200] =	vst v9;
	v1 =	vsub.f32 $0.0e+00, v11  }
0x27: {  	[tilespmem:s16+$0x7210] =	vst v10;
	v9 =	vsub.f32 $0.0e+00, v12  }
0x28: {  	[tilespmem:s16+$0x7220] =	vst v1;
	v1 =	vsub.f32 $0.0e+00, v13  }
.Ltmp0:
0x29: {  	[tilespmem:s16+$0x7230] =	vst v9;
	v9 =	vsub.f32 $0.0e+00, v14;
	(pc) =	sbr.rel @p0 .LBB2_2-.Ltmp0, $4  }
0x2a: {  	[tilespmem:s16+$0x7240] =	vst v1;
	v1 =	vsub.f32 $0.0e+00, v15  }
0x2b: {  	[tilespmem:s16+$0x7250] =	vst v9  }
0x2c: {  	[tilespmem:s16+$0x7260] =	vst v1  }
0x2d: {  	[tilespmem:s16+$0xA470] =	vst v16;
	s16 =	sshra.s32 s17, $0x2;
	s17 =	sadd.s32 $0x200, s17  }
0x2e: {  	[tilespmem:s16+$0xA400] =	vst v16  }
0x2f: {  	v1 =	vld [tilespmem:s16+$0x4070];
	[tilespmem:s16+$0xA410] =	vst v16  }
0x30: {  	v9 =	vld [tilespmem:s16+$0x4000];
	[tilespmem:s16+$0xA420] =	vst v16  }
0x31: {  	v10 =	vld [tilespmem:s16+$0x4010];
	[tilespmem:s16+$0xA430] =	vst v16  }
0x32: {  	v11 =	vld [tilespmem:s16+$0x4020];
	[tilespmem:s16+$0xA440] =	vst v16  }
0x33: {  	v12 =	vld [tilespmem:s16+$0x4030];
	[tilespmem:s16+$0xA450] =	vst v16  }
0x34: {  	v13 =	vld [tilespmem:s16+$0x4040];
	[tilespmem:s16+$0xA460] =	vst v16;
	v1 =	vsub.f32 $0.0e+00, v1  }
0x35: {  	v14 =	vld [tilespmem:s16+$0x4050];
	[tilespmem:s16+$0xA470] =	vst v16;
	v9 =	vsub.f32 $0.0e+00, v9  }
0x36: {  	v15 =	vld [tilespmem:s16+$0x4060];
	v10 =	vsub.f32 $0.0e+00, v10;
	[tilespmem:s16+$0x7270] =	vst v1  }
0x37: {  	[tilespmem:s16+$0x7200] =	vst v9;
	v1 =	vsub.f32 $0.0e+00, v11  }
0x38: {  	[tilespmem:s16+$0x7210] =	vst v10;
	v9 =	vsub.f32 $0.0e+00, v12  }
0x39: {  	[tilespmem:s16+$0x7220] =	vst v1;
	v1 =	vsub.f32 $0.0e+00, v13  }
0x3a: {  	[tilespmem:s16+$0x7230] =	vst v9;
	v9 =	vsub.f32 $0.0e+00, v14  }
0x3b: {  	[tilespmem:s16+$0x7240] =	vst v1;
	v1 =	vsub.f32 $0.0e+00, v15  }
0x3c: {  	[tilespmem:s16+$0x7250] =	vst v9  }
0x3d: {  	[tilespmem:s16+$0x7260] =	vst v1  }
0x3e: {  	v1 =	vld [tilespmem:$0xD800];
	_ =	sdelay $0x4  }
0x3f: {  	[tilespmem:$0x1FF70] =	vst v1;
	v1 =	vld [tilespmem:$0xD820];
	_ =	sdelay $0x3  }
0x40: {  	v10 =	vld [tilespmem:$0xD810]  }
0x41: {  	[tilespmem:$0x1FF80] =	vst v1;
	v1 =	vld [tilespmem:$0xD860]  }
0x42: {  	v61 =	vld [tilespmem:$0xD830]  }
0x43: {  	v13 =	vld [tilespmem:$0xD840]  }
0x44: {  	v62 =	vld [tilespmem:$0xD850]  }
0x45: {  	s28 =	simm.s32 $0x1;
	v15 =	vld [tilespmem:$0xD870]  }
0x46: {  	v16 =	vld [tilespmem:$0xD880];
	[tilespmem:$0x1FF90] =	vst v1;
	v1 =	vmov s28  }
0x47: {  	v17 =	vld [tilespmem:$0xD890];
	v1 =	vand.u32 $0xFFFFFFE1, v1  }
0x48: {  	v19 =	vld [tilespmem:$0xD8A0];
	v1 =	vbroadcast v1, $0x0  }
0x49: {  	s30 =	simm.s32 $0x0;
	v20 =	vld [tilespmem:$0xD8B0]  }
0x4a: {  	s29 =	simm.s32 $0x2;
	v18 =	vmov s30;
	v9 =	vld [tilespmem:$0xD8C0]  }
0x4b: {  	v18 =	vand.u32 $0xFFFFFFE0, v18;
	v11 =	vmov s29;
	v27 =	vld [tilespmem:$0xD8D0]  }
0x4c: {  	v18 =	vbroadcast v18, $0x0;
	v11 =	vand.u32 $0xFFFFFFE2, v11;
	v29 =	vld [tilespmem:$0xD8E0]  }
0x4d: {  	s31 =	simm.s32 $0x3;
	v11 =	vbroadcast v11, $0x0;
	v31 =	vld [tilespmem:$0xD8F0]  }
0x4e: {  	v43 =	vld.idx.msk [tilespmem:v1+s2+$0x0], $0xffff;
	v1 =	vmov s31  }
0x4f: {  	v42 =	vand.u32 $0xFFFFFFE3, v1;
	v1 =	vld [tilespmem:$0xD940]  }
0x50: {  	v33 =	vld [tilespmem:$0xD900]  }
0x51: {  	v39 =	vld [tilespmem:$0xD960]  }
0x52: {  	v48 =	vld.idx.msk [tilespmem:v18+s2+$0x0], $0xffff  }
0x53: {  	v47 =	vld.idx.msk [tilespmem:v11+s2+$0x0], $0xffff  }
0x54: {  	v35 =	vld [tilespmem:$0xD910];
	[tilespmem:$0x1FFB0] =	vst v1;
	v1 =	vadd.s32 v31, v43  }
0x55: {  	[tilespmem:$0x1FFA0] =	vst v9;
	v9 =	vld [tilespmem:$0xD980];
	v1 =	vshll.u32 v1, $0x7  }
0x56: {  	v44 =	vor.u32 v8, v1;
	v1 =	vld [tilespmem:$0xD990]  }
0x57: {  	v38 =	vld [tilespmem:$0xD950]  }
0x58: {  	v40 =	vld [tilespmem:$0xD970];
	v46 =	vadd.s32 v61, v48;
	v51 =	vadd.s32 v10, v48;
	v32 =	vadd.s32 v39, v47  }
0x59: {  	v37 =	vld [tilespmem:$0xD920];
	v54 =	vadd.s32 v62, v48;
	v63 =	vadd.s32 v13, v48;
	v53 =	vshll.u32 v32, $0x7  }
0x5a: {  	v28 =	vld [tilespmem:$0xD930];
	v14 =	vadd.s32 v15, v48;
	v60 =	vor.u32 v7, v53;
	[tilespmem:$0x1FFC0] =	vst v9;
	v9 =	vadd.s32 v29, v43  }
0x5b: {  	v30 =	vld [tilespmem:$0xD9B0];
	v52 =	vadd.s32 v33, v47;
	v9 =	vshll.u32 v9, $0x7;
	[tilespmem:$0x1FFD0] =	vst v1;
	v1 =	vadd.s32 v20, v43  }
0x5c: {  	v11 =	vld [tilespmem:$0xD9A0];
	v24 =	vmovc v17;
	v36 =	vadd.s32 v35, v47;
	v58 =	vor.u32 v7, v9;
	v1 =	vshll.u32 v1, $0x7  }
0x5d: {  	v25 =	vmovc v19;
	v45 =	vadd.s32 v38, v47;
	v59 =	vadd.s32 v40, v47;
	v50 =	vor.u32 v4, v1;
	v1 =	vld [tilespmem:$0xD9C0]  }
0x5e: {  	v26 =	vmovc v20;
	v18 =	vmovc v61;
	v54 =	vshll.u32 v54, $0x7;
	v32 =	vld [tilespmem:$0xD9D0];
	v53 =	vshll.u32 v36, $0x7;
	v57 =	vbroadcast v42, $0x0  }
0x5f: {  	v42 =	vld.idx.msk [tilespmem:v60+s10+$0x0], $0xffff;
	v60 =	vor.u32 v6, v54;
	v34 =	vadd.s32 v19, v43;
	v41 =	vadd.s32 v27, v43  }
0x60: {  	v23 =	vmovc v16;
	v36 =	vld [tilespmem:$0xD9F0];
	v19 =	vmovc v13;
	v13 =	vshll.u32 v63, $0x7;
	v63 =	vshll.u32 v45, $0x7;
	v12 =	vshll.u32 v41, $0x7  }
0x61: {  	v49 =	vadd.s32 v17, v43;
	v61 =	vor.u32 v6, v12;
	v45 =	vld.idx.msk [tilespmem:v58+s10+$0x0], $0xffff;
	v58 =	vor.u32 v6, v63  }
0x62: {  	v54 =	vshll.u32 v14, $0x7;
	v20 =	vmovc v62;
	v62 =	vshll.u32 v46, $0x7;
	v41 =	vld.idx.msk [tilespmem:v44+s10+$0x0], $0xffff;
	[tilespmem:$0x1FFF0] =	vst v1;
	v1 =	vadd.s32 v16, v43  }
0x63: {  	v22 =	vmovc v15;
	v44 =	vor.u32 v5, v13;
	v46 =	vld.idx.msk [tilespmem:v50+s10+$0x0], $0xffff;
	v50 =	vadd.s32 v37, v47;
	v55 =	vshll.u32 v1, $0x7  }
0x64: {  	s17 =	simm.s32 $0xE840;
	s18 =	simm.s32 $0x20;
	s16 =	simm.s32 $0xE840;
	[tilespmem:$0x1FFE0] =	vst v11;
	v17 =	vmovc v10;
	v1 =	vshll.u32 v34, $0x7;
	v34 =	vld [tilespmem:$0xD9E0];
	v56 =	vor.u32 v0, v55;
	v55 =	vor.u32 v4, v62  }
.LBB2_4:
0x65: {  	_ =	sdelay $0x1  }
0x66: {  	v61 =	vld.idx.msk [tilespmem:v61+s10+$0x0], $0xffff  }
0x67: {  	v9 =	vld [tilespmem:$0x1FF70]  }
0x68: {  	v56 =	vld.idx.msk [tilespmem:v56+s10+$0x0], $0xffff  }
0x69: {  	v10 =	vld [tilespmem:$0x1FFB0]  }
0x6a: {  	v57 =	vld.idx.msk [tilespmem:v57+s2+$0x0], $0xffff  }
0x6b: {  	v60 =	vld.idx.msk [tilespmem:v60+s10+$0x0], $0xffff  }
0x6c: {  	v55 =	vld.idx.msk [tilespmem:v55+s10+$0x0], $0xffff  }
0x6d: {  	v58 =	vld.idx.msk [tilespmem:v58+s10+$0x0], $0xffff  }
0x6e: {  	v11 =	vld [tilespmem:$0x1FFE0]  }
0x6f: {  	v1 =	vor.u32 v3, v1;
	v16 =	vld [tilespmem:$0x1FFC0]  }
0x70: {  	v53 =	vor.u32 v2, v53;
	v21 =	vld [tilespmem:$0x1FFF0]  }
0x71: {  	v49 =	vshll.u32 v49, $0x7;
	v52 =	vshll.u32 v52, $0x7;
	v54 =	vor.u32 v8, v54;
	v44 =	vld.idx.msk [tilespmem:v44+s10+$0x0], $0xffff  }
0x72: {  	v62 =	vadd.s32 v28, v47;
	v52 =	vor.u32 v0, v52;
	v63 =	vadd.s32 v9, v48;
	v9 =	vld [tilespmem:$0x1FF80]  }
0x73: {  	v59 =	vshll.u32 v59, $0x7;
	v51 =	vshll.u32 v51, $0x7;
	v13 =	vadd.s32 v10, v47;
	v10 =	vld [tilespmem:$0x1FF90]  }
0x74: {  	v50 =	vshll.u32 v50, $0x7;
	v49 =	vor.u32 v2, v49;
	v59 =	vor.u32 v8, v59;
	v1 =	vld.idx.msk [tilespmem:v1+s10+$0x0], $0xffff  }
0x75: {  	v62 =	vshll.u32 v62, $0x7;
	v51 =	vor.u32 v2, v51;
	v50 =	vor.u32 v3, v50;
	v53 =	vld.idx.msk [tilespmem:v53+s10+$0x0], $0xffff  }
0x76: {  	v62 =	vor.u32 v4, v62;
	v11 =	vadd.s32 v11, v57;
	v12 =	vadd.s32 v30, v57;
	v54 =	vld.idx.msk [tilespmem:v54+s10+$0x0], $0xffff  }
0x77: {  	v15 =	vadd.s32 v34, v57;
	v16 =	vadd.s32 v16, v57;
	v55 =	vadd.f32 $0.0e+00, v55;
	v52 =	vld.idx.msk [tilespmem:v52+s10+$0x0], $0xffff  }
0x78: {  	v60 =	vadd.f32 $0.0e+00, v60;
	v63 =	vshll.u32 v63, $0x7;
	v14 =	vadd.s32 v10, v48;
	v10 =	vld [tilespmem:$0x1FFA0]  }
0x79: {  	v44 =	vadd.f32 $0.0e+00, v44;
	v59 =	vld.idx.msk [tilespmem:v59+s10+$0x0], $0xffff;
	v12 =	vshll.u32 v12, $0x7;
	v63 =	vor.u32 v0, v63  }
0x7a: {  	v51 =	vld.idx.msk [tilespmem:v51+s10+$0x0], $0xffff;
	v12 =	vor.u32 v4, v12;
	v9 =	vadd.s32 v9, v48;
	v48 =	vshll.u32 v14, $0x7  }
0x7b: {  	v47 =	vshll.u32 v13, $0x7;
	v49 =	vld.idx.msk [tilespmem:v49+s10+$0x0], $0xffff;
	v9 =	vshll.u32 v9, $0x7;
	v48 =	vor.u32 v7, v48  }
0x7c: {  	v13 =	vadd.s32 v32, v57;
	v15 =	vshll.u32 v15, $0x7;
	v62 =	vld.idx.msk [tilespmem:v62+s10+$0x0], $0xffff;
	v9 =	vor.u32 v3, v9  }
0x7d: {  	v16 =	vshll.u32 v16, $0x7;
	v15 =	vor.u32 v7, v15;
	v43 =	vadd.s32 v10, v43;
	v10 =	vld [tilespmem:$0x1FFD0]  }
0x7e: {  	v11 =	vshll.u32 v11, $0x7;
	v13 =	vshll.u32 v13, $0x7;
	v16 =	vor.u32 v0, v16;
	v63 =	vld.idx.msk [tilespmem:v63+s10+$0x0], $0xffff  }
0x7f: {  	v11 =	vor.u32 v3, v11;
	v47 =	vor.u32 v5, v47;
	v46 =	vadd.f32 v46, v55;
	v12 =	vld.idx.msk [tilespmem:v12+s10+$0x0], $0xffff  }
0x80: {  	v61 =	vadd.f32 v61, v60;
	v13 =	vor.u32 v6, v13;
	v14 =	vadd.s32 v36, v57;
	v48 =	vld.idx.msk [tilespmem:v48+s10+$0x0], $0xffff  }
0x81: {  	v51 =	vadd.f32 $0.0e+00, v51;
	v14 =	vshll.u32 v14, $0x7;
	v43 =	vshll.u32 v43, $0x7;
	v9 =	vld.idx.msk [tilespmem:v9+s10+$0x0], $0xffff  }
0x82: {  	v15 =	vld.idx.msk [tilespmem:v15+s10+$0x0], $0xffff;
	v46 =	vadd.f32 v62, v46;
	v43 =	vor.u32 v5, v43;
	v10 =	vadd.s32 v10, v57  }
0x83: {  	v16 =	vld.idx.msk [tilespmem:v16+s10+$0x0], $0xffff;
	v63 =	vadd.f32 $0.0e+00, v63;
	v57 =	vadd.s32 v21, v57;
	v10 =	vshll.u32 v10, $0x7  }
0x84: {  	v62 =	vld.idx.msk [tilespmem:v47+s10+$0x0], $0xffff;
	v49 =	vadd.f32 v49, v51;
	v57 =	vshll.u32 v57, $0x7;
	v10 =	vor.u32 v2, v10  }
0x85: {  	v11 =	vld.idx.msk [tilespmem:v11+s10+$0x0], $0xffff;
	v55 =	vadd.f32 v56, v63;
	v57 =	vor.u32 v5, v57;
	v48 =	vadd.f32 $0.0e+00, v48  }
0x86: {  	v14 =	vor.u32 v8, v14;
	v13 =	vld.idx.msk [tilespmem:v13+s10+$0x0], $0xffff;
	v49 =	vadd.f32 v53, v49;
	v9 =	vadd.f32 $0.0e+00, v9  }
0x87: {  	v56 =	vadd.f32 v52, v55;
	v45 =	vadd.f32 v45, v48;
	v48 =	vld.idx.msk [tilespmem:v50+s10+$0x0], $0xffff  }
0x88: {  	v12 =	vadd.f32 v12, v46;
	v1 =	vadd.f32 v1, v9;
	v9 =	vld.idx.msk [tilespmem:v43+s10+$0x0], $0xffff  }
0x89: {  	s19 =	smov.u32 s18;
	v16 =	vadd.f32 v16, v56;
	v42 =	vadd.f32 v42, v45;
	v10 =	vld.idx.msk [tilespmem:v10+s10+$0x0], $0xffff  }
0x8a: {  	s20 =	sadd.s32 $0x1, s19;
	v51 =	vld.idx.msk [tilespmem:v57+s10+$0x0], $0xffff;
	v57 =	vadd.f32 v58, v61;
	v61 =	vadd.f32 $0.0e+00, v54  }
0x8b: {  	v14 =	vld.idx.msk [tilespmem:v14+s10+$0x0], $0xffff;
	v58 =	vmov s19;
	v54 =	vmov s20;
	v15 =	vadd.f32 v15, v42  }
0x8c: {  	[tilespmem:s16+$0xFFFFFFF0] =	vst v12;
	v60 =	vand.u32 $0xFFFFFFE0, v58;
	v41 =	vadd.f32 v41, v61;
	v1 =	vadd.f32 v48, v1  }
0x8d: {  	[tilespmem:s16+$0xFFFFFFC0] =	vst v16;
	v43 =	vand.u32 $0xFFFFFFE1, v54;
	v13 =	vadd.f32 v13, v57;
	v9 =	vadd.f32 v9, v44  }
0x8e: {  	s31 =	sadd.s32 $0x2, s19;
	v43 =	vbroadcast v43, $0x0;
	[tilespmem:s16+$0x20] =	vst v15;
	v58 =	vadd.f32 v59, v41;
	v1 =	vadd.f32 v11, v1  }
0x8f: {  	v57 =	vmov s31;
	[tilespmem:s16+$0x10] =	vst v13;
	v9 =	vadd.f32 v62, v9;
	v10 =	vadd.f32 v10, v49  }
0x90: {  	v53 =	vbroadcast v60, $0x0;
	v12 =	vand.u32 $0xFFFFFFE2, v57;
	v13 =	vadd.f32 v14, v58;
	[tilespmem:s16+$0xFFFFFFE0] =	vst v1  }
0x91: {  	v12 =	vbroadcast v12, $0x0;
	v9 =	vadd.f32 v51, v9;
	[tilespmem:s16+$0xFFFFFFD0] =	vst v10  }
0x92: {  	[tilespmem:s16+$0x30] =	vst v13  }
0x93: {  	[tilespmem:s16+$0x0] =	vst v9  }
0x94: {  	v43 =	vld.idx.msk [tilespmem:v43+s2+$0x0], $0xffff;
	_ =	sdelay $0x1  }
0x95: {  	s19 =	sadd.s32 $0x3, s19;
	v48 =	vld.idx.msk [tilespmem:v53+s2+$0x0], $0xffff  }
0x96: {  	v1 =	vmov s19;
	v47 =	vld.idx.msk [tilespmem:v12+s2+$0x0], $0xffff  }
0x97: {  	v9 =	vand.u32 $0xFFFFFFE3, v1  }
0x98: {  	v57 =	vbroadcast v9, $0x0;
	v49 =	vadd.s32 v24, v43;
	v1 =	vadd.s32 v31, v43  }
0x99: {  	v59 =	vadd.s32 v25, v43;
	v13 =	vadd.s32 v27, v43;
	v15 =	vadd.s32 v29, v43  }
0x9a: {  	v61 =	vadd.s32 v18, v48;
	v51 =	vadd.s32 v17, v48;
	v45 =	vadd.s32 v20, v48  }
0x9b: {  	v52 =	vadd.s32 v33, v47;
	v1 =	vshll.u32 v1, $0x7;
	v10 =	vadd.s32 v35, v47  }
0x9c: {  	v11 =	vadd.s32 v38, v47;
	v16 =	vadd.s32 v39, v47;
	v15 =	vshll.u32 v15, $0x7  }
0x9d: {  	v13 =	vshll.u32 v13, $0x7;
	v50 =	vadd.s32 v37, v47;
	v60 =	vor.u32 v8, v1  }
0x9e: {  	v1 =	vadd.s32 v26, v43;
	v15 =	vor.u32 v7, v15;
	v16 =	vshll.u32 v16, $0x7  }
0x9f: {  	v9 =	vshll.u32 v45, $0x7;
	v1 =	vshll.u32 v1, $0x7;
	v12 =	vor.u32 v7, v16  }
0xa0: {  	p0 =	sne.s32 s18, $0x3FE0;
	v53 =	vshll.u32 v10, $0x7;
	v10 =	vadd.s32 v19, v48;
	v62 =	vor.u32 v4, v1  }
.Ltmp1:
0xa1: {  	v11 =	vshll.u32 v11, $0x7;
	v16 =	vshll.u32 v61, $0x7;
	v10 =	vshll.u32 v10, $0x7;
	(pc) =	sbr.rel @p0 .LBB2_4-.Ltmp1, $4  }
0xa2: {  	v61 =	vor.u32 v6, v13;
	v58 =	vor.u32 v6, v11;
	v1 =	vadd.s32 v23, v43;
	v41 =	vld.idx.msk [tilespmem:v60+s10+$0x0], $0xffff  }
0xa3: {  	v55 =	vor.u32 v4, v16;
	v44 =	vor.u32 v5, v10;
	v10 =	vadd.s32 v22, v48;
	v45 =	vld.idx.msk [tilespmem:v15+s10+$0x0], $0xffff  }
0xa4: {  	s17 =	sadd.s32 $0x80, s17;
	v63 =	vshll.u32 v1, $0x7;
	v1 =	vshll.u32 v59, $0x7;
	v59 =	vadd.s32 v40, v47;
	v42 =	vld.idx.msk [tilespmem:v12+s10+$0x0], $0xffff  }
0xa5: {  	s18 =	sadd.s32 $0x20, s18;
	s16 =	smov.u32 s17;
	v54 =	vshll.u32 v10, $0x7;
	v56 =	vor.u32 v0, v63;
	v60 =	vor.u32 v6, v9;
	v46 =	vld.idx.msk [tilespmem:v62+s10+$0x0], $0xffff  }
0xa6: {  	_ =	sdelay $0x3  }
0xa7: {  	v10 =	vld.idx.msk [tilespmem:v61+s10+$0x0], $0xffff  }
0xa8: {  	v11 =	vld.idx.msk [tilespmem:v56+s10+$0x0], $0xffff  }
0xa9: {  	v13 =	vld [tilespmem:$0x1FF70]  }
0xaa: {  	v14 =	vld.idx.msk [tilespmem:v57+s2+$0x0], $0xffff  }
0xab: {  	v15 =	vld [tilespmem:$0x1FF80]  }
0xac: {  	v16 =	vld.idx.msk [tilespmem:v60+s10+$0x0], $0xffff  }
0xad: {  	v19 =	vld.idx.msk [tilespmem:v55+s10+$0x0], $0xffff  }
0xae: {  	v1 =	vor.u32 v3, v1;
	v20 =	vld.idx.msk [tilespmem:v58+s10+$0x0], $0xffff  }
0xaf: {  	v18 =	vld [tilespmem:$0x1FFB0]  }
0xb0: {  	v24 =	vld [tilespmem:$0x1FF90];
	v27 =	vor.u32 v2, v53  }
0xb1: {  	v9 =	vshll.u32 v52, $0x7;
	v17 =	vadd.s32 v28, v47;
	v28 =	vor.u32 v8, v54;
	v29 =	vld [tilespmem:$0x1FFA0]  }
0xb2: {  	v12 =	vshll.u32 v59, $0x7;
	v35 =	vld [tilespmem:$0x1FFC0];
	v9 =	vor.u32 v0, v9  }
0xb3: {  	v21 =	vshll.u32 v49, $0x7;
	v12 =	vor.u32 v8, v12;
	v1 =	vld.idx.msk [tilespmem:v1+s10+$0x0], $0xffff  }
0xb4: {  	v22 =	vshll.u32 v51, $0x7;
	v56 =	vshll.u32 v50, $0x7;
	v23 =	vadd.s32 v18, v47;
	v18 =	vld [tilespmem:$0x1FFD0]  }
0xb5: {  	v17 =	vshll.u32 v17, $0x7;
	v21 =	vor.u32 v2, v21;
	v22 =	vor.u32 v2, v22;
	v27 =	vld.idx.msk [tilespmem:v27+s10+$0x0], $0xffff  }
0xb6: {  	v17 =	vor.u32 v4, v17;
	v13 =	vadd.s32 v13, v48;
	v15 =	vadd.s32 v15, v48;
	v28 =	vld.idx.msk [tilespmem:v28+s10+$0x0], $0xffff  }
0xb7: {  	v24 =	vadd.s32 v24, v48;
	v29 =	vadd.s32 v29, v43;
	v13 =	vshll.u32 v13, $0x7;
	v9 =	vld.idx.msk [tilespmem:v9+s10+$0x0], $0xffff  }
0xb8: {  	v30 =	vadd.s32 v30, v14;
	v31 =	vadd.s32 v32, v14;
	v12 =	vld.idx.msk [tilespmem:v12+s10+$0x0], $0xffff;
	v13 =	vor.u32 v0, v13  }
0xb9: {  	v55 =	vadd.s32 v34, v14;
	v24 =	vshll.u32 v24, $0x7;
	v25 =	vadd.s32 v18, v14;
	v18 =	vld [tilespmem:$0x1FFE0]  }
0xba: {  	v33 =	vadd.s32 v36, v14;
	v15 =	vshll.u32 v15, $0x7;
	v22 =	vld.idx.msk [tilespmem:v22+s10+$0x0], $0xffff;
	v24 =	vor.u32 v7, v24  }
0xbb: {  	v34 =	vor.u32 v3, v56;
	v30 =	vshll.u32 v30, $0x7;
	v21 =	vld.idx.msk [tilespmem:v21+s10+$0x0], $0xffff;
	v15 =	vor.u32 v3, v15  }
0xbc: {  	v19 =	vadd.f32 $0.0e+00, v19;
	v32 =	vshll.u32 v55, $0x7;
	v17 =	vld.idx.msk [tilespmem:v17+s10+$0x0], $0xffff;
	v30 =	vor.u32 v4, v30  }
0xbd: {  	v16 =	vadd.f32 $0.0e+00, v16;
	v31 =	vshll.u32 v31, $0x7;
	v32 =	vor.u32 v7, v32;
	v13 =	vld.idx.msk [tilespmem:v13+s10+$0x0], $0xffff  }
0xbe: {  	v23 =	vshll.u32 v23, $0x7;
	v31 =	vor.u32 v6, v31;
	v26 =	vadd.s32 v18, v14;
	v18 =	vld [tilespmem:$0x1FFF0]  }
0xbf: {  	v33 =	vshll.u32 v33, $0x7;
	v29 =	vshll.u32 v29, $0x7;
	v10 =	vadd.f32 v10, v16;
	v24 =	vld.idx.msk [tilespmem:v24+s10+$0x0], $0xffff  }
0xc0: {  	v29 =	vor.u32 v5, v29;
	v19 =	vadd.f32 v46, v19;
	v23 =	vor.u32 v5, v23;
	v15 =	vld.idx.msk [tilespmem:v15+s10+$0x0], $0xffff  }
0xc1: {  	v10 =	vadd.f32 v20, v10;
	v60 =	vadd.f32 $0.0e+00, v28;
	v25 =	vshll.u32 v25, $0x7;
	v30 =	vld.idx.msk [tilespmem:v30+s10+$0x0], $0xffff  }
0xc2: {  	v22 =	vadd.f32 $0.0e+00, v22;
	v25 =	vor.u32 v2, v25;
	v32 =	vld.idx.msk [tilespmem:v32+s10+$0x0], $0xffff;
	v17 =	vadd.f32 v17, v19  }
0xc3: {  	v16 =	vld.idx.msk [tilespmem:v31+s10+$0x0], $0xffff;
	v26 =	vshll.u32 v26, $0x7;
	v18 =	vadd.s32 v18, v14;
	v14 =	vadd.s32 v35, v14  }
0xc4: {  	v31 =	vld.idx.msk [tilespmem:v44+s10+$0x0], $0xffff;
	v24 =	vadd.f32 $0.0e+00, v24;
	v26 =	vor.u32 v3, v26;
	v14 =	vshll.u32 v14, $0x7  }
0xc5: {  	v23 =	vld.idx.msk [tilespmem:v23+s10+$0x0], $0xffff;
	v15 =	vadd.f32 $0.0e+00, v15;
	v18 =	vshll.u32 v18, $0x7;
	v14 =	vor.u32 v0, v14  }
0xc6: {  	v21 =	vadd.f32 v21, v22;
	v57 =	vadd.f32 v45, v24;
	v24 =	vld.idx.msk [tilespmem:v34+s10+$0x0], $0xffff;
	v18 =	vor.u32 v5, v18  }
0xc7: {  	v19 =	vor.u32 v8, v33;
	v13 =	vadd.f32 $0.0e+00, v13;
	v1 =	vadd.f32 v1, v15;
	v15 =	vld.idx.msk [tilespmem:v29+s10+$0x0], $0xffff  }
0xc8: {  	v58 =	vadd.f32 v27, v21;
	v25 =	vld.idx.msk [tilespmem:v25+s10+$0x0], $0xffff;
	v10 =	vadd.f32 v16, v10  }
0xc9: {  	v11 =	vadd.f32 v11, v13;
	v59 =	vadd.f32 v42, v57;
	v16 =	vld.idx.msk [tilespmem:v26+s10+$0x0], $0xffff  }
0xca: {  	v17 =	vadd.f32 v30, v17;
	v13 =	vadd.f32 $0.0e+00, v31;
	v14 =	vld.idx.msk [tilespmem:v14+s10+$0x0], $0xffff  }
0xcb: {  	v9 =	vadd.f32 v9, v11;
	v11 =	vadd.f32 v32, v59;
	v18 =	vld.idx.msk [tilespmem:v18+s10+$0x0], $0xffff  }
0xcc: {  	v19 =	vld.idx.msk [tilespmem:v19+s10+$0x0], $0xffff;
	v1 =	vadd.f32 v24, v1;
	[tilespmem:s16+$0x10] =	vst v10;
	v10 =	vadd.f32 v15, v13  }
0xcd: {  	v22 =	vadd.f32 v41, v60;
	[tilespmem:s16+$0x20] =	vst v11;
	v11 =	vadd.f32 v25, v58  }
0xce: {  	[tilespmem:s16+$0xFFFFFFF0] =	vst v17;
	v1 =	vadd.f32 v16, v1;
	v10 =	vadd.f32 v23, v10  }
0xcf: {  	v12 =	vadd.f32 v12, v22;
	[tilespmem:s16+$0xFFFFFFD0] =	vst v11;
	v9 =	vadd.f32 v14, v9  }
0xd0: {  	[tilespmem:s16+$0xFFFFFFE0] =	vst v1;
	v10 =	vadd.f32 v18, v10  }
0xd1: {  	[tilespmem:s16+$0xFFFFFFC0] =	vst v9;
	v9 =	vadd.f32 v19, v12  }
0xd2: {  	[tilespmem:s16+$0x0] =	vst v10  }
0xd3: {  	[tilespmem:s16+$0x30] =	vst v9  }
0xd4: {  	v37 =	vld [tilespmem:$0xDA00]  }
0xd5: {  	v14 =	vld [tilespmem:$0xDA10]  }
0xd6: {  	v15 =	vld [tilespmem:$0xDA20]  }
0xd7: {  	v19 =	vld [tilespmem:$0xDA30]  }
0xd8: {  	v16 =	vld [tilespmem:$0xDA40]  }
0xd9: {  	v61 =	vld [tilespmem:$0xDA50]  }
0xda: {  	v62 =	vld [tilespmem:$0xDA60]  }
0xdb: {  	v17 =	vld [tilespmem:$0xDA70]  }
0xdc: {  	v63 =	vld [tilespmem:$0xDA80]  }
0xdd: {  	v36 =	vld [tilespmem:$0xDA90]  }
0xde: {  	s17 =	simm.s32 $0x4;
	v12 =	vld [tilespmem:$0xDAA0]  }
0xdf: {  	v9 =	vmov s17;
	v24 =	vld [tilespmem:$0xDAB0]  }
0xe0: {  	v25 =	vld [tilespmem:$0xDAC0];
	v9 =	vand.u32 $0xFFFFFFE4, v9  }
0xe1: {  	v34 =	vld [tilespmem:$0xDAD0];
	v9 =	vbroadcast v9, $0x0  }
0xe2: {  	v10 =	vld [tilespmem:$0xDB80]  }
0xe3: {  	v28 =	vld [tilespmem:$0xDAE0]  }
0xe4: {  	s29 =	simm.s32 $0x5;
	v11 =	vld [tilespmem:$0xDB90]  }
0xe5: {  	v1 =	vmov s29;
	v13 =	vld [tilespmem:$0xDBD0]  }
0xe6: {  	v1 =	vand.u32 $0xFFFFFFE5, v1;
	v30 =	vld [tilespmem:$0xDAF0]  }
0xe7: {  	v1 =	vbroadcast v1, $0x0;
	[tilespmem:$0x1FE60] =	vst v10;
	v10 =	vld.idx.msk [tilespmem:v9+s2+$0x0], $0xffff  }
0xe8: {  	v31 =	vld [tilespmem:$0xDB00]  }
0xe9: {  	v35 =	vld [tilespmem:$0xDB10];
	[tilespmem:$0x1FE70] =	vst v11  }
0xea: {  	v11 =	vld [tilespmem:$0xDBA0];
	[tilespmem:$0x1FEB0] =	vst v13  }
0xeb: {  	v50 =	vld [tilespmem:$0xDB20];
	[tilespmem:$0x1FEC0] =	vst v14  }
0xec: {  	[tilespmem:$0x1FED0] =	vst v16;
	v13 =	vadd.s32 v14, v10;
	v14 =	vadd.s32 v16, v10;
	v16 =	vld [tilespmem:$0xDBE0]  }
0xed: {  	s30 =	simm.s32 $0x6;
	v1 =	vld.idx.msk [tilespmem:v1+s2+$0x0], $0xffff  }
0xee: {  	v26 =	vld [tilespmem:$0xDB30];
	v9 =	vmov s30  }
0xef: {  	v9 =	vand.u32 $0xFFFFFFE6, v9;
	[tilespmem:$0x1FE80] =	vst v11;
	v11 =	vld [tilespmem:$0xDBB0]  }
0xf0: {  	v29 =	vld [tilespmem:$0xDB40];
	v9 =	vbroadcast v9, $0x0  }
0xf1: {  	[tilespmem:$0x1FEE0] =	vst v16;
	v16 =	vld [tilespmem:$0xDBF0]  }
0xf2: {  	v59 =	vld [tilespmem:$0xDB50];
	[tilespmem:$0x1FEA0] =	vst v12;
	v54 =	vadd.s32 v63, v1  }
0xf3: {  	s31 =	simm.s32 $0x7;
	v18 =	vld [tilespmem:$0xDB60];
	[tilespmem:$0x1FEF0] =	vst v15;
	v15 =	vadd.s32 v15, v10;
	v58 =	vadd.s32 v62, v10;
	v22 =	vadd.s32 v19, v10  }
0xf4: {  	v32 =	vld [tilespmem:$0xDB70];
	v13 =	vshll.u32 v13, $0x7;
	[tilespmem:$0x1FE90] =	vst v11;
	v11 =	vadd.s32 v12, v1;
	v12 =	vmov s31  }
0xf5: {  	v23 =	vld [tilespmem:$0xDBC0];
	v15 =	vshll.u32 v15, $0x7;
	v13 =	vor.u32 v2, v13;
	v12 =	vand.u32 $0xFFFFFFE7, v12  }
0xf6: {  	s16 =	simm.s32 $0xE840;
	v51 =	vld.idx.msk [tilespmem:v9+s2+$0x0], $0xffff;
	v9 =	vshll.u32 v14, $0x7;
	v12 =	vbroadcast v12, $0x0;
	[tilespmem:$0x1FF00] =	vst v16;
	v16 =	vadd.s32 v17, v10  }
0xf7: {  	v38 =	vld [tilespmem:s16+$0xFFFFFFC0];
	[tilespmem:$0x1FF10] =	vst v17;
	v11 =	vshll.u32 v11, $0x7;
	v17 =	vadd.s32 v30, v1;
	v14 =	vshll.u32 v16, $0x7  }
0xf8: {  	v42 =	vld [tilespmem:s16+$0xFFFFFFF0];
	[tilespmem:$0x1FF60] =	vst v9;
	v9 =	vshll.u32 v17, $0x7;
	v17 =	vadd.s32 v28, v1;
	v16 =	vor.u32 v8, v14  }
0xf9: {  	v45 =	vld [tilespmem:s16+$0xFFFFFFD0];
	v14 =	vadd.s32 v25, v1;
	v17 =	vshll.u32 v17, $0x7;
	v57 =	vor.u32 v8, v9  }
0xfa: {  	v47 =	vld [tilespmem:s16+$0x0];
	[tilespmem:$0x1FF20] =	vst v30;
	v9 =	vadd.s32 v61, v10;
	v60 =	vshll.u32 v14, $0x7;
	v14 =	vor.u32 v7, v17  }
0xfb: {  	v43 =	vld [tilespmem:s16+$0x30];
	[tilespmem:$0x1FF30] =	vst v62;
	v15 =	vor.u32 v3, v15;
	v20 =	vor.u32 v3, v11;
	v9 =	vshll.u32 v9, $0x7  }
0xfc: {  	v52 =	vld.idx.msk [tilespmem:v12+s2+$0x0], $0xffff;
	v12 =	vadd.s32 v34, v1;
	v21 =	vor.u32 v6, v9;
	v9 =	vadd.s32 v35, v51  }
0xfd: {  	v44 =	vld [tilespmem:s16+$0xFFFFFFE0];
	[tilespmem:$0x1FF40] =	vst v63;
	v30 =	vmovc v61;
	v61 =	vadd.s32 v36, v1;
	v62 =	vshll.u32 v9, $0x7;
	v9 =	vshll.u32 v12, $0x7  }
0xfe: {  	v55 =	vld.idx.msk [tilespmem:v13+s10+$0x0], $0xffff;
	v12 =	vor.u32 v6, v9;
	v9 =	vadd.s32 v24, v1;
	v1 =	vadd.s32 v50, v51  }
0xff: {  	v40 =	vmovc v28;
	v41 =	vmovc v59;
	v22 =	vshll.u32 v22, $0x7;
	v59 =	vadd.s32 v59, v51;
	v1 =	vshll.u32 v1, $0x7;
	v48 =	vld.idx.msk [tilespmem:v14+s10+$0x0], $0xffff  }
0x100: {  	v27 =	vmovc v26;
	v39 =	vmovc v34;
	v14 =	vor.u32 v3, v1;
	v1 =	vshll.u32 v59, $0x7;
	v59 =	vadd.s32 v37, v10;
	v10 =	vld [tilespmem:$0x1FF60]  }
0x101: {  	v33 =	vmovc v32;
	v49 =	vld.idx.msk [tilespmem:v15+s10+$0x0], $0xffff;
	v15 =	vor.u32 v4, v22;
	v11 =	vadd.s32 v26, v51;
	v26 =	vmov v35  }
0x102: {  	v46 =	vld [tilespmem:s16+$0x10];
	v63 =	vadd.s32 v32, v51;
	v32 =	vmovc v29;
	v13 =	vadd.s32 v29, v51;
	v56 =	vadd.s32 v31, v51  }
0x103: {  	v29 =	vmovc v50;
	v11 =	vshll.u32 v11, $0x7;
	v28 =	vmovc v19;
	v34 =	vmov v36;
	v17 =	vadd.s32 v18, v51;
	v51 =	vld.idx.msk [tilespmem:v20+s10+$0x0], $0xffff  }
0x104: {  	[tilespmem:$0x1FF50] =	vst v25;
	v36 =	vmovc v24;
	v25 =	vmovc v37;
	v61 =	vshll.u32 v61, $0x7;
	v35 =	vmov v31;
	v31 =	vmov v18;
	v53 =	vld.idx.msk [tilespmem:v16+s10+$0x0], $0xffff  }
0x105: {  	s18 =	simm.s32 $0xE840;
	s17 =	simm.s32 $0x27;
	v17 =	vshll.u32 v17, $0x7;
	v37 =	vmovc v23;
	v50 =	vld.idx.msk [tilespmem:v21+s10+$0x0], $0xffff;
	v16 =	vor.u32 v5, v10;
	v10 =	vadd.s32 v23, v52  }
.LBB2_6:
0x106: {  	v18 =	vld [tilespmem:s16+$0x20]  }
0x107: {  	v12 =	vld.idx.msk [tilespmem:v12+s10+$0x0], $0xffff  }
0x108: {  	v19 =	vld [tilespmem:$0x1FEE0]  }
0x109: {  	v20 =	vld [tilespmem:$0x1FF00]  }
0x10a: {  	v15 =	vld.idx.msk [tilespmem:v15+s10+$0x0], $0xffff  }
0x10b: {  	v21 =	vld [tilespmem:$0x1FE70]  }
0x10c: {  	v14 =	vld.idx.msk [tilespmem:v14+s10+$0x0], $0xffff  }
0x10d: {  	v17 =	vor.u32 v7, v17;
	v16 =	vld.idx.msk [tilespmem:v16+s10+$0x0], $0xffff  }
0x10e: {  	v11 =	vor.u32 v4, v11;
	v22 =	vld [tilespmem:$0x1FE80]  }
0x10f: {  	v62 =	vor.u32 v2, v62;
	v57 =	vld.idx.msk [tilespmem:v57+s10+$0x0], $0xffff  }
0x110: {  	v60 =	vor.u32 v5, v60;
	v23 =	vld [tilespmem:$0x1FEB0]  }
0x111: {  	v58 =	vshll.u32 v58, $0x7;
	v13 =	vshll.u32 v13, $0x7;
	v9 =	vshll.u32 v9, $0x7;
	v24 =	vld [tilespmem:$0x1FE60]  }
0x112: {  	v61 =	vor.u32 v2, v61;
	v63 =	vshll.u32 v63, $0x7;
	v54 =	vshll.u32 v54, $0x7;
	v17 =	vld.idx.msk [tilespmem:v17+s10+$0x0], $0xffff  }
0x113: {  	v1 =	vor.u32 v6, v1;
	v10 =	vshll.u32 v10, $0x7;
	v59 =	vshll.u32 v59, $0x7;
	v11 =	vld.idx.msk [tilespmem:v11+s10+$0x0], $0xffff  }
0x114: {  	v56 =	vshll.u32 v56, $0x7;
	v13 =	vor.u32 v5, v13;
	v16 =	vadd.f32 v16, v47;
	v47 =	vld.idx.msk [tilespmem:v62+s10+$0x0], $0xffff  }
0x115: {  	v58 =	vor.u32 v7, v58;
	v63 =	vor.u32 v8, v63;
	v45 =	vadd.f32 v55, v45;
	v55 =	vld.idx.msk [tilespmem:v60+s10+$0x0], $0xffff  }
0x116: {  	v54 =	vor.u32 v0, v54;
	v9 =	vor.u32 v4, v9;
	v10 =	vor.u32 v5, v10;
	v60 =	vld [tilespmem:$0x1FE90]  }
0x117: {  	v56 =	vor.u32 v0, v56;
	v59 =	vor.u32 v0, v59;
	v43 =	vadd.f32 v53, v43;
	v53 =	vld.idx.msk [tilespmem:v61+s10+$0x0], $0xffff  }
0x118: {  	v44 =	vadd.f32 v49, v44;
	v19 =	vadd.s32 v19, v52;
	v20 =	vadd.s32 v20, v52;
	v1 =	vld.idx.msk [tilespmem:v1+s10+$0x0], $0xffff  }
0x119: {  	v21 =	vadd.s32 v21, v52;
	v22 =	vadd.s32 v22, v52;
	v23 =	vadd.s32 v23, v52;
	v13 =	vld.idx.msk [tilespmem:v13+s10+$0x0], $0xffff  }
0x11a: {  	v24 =	vadd.s32 v24, v52;
	v15 =	vadd.f32 v15, v42;
	v19 =	vshll.u32 v19, $0x7;
	v58 =	vld.idx.msk [tilespmem:v58+s10+$0x0], $0xffff  }
0x11b: {  	v20 =	vshll.u32 v20, $0x7;
	v22 =	vshll.u32 v22, $0x7;
	v9 =	vld.idx.msk [tilespmem:v9+s10+$0x0], $0xffff;
	v19 =	vor.u32 v7, v19  }
0x11c: {  	v24 =	vshll.u32 v24, $0x7;
	v54 =	vld.idx.msk [tilespmem:v54+s10+$0x0], $0xffff;
	v23 =	vshll.u32 v23, $0x7;
	v20 =	vor.u32 v8, v20  }
0x11d: {  	v21 =	vshll.u32 v21, $0x7;
	v10 =	vld.idx.msk [tilespmem:v10+s10+$0x0], $0xffff;
	v43 =	vadd.f32 v57, v43;
	v23 =	vor.u32 v6, v23  }
0x11e: {  	v22 =	vor.u32 v3, v22;
	v52 =	vadd.s32 v60, v52;
	v60 =	vld.idx.msk [tilespmem:v63+s10+$0x0], $0xffff;
	v63 =	vadd.f32 v50, v46  }
0x11f: {  	v16 =	vadd.f32 v55, v16;
	v55 =	vld.idx.msk [tilespmem:v59+s10+$0x0], $0xffff;
	v57 =	vadd.f32 v53, v45;
	v52 =	vshll.u32 v52, $0x7  }
0x120: {  	v18 =	vadd.f32 v58, v18;
	v9 =	vadd.f32 v9, v15;
	v52 =	vor.u32 v4, v52;
	v19 =	vld.idx.msk [tilespmem:v19+s10+$0x0], $0xffff  }
0x121: {  	v24 =	vor.u32 v0, v24;
	v20 =	vld.idx.msk [tilespmem:v20+s10+$0x0], $0xffff;
	v13 =	vadd.f32 v13, v16;
	v16 =	vadd.f32 v51, v44  }
0x122: {  	v21 =	vor.u32 v2, v21;
	v12 =	vadd.f32 v12, v63;
	v15 =	vld.idx.msk [tilespmem:v23+s10+$0x0], $0xffff;
	v18 =	vadd.f32 v48, v18  }
0x123: {  	v9 =	vadd.f32 v11, v9;
	v10 =	vadd.f32 v10, v13;
	v13 =	vld.idx.msk [tilespmem:v22+s10+$0x0], $0xffff  }
0x124: {  	s19 =	smov.u32 s17;
	v17 =	vadd.f32 v17, v18;
	v18 =	vld.idx.msk [tilespmem:v56+s10+$0x0], $0xffff;
	v43 =	vadd.f32 v60, v43  }
0x125: {  	s20 =	sadd.s32 $0xFFFFFFFD, s19;
	v1 =	vadd.f32 v1, v12;
	v58 =	vadd.f32 v55, v38;
	v52 =	vld.idx.msk [tilespmem:v52+s10+$0x0], $0xffff  }
0x126: {  	v24 =	vld.idx.msk [tilespmem:v24+s10+$0x0], $0xffff;
	v56 =	vmov s20;
	v17 =	vadd.f32 v19, v17;
	v19 =	vadd.f32 v20, v43  }
0x127: {  	s30 =	sadd.s32 $0xFFFFFFFE, s19;
	v14 =	vadd.f32 v14, v16;
	v16 =	vld.idx.msk [tilespmem:v21+s10+$0x0], $0xffff;
	v20 =	vand.u32 $0xFFFFFFE4, v56;
	[tilespmem:s16+$0x0] =	vst v10;
	v12 =	vadd.f32 v54, v58  }
0x128: {  	v1 =	vadd.f32 v15, v1;
	v11 =	vbroadcast v20, $0x0;
	[tilespmem:s16+$0x30] =	vst v19;
	v19 =	vmov s30  }
0x129: {  	[tilespmem:s16+$0x20] =	vst v17;
	v13 =	vadd.f32 v13, v14;
	v10 =	vand.u32 $0xFFFFFFE5, v19;
	v12 =	vadd.f32 v18, v12  }
0x12a: {  	v17 =	vadd.f32 v47, v57;
	[tilespmem:s16+$0x10] =	vst v1;
	v10 =	vbroadcast v10, $0x0;
	v9 =	vadd.f32 v52, v9  }
0x12b: {  	v15 =	vld [tilespmem:$0x1FF10];
	[tilespmem:s16+$0xFFFFFFE0] =	vst v13;
	v12 =	vadd.f32 v24, v12  }
0x12c: {  	v14 =	vld [tilespmem:$0x1FEF0];
	[tilespmem:s16+$0xFFFFFFF0] =	vst v9;
	v9 =	vadd.f32 v16, v17  }
0x12d: {  	v13 =	vld [tilespmem:$0x1FED0];
	[tilespmem:s16+$0xFFFFFFC0] =	vst v12  }
0x12e: {  	v12 =	vld [tilespmem:$0x1FEC0];
	[tilespmem:s16+$0xFFFFFFD0] =	vst v9  }
0x12f: {  	s31 =	sadd.s32 $0xFFFFFFFF, s19;
	v16 =	vld.idx.msk [tilespmem:v11+s2+$0x0], $0xffff  }
0x130: {  	v9 =	vmov s31;
	v1 =	vld.idx.msk [tilespmem:v10+s2+$0x0], $0xffff  }
0x131: {  	v9 =	vand.u32 $0xFFFFFFE6, v9;
	v10 =	vld [tilespmem:$0x1FEA0]  }
0x132: {  	v17 =	vld [tilespmem:$0x1FF20];
	v9 =	vbroadcast v9, $0x0  }
0x133: {  	v11 =	vmov s19  }
0x134: {  	v11 =	vand.u32 $0xFFFFFFE7, v11;
	v13 =	vadd.s32 v13, v16  }
0x135: {  	s18 =	sadd.s32 $0x80, s18;
	v11 =	vbroadcast v11, $0x0;
	v19 =	vshll.u32 v13, $0x7;
	v13 =	vld [tilespmem:$0x1FF30]  }
0x136: {  	v43 =	vld [tilespmem:s18+$0x30];
	v10 =	vadd.s32 v10, v1;
	v12 =	vadd.s32 v12, v16;
	v14 =	vadd.s32 v14, v16  }
0x137: {  	v46 =	vld [tilespmem:s18+$0x10];
	v15 =	vadd.s32 v15, v16;
	v17 =	vadd.s32 v17, v1;
	v61 =	vadd.s32 v34, v1  }
0x138: {  	v12 =	vshll.u32 v12, $0x7;
	v10 =	vshll.u32 v10, $0x7;
	v18 =	vld.idx.msk [tilespmem:v9+s2+$0x0], $0xffff;
	v9 =	vshll.u32 v17, $0x7  }
0x139: {  	v38 =	vld [tilespmem:s18+$0xFFFFFFC0];
	v14 =	vshll.u32 v14, $0x7;
	v61 =	vshll.u32 v61, $0x7;
	v57 =	vor.u32 v8, v9  }
0x13a: {  	v9 =	vadd.s32 v30, v16;
	v58 =	vadd.s32 v13, v16;
	v13 =	vshll.u32 v15, $0x7;
	v15 =	vld [tilespmem:$0x1FF40]  }
0x13b: {  	v42 =	vld [tilespmem:s18+$0xFFFFFFF0];
	v12 =	vor.u32 v2, v12;
	v20 =	vor.u32 v3, v10;
	v9 =	vshll.u32 v9, $0x7  }
0x13c: {  	v14 =	vor.u32 v3, v14;
	v52 =	vld.idx.msk [tilespmem:v11+s2+$0x0], $0xffff;
	v11 =	vadd.s32 v39, v1;
	v59 =	vor.u32 v6, v9  }
0x13d: {  	v17 =	vor.u32 v8, v13;
	v13 =	vld [tilespmem:$0x1FF50];
	v10 =	vadd.s32 v27, v18;
	v9 =	vadd.s32 v26, v18  }
0x13e: {  	v45 =	vld [tilespmem:s18+$0xFFFFFFD0];
	v63 =	vadd.s32 v33, v18;
	v21 =	vadd.s32 v41, v18;
	v56 =	vadd.s32 v35, v18  }
0x13f: {  	v47 =	vld [tilespmem:s18+$0x0];
	v62 =	vshll.u32 v9, $0x7;
	v54 =	vadd.s32 v15, v1;
	v15 =	vadd.s32 v40, v1  }
0x140: {  	v44 =	vld [tilespmem:s18+$0xFFFFFFE0];
	v9 =	vshll.u32 v11, $0x7;
	v11 =	vshll.u32 v10, $0x7;
	v15 =	vshll.u32 v15, $0x7  }
0x141: {  	p0 =	sne.s32 s17, $0x3FE7;
	v55 =	vld.idx.msk [tilespmem:v12+s10+$0x0], $0xffff;
	v12 =	vor.u32 v6, v9;
	v9 =	vadd.s32 v36, v1;
	v15 =	vor.u32 v7, v15  }
.Ltmp2:
0x142: {  	v50 =	vld.idx.msk [tilespmem:v59+s10+$0x0], $0xffff;
	v59 =	vadd.s32 v25, v16;
	v13 =	vadd.s32 v13, v1;
	v1 =	vadd.s32 v29, v18;
	(pc) =	sbr.rel @p0 .LBB2_6-.Ltmp2, $4  }
0x143: {  	v53 =	vld.idx.msk [tilespmem:v17+s10+$0x0], $0xffff;
	v17 =	vadd.s32 v31, v18;
	v60 =	vshll.u32 v13, $0x7;
	v13 =	vadd.s32 v28, v16  }
0x144: {  	v49 =	vld.idx.msk [tilespmem:v14+s10+$0x0], $0xffff;
	v1 =	vshll.u32 v1, $0x7;
	v16 =	vor.u32 v5, v19;
	v17 =	vshll.u32 v17, $0x7  }
0x145: {  	v51 =	vld.idx.msk [tilespmem:v20+s10+$0x0], $0xffff;
	v10 =	vshll.u32 v13, $0x7;
	v13 =	vadd.s32 v32, v18;
	v14 =	vor.u32 v3, v1  }
0x146: {  	s17 =	sadd.s32 $0x20, s17;
	s16 =	smov.u32 s18;
	v1 =	vshll.u32 v21, $0x7;
	v48 =	vld.idx.msk [tilespmem:v15+s10+$0x0], $0xffff;
	v15 =	vor.u32 v4, v10;
	v10 =	vadd.s32 v37, v52  }
0x147: {  	_ =	sdelay $0x2  }
0x148: {  	v18 =	vld [tilespmem:s16+$0x20]  }
0x149: {  	v12 =	vld.idx.msk [tilespmem:v12+s10+$0x0], $0xffff  }
0x14a: {  	v15 =	vld.idx.msk [tilespmem:v15+s10+$0x0], $0xffff  }
0x14b: {  	v14 =	vld.idx.msk [tilespmem:v14+s10+$0x0], $0xffff  }
0x14c: {  	v16 =	vld.idx.msk [tilespmem:v16+s10+$0x0], $0xffff  }
0x14d: {  	v21 =	vld.idx.msk [tilespmem:v57+s10+$0x0], $0xffff  }
0x14e: {  	v22 =	vld [tilespmem:$0x1FEE0]  }
0x14f: {  	v25 =	vld [tilespmem:$0x1FF00]  }
0x150: {  	v17 =	vor.u32 v7, v17;
	v27 =	vld [tilespmem:$0x1FE70]  }
0x151: {  	v11 =	vor.u32 v4, v11;
	v28 =	vld [tilespmem:$0x1FE60]  }
0x152: {  	v20 =	vor.u32 v2, v62;
	v29 =	vld [tilespmem:$0x1FE90]  }
0x153: {  	v13 =	vshll.u32 v13, $0x7;
	v19 =	vshll.u32 v58, $0x7;
	v23 =	vor.u32 v5, v60;
	v30 =	vld [tilespmem:$0x1FE80]  }
0x154: {  	v24 =	vshll.u32 v63, $0x7;
	v26 =	vshll.u32 v54, $0x7;
	v31 =	vor.u32 v2, v61;
	v32 =	vld [tilespmem:$0x1FEB0]  }
0x155: {  	v9 =	vshll.u32 v9, $0x7;
	v10 =	vshll.u32 v10, $0x7;
	v1 =	vor.u32 v6, v1;
	v17 =	vld.idx.msk [tilespmem:v17+s10+$0x0], $0xffff  }
0x156: {  	v33 =	vadd.f32 v55, v45;
	v34 =	vshll.u32 v59, $0x7;
	v13 =	vor.u32 v5, v13;
	v11 =	vld.idx.msk [tilespmem:v11+s10+$0x0], $0xffff  }
0x157: {  	v35 =	vshll.u32 v56, $0x7;
	v19 =	vor.u32 v7, v19;
	v24 =	vor.u32 v8, v24;
	v20 =	vld.idx.msk [tilespmem:v20+s10+$0x0], $0xffff  }
0x158: {  	v26 =	vor.u32 v0, v26;
	v10 =	vor.u32 v5, v10;
	v9 =	vor.u32 v4, v9;
	v23 =	vld.idx.msk [tilespmem:v23+s10+$0x0], $0xffff  }
0x159: {  	v34 =	vor.u32 v0, v34;
	v35 =	vor.u32 v0, v35;
	v36 =	vadd.f32 v53, v43;
	v31 =	vld.idx.msk [tilespmem:v31+s10+$0x0], $0xffff  }
0x15a: {  	v57 =	vadd.f32 v49, v44;
	v22 =	vadd.s32 v22, v52;
	v25 =	vadd.s32 v25, v52;
	v1 =	vld.idx.msk [tilespmem:v1+s10+$0x0], $0xffff  }
0x15b: {  	v27 =	vadd.s32 v27, v52;
	v28 =	vadd.s32 v28, v52;
	v29 =	vadd.s32 v29, v52;
	v13 =	vld.idx.msk [tilespmem:v13+s10+$0x0], $0xffff  }
0x15c: {  	v30 =	vadd.s32 v30, v52;
	v32 =	vadd.s32 v32, v52;
	v16 =	vadd.f32 v16, v47;
	v19 =	vld.idx.msk [tilespmem:v19+s10+$0x0], $0xffff  }
0x15d: {  	v15 =	vadd.f32 v15, v42;
	v21 =	vadd.f32 v21, v36;
	v25 =	vshll.u32 v25, $0x7;
	v9 =	vld.idx.msk [tilespmem:v9+s10+$0x0], $0xffff  }
0x15e: {  	v22 =	vshll.u32 v22, $0x7;
	v28 =	vshll.u32 v28, $0x7;
	v34 =	vld.idx.msk [tilespmem:v34+s10+$0x0], $0xffff;
	v25 =	vor.u32 v8, v25  }
0x15f: {  	v24 =	vld.idx.msk [tilespmem:v24+s10+$0x0], $0xffff;
	v29 =	vshll.u32 v29, $0x7;
	v30 =	vshll.u32 v30, $0x7;
	v22 =	vor.u32 v7, v22  }
0x160: {  	v26 =	vld.idx.msk [tilespmem:v26+s10+$0x0], $0xffff;
	v32 =	vshll.u32 v32, $0x7;
	v29 =	vor.u32 v4, v29;
	v30 =	vor.u32 v3, v30  }
0x161: {  	v10 =	vld.idx.msk [tilespmem:v10+s10+$0x0], $0xffff;
	v32 =	vor.u32 v6, v32;
	v16 =	vadd.f32 v23, v16;
	v59 =	vadd.f32 v31, v33  }
0x162: {  	v58 =	vld.idx.msk [tilespmem:v35+s10+$0x0], $0xffff;
	v18 =	vadd.f32 v19, v18;
	v19 =	vshll.u32 v27, $0x7;
	v27 =	vadd.f32 v50, v46  }
0x163: {  	v28 =	vor.u32 v0, v28;
	v9 =	vadd.f32 v9, v15;
	v60 =	vadd.f32 v34, v38;
	v25 =	vld.idx.msk [tilespmem:v25+s10+$0x0], $0xffff  }
0x164: {  	v22 =	vld.idx.msk [tilespmem:v22+s10+$0x0], $0xffff;
	v19 =	vor.u32 v2, v19;
	v13 =	vadd.f32 v13, v16;
	v18 =	vadd.f32 v48, v18  }
0x165: {  	v29 =	vld.idx.msk [tilespmem:v29+s10+$0x0], $0xffff;
	v16 =	vadd.f32 v51, v57;
	v12 =	vadd.f32 v12, v27  }
0x166: {  	v15 =	vld.idx.msk [tilespmem:v32+s10+$0x0], $0xffff;
	v17 =	vadd.f32 v17, v18;
	v18 =	vadd.f32 v24, v21  }
0x167: {  	v9 =	vadd.f32 v11, v9;
	v10 =	vadd.f32 v10, v13;
	v13 =	vld.idx.msk [tilespmem:v30+s10+$0x0], $0xffff  }
0x168: {  	v28 =	vld.idx.msk [tilespmem:v28+s10+$0x0], $0xffff;
	v1 =	vadd.f32 v1, v12;
	v18 =	vadd.f32 v25, v18  }
0x169: {  	v17 =	vadd.f32 v22, v17;
	v19 =	vld.idx.msk [tilespmem:v19+s10+$0x0], $0xffff;
	[tilespmem:s16+$0x0] =	vst v10;
	v10 =	vadd.f32 v26, v60  }
0x16a: {  	v11 =	vadd.f32 v14, v16;
	v9 =	vadd.f32 v29, v9;
	[tilespmem:s16+$0x30] =	vst v18  }
0x16b: {  	v1 =	vadd.f32 v15, v1;
	[tilespmem:s16+$0x20] =	vst v17;
	v10 =	vadd.f32 v58, v10  }
0x16c: {  	v12 =	vadd.f32 v20, v59;
	v11 =	vadd.f32 v13, v11;
	[tilespmem:s16+$0xFFFFFFF0] =	vst v9  }
0x16d: {  	[tilespmem:s16+$0x10] =	vst v1;
	v10 =	vadd.f32 v28, v10  }
0x16e: {  	[tilespmem:s16+$0xFFFFFFE0] =	vst v11;
	v9 =	vadd.f32 v19, v12  }
0x16f: {  	[tilespmem:s16+$0xFFFFFFC0] =	vst v10  }
0x170: {  	[tilespmem:s16+$0xFFFFFFD0] =	vst v9  }
0x171: {  	v37 =	vld [tilespmem:$0xDC00]  }
0x172: {  	v14 =	vld [tilespmem:$0xDC10]  }
0x173: {  	v15 =	vld [tilespmem:$0xDC20]  }
0x174: {  	v19 =	vld [tilespmem:$0xDC30]  }
0x175: {  	v16 =	vld [tilespmem:$0xDC40]  }
0x176: {  	v61 =	vld [tilespmem:$0xDC50]  }
0x177: {  	v62 =	vld [tilespmem:$0xDC60]  }
0x178: {  	v17 =	vld [tilespmem:$0xDC70]  }
0x179: {  	v63 =	vld [tilespmem:$0xDC80]  }
0x17a: {  	v36 =	vld [tilespmem:$0xDC90]  }
0x17b: {  	s17 =	simm.s32 $0x8;
	v12 =	vld [tilespmem:$0xDCA0]  }
0x17c: {  	v9 =	vmov s17;
	v24 =	vld [tilespmem:$0xDCB0]  }
0x17d: {  	v25 =	vld [tilespmem:$0xDCC0];
	v9 =	vand.u32 $0xFFFFFFE8, v9  }
0x17e: {  	v34 =	vld [tilespmem:$0xDCD0];
	v9 =	vbroadcast v9, $0x0  }
0x17f: {  	v10 =	vld [tilespmem:$0xDD80]  }
0x180: {  	v28 =	vld [tilespmem:$0xDCE0]  }
0x181: {  	s29 =	simm.s32 $0x9;
	v11 =	vld [tilespmem:$0xDD90]  }
0x182: {  	v1 =	vmov s29;
	v13 =	vld [tilespmem:$0xDDD0]  }
0x183: {  	v1 =	vand.u32 $0xFFFFFFE9, v1;
	v30 =	vld [tilespmem:$0xDCF0]  }
0x184: {  	v1 =	vbroadcast v1, $0x0;
	[tilespmem:$0x1FD50] =	vst v10;
	v10 =	vld.idx.msk [tilespmem:v9+s2+$0x0], $0xffff  }
0x185: {  	v31 =	vld [tilespmem:$0xDD00]  }
0x186: {  	v35 =	vld [tilespmem:$0xDD10];
	[tilespmem:$0x1FD60] =	vst v11  }
0x187: {  	v11 =	vld [tilespmem:$0xDDA0];
	[tilespmem:$0x1FDA0] =	vst v13  }
0x188: {  	v50 =	vld [tilespmem:$0xDD20];
	[tilespmem:$0x1FDB0] =	vst v14  }
0x189: {  	[tilespmem:$0x1FDC0] =	vst v16;
	v13 =	vadd.s32 v14, v10;
	v14 =	vadd.s32 v16, v10;
	v16 =	vld [tilespmem:$0xDDE0]  }
0x18a: {  	s30 =	simm.s32 $0xA;
	v1 =	vld.idx.msk [tilespmem:v1+s2+$0x0], $0xffff  }
0x18b: {  	v26 =	vld [tilespmem:$0xDD30];
	v9 =	vmov s30  }
0x18c: {  	v9 =	vand.u32 $0xFFFFFFEA, v9;
	[tilespmem:$0x1FD70] =	vst v11;
	v11 =	vld [tilespmem:$0xDDB0]  }
0x18d: {  	v29 =	vld [tilespmem:$0xDD40];
	v9 =	vbroadcast v9, $0x0  }
0x18e: {  	[tilespmem:$0x1FDD0] =	vst v16;
	v16 =	vld [tilespmem:$0xDDF0]  }
0x18f: {  	v59 =	vld [tilespmem:$0xDD50];
	[tilespmem:$0x1FD90] =	vst v12;
	v54 =	vadd.s32 v63, v1  }
0x190: {  	s31 =	simm.s32 $0xB;
	v18 =	vld [tilespmem:$0xDD60];
	[tilespmem:$0x1FDE0] =	vst v15;
	v15 =	vadd.s32 v15, v10;
	v58 =	vadd.s32 v62, v10;
	v22 =	vadd.s32 v19, v10  }
0x191: {  	v32 =	vld [tilespmem:$0xDD70];
	v13 =	vshll.u32 v13, $0x7;
	[tilespmem:$0x1FD80] =	vst v11;
	v11 =	vadd.s32 v12, v1;
	v12 =	vmov s31  }
0x192: {  	v23 =	vld [tilespmem:$0xDDC0];
	v15 =	vshll.u32 v15, $0x7;
	v13 =	vor.u32 v2, v13;
	v12 =	vand.u32 $0xFFFFFFEB, v12  }
0x193: {  	s16 =	simm.s32 $0xE840;
	v51 =	vld.idx.msk [tilespmem:v9+s2+$0x0], $0xffff;
	v9 =	vshll.u32 v14, $0x7;
	v12 =	vbroadcast v12, $0x0;
	[tilespmem:$0x1FDF0] =	vst v16;
	v16 =	vadd.s32 v17, v10  }
0x194: {  	v38 =	vld [tilespmem:s16+$0xFFFFFFC0];
	[tilespmem:$0x1FE00] =	vst v17;
	v11 =	vshll.u32 v11, $0x7;
	v17 =	vadd.s32 v30, v1;
	v14 =	vshll.u32 v16, $0x7  }
0x195: {  	v42 =	vld [tilespmem:s16+$0xFFFFFFF0];
	[tilespmem:$0x1FE50] =	vst v9;
	v9 =	vshll.u32 v17, $0x7;
	v17 =	vadd.s32 v28, v1;
	v16 =	vor.u32 v8, v14  }
0x196: {  	v45 =	vld [tilespmem:s16+$0xFFFFFFD0];
	v14 =	vadd.s32 v25, v1;
	v17 =	vshll.u32 v17, $0x7;
	v57 =	vor.u32 v8, v9  }
0x197: {  	v47 =	vld [tilespmem:s16+$0x0];
	[tilespmem:$0x1FE10] =	vst v30;
	v9 =	vadd.s32 v61, v10;
	v60 =	vshll.u32 v14, $0x7;
	v14 =	vor.u32 v7, v17  }
0x198: {  	v43 =	vld [tilespmem:s16+$0x30];
	[tilespmem:$0x1FE20] =	vst v62;
	v15 =	vor.u32 v3, v15;
	v20 =	vor.u32 v3, v11;
	v9 =	vshll.u32 v9, $0x7  }
0x199: {  	v52 =	vld.idx.msk [tilespmem:v12+s2+$0x0], $0xffff;
	v12 =	vadd.s32 v34, v1;
	v21 =	vor.u32 v6, v9;
	v9 =	vadd.s32 v35, v51  }
0x19a: {  	v44 =	vld [tilespmem:s16+$0xFFFFFFE0];
	[tilespmem:$0x1FE30] =	vst v63;
	v30 =	vmovc v61;
	v61 =	vadd.s32 v36, v1;
	v62 =	vshll.u32 v9, $0x7;
	v9 =	vshll.u32 v12, $0x7  }
0x19b: {  	v55 =	vld.idx.msk [tilespmem:v13+s10+$0x0], $0xffff;
	v12 =	vor.u32 v6, v9;
	v9 =	vadd.s32 v24, v1;
	v1 =	vadd.s32 v50, v51  }
0x19c: {  	v40 =	vmovc v28;
	v41 =	vmovc v59;
	v22 =	vshll.u32 v22, $0x7;
	v59 =	vadd.s32 v59, v51;
	v1 =	vshll.u32 v1, $0x7;
	v48 =	vld.idx.msk [tilespmem:v14+s10+$0x0], $0xffff  }
0x19d: {  	v27 =	vmovc v26;
	v39 =	vmovc v34;
	v14 =	vor.u32 v3, v1;
	v1 =	vshll.u32 v59, $0x7;
	v59 =	vadd.s32 v37, v10;
	v10 =	vld [tilespmem:$0x1FE50]  }
0x19e: {  	v33 =	vmovc v32;
	v49 =	vld.idx.msk [tilespmem:v15+s10+$0x0], $0xffff;
	v15 =	vor.u32 v4, v22;
	v11 =	vadd.s32 v26, v51;
	v26 =	vmov v35  }
0x19f: {  	v46 =	vld [tilespmem:s16+$0x10];
	v63 =	vadd.s32 v32, v51;
	v32 =	vmovc v29;
	v13 =	vadd.s32 v29, v51;
	v56 =	vadd.s32 v31, v51  }
0x1a0: {  	v29 =	vmovc v50;
	v11 =	vshll.u32 v11, $0x7;
	v28 =	vmovc v19;
	v34 =	vmov v36;
	v17 =	vadd.s32 v18, v51;
	v51 =	vld.idx.msk [tilespmem:v20+s10+$0x0], $0xffff  }
0x1a1: {  	[tilespmem:$0x1FE40] =	vst v25;
	v36 =	vmovc v24;
	v25 =	vmovc v37;
	v61 =	vshll.u32 v61, $0x7;
	v35 =	vmov v31;
	v31 =	vmov v18;
	v53 =	vld.idx.msk [tilespmem:v16+s10+$0x0], $0xffff  }
0x1a2: {  	s18 =	simm.s32 $0xE840;
	s17 =	simm.s32 $0x2B;
	v17 =	vshll.u32 v17, $0x7;
	v37 =	vmovc v23;
	v50 =	vld.idx.msk [tilespmem:v21+s10+$0x0], $0xffff;
	v16 =	vor.u32 v5, v10;
	v10 =	vadd.s32 v23, v52  }
.LBB2_8:
0x1a3: {  	v18 =	vld [tilespmem:s16+$0x20]  }
0x1a4: {  	v12 =	vld.idx.msk [tilespmem:v12+s10+$0x0], $0xffff  }
0x1a5: {  	v19 =	vld [tilespmem:$0x1FDD0]  }
0x1a6: {  	v20 =	vld [tilespmem:$0x1FDF0]  }
0x1a7: {  	v15 =	vld.idx.msk [tilespmem:v15+s10+$0x0], $0xffff  }
0x1a8: {  	v21 =	vld [tilespmem:$0x1FD60]  }
0x1a9: {  	v14 =	vld.idx.msk [tilespmem:v14+s10+$0x0], $0xffff  }
0x1aa: {  	v17 =	vor.u32 v7, v17;
	v16 =	vld.idx.msk [tilespmem:v16+s10+$0x0], $0xffff  }
0x1ab: {  	v11 =	vor.u32 v4, v11;
	v22 =	vld [tilespmem:$0x1FD70]  }
0x1ac: {  	v62 =	vor.u32 v2, v62;
	v57 =	vld.idx.msk [tilespmem:v57+s10+$0x0], $0xffff  }
0x1ad: {  	v60 =	vor.u32 v5, v60;
	v23 =	vld [tilespmem:$0x1FDA0]  }
0x1ae: {  	v58 =	vshll.u32 v58, $0x7;
	v13 =	vshll.u32 v13, $0x7;
	v9 =	vshll.u32 v9, $0x7;
	v24 =	vld [tilespmem:$0x1FD50]  }
0x1af: {  	v61 =	vor.u32 v2, v61;
	v63 =	vshll.u32 v63, $0x7;
	v54 =	vshll.u32 v54, $0x7;
	v17 =	vld.idx.msk [tilespmem:v17+s10+$0x0], $0xffff  }
0x1b0: {  	v1 =	vor.u32 v6, v1;
	v10 =	vshll.u32 v10, $0x7;
	v59 =	vshll.u32 v59, $0x7;
	v11 =	vld.idx.msk [tilespmem:v11+s10+$0x0], $0xffff  }
0x1b1: {  	v56 =	vshll.u32 v56, $0x7;
	v13 =	vor.u32 v5, v13;
	v16 =	vadd.f32 v16, v47;
	v47 =	vld.idx.msk [tilespmem:v62+s10+$0x0], $0xffff  }
0x1b2: {  	v58 =	vor.u32 v7, v58;
	v63 =	vor.u32 v8, v63;
	v45 =	vadd.f32 v55, v45;
	v55 =	vld.idx.msk [tilespmem:v60+s10+$0x0], $0xffff  }
0x1b3: {  	v54 =	vor.u32 v0, v54;
	v9 =	vor.u32 v4, v9;
	v10 =	vor.u32 v5, v10;
	v60 =	vld [tilespmem:$0x1FD80]  }
0x1b4: {  	v56 =	vor.u32 v0, v56;
	v59 =	vor.u32 v0, v59;
	v43 =	vadd.f32 v53, v43;
	v53 =	vld.idx.msk [tilespmem:v61+s10+$0x0], $0xffff  }
0x1b5: {  	v44 =	vadd.f32 v49, v44;
	v19 =	vadd.s32 v19, v52;
	v20 =	vadd.s32 v20, v52;
	v1 =	vld.idx.msk [tilespmem:v1+s10+$0x0], $0xffff  }
0x1b6: {  	v21 =	vadd.s32 v21, v52;
	v22 =	vadd.s32 v22, v52;
	v23 =	vadd.s32 v23, v52;
	v13 =	vld.idx.msk [tilespmem:v13+s10+$0x0], $0xffff  }
0x1b7: {  	v24 =	vadd.s32 v24, v52;
	v15 =	vadd.f32 v15, v42;
	v19 =	vshll.u32 v19, $0x7;
	v58 =	vld.idx.msk [tilespmem:v58+s10+$0x0], $0xffff  }
0x1b8: {  	v20 =	vshll.u32 v20, $0x7;
	v22 =	vshll.u32 v22, $0x7;
	v9 =	vld.idx.msk [tilespmem:v9+s10+$0x0], $0xffff;
	v19 =	vor.u32 v7, v19  }
0x1b9: {  	v24 =	vshll.u32 v24, $0x7;
	v54 =	vld.idx.msk [tilespmem:v54+s10+$0x0], $0xffff;
	v23 =	vshll.u32 v23, $0x7;
	v20 =	vor.u32 v8, v20  }
0x1ba: {  	v21 =	vshll.u32 v21, $0x7;
	v10 =	vld.idx.msk [tilespmem:v10+s10+$0x0], $0xffff;
	v43 =	vadd.f32 v57, v43;
	v23 =	vor.u32 v6, v23  }
0x1bb: {  	v22 =	vor.u32 v3, v22;
	v52 =	vadd.s32 v60, v52;
	v60 =	vld.idx.msk [tilespmem:v63+s10+$0x0], $0xffff;
	v63 =	vadd.f32 v50, v46  }
0x1bc: {  	v16 =	vadd.f32 v55, v16;
	v55 =	vld.idx.msk [tilespmem:v59+s10+$0x0], $0xffff;
	v57 =	vadd.f32 v53, v45;
	v52 =	vshll.u32 v52, $0x7  }
0x1bd: {  	v18 =	vadd.f32 v58, v18;
	v9 =	vadd.f32 v9, v15;
	v52 =	vor.u32 v4, v52;
	v19 =	vld.idx.msk [tilespmem:v19+s10+$0x0], $0xffff  }
0x1be: {  	v24 =	vor.u32 v0, v24;
	v20 =	vld.idx.msk [tilespmem:v20+s10+$0x0], $0xffff;
	v13 =	vadd.f32 v13, v16;
	v16 =	vadd.f32 v51, v44  }
0x1bf: {  	v21 =	vor.u32 v2, v21;
	v12 =	vadd.f32 v12, v63;
	v15 =	vld.idx.msk [tilespmem:v23+s10+$0x0], $0xffff;
	v18 =	vadd.f32 v48, v18  }
0x1c0: {  	v9 =	vadd.f32 v11, v9;
	v10 =	vadd.f32 v10, v13;
	v13 =	vld.idx.msk [tilespmem:v22+s10+$0x0], $0xffff  }
0x1c1: {  	s19 =	smov.u32 s17;
	v17 =	vadd.f32 v17, v18;
	v18 =	vld.idx.msk [tilespmem:v56+s10+$0x0], $0xffff;
	v43 =	vadd.f32 v60, v43  }
0x1c2: {  	s20 =	sadd.s32 $0xFFFFFFFD, s19;
	v1 =	vadd.f32 v1, v12;
	v58 =	vadd.f32 v55, v38;
	v52 =	vld.idx.msk [tilespmem:v52+s10+$0x0], $0xffff  }
0x1c3: {  	v24 =	vld.idx.msk [tilespmem:v24+s10+$0x0], $0xffff;
	v56 =	vmov s20;
	v17 =	vadd.f32 v19, v17;
	v19 =	vadd.f32 v20, v43  }
0x1c4: {  	s30 =	sadd.s32 $0xFFFFFFFE, s19;
	v14 =	vadd.f32 v14, v16;
	v16 =	vld.idx.msk [tilespmem:v21+s10+$0x0], $0xffff;
	v20 =	vand.u32 $0xFFFFFFE8, v56;
	[tilespmem:s16+$0x0] =	vst v10;
	v12 =	vadd.f32 v54, v58  }
0x1c5: {  	v1 =	vadd.f32 v15, v1;
	v11 =	vbroadcast v20, $0x0;
	[tilespmem:s16+$0x30] =	vst v19;
	v19 =	vmov s30  }
0x1c6: {  	[tilespmem:s16+$0x20] =	vst v17;
	v13 =	vadd.f32 v13, v14;
	v10 =	vand.u32 $0xFFFFFFE9, v19;
	v12 =	vadd.f32 v18, v12  }
0x1c7: {  	v17 =	vadd.f32 v47, v57;
	[tilespmem:s16+$0x10] =	vst v1;
	v10 =	vbroadcast v10, $0x0;
	v9 =	vadd.f32 v52, v9  }
0x1c8: {  	v15 =	vld [tilespmem:$0x1FE00];
	[tilespmem:s16+$0xFFFFFFE0] =	vst v13;
	v12 =	vadd.f32 v24, v12  }
0x1c9: {  	v14 =	vld [tilespmem:$0x1FDE0];
	[tilespmem:s16+$0xFFFFFFF0] =	vst v9;
	v9 =	vadd.f32 v16, v17  }
0x1ca: {  	v13 =	vld [tilespmem:$0x1FDC0];
	[tilespmem:s16+$0xFFFFFFC0] =	vst v12  }
0x1cb: {  	v12 =	vld [tilespmem:$0x1FDB0];
	[tilespmem:s16+$0xFFFFFFD0] =	vst v9  }
0x1cc: {  	s31 =	sadd.s32 $0xFFFFFFFF, s19;
	v16 =	vld.idx.msk [tilespmem:v11+s2+$0x0], $0xffff  }
0x1cd: {  	v9 =	vmov s31;
	v1 =	vld.idx.msk [tilespmem:v10+s2+$0x0], $0xffff  }
0x1ce: {  	v9 =	vand.u32 $0xFFFFFFEA, v9;
	v10 =	vld [tilespmem:$0x1FD90]  }
0x1cf: {  	v17 =	vld [tilespmem:$0x1FE10];
	v9 =	vbroadcast v9, $0x0  }
0x1d0: {  	v11 =	vmov s19  }
0x1d1: {  	v11 =	vand.u32 $0xFFFFFFEB, v11;
	v13 =	vadd.s32 v13, v16  }
0x1d2: {  	s18 =	sadd.s32 $0x80, s18;
	v11 =	vbroadcast v11, $0x0;
	v19 =	vshll.u32 v13, $0x7;
	v13 =	vld [tilespmem:$0x1FE20]  }
0x1d3: {  	v43 =	vld [tilespmem:s18+$0x30];
	v10 =	vadd.s32 v10, v1;
	v12 =	vadd.s32 v12, v16;
	v14 =	vadd.s32 v14, v16  }
0x1d4: {  	v46 =	vld [tilespmem:s18+$0x10];
	v15 =	vadd.s32 v15, v16;
	v17 =	vadd.s32 v17, v1;
	v61 =	vadd.s32 v34, v1  }
0x1d5: {  	v12 =	vshll.u32 v12, $0x7;
	v10 =	vshll.u32 v10, $0x7;
	v18 =	vld.idx.msk [tilespmem:v9+s2+$0x0], $0xffff;
	v9 =	vshll.u32 v17, $0x7  }
0x1d6: {  	v38 =	vld [tilespmem:s18+$0xFFFFFFC0];
	v14 =	vshll.u32 v14, $0x7;
	v61 =	vshll.u32 v61, $0x7;
	v57 =	vor.u32 v8, v9  }
0x1d7: {  	v9 =	vadd.s32 v30, v16;
	v58 =	vadd.s32 v13, v16;
	v13 =	vshll.u32 v15, $0x7;
	v15 =	vld [tilespmem:$0x1FE30]  }
0x1d8: {  	v42 =	vld [tilespmem:s18+$0xFFFFFFF0];
	v12 =	vor.u32 v2, v12;
	v20 =	vor.u32 v3, v10;
	v9 =	vshll.u32 v9, $0x7  }
0x1d9: {  	v14 =	vor.u32 v3, v14;
	v52 =	vld.idx.msk [tilespmem:v11+s2+$0x0], $0xffff;
	v11 =	vadd.s32 v39, v1;
	v59 =	vor.u32 v6, v9  }
0x1da: {  	v17 =	vor.u32 v8, v13;
	v13 =	vld [tilespmem:$0x1FE40];
	v10 =	vadd.s32 v27, v18;
	v9 =	vadd.s32 v26, v18  }
0x1db: {  	v45 =	vld [tilespmem:s18+$0xFFFFFFD0];
	v63 =	vadd.s32 v33, v18;
	v21 =	vadd.s32 v41, v18;
	v56 =	vadd.s32 v35, v18  }
0x1dc: {  	v47 =	vld [tilespmem:s18+$0x0];
	v62 =	vshll.u32 v9, $0x7;
	v54 =	vadd.s32 v15, v1;
	v15 =	vadd.s32 v40, v1  }
0x1dd: {  	v44 =	vld [tilespmem:s18+$0xFFFFFFE0];
	v9 =	vshll.u32 v11, $0x7;
	v11 =	vshll.u32 v10, $0x7;
	v15 =	vshll.u32 v15, $0x7  }
0x1de: {  	p0 =	sne.s32 s17, $0x3FEB;
	v55 =	vld.idx.msk [tilespmem:v12+s10+$0x0], $0xffff;
	v12 =	vor.u32 v6, v9;
	v9 =	vadd.s32 v36, v1;
	v15 =	vor.u32 v7, v15  }
.Ltmp3:
0x1df: {  	v50 =	vld.idx.msk [tilespmem:v59+s10+$0x0], $0xffff;
	v59 =	vadd.s32 v25, v16;
	v13 =	vadd.s32 v13, v1;
	v1 =	vadd.s32 v29, v18;
	(pc) =	sbr.rel @p0 .LBB2_8-.Ltmp3, $4  }
0x1e0: {  	v53 =	vld.idx.msk [tilespmem:v17+s10+$0x0], $0xffff;
	v17 =	vadd.s32 v31, v18;
	v60 =	vshll.u32 v13, $0x7;
	v13 =	vadd.s32 v28, v16  }
0x1e1: {  	v49 =	vld.idx.msk [tilespmem:v14+s10+$0x0], $0xffff;
	v1 =	vshll.u32 v1, $0x7;
	v16 =	vor.u32 v5, v19;
	v17 =	vshll.u32 v17, $0x7  }
0x1e2: {  	v51 =	vld.idx.msk [tilespmem:v20+s10+$0x0], $0xffff;
	v10 =	vshll.u32 v13, $0x7;
	v13 =	vadd.s32 v32, v18;
	v14 =	vor.u32 v3, v1  }
0x1e3: {  	s17 =	sadd.s32 $0x20, s17;
	s16 =	smov.u32 s18;
	v1 =	vshll.u32 v21, $0x7;
	v48 =	vld.idx.msk [tilespmem:v15+s10+$0x0], $0xffff;
	v15 =	vor.u32 v4, v10;
	v10 =	vadd.s32 v37, v52  }
0x1e4: {  	_ =	sdelay $0x2  }
0x1e5: {  	v18 =	vld [tilespmem:s16+$0x20]  }
0x1e6: {  	v12 =	vld.idx.msk [tilespmem:v12+s10+$0x0], $0xffff  }
0x1e7: {  	v15 =	vld.idx.msk [tilespmem:v15+s10+$0x0], $0xffff  }
0x1e8: {  	v14 =	vld.idx.msk [tilespmem:v14+s10+$0x0], $0xffff  }
0x1e9: {  	v16 =	vld.idx.msk [tilespmem:v16+s10+$0x0], $0xffff  }
0x1ea: {  	v21 =	vld.idx.msk [tilespmem:v57+s10+$0x0], $0xffff  }
0x1eb: {  	v22 =	vld [tilespmem:$0x1FDD0]  }
0x1ec: {  	v25 =	vld [tilespmem:$0x1FDF0]  }
0x1ed: {  	v17 =	vor.u32 v7, v17;
	v27 =	vld [tilespmem:$0x1FD60]  }
0x1ee: {  	v11 =	vor.u32 v4, v11;
	v28 =	vld [tilespmem:$0x1FD50]  }
0x1ef: {  	v20 =	vor.u32 v2, v62;
	v29 =	vld [tilespmem:$0x1FD80]  }
0x1f0: {  	v13 =	vshll.u32 v13, $0x7;
	v19 =	vshll.u32 v58, $0x7;
	v23 =	vor.u32 v5, v60;
	v30 =	vld [tilespmem:$0x1FD70]  }
0x1f1: {  	v24 =	vshll.u32 v63, $0x7;
	v26 =	vshll.u32 v54, $0x7;
	v31 =	vor.u32 v2, v61;
	v32 =	vld [tilespmem:$0x1FDA0]  }
0x1f2: {  	v9 =	vshll.u32 v9, $0x7;
	v10 =	vshll.u32 v10, $0x7;
	v1 =	vor.u32 v6, v1;
	v17 =	vld.idx.msk [tilespmem:v17+s10+$0x0], $0xffff  }
0x1f3: {  	v33 =	vadd.f32 v55, v45;
	v34 =	vshll.u32 v59, $0x7;
	v13 =	vor.u32 v5, v13;
	v11 =	vld.idx.msk [tilespmem:v11+s10+$0x0], $0xffff  }
0x1f4: {  	v35 =	vshll.u32 v56, $0x7;
	v19 =	vor.u32 v7, v19;
	v24 =	vor.u32 v8, v24;
	v20 =	vld.idx.msk [tilespmem:v20+s10+$0x0], $0xffff  }
0x1f5: {  	v26 =	vor.u32 v0, v26;
	v10 =	vor.u32 v5, v10;
	v9 =	vor.u32 v4, v9;
	v23 =	vld.idx.msk [tilespmem:v23+s10+$0x0], $0xffff  }
0x1f6: {  	v34 =	vor.u32 v0, v34;
	v35 =	vor.u32 v0, v35;
	v36 =	vadd.f32 v53, v43;
	v31 =	vld.idx.msk [tilespmem:v31+s10+$0x0], $0xffff  }
0x1f7: {  	v57 =	vadd.f32 v49, v44;
	v22 =	vadd.s32 v22, v52;
	v25 =	vadd.s32 v25, v52;
	v1 =	vld.idx.msk [tilespmem:v1+s10+$0x0], $0xffff  }
0x1f8: {  	v27 =	vadd.s32 v27, v52;
	v28 =	vadd.s32 v28, v52;
	v29 =	vadd.s32 v29, v52;
	v13 =	vld.idx.msk [tilespmem:v13+s10+$0x0], $0xffff  }
0x1f9: {  	v30 =	vadd.s32 v30, v52;
	v32 =	vadd.s32 v32, v52;
	v16 =	vadd.f32 v16, v47;
	v19 =	vld.idx.msk [tilespmem:v19+s10+$0x0], $0xffff  }
0x1fa: {  	v15 =	vadd.f32 v15, v42;
	v21 =	vadd.f32 v21, v36;
	v25 =	vshll.u32 v25, $0x7;
	v9 =	vld.idx.msk [tilespmem:v9+s10+$0x0], $0xffff  }
0x1fb: {  	v22 =	vshll.u32 v22, $0x7;
	v28 =	vshll.u32 v28, $0x7;
	v34 =	vld.idx.msk [tilespmem:v34+s10+$0x0], $0xffff;
	v25 =	vor.u32 v8, v25  }
0x1fc: {  	v24 =	vld.idx.msk [tilespmem:v24+s10+$0x0], $0xffff;
	v29 =	vshll.u32 v29, $0x7;
	v30 =	vshll.u32 v30, $0x7;
	v22 =	vor.u32 v7, v22  }
0x1fd: {  	v26 =	vld.idx.msk [tilespmem:v26+s10+$0x0], $0xffff;
	v32 =	vshll.u32 v32, $0x7;
	v29 =	vor.u32 v4, v29;
	v30 =	vor.u32 v3, v30  }
0x1fe: {  	v10 =	vld.idx.msk [tilespmem:v10+s10+$0x0], $0xffff;
	v32 =	vor.u32 v6, v32;
	v16 =	vadd.f32 v23, v16;
	v59 =	vadd.f32 v31, v33  }
0x1ff: {  	v58 =	vld.idx.msk [tilespmem:v35+s10+$0x0], $0xffff;
	v18 =	vadd.f32 v19, v18;
	v19 =	vshll.u32 v27, $0x7;
	v27 =	vadd.f32 v50, v46  }
0x200: {  	v28 =	vor.u32 v0, v28;
	v9 =	vadd.f32 v9, v15;
	v60 =	vadd.f32 v34, v38;
	v25 =	vld.idx.msk [tilespmem:v25+s10+$0x0], $0xffff  }
0x201: {  	v22 =	vld.idx.msk [tilespmem:v22+s10+$0x0], $0xffff;
	v19 =	vor.u32 v2, v19;
	v13 =	vadd.f32 v13, v16;
	v18 =	vadd.f32 v48, v18  }
0x202: {  	v29 =	vld.idx.msk [tilespmem:v29+s10+$0x0], $0xffff;
	v16 =	vadd.f32 v51, v57;
	v12 =	vadd.f32 v12, v27  }
0x203: {  	v15 =	vld.idx.msk [tilespmem:v32+s10+$0x0], $0xffff;
	v17 =	vadd.f32 v17, v18;
	v18 =	vadd.f32 v24, v21  }
0x204: {  	v9 =	vadd.f32 v11, v9;
	v10 =	vadd.f32 v10, v13;
	v13 =	vld.idx.msk [tilespmem:v30+s10+$0x0], $0xffff  }
0x205: {  	v28 =	vld.idx.msk [tilespmem:v28+s10+$0x0], $0xffff;
	v1 =	vadd.f32 v1, v12;
	v18 =	vadd.f32 v25, v18  }
0x206: {  	v17 =	vadd.f32 v22, v17;
	v19 =	vld.idx.msk [tilespmem:v19+s10+$0x0], $0xffff;
	[tilespmem:s16+$0x0] =	vst v10;
	v10 =	vadd.f32 v26, v60  }
0x207: {  	v11 =	vadd.f32 v14, v16;
	v9 =	vadd.f32 v29, v9;
	[tilespmem:s16+$0x30] =	vst v18  }
0x208: {  	v1 =	vadd.f32 v15, v1;
	[tilespmem:s16+$0x20] =	vst v17;
	v10 =	vadd.f32 v58, v10  }
0x209: {  	v12 =	vadd.f32 v20, v59;
	v11 =	vadd.f32 v13, v11;
	[tilespmem:s16+$0xFFFFFFF0] =	vst v9  }
0x20a: {  	[tilespmem:s16+$0x10] =	vst v1;
	v10 =	vadd.f32 v28, v10  }
0x20b: {  	[tilespmem:s16+$0xFFFFFFE0] =	vst v11;
	v9 =	vadd.f32 v19, v12  }
0x20c: {  	[tilespmem:s16+$0xFFFFFFC0] =	vst v10  }
0x20d: {  	[tilespmem:s16+$0xFFFFFFD0] =	vst v9  }
0x20e: {  	v37 =	vld [tilespmem:$0xDE00]  }
0x20f: {  	v14 =	vld [tilespmem:$0xDE10]  }
0x210: {  	v15 =	vld [tilespmem:$0xDE20]  }
0x211: {  	v19 =	vld [tilespmem:$0xDE30]  }
0x212: {  	v16 =	vld [tilespmem:$0xDE40]  }
0x213: {  	v61 =	vld [tilespmem:$0xDE50]  }
0x214: {  	v62 =	vld [tilespmem:$0xDE60]  }
0x215: {  	v17 =	vld [tilespmem:$0xDE70]  }
0x216: {  	v63 =	vld [tilespmem:$0xDE80]  }
0x217: {  	v36 =	vld [tilespmem:$0xDE90]  }
0x218: {  	s17 =	simm.s32 $0xC;
	v12 =	vld [tilespmem:$0xDEA0]  }
0x219: {  	v9 =	vmov s17;
	v24 =	vld [tilespmem:$0xDEB0]  }
0x21a: {  	v25 =	vld [tilespmem:$0xDEC0];
	v9 =	vand.u32 $0xFFFFFFEC, v9  }
0x21b: {  	v34 =	vld [tilespmem:$0xDED0];
	v9 =	vbroadcast v9, $0x0  }
0x21c: {  	v10 =	vld [tilespmem:$0xDF80]  }
0x21d: {  	v28 =	vld [tilespmem:$0xDEE0]  }
0x21e: {  	s29 =	simm.s32 $0xD;
	v11 =	vld [tilespmem:$0xDF90]  }
0x21f: {  	v1 =	vmov s29;
	v13 =	vld [tilespmem:$0xDFD0]  }
0x220: {  	v1 =	vand.u32 $0xFFFFFFED, v1;
	v30 =	vld [tilespmem:$0xDEF0]  }
0x221: {  	v1 =	vbroadcast v1, $0x0;
	[tilespmem:$0x1FC40] =	vst v10;
	v10 =	vld.idx.msk [tilespmem:v9+s2+$0x0], $0xffff  }
0x222: {  	v31 =	vld [tilespmem:$0xDF00]  }
0x223: {  	v35 =	vld [tilespmem:$0xDF10];
	[tilespmem:$0x1FC50] =	vst v11  }
0x224: {  	v11 =	vld [tilespmem:$0xDFA0];
	[tilespmem:$0x1FC90] =	vst v13  }
0x225: {  	v50 =	vld [tilespmem:$0xDF20];
	[tilespmem:$0x1FCA0] =	vst v14  }
0x226: {  	[tilespmem:$0x1FCB0] =	vst v16;
	v13 =	vadd.s32 v14, v10;
	v14 =	vadd.s32 v16, v10;
	v16 =	vld [tilespmem:$0xDFE0]  }
0x227: {  	s30 =	simm.s32 $0xE;
	v1 =	vld.idx.msk [tilespmem:v1+s2+$0x0], $0xffff  }
0x228: {  	v26 =	vld [tilespmem:$0xDF30];
	v9 =	vmov s30  }
0x229: {  	v9 =	vand.u32 $0xFFFFFFEE, v9;
	[tilespmem:$0x1FC60] =	vst v11;
	v11 =	vld [tilespmem:$0xDFB0]  }
0x22a: {  	v29 =	vld [tilespmem:$0xDF40];
	v9 =	vbroadcast v9, $0x0  }
0x22b: {  	[tilespmem:$0x1FCC0] =	vst v16;
	v16 =	vld [tilespmem:$0xDFF0]  }
0x22c: {  	v59 =	vld [tilespmem:$0xDF50];
	[tilespmem:$0x1FC80] =	vst v12;
	v54 =	vadd.s32 v63, v1  }
0x22d: {  	s31 =	simm.s32 $0xF;
	v18 =	vld [tilespmem:$0xDF60];
	[tilespmem:$0x1FCD0] =	vst v15;
	v15 =	vadd.s32 v15, v10;
	v58 =	vadd.s32 v62, v10;
	v22 =	vadd.s32 v19, v10  }
0x22e: {  	v32 =	vld [tilespmem:$0xDF70];
	v13 =	vshll.u32 v13, $0x7;
	[tilespmem:$0x1FC70] =	vst v11;
	v11 =	vadd.s32 v12, v1;
	v12 =	vmov s31  }
0x22f: {  	v23 =	vld [tilespmem:$0xDFC0];
	v15 =	vshll.u32 v15, $0x7;
	v13 =	vor.u32 v2, v13;
	v12 =	vand.u32 $0xFFFFFFEF, v12  }
0x230: {  	s16 =	simm.s32 $0xE840;
	v51 =	vld.idx.msk [tilespmem:v9+s2+$0x0], $0xffff;
	v9 =	vshll.u32 v14, $0x7;
	v12 =	vbroadcast v12, $0x0;
	[tilespmem:$0x1FCE0] =	vst v16;
	v16 =	vadd.s32 v17, v10  }
0x231: {  	v38 =	vld [tilespmem:s16+$0xFFFFFFC0];
	[tilespmem:$0x1FCF0] =	vst v17;
	v11 =	vshll.u32 v11, $0x7;
	v17 =	vadd.s32 v30, v1;
	v14 =	vshll.u32 v16, $0x7  }
0x232: {  	v42 =	vld [tilespmem:s16+$0xFFFFFFF0];
	[tilespmem:$0x1FD40] =	vst v9;
	v9 =	vshll.u32 v17, $0x7;
	v17 =	vadd.s32 v28, v1;
	v16 =	vor.u32 v8, v14  }
0x233: {  	v45 =	vld [tilespmem:s16+$0xFFFFFFD0];
	v14 =	vadd.s32 v25, v1;
	v17 =	vshll.u32 v17, $0x7;
	v57 =	vor.u32 v8, v9  }
0x234: {  	v47 =	vld [tilespmem:s16+$0x0];
	[tilespmem:$0x1FD00] =	vst v30;
	v9 =	vadd.s32 v61, v10;
	v60 =	vshll.u32 v14, $0x7;
	v14 =	vor.u32 v7, v17  }
0x235: {  	v43 =	vld [tilespmem:s16+$0x30];
	[tilespmem:$0x1FD10] =	vst v62;
	v15 =	vor.u32 v3, v15;
	v20 =	vor.u32 v3, v11;
	v9 =	vshll.u32 v9, $0x7  }
0x236: {  	v52 =	vld.idx.msk [tilespmem:v12+s2+$0x0], $0xffff;
	v12 =	vadd.s32 v34, v1;
	v21 =	vor.u32 v6, v9;
	v9 =	vadd.s32 v35, v51  }
0x237: {  	v44 =	vld [tilespmem:s16+$0xFFFFFFE0];
	[tilespmem:$0x1FD20] =	vst v63;
	v30 =	vmovc v61;
	v61 =	vadd.s32 v36, v1;
	v62 =	vshll.u32 v9, $0x7;
	v9 =	vshll.u32 v12, $0x7  }
0x238: {  	v55 =	vld.idx.msk [tilespmem:v13+s10+$0x0], $0xffff;
	v12 =	vor.u32 v6, v9;
	v9 =	vadd.s32 v24, v1;
	v1 =	vadd.s32 v50, v51  }
0x239: {  	v40 =	vmovc v28;
	v41 =	vmovc v59;
	v22 =	vshll.u32 v22, $0x7;
	v59 =	vadd.s32 v59, v51;
	v1 =	vshll.u32 v1, $0x7;
	v48 =	vld.idx.msk [tilespmem:v14+s10+$0x0], $0xffff  }
0x23a: {  	v27 =	vmovc v26;
	v39 =	vmovc v34;
	v14 =	vor.u32 v3, v1;
	v1 =	vshll.u32 v59, $0x7;
	v59 =	vadd.s32 v37, v10;
	v10 =	vld [tilespmem:$0x1FD40]  }
0x23b: {  	v33 =	vmovc v32;
	v49 =	vld.idx.msk [tilespmem:v15+s10+$0x0], $0xffff;
	v15 =	vor.u32 v4, v22;
	v11 =	vadd.s32 v26, v51;
	v26 =	vmov v35  }
0x23c: {  	v46 =	vld [tilespmem:s16+$0x10];
	v63 =	vadd.s32 v32, v51;
	v32 =	vmovc v29;
	v13 =	vadd.s32 v29, v51;
	v56 =	vadd.s32 v31, v51  }
0x23d: {  	v29 =	vmovc v50;
	v11 =	vshll.u32 v11, $0x7;
	v28 =	vmovc v19;
	v34 =	vmov v36;
	v17 =	vadd.s32 v18, v51;
	v51 =	vld.idx.msk [tilespmem:v20+s10+$0x0], $0xffff  }
0x23e: {  	[tilespmem:$0x1FD30] =	vst v25;
	v36 =	vmovc v24;
	v25 =	vmovc v37;
	v61 =	vshll.u32 v61, $0x7;
	v35 =	vmov v31;
	v31 =	vmov v18;
	v53 =	vld.idx.msk [tilespmem:v16+s10+$0x0], $0xffff  }
0x23f: {  	s18 =	simm.s32 $0xE840;
	s17 =	simm.s32 $0x2F;
	v17 =	vshll.u32 v17, $0x7;
	v37 =	vmovc v23;
	v50 =	vld.idx.msk [tilespmem:v21+s10+$0x0], $0xffff;
	v16 =	vor.u32 v5, v10;
	v10 =	vadd.s32 v23, v52  }
.LBB2_10:
0x240: {  	v18 =	vld [tilespmem:s16+$0x20]  }
0x241: {  	v12 =	vld.idx.msk [tilespmem:v12+s10+$0x0], $0xffff  }
0x242: {  	v19 =	vld [tilespmem:$0x1FCC0]  }
0x243: {  	v20 =	vld [tilespmem:$0x1FCE0]  }
0x244: {  	v15 =	vld.idx.msk [tilespmem:v15+s10+$0x0], $0xffff  }
0x245: {  	v21 =	vld [tilespmem:$0x1FC50]  }
0x246: {  	v14 =	vld.idx.msk [tilespmem:v14+s10+$0x0], $0xffff  }
0x247: {  	v17 =	vor.u32 v7, v17;
	v16 =	vld.idx.msk [tilespmem:v16+s10+$0x0], $0xffff  }
0x248: {  	v11 =	vor.u32 v4, v11;
	v22 =	vld [tilespmem:$0x1FC60]  }
0x249: {  	v62 =	vor.u32 v2, v62;
	v57 =	vld.idx.msk [tilespmem:v57+s10+$0x0], $0xffff  }
0x24a: {  	v60 =	vor.u32 v5, v60;
	v23 =	vld [tilespmem:$0x1FC90]  }
0x24b: {  	v58 =	vshll.u32 v58, $0x7;
	v13 =	vshll.u32 v13, $0x7;
	v9 =	vshll.u32 v9, $0x7;
	v24 =	vld [tilespmem:$0x1FC40]  }
0x24c: {  	v61 =	vor.u32 v2, v61;
	v63 =	vshll.u32 v63, $0x7;
	v54 =	vshll.u32 v54, $0x7;
	v17 =	vld.idx.msk [tilespmem:v17+s10+$0x0], $0xffff  }
0x24d: {  	v1 =	vor.u32 v6, v1;
	v10 =	vshll.u32 v10, $0x7;
	v59 =	vshll.u32 v59, $0x7;
	v11 =	vld.idx.msk [tilespmem:v11+s10+$0x0], $0xffff  }
0x24e: {  	v56 =	vshll.u32 v56, $0x7;
	v13 =	vor.u32 v5, v13;
	v16 =	vadd.f32 v16, v47;
	v47 =	vld.idx.msk [tilespmem:v62+s10+$0x0], $0xffff  }
0x24f: {  	v58 =	vor.u32 v7, v58;
	v63 =	vor.u32 v8, v63;
	v45 =	vadd.f32 v55, v45;
	v55 =	vld.idx.msk [tilespmem:v60+s10+$0x0], $0xffff  }
0x250: {  	v54 =	vor.u32 v0, v54;
	v9 =	vor.u32 v4, v9;
	v10 =	vor.u32 v5, v10;
	v60 =	vld [tilespmem:$0x1FC70]  }
0x251: {  	v56 =	vor.u32 v0, v56;
	v59 =	vor.u32 v0, v59;
	v43 =	vadd.f32 v53, v43;
	v53 =	vld.idx.msk [tilespmem:v61+s10+$0x0], $0xffff  }
0x252: {  	v44 =	vadd.f32 v49, v44;
	v19 =	vadd.s32 v19, v52;
	v20 =	vadd.s32 v20, v52;
	v1 =	vld.idx.msk [tilespmem:v1+s10+$0x0], $0xffff  }
0x253: {  	v21 =	vadd.s32 v21, v52;
	v22 =	vadd.s32 v22, v52;
	v23 =	vadd.s32 v23, v52;
	v13 =	vld.idx.msk [tilespmem:v13+s10+$0x0], $0xffff  }
0x254: {  	v24 =	vadd.s32 v24, v52;
	v15 =	vadd.f32 v15, v42;
	v19 =	vshll.u32 v19, $0x7;
	v58 =	vld.idx.msk [tilespmem:v58+s10+$0x0], $0xffff  }
0x255: {  	v20 =	vshll.u32 v20, $0x7;
	v22 =	vshll.u32 v22, $0x7;
	v9 =	vld.idx.msk [tilespmem:v9+s10+$0x0], $0xffff;
	v19 =	vor.u32 v7, v19  }
0x256: {  	v24 =	vshll.u32 v24, $0x7;
	v54 =	vld.idx.msk [tilespmem:v54+s10+$0x0], $0xffff;
	v23 =	vshll.u32 v23, $0x7;
	v20 =	vor.u32 v8, v20  }
0x257: {  	v21 =	vshll.u32 v21, $0x7;
	v10 =	vld.idx.msk [tilespmem:v10+s10+$0x0], $0xffff;
	v43 =	vadd.f32 v57, v43;
	v23 =	vor.u32 v6, v23  }
0x258: {  	v22 =	vor.u32 v3, v22;
	v52 =	vadd.s32 v60, v52;
	v60 =	vld.idx.msk [tilespmem:v63+s10+$0x0], $0xffff;
	v63 =	vadd.f32 v50, v46  }
0x259: {  	v16 =	vadd.f32 v55, v16;
	v55 =	vld.idx.msk [tilespmem:v59+s10+$0x0], $0xffff;
	v57 =	vadd.f32 v53, v45;
	v52 =	vshll.u32 v52, $0x7  }
0x25a: {  	v18 =	vadd.f32 v58, v18;
	v9 =	vadd.f32 v9, v15;
	v52 =	vor.u32 v4, v52;
	v19 =	vld.idx.msk [tilespmem:v19+s10+$0x0], $0xffff  }
0x25b: {  	v24 =	vor.u32 v0, v24;
	v20 =	vld.idx.msk [tilespmem:v20+s10+$0x0], $0xffff;
	v13 =	vadd.f32 v13, v16;
	v16 =	vadd.f32 v51, v44  }
0x25c: {  	v21 =	vor.u32 v2, v21;
	v12 =	vadd.f32 v12, v63;
	v15 =	vld.idx.msk [tilespmem:v23+s10+$0x0], $0xffff;
	v18 =	vadd.f32 v48, v18  }
0x25d: {  	v9 =	vadd.f32 v11, v9;
	v10 =	vadd.f32 v10, v13;
	v13 =	vld.idx.msk [tilespmem:v22+s10+$0x0], $0xffff  }
0x25e: {  	s19 =	smov.u32 s17;
	v17 =	vadd.f32 v17, v18;
	v18 =	vld.idx.msk [tilespmem:v56+s10+$0x0], $0xffff;
	v43 =	vadd.f32 v60, v43  }
0x25f: {  	s20 =	sadd.s32 $0xFFFFFFFD, s19;
	v1 =	vadd.f32 v1, v12;
	v58 =	vadd.f32 v55, v38;
	v52 =	vld.idx.msk [tilespmem:v52+s10+$0x0], $0xffff  }
0x260: {  	v24 =	vld.idx.msk [tilespmem:v24+s10+$0x0], $0xffff;
	v56 =	vmov s20;
	v17 =	vadd.f32 v19, v17;
	v19 =	vadd.f32 v20, v43  }
0x261: {  	s30 =	sadd.s32 $0xFFFFFFFE, s19;
	v14 =	vadd.f32 v14, v16;
	v16 =	vld.idx.msk [tilespmem:v21+s10+$0x0], $0xffff;
	v20 =	vand.u32 $0xFFFFFFEC, v56;
	[tilespmem:s16+$0x0] =	vst v10;
	v12 =	vadd.f32 v54, v58  }
0x262: {  	v1 =	vadd.f32 v15, v1;
	v11 =	vbroadcast v20, $0x0;
	[tilespmem:s16+$0x30] =	vst v19;
	v19 =	vmov s30  }
0x263: {  	[tilespmem:s16+$0x20] =	vst v17;
	v13 =	vadd.f32 v13, v14;
	v10 =	vand.u32 $0xFFFFFFED, v19;
	v12 =	vadd.f32 v18, v12  }
0x264: {  	v17 =	vadd.f32 v47, v57;
	[tilespmem:s16+$0x10] =	vst v1;
	v10 =	vbroadcast v10, $0x0;
	v9 =	vadd.f32 v52, v9  }
0x265: {  	v15 =	vld [tilespmem:$0x1FCF0];
	[tilespmem:s16+$0xFFFFFFE0] =	vst v13;
	v12 =	vadd.f32 v24, v12  }
0x266: {  	v14 =	vld [tilespmem:$0x1FCD0];
	[tilespmem:s16+$0xFFFFFFF0] =	vst v9;
	v9 =	vadd.f32 v16, v17  }
0x267: {  	v13 =	vld [tilespmem:$0x1FCB0];
	[tilespmem:s16+$0xFFFFFFC0] =	vst v12  }
0x268: {  	v12 =	vld [tilespmem:$0x1FCA0];
	[tilespmem:s16+$0xFFFFFFD0] =	vst v9  }
0x269: {  	s31 =	sadd.s32 $0xFFFFFFFF, s19;
	v16 =	vld.idx.msk [tilespmem:v11+s2+$0x0], $0xffff  }
0x26a: {  	v9 =	vmov s31;
	v1 =	vld.idx.msk [tilespmem:v10+s2+$0x0], $0xffff  }
0x26b: {  	v9 =	vand.u32 $0xFFFFFFEE, v9;
	v10 =	vld [tilespmem:$0x1FC80]  }
0x26c: {  	v17 =	vld [tilespmem:$0x1FD00];
	v9 =	vbroadcast v9, $0x0  }
0x26d: {  	v11 =	vmov s19  }
0x26e: {  	v11 =	vand.u32 $0xFFFFFFEF, v11;
	v13 =	vadd.s32 v13, v16  }
0x26f: {  	s18 =	sadd.s32 $0x80, s18;
	v11 =	vbroadcast v11, $0x0;
	v19 =	vshll.u32 v13, $0x7;
	v13 =	vld [tilespmem:$0x1FD10]  }
0x270: {  	v43 =	vld [tilespmem:s18+$0x30];
	v10 =	vadd.s32 v10, v1;
	v12 =	vadd.s32 v12, v16;
	v14 =	vadd.s32 v14, v16  }
0x271: {  	v46 =	vld [tilespmem:s18+$0x10];
	v15 =	vadd.s32 v15, v16;
	v17 =	vadd.s32 v17, v1;
	v61 =	vadd.s32 v34, v1  }
0x272: {  	v12 =	vshll.u32 v12, $0x7;
	v10 =	vshll.u32 v10, $0x7;
	v18 =	vld.idx.msk [tilespmem:v9+s2+$0x0], $0xffff;
	v9 =	vshll.u32 v17, $0x7  }
0x273: {  	v38 =	vld [tilespmem:s18+$0xFFFFFFC0];
	v14 =	vshll.u32 v14, $0x7;
	v61 =	vshll.u32 v61, $0x7;
	v57 =	vor.u32 v8, v9  }
0x274: {  	v9 =	vadd.s32 v30, v16;
	v58 =	vadd.s32 v13, v16;
	v13 =	vshll.u32 v15, $0x7;
	v15 =	vld [tilespmem:$0x1FD20]  }
0x275: {  	v42 =	vld [tilespmem:s18+$0xFFFFFFF0];
	v12 =	vor.u32 v2, v12;
	v20 =	vor.u32 v3, v10;
	v9 =	vshll.u32 v9, $0x7  }
0x276: {  	v14 =	vor.u32 v3, v14;
	v52 =	vld.idx.msk [tilespmem:v11+s2+$0x0], $0xffff;
	v11 =	vadd.s32 v39, v1;
	v59 =	vor.u32 v6, v9  }
0x277: {  	v17 =	vor.u32 v8, v13;
	v13 =	vld [tilespmem:$0x1FD30];
	v10 =	vadd.s32 v27, v18;
	v9 =	vadd.s32 v26, v18  }
0x278: {  	v45 =	vld [tilespmem:s18+$0xFFFFFFD0];
	v63 =	vadd.s32 v33, v18;
	v21 =	vadd.s32 v41, v18;
	v56 =	vadd.s32 v35, v18  }
0x279: {  	v47 =	vld [tilespmem:s18+$0x0];
	v62 =	vshll.u32 v9, $0x7;
	v54 =	vadd.s32 v15, v1;
	v15 =	vadd.s32 v40, v1  }
0x27a: {  	v44 =	vld [tilespmem:s18+$0xFFFFFFE0];
	v9 =	vshll.u32 v11, $0x7;
	v11 =	vshll.u32 v10, $0x7;
	v15 =	vshll.u32 v15, $0x7  }
0x27b: {  	p0 =	sne.s32 s17, $0x3FEF;
	v55 =	vld.idx.msk [tilespmem:v12+s10+$0x0], $0xffff;
	v12 =	vor.u32 v6, v9;
	v9 =	vadd.s32 v36, v1;
	v15 =	vor.u32 v7, v15  }
.Ltmp4:
0x27c: {  	v50 =	vld.idx.msk [tilespmem:v59+s10+$0x0], $0xffff;
	v59 =	vadd.s32 v25, v16;
	v13 =	vadd.s32 v13, v1;
	v1 =	vadd.s32 v29, v18;
	(pc) =	sbr.rel @p0 .LBB2_10-.Ltmp4, $4  }
0x27d: {  	v53 =	vld.idx.msk [tilespmem:v17+s10+$0x0], $0xffff;
	v17 =	vadd.s32 v31, v18;
	v60 =	vshll.u32 v13, $0x7;
	v13 =	vadd.s32 v28, v16  }
0x27e: {  	v49 =	vld.idx.msk [tilespmem:v14+s10+$0x0], $0xffff;
	v1 =	vshll.u32 v1, $0x7;
	v16 =	vor.u32 v5, v19;
	v17 =	vshll.u32 v17, $0x7  }
0x27f: {  	v51 =	vld.idx.msk [tilespmem:v20+s10+$0x0], $0xffff;
	v10 =	vshll.u32 v13, $0x7;
	v13 =	vadd.s32 v32, v18;
	v14 =	vor.u32 v3, v1  }
0x280: {  	s17 =	sadd.s32 $0x20, s17;
	s16 =	smov.u32 s18;
	v1 =	vshll.u32 v21, $0x7;
	v48 =	vld.idx.msk [tilespmem:v15+s10+$0x0], $0xffff;
	v15 =	vor.u32 v4, v10;
	v10 =	vadd.s32 v37, v52  }
0x281: {  	_ =	sdelay $0x2  }
0x282: {  	v18 =	vld [tilespmem:s16+$0x20]  }
0x283: {  	v12 =	vld.idx.msk [tilespmem:v12+s10+$0x0], $0xffff  }
0x284: {  	v15 =	vld.idx.msk [tilespmem:v15+s10+$0x0], $0xffff  }
0x285: {  	v14 =	vld.idx.msk [tilespmem:v14+s10+$0x0], $0xffff  }
0x286: {  	v16 =	vld.idx.msk [tilespmem:v16+s10+$0x0], $0xffff  }
0x287: {  	v21 =	vld.idx.msk [tilespmem:v57+s10+$0x0], $0xffff  }
0x288: {  	v22 =	vld [tilespmem:$0x1FCC0]  }
0x289: {  	v25 =	vld [tilespmem:$0x1FCE0]  }
0x28a: {  	v17 =	vor.u32 v7, v17;
	v27 =	vld [tilespmem:$0x1FC50]  }
0x28b: {  	v11 =	vor.u32 v4, v11;
	v28 =	vld [tilespmem:$0x1FC40]  }
0x28c: {  	v20 =	vor.u32 v2, v62;
	v29 =	vld [tilespmem:$0x1FC70]  }
0x28d: {  	v13 =	vshll.u32 v13, $0x7;
	v19 =	vshll.u32 v58, $0x7;
	v23 =	vor.u32 v5, v60;
	v30 =	vld [tilespmem:$0x1FC60]  }
0x28e: {  	v24 =	vshll.u32 v63, $0x7;
	v26 =	vshll.u32 v54, $0x7;
	v31 =	vor.u32 v2, v61;
	v32 =	vld [tilespmem:$0x1FC90]  }
0x28f: {  	v9 =	vshll.u32 v9, $0x7;
	v10 =	vshll.u32 v10, $0x7;
	v1 =	vor.u32 v6, v1;
	v17 =	vld.idx.msk [tilespmem:v17+s10+$0x0], $0xffff  }
0x290: {  	v33 =	vadd.f32 v55, v45;
	v34 =	vshll.u32 v59, $0x7;
	v13 =	vor.u32 v5, v13;
	v11 =	vld.idx.msk [tilespmem:v11+s10+$0x0], $0xffff  }
0x291: {  	v35 =	vshll.u32 v56, $0x7;
	v19 =	vor.u32 v7, v19;
	v24 =	vor.u32 v8, v24;
	v20 =	vld.idx.msk [tilespmem:v20+s10+$0x0], $0xffff  }
0x292: {  	v26 =	vor.u32 v0, v26;
	v10 =	vor.u32 v5, v10;
	v9 =	vor.u32 v4, v9;
	v23 =	vld.idx.msk [tilespmem:v23+s10+$0x0], $0xffff  }
0x293: {  	v34 =	vor.u32 v0, v34;
	v35 =	vor.u32 v0, v35;
	v36 =	vadd.f32 v53, v43;
	v31 =	vld.idx.msk [tilespmem:v31+s10+$0x0], $0xffff  }
0x294: {  	v57 =	vadd.f32 v49, v44;
	v22 =	vadd.s32 v22, v52;
	v25 =	vadd.s32 v25, v52;
	v1 =	vld.idx.msk [tilespmem:v1+s10+$0x0], $0xffff  }
0x295: {  	v27 =	vadd.s32 v27, v52;
	v28 =	vadd.s32 v28, v52;
	v29 =	vadd.s32 v29, v52;
	v13 =	vld.idx.msk [tilespmem:v13+s10+$0x0], $0xffff  }
0x296: {  	v30 =	vadd.s32 v30, v52;
	v32 =	vadd.s32 v32, v52;
	v16 =	vadd.f32 v16, v47;
	v19 =	vld.idx.msk [tilespmem:v19+s10+$0x0], $0xffff  }
0x297: {  	v15 =	vadd.f32 v15, v42;
	v21 =	vadd.f32 v21, v36;
	v25 =	vshll.u32 v25, $0x7;
	v9 =	vld.idx.msk [tilespmem:v9+s10+$0x0], $0xffff  }
0x298: {  	v22 =	vshll.u32 v22, $0x7;
	v28 =	vshll.u32 v28, $0x7;
	v34 =	vld.idx.msk [tilespmem:v34+s10+$0x0], $0xffff;
	v25 =	vor.u32 v8, v25  }
0x299: {  	v24 =	vld.idx.msk [tilespmem:v24+s10+$0x0], $0xffff;
	v29 =	vshll.u32 v29, $0x7;
	v30 =	vshll.u32 v30, $0x7;
	v22 =	vor.u32 v7, v22  }
0x29a: {  	v26 =	vld.idx.msk [tilespmem:v26+s10+$0x0], $0xffff;
	v32 =	vshll.u32 v32, $0x7;
	v29 =	vor.u32 v4, v29;
	v30 =	vor.u32 v3, v30  }
0x29b: {  	v10 =	vld.idx.msk [tilespmem:v10+s10+$0x0], $0xffff;
	v32 =	vor.u32 v6, v32;
	v16 =	vadd.f32 v23, v16;
	v59 =	vadd.f32 v31, v33  }
0x29c: {  	v58 =	vld.idx.msk [tilespmem:v35+s10+$0x0], $0xffff;
	v18 =	vadd.f32 v19, v18;
	v19 =	vshll.u32 v27, $0x7;
	v27 =	vadd.f32 v50, v46  }
0x29d: {  	v28 =	vor.u32 v0, v28;
	v9 =	vadd.f32 v9, v15;
	v60 =	vadd.f32 v34, v38;
	v25 =	vld.idx.msk [tilespmem:v25+s10+$0x0], $0xffff  }
0x29e: {  	v22 =	vld.idx.msk [tilespmem:v22+s10+$0x0], $0xffff;
	v19 =	vor.u32 v2, v19;
	v13 =	vadd.f32 v13, v16;
	v18 =	vadd.f32 v48, v18  }
0x29f: {  	v29 =	vld.idx.msk [tilespmem:v29+s10+$0x0], $0xffff;
	v16 =	vadd.f32 v51, v57;
	v12 =	vadd.f32 v12, v27  }
0x2a0: {  	v15 =	vld.idx.msk [tilespmem:v32+s10+$0x0], $0xffff;
	v17 =	vadd.f32 v17, v18;
	v18 =	vadd.f32 v24, v21  }
0x2a1: {  	v9 =	vadd.f32 v11, v9;
	v10 =	vadd.f32 v10, v13;
	v13 =	vld.idx.msk [tilespmem:v30+s10+$0x0], $0xffff  }
0x2a2: {  	v28 =	vld.idx.msk [tilespmem:v28+s10+$0x0], $0xffff;
	v1 =	vadd.f32 v1, v12;
	v18 =	vadd.f32 v25, v18  }
0x2a3: {  	v17 =	vadd.f32 v22, v17;
	v19 =	vld.idx.msk [tilespmem:v19+s10+$0x0], $0xffff;
	[tilespmem:s16+$0x0] =	vst v10;
	v10 =	vadd.f32 v26, v60  }
0x2a4: {  	v11 =	vadd.f32 v14, v16;
	v9 =	vadd.f32 v29, v9;
	[tilespmem:s16+$0x30] =	vst v18  }
0x2a5: {  	v1 =	vadd.f32 v15, v1;
	[tilespmem:s16+$0x20] =	vst v17;
	v10 =	vadd.f32 v58, v10  }
0x2a6: {  	v12 =	vadd.f32 v20, v59;
	v11 =	vadd.f32 v13, v11;
	[tilespmem:s16+$0xFFFFFFF0] =	vst v9  }
0x2a7: {  	[tilespmem:s16+$0x10] =	vst v1;
	v10 =	vadd.f32 v28, v10  }
0x2a8: {  	[tilespmem:s16+$0xFFFFFFE0] =	vst v11;
	v9 =	vadd.f32 v19, v12  }
0x2a9: {  	[tilespmem:s16+$0xFFFFFFC0] =	vst v10  }
0x2aa: {  	[tilespmem:s16+$0xFFFFFFD0] =	vst v9  }
0x2ab: {  	v37 =	vld [tilespmem:$0xE000]  }
0x2ac: {  	v14 =	vld [tilespmem:$0xE010]  }
0x2ad: {  	v15 =	vld [tilespmem:$0xE020]  }
0x2ae: {  	v19 =	vld [tilespmem:$0xE030]  }
0x2af: {  	v16 =	vld [tilespmem:$0xE040]  }
0x2b0: {  	v61 =	vld [tilespmem:$0xE050]  }
0x2b1: {  	v62 =	vld [tilespmem:$0xE060]  }
0x2b2: {  	v17 =	vld [tilespmem:$0xE070]  }
0x2b3: {  	v63 =	vld [tilespmem:$0xE080]  }
0x2b4: {  	v36 =	vld [tilespmem:$0xE090]  }
0x2b5: {  	s17 =	simm.s32 $0x10;
	v12 =	vld [tilespmem:$0xE0A0]  }
0x2b6: {  	v9 =	vmov s17;
	v24 =	vld [tilespmem:$0xE0B0]  }
0x2b7: {  	v25 =	vld [tilespmem:$0xE0C0];
	v9 =	vand.u32 $0xFFFFFFF0, v9  }
0x2b8: {  	v34 =	vld [tilespmem:$0xE0D0];
	v9 =	vbroadcast v9, $0x0  }
0x2b9: {  	v10 =	vld [tilespmem:$0xE180]  }
0x2ba: {  	v28 =	vld [tilespmem:$0xE0E0]  }
0x2bb: {  	s29 =	simm.s32 $0x11;
	v11 =	vld [tilespmem:$0xE190]  }
0x2bc: {  	v1 =	vmov s29;
	v13 =	vld [tilespmem:$0xE1D0]  }
0x2bd: {  	v1 =	vand.u32 $0xFFFFFFF1, v1;
	v30 =	vld [tilespmem:$0xE0F0]  }
0x2be: {  	v1 =	vbroadcast v1, $0x0;
	[tilespmem:$0x1FB30] =	vst v10;
	v10 =	vld.idx.msk [tilespmem:v9+s2+$0x0], $0xffff  }
0x2bf: {  	v31 =	vld [tilespmem:$0xE100]  }
0x2c0: {  	v35 =	vld [tilespmem:$0xE110];
	[tilespmem:$0x1FB40] =	vst v11  }
0x2c1: {  	v11 =	vld [tilespmem:$0xE1A0];
	[tilespmem:$0x1FB80] =	vst v13  }
0x2c2: {  	v50 =	vld [tilespmem:$0xE120];
	[tilespmem:$0x1FB90] =	vst v14  }
0x2c3: {  	[tilespmem:$0x1FBA0] =	vst v16;
	v13 =	vadd.s32 v14, v10;
	v14 =	vadd.s32 v16, v10;
	v16 =	vld [tilespmem:$0xE1E0]  }
0x2c4: {  	s30 =	simm.s32 $0x12;
	v1 =	vld.idx.msk [tilespmem:v1+s2+$0x0], $0xffff  }
0x2c5: {  	v26 =	vld [tilespmem:$0xE130];
	v9 =	vmov s30  }
0x2c6: {  	v9 =	vand.u32 $0xFFFFFFF2, v9;
	[tilespmem:$0x1FB50] =	vst v11;
	v11 =	vld [tilespmem:$0xE1B0]  }
0x2c7: {  	v29 =	vld [tilespmem:$0xE140];
	v9 =	vbroadcast v9, $0x0  }
0x2c8: {  	[tilespmem:$0x1FBB0] =	vst v16;
	v16 =	vld [tilespmem:$0xE1F0]  }
0x2c9: {  	v59 =	vld [tilespmem:$0xE150];
	[tilespmem:$0x1FB70] =	vst v12;
	v54 =	vadd.s32 v63, v1  }
0x2ca: {  	s31 =	simm.s32 $0x13;
	v18 =	vld [tilespmem:$0xE160];
	[tilespmem:$0x1FBC0] =	vst v15;
	v15 =	vadd.s32 v15, v10;
	v58 =	vadd.s32 v62, v10;
	v22 =	vadd.s32 v19, v10  }
0x2cb: {  	v32 =	vld [tilespmem:$0xE170];
	v13 =	vshll.u32 v13, $0x7;
	[tilespmem:$0x1FB60] =	vst v11;
	v11 =	vadd.s32 v12, v1;
	v12 =	vmov s31  }
0x2cc: {  	v23 =	vld [tilespmem:$0xE1C0];
	v15 =	vshll.u32 v15, $0x7;
	v13 =	vor.u32 v2, v13;
	v12 =	vand.u32 $0xFFFFFFF3, v12  }
0x2cd: {  	s16 =	simm.s32 $0xE840;
	v51 =	vld.idx.msk [tilespmem:v9+s2+$0x0], $0xffff;
	v9 =	vshll.u32 v14, $0x7;
	v12 =	vbroadcast v12, $0x0;
	[tilespmem:$0x1FBD0] =	vst v16;
	v16 =	vadd.s32 v17, v10  }
0x2ce: {  	v38 =	vld [tilespmem:s16+$0xFFFFFFC0];
	[tilespmem:$0x1FBE0] =	vst v17;
	v11 =	vshll.u32 v11, $0x7;
	v17 =	vadd.s32 v30, v1;
	v14 =	vshll.u32 v16, $0x7  }
0x2cf: {  	v42 =	vld [tilespmem:s16+$0xFFFFFFF0];
	[tilespmem:$0x1FC30] =	vst v9;
	v9 =	vshll.u32 v17, $0x7;
	v17 =	vadd.s32 v28, v1;
	v16 =	vor.u32 v8, v14  }
0x2d0: {  	v45 =	vld [tilespmem:s16+$0xFFFFFFD0];
	v14 =	vadd.s32 v25, v1;
	v17 =	vshll.u32 v17, $0x7;
	v57 =	vor.u32 v8, v9  }
0x2d1: {  	v47 =	vld [tilespmem:s16+$0x0];
	[tilespmem:$0x1FBF0] =	vst v30;
	v9 =	vadd.s32 v61, v10;
	v60 =	vshll.u32 v14, $0x7;
	v14 =	vor.u32 v7, v17  }
0x2d2: {  	v43 =	vld [tilespmem:s16+$0x30];
	[tilespmem:$0x1FC00] =	vst v62;
	v15 =	vor.u32 v3, v15;
	v20 =	vor.u32 v3, v11;
	v9 =	vshll.u32 v9, $0x7  }
0x2d3: {  	v52 =	vld.idx.msk [tilespmem:v12+s2+$0x0], $0xffff;
	v12 =	vadd.s32 v34, v1;
	v21 =	vor.u32 v6, v9;
	v9 =	vadd.s32 v35, v51  }
0x2d4: {  	v44 =	vld [tilespmem:s16+$0xFFFFFFE0];
	[tilespmem:$0x1FC10] =	vst v63;
	v30 =	vmovc v61;
	v61 =	vadd.s32 v36, v1;
	v62 =	vshll.u32 v9, $0x7;
	v9 =	vshll.u32 v12, $0x7  }
0x2d5: {  	v55 =	vld.idx.msk [tilespmem:v13+s10+$0x0], $0xffff;
	v12 =	vor.u32 v6, v9;
	v9 =	vadd.s32 v24, v1;
	v1 =	vadd.s32 v50, v51  }
0x2d6: {  	v40 =	vmovc v28;
	v41 =	vmovc v59;
	v22 =	vshll.u32 v22, $0x7;
	v59 =	vadd.s32 v59, v51;
	v1 =	vshll.u32 v1, $0x7;
	v48 =	vld.idx.msk [tilespmem:v14+s10+$0x0], $0xffff  }
0x2d7: {  	v27 =	vmovc v26;
	v39 =	vmovc v34;
	v14 =	vor.u32 v3, v1;
	v1 =	vshll.u32 v59, $0x7;
	v59 =	vadd.s32 v37, v10;
	v10 =	vld [tilespmem:$0x1FC30]  }
0x2d8: {  	v33 =	vmovc v32;
	v49 =	vld.idx.msk [tilespmem:v15+s10+$0x0], $0xffff;
	v15 =	vor.u32 v4, v22;
	v11 =	vadd.s32 v26, v51;
	v26 =	vmov v35  }
0x2d9: {  	v46 =	vld [tilespmem:s16+$0x10];
	v63 =	vadd.s32 v32, v51;
	v32 =	vmovc v29;
	v13 =	vadd.s32 v29, v51;
	v56 =	vadd.s32 v31, v51  }
0x2da: {  	v29 =	vmovc v50;
	v11 =	vshll.u32 v11, $0x7;
	v28 =	vmovc v19;
	v34 =	vmov v36;
	v17 =	vadd.s32 v18, v51;
	v51 =	vld.idx.msk [tilespmem:v20+s10+$0x0], $0xffff  }
0x2db: {  	[tilespmem:$0x1FC20] =	vst v25;
	v36 =	vmovc v24;
	v25 =	vmovc v37;
	v61 =	vshll.u32 v61, $0x7;
	v35 =	vmov v31;
	v31 =	vmov v18;
	v53 =	vld.idx.msk [tilespmem:v16+s10+$0x0], $0xffff  }
0x2dc: {  	s18 =	simm.s32 $0xE840;
	s17 =	simm.s32 $0x33;
	v17 =	vshll.u32 v17, $0x7;
	v37 =	vmovc v23;
	v50 =	vld.idx.msk [tilespmem:v21+s10+$0x0], $0xffff;
	v16 =	vor.u32 v5, v10;
	v10 =	vadd.s32 v23, v52  }
.LBB2_12:
0x2dd: {  	v18 =	vld [tilespmem:s16+$0x20]  }
0x2de: {  	v12 =	vld.idx.msk [tilespmem:v12+s10+$0x0], $0xffff  }
0x2df: {  	v19 =	vld [tilespmem:$0x1FBB0]  }
0x2e0: {  	v20 =	vld [tilespmem:$0x1FBD0]  }
0x2e1: {  	v15 =	vld.idx.msk [tilespmem:v15+s10+$0x0], $0xffff  }
0x2e2: {  	v21 =	vld [tilespmem:$0x1FB40]  }
0x2e3: {  	v14 =	vld.idx.msk [tilespmem:v14+s10+$0x0], $0xffff  }
0x2e4: {  	v17 =	vor.u32 v7, v17;
	v16 =	vld.idx.msk [tilespmem:v16+s10+$0x0], $0xffff  }
0x2e5: {  	v11 =	vor.u32 v4, v11;
	v22 =	vld [tilespmem:$0x1FB50]  }
0x2e6: {  	v62 =	vor.u32 v2, v62;
	v57 =	vld.idx.msk [tilespmem:v57+s10+$0x0], $0xffff  }
0x2e7: {  	v60 =	vor.u32 v5, v60;
	v23 =	vld [tilespmem:$0x1FB80]  }
0x2e8: {  	v58 =	vshll.u32 v58, $0x7;
	v13 =	vshll.u32 v13, $0x7;
	v9 =	vshll.u32 v9, $0x7;
	v24 =	vld [tilespmem:$0x1FB30]  }
0x2e9: {  	v61 =	vor.u32 v2, v61;
	v63 =	vshll.u32 v63, $0x7;
	v54 =	vshll.u32 v54, $0x7;
	v17 =	vld.idx.msk [tilespmem:v17+s10+$0x0], $0xffff  }
0x2ea: {  	v1 =	vor.u32 v6, v1;
	v10 =	vshll.u32 v10, $0x7;
	v59 =	vshll.u32 v59, $0x7;
	v11 =	vld.idx.msk [tilespmem:v11+s10+$0x0], $0xffff  }
0x2eb: {  	v56 =	vshll.u32 v56, $0x7;
	v13 =	vor.u32 v5, v13;
	v16 =	vadd.f32 v16, v47;
	v47 =	vld.idx.msk [tilespmem:v62+s10+$0x0], $0xffff  }
0x2ec: {  	v58 =	vor.u32 v7, v58;
	v63 =	vor.u32 v8, v63;
	v45 =	vadd.f32 v55, v45;
	v55 =	vld.idx.msk [tilespmem:v60+s10+$0x0], $0xffff  }
0x2ed: {  	v54 =	vor.u32 v0, v54;
	v9 =	vor.u32 v4, v9;
	v10 =	vor.u32 v5, v10;
	v60 =	vld [tilespmem:$0x1FB60]  }
0x2ee: {  	v56 =	vor.u32 v0, v56;
	v59 =	vor.u32 v0, v59;
	v43 =	vadd.f32 v53, v43;
	v53 =	vld.idx.msk [tilespmem:v61+s10+$0x0], $0xffff  }
0x2ef: {  	v44 =	vadd.f32 v49, v44;
	v19 =	vadd.s32 v19, v52;
	v20 =	vadd.s32 v20, v52;
	v1 =	vld.idx.msk [tilespmem:v1+s10+$0x0], $0xffff  }
0x2f0: {  	v21 =	vadd.s32 v21, v52;
	v22 =	vadd.s32 v22, v52;
	v23 =	vadd.s32 v23, v52;
	v13 =	vld.idx.msk [tilespmem:v13+s10+$0x0], $0xffff  }
0x2f1: {  	v24 =	vadd.s32 v24, v52;
	v15 =	vadd.f32 v15, v42;
	v19 =	vshll.u32 v19, $0x7;
	v58 =	vld.idx.msk [tilespmem:v58+s10+$0x0], $0xffff  }
0x2f2: {  	v20 =	vshll.u32 v20, $0x7;
	v22 =	vshll.u32 v22, $0x7;
	v9 =	vld.idx.msk [tilespmem:v9+s10+$0x0], $0xffff;
	v19 =	vor.u32 v7, v19  }
0x2f3: {  	v24 =	vshll.u32 v24, $0x7;
	v54 =	vld.idx.msk [tilespmem:v54+s10+$0x0], $0xffff;
	v23 =	vshll.u32 v23, $0x7;
	v20 =	vor.u32 v8, v20  }
0x2f4: {  	v21 =	vshll.u32 v21, $0x7;
	v10 =	vld.idx.msk [tilespmem:v10+s10+$0x0], $0xffff;
	v43 =	vadd.f32 v57, v43;
	v23 =	vor.u32 v6, v23  }
0x2f5: {  	v22 =	vor.u32 v3, v22;
	v52 =	vadd.s32 v60, v52;
	v60 =	vld.idx.msk [tilespmem:v63+s10+$0x0], $0xffff;
	v63 =	vadd.f32 v50, v46  }
0x2f6: {  	v16 =	vadd.f32 v55, v16;
	v55 =	vld.idx.msk [tilespmem:v59+s10+$0x0], $0xffff;
	v57 =	vadd.f32 v53, v45;
	v52 =	vshll.u32 v52, $0x7  }
0x2f7: {  	v18 =	vadd.f32 v58, v18;
	v9 =	vadd.f32 v9, v15;
	v52 =	vor.u32 v4, v52;
	v19 =	vld.idx.msk [tilespmem:v19+s10+$0x0], $0xffff  }
0x2f8: {  	v24 =	vor.u32 v0, v24;
	v20 =	vld.idx.msk [tilespmem:v20+s10+$0x0], $0xffff;
	v13 =	vadd.f32 v13, v16;
	v16 =	vadd.f32 v51, v44  }
0x2f9: {  	v21 =	vor.u32 v2, v21;
	v12 =	vadd.f32 v12, v63;
	v15 =	vld.idx.msk [tilespmem:v23+s10+$0x0], $0xffff;
	v18 =	vadd.f32 v48, v18  }
0x2fa: {  	v9 =	vadd.f32 v11, v9;
	v10 =	vadd.f32 v10, v13;
	v13 =	vld.idx.msk [tilespmem:v22+s10+$0x0], $0xffff  }
0x2fb: {  	s19 =	smov.u32 s17;
	v17 =	vadd.f32 v17, v18;
	v18 =	vld.idx.msk [tilespmem:v56+s10+$0x0], $0xffff;
	v43 =	vadd.f32 v60, v43  }
0x2fc: {  	s20 =	sadd.s32 $0xFFFFFFFD, s19;
	v1 =	vadd.f32 v1, v12;
	v58 =	vadd.f32 v55, v38;
	v52 =	vld.idx.msk [tilespmem:v52+s10+$0x0], $0xffff  }
0x2fd: {  	v24 =	vld.idx.msk [tilespmem:v24+s10+$0x0], $0xffff;
	v56 =	vmov s20;
	v17 =	vadd.f32 v19, v17;
	v19 =	vadd.f32 v20, v43  }
0x2fe: {  	s30 =	sadd.s32 $0xFFFFFFFE, s19;
	v14 =	vadd.f32 v14, v16;
	v16 =	vld.idx.msk [tilespmem:v21+s10+$0x0], $0xffff;
	v20 =	vand.u32 $0xFFFFFFF0, v56;
	[tilespmem:s16+$0x0] =	vst v10;
	v12 =	vadd.f32 v54, v58  }
0x2ff: {  	v1 =	vadd.f32 v15, v1;
	v11 =	vbroadcast v20, $0x0;
	[tilespmem:s16+$0x30] =	vst v19;
	v19 =	vmov s30  }
0x300: {  	[tilespmem:s16+$0x20] =	vst v17;
	v13 =	vadd.f32 v13, v14;
	v10 =	vand.u32 $0xFFFFFFF1, v19;
	v12 =	vadd.f32 v18, v12  }
0x301: {  	v17 =	vadd.f32 v47, v57;
	[tilespmem:s16+$0x10] =	vst v1;
	v10 =	vbroadcast v10, $0x0;
	v9 =	vadd.f32 v52, v9  }
0x302: {  	v15 =	vld [tilespmem:$0x1FBE0];
	[tilespmem:s16+$0xFFFFFFE0] =	vst v13;
	v12 =	vadd.f32 v24, v12  }
0x303: {  	v14 =	vld [tilespmem:$0x1FBC0];
	[tilespmem:s16+$0xFFFFFFF0] =	vst v9;
	v9 =	vadd.f32 v16, v17  }
0x304: {  	v13 =	vld [tilespmem:$0x1FBA0];
	[tilespmem:s16+$0xFFFFFFC0] =	vst v12  }
0x305: {  	v12 =	vld [tilespmem:$0x1FB90];
	[tilespmem:s16+$0xFFFFFFD0] =	vst v9  }
0x306: {  	s31 =	sadd.s32 $0xFFFFFFFF, s19;
	v16 =	vld.idx.msk [tilespmem:v11+s2+$0x0], $0xffff  }
0x307: {  	v9 =	vmov s31;
	v1 =	vld.idx.msk [tilespmem:v10+s2+$0x0], $0xffff  }
0x308: {  	v9 =	vand.u32 $0xFFFFFFF2, v9;
	v10 =	vld [tilespmem:$0x1FB70]  }
0x309: {  	v17 =	vld [tilespmem:$0x1FBF0];
	v9 =	vbroadcast v9, $0x0  }
0x30a: {  	v11 =	vmov s19  }
0x30b: {  	v11 =	vand.u32 $0xFFFFFFF3, v11;
	v13 =	vadd.s32 v13, v16  }
0x30c: {  	s18 =	sadd.s32 $0x80, s18;
	v11 =	vbroadcast v11, $0x0;
	v19 =	vshll.u32 v13, $0x7;
	v13 =	vld [tilespmem:$0x1FC00]  }
0x30d: {  	v43 =	vld [tilespmem:s18+$0x30];
	v10 =	vadd.s32 v10, v1;
	v12 =	vadd.s32 v12, v16;
	v14 =	vadd.s32 v14, v16  }
0x30e: {  	v46 =	vld [tilespmem:s18+$0x10];
	v15 =	vadd.s32 v15, v16;
	v17 =	vadd.s32 v17, v1;
	v61 =	vadd.s32 v34, v1  }
0x30f: {  	v12 =	vshll.u32 v12, $0x7;
	v10 =	vshll.u32 v10, $0x7;
	v18 =	vld.idx.msk [tilespmem:v9+s2+$0x0], $0xffff;
	v9 =	vshll.u32 v17, $0x7  }
0x310: {  	v38 =	vld [tilespmem:s18+$0xFFFFFFC0];
	v14 =	vshll.u32 v14, $0x7;
	v61 =	vshll.u32 v61, $0x7;
	v57 =	vor.u32 v8, v9  }
0x311: {  	v9 =	vadd.s32 v30, v16;
	v58 =	vadd.s32 v13, v16;
	v13 =	vshll.u32 v15, $0x7;
	v15 =	vld [tilespmem:$0x1FC10]  }
0x312: {  	v42 =	vld [tilespmem:s18+$0xFFFFFFF0];
	v12 =	vor.u32 v2, v12;
	v20 =	vor.u32 v3, v10;
	v9 =	vshll.u32 v9, $0x7  }
0x313: {  	v14 =	vor.u32 v3, v14;
	v52 =	vld.idx.msk [tilespmem:v11+s2+$0x0], $0xffff;
	v11 =	vadd.s32 v39, v1;
	v59 =	vor.u32 v6, v9  }
0x314: {  	v17 =	vor.u32 v8, v13;
	v13 =	vld [tilespmem:$0x1FC20];
	v10 =	vadd.s32 v27, v18;
	v9 =	vadd.s32 v26, v18  }
0x315: {  	v45 =	vld [tilespmem:s18+$0xFFFFFFD0];
	v63 =	vadd.s32 v33, v18;
	v21 =	vadd.s32 v41, v18;
	v56 =	vadd.s32 v35, v18  }
0x316: {  	v47 =	vld [tilespmem:s18+$0x0];
	v62 =	vshll.u32 v9, $0x7;
	v54 =	vadd.s32 v15, v1;
	v15 =	vadd.s32 v40, v1  }
0x317: {  	v44 =	vld [tilespmem:s18+$0xFFFFFFE0];
	v9 =	vshll.u32 v11, $0x7;
	v11 =	vshll.u32 v10, $0x7;
	v15 =	vshll.u32 v15, $0x7  }
0x318: {  	p0 =	sne.s32 s17, $0x3FF3;
	v55 =	vld.idx.msk [tilespmem:v12+s10+$0x0], $0xffff;
	v12 =	vor.u32 v6, v9;
	v9 =	vadd.s32 v36, v1;
	v15 =	vor.u32 v7, v15  }
.Ltmp5:
0x319: {  	v50 =	vld.idx.msk [tilespmem:v59+s10+$0x0], $0xffff;
	v59 =	vadd.s32 v25, v16;
	v13 =	vadd.s32 v13, v1;
	v1 =	vadd.s32 v29, v18;
	(pc) =	sbr.rel @p0 .LBB2_12-.Ltmp5, $4  }
0x31a: {  	v53 =	vld.idx.msk [tilespmem:v17+s10+$0x0], $0xffff;
	v17 =	vadd.s32 v31, v18;
	v60 =	vshll.u32 v13, $0x7;
	v13 =	vadd.s32 v28, v16  }
0x31b: {  	v49 =	vld.idx.msk [tilespmem:v14+s10+$0x0], $0xffff;
	v1 =	vshll.u32 v1, $0x7;
	v16 =	vor.u32 v5, v19;
	v17 =	vshll.u32 v17, $0x7  }
0x31c: {  	v51 =	vld.idx.msk [tilespmem:v20+s10+$0x0], $0xffff;
	v10 =	vshll.u32 v13, $0x7;
	v13 =	vadd.s32 v32, v18;
	v14 =	vor.u32 v3, v1  }
0x31d: {  	s17 =	sadd.s32 $0x20, s17;
	s16 =	smov.u32 s18;
	v1 =	vshll.u32 v21, $0x7;
	v48 =	vld.idx.msk [tilespmem:v15+s10+$0x0], $0xffff;
	v15 =	vor.u32 v4, v10;
	v10 =	vadd.s32 v37, v52  }
0x31e: {  	_ =	sdelay $0x2  }
0x31f: {  	v18 =	vld [tilespmem:s16+$0x20]  }
0x320: {  	v12 =	vld.idx.msk [tilespmem:v12+s10+$0x0], $0xffff  }
0x321: {  	v15 =	vld.idx.msk [tilespmem:v15+s10+$0x0], $0xffff  }
0x322: {  	v14 =	vld.idx.msk [tilespmem:v14+s10+$0x0], $0xffff  }
0x323: {  	v16 =	vld.idx.msk [tilespmem:v16+s10+$0x0], $0xffff  }
0x324: {  	v21 =	vld.idx.msk [tilespmem:v57+s10+$0x0], $0xffff  }
0x325: {  	v22 =	vld [tilespmem:$0x1FBB0]  }
0x326: {  	v25 =	vld [tilespmem:$0x1FBD0]  }
0x327: {  	v17 =	vor.u32 v7, v17;
	v27 =	vld [tilespmem:$0x1FB40]  }
0x328: {  	v11 =	vor.u32 v4, v11;
	v28 =	vld [tilespmem:$0x1FB30]  }
0x329: {  	v20 =	vor.u32 v2, v62;
	v29 =	vld [tilespmem:$0x1FB60]  }
0x32a: {  	v13 =	vshll.u32 v13, $0x7;
	v19 =	vshll.u32 v58, $0x7;
	v23 =	vor.u32 v5, v60;
	v30 =	vld [tilespmem:$0x1FB50]  }
0x32b: {  	v24 =	vshll.u32 v63, $0x7;
	v26 =	vshll.u32 v54, $0x7;
	v31 =	vor.u32 v2, v61;
	v32 =	vld [tilespmem:$0x1FB80]  }
0x32c: {  	v9 =	vshll.u32 v9, $0x7;
	v10 =	vshll.u32 v10, $0x7;
	v1 =	vor.u32 v6, v1;
	v17 =	vld.idx.msk [tilespmem:v17+s10+$0x0], $0xffff  }
0x32d: {  	v33 =	vadd.f32 v55, v45;
	v34 =	vshll.u32 v59, $0x7;
	v13 =	vor.u32 v5, v13;
	v11 =	vld.idx.msk [tilespmem:v11+s10+$0x0], $0xffff  }
0x32e: {  	v35 =	vshll.u32 v56, $0x7;
	v19 =	vor.u32 v7, v19;
	v24 =	vor.u32 v8, v24;
	v20 =	vld.idx.msk [tilespmem:v20+s10+$0x0], $0xffff  }
0x32f: {  	v26 =	vor.u32 v0, v26;
	v10 =	vor.u32 v5, v10;
	v9 =	vor.u32 v4, v9;
	v23 =	vld.idx.msk [tilespmem:v23+s10+$0x0], $0xffff  }
0x330: {  	v34 =	vor.u32 v0, v34;
	v35 =	vor.u32 v0, v35;
	v36 =	vadd.f32 v53, v43;
	v31 =	vld.idx.msk [tilespmem:v31+s10+$0x0], $0xffff  }
0x331: {  	v57 =	vadd.f32 v49, v44;
	v22 =	vadd.s32 v22, v52;
	v25 =	vadd.s32 v25, v52;
	v1 =	vld.idx.msk [tilespmem:v1+s10+$0x0], $0xffff  }
0x332: {  	v27 =	vadd.s32 v27, v52;
	v28 =	vadd.s32 v28, v52;
	v29 =	vadd.s32 v29, v52;
	v13 =	vld.idx.msk [tilespmem:v13+s10+$0x0], $0xffff  }
0x333: {  	v30 =	vadd.s32 v30, v52;
	v32 =	vadd.s32 v32, v52;
	v16 =	vadd.f32 v16, v47;
	v19 =	vld.idx.msk [tilespmem:v19+s10+$0x0], $0xffff  }
0x334: {  	v15 =	vadd.f32 v15, v42;
	v21 =	vadd.f32 v21, v36;
	v25 =	vshll.u32 v25, $0x7;
	v9 =	vld.idx.msk [tilespmem:v9+s10+$0x0], $0xffff  }
0x335: {  	v22 =	vshll.u32 v22, $0x7;
	v28 =	vshll.u32 v28, $0x7;
	v34 =	vld.idx.msk [tilespmem:v34+s10+$0x0], $0xffff;
	v25 =	vor.u32 v8, v25  }
0x336: {  	v24 =	vld.idx.msk [tilespmem:v24+s10+$0x0], $0xffff;
	v29 =	vshll.u32 v29, $0x7;
	v30 =	vshll.u32 v30, $0x7;
	v22 =	vor.u32 v7, v22  }
0x337: {  	v26 =	vld.idx.msk [tilespmem:v26+s10+$0x0], $0xffff;
	v32 =	vshll.u32 v32, $0x7;
	v29 =	vor.u32 v4, v29;
	v30 =	vor.u32 v3, v30  }
0x338: {  	v10 =	vld.idx.msk [tilespmem:v10+s10+$0x0], $0xffff;
	v32 =	vor.u32 v6, v32;
	v16 =	vadd.f32 v23, v16;
	v59 =	vadd.f32 v31, v33  }
0x339: {  	v58 =	vld.idx.msk [tilespmem:v35+s10+$0x0], $0xffff;
	v18 =	vadd.f32 v19, v18;
	v19 =	vshll.u32 v27, $0x7;
	v27 =	vadd.f32 v50, v46  }
0x33a: {  	v28 =	vor.u32 v0, v28;
	v9 =	vadd.f32 v9, v15;
	v60 =	vadd.f32 v34, v38;
	v25 =	vld.idx.msk [tilespmem:v25+s10+$0x0], $0xffff  }
0x33b: {  	v22 =	vld.idx.msk [tilespmem:v22+s10+$0x0], $0xffff;
	v19 =	vor.u32 v2, v19;
	v13 =	vadd.f32 v13, v16;
	v18 =	vadd.f32 v48, v18  }
0x33c: {  	v29 =	vld.idx.msk [tilespmem:v29+s10+$0x0], $0xffff;
	v16 =	vadd.f32 v51, v57;
	v12 =	vadd.f32 v12, v27  }
0x33d: {  	v15 =	vld.idx.msk [tilespmem:v32+s10+$0x0], $0xffff;
	v17 =	vadd.f32 v17, v18;
	v18 =	vadd.f32 v24, v21  }
0x33e: {  	v9 =	vadd.f32 v11, v9;
	v10 =	vadd.f32 v10, v13;
	v13 =	vld.idx.msk [tilespmem:v30+s10+$0x0], $0xffff  }
0x33f: {  	v28 =	vld.idx.msk [tilespmem:v28+s10+$0x0], $0xffff;
	v1 =	vadd.f32 v1, v12;
	v18 =	vadd.f32 v25, v18  }
0x340: {  	v17 =	vadd.f32 v22, v17;
	v19 =	vld.idx.msk [tilespmem:v19+s10+$0x0], $0xffff;
	[tilespmem:s16+$0x0] =	vst v10;
	v10 =	vadd.f32 v26, v60  }
0x341: {  	v11 =	vadd.f32 v14, v16;
	v9 =	vadd.f32 v29, v9;
	[tilespmem:s16+$0x30] =	vst v18  }
0x342: {  	v1 =	vadd.f32 v15, v1;
	[tilespmem:s16+$0x20] =	vst v17;
	v10 =	vadd.f32 v58, v10  }
0x343: {  	v12 =	vadd.f32 v20, v59;
	v11 =	vadd.f32 v13, v11;
	[tilespmem:s16+$0xFFFFFFF0] =	vst v9  }
0x344: {  	[tilespmem:s16+$0x10] =	vst v1;
	v10 =	vadd.f32 v28, v10  }
0x345: {  	[tilespmem:s16+$0xFFFFFFE0] =	vst v11;
	v9 =	vadd.f32 v19, v12  }
0x346: {  	[tilespmem:s16+$0xFFFFFFC0] =	vst v10  }
0x347: {  	[tilespmem:s16+$0xFFFFFFD0] =	vst v9  }
0x348: {  	v37 =	vld [tilespmem:$0xE200]  }
0x349: {  	v14 =	vld [tilespmem:$0xE210]  }
0x34a: {  	v15 =	vld [tilespmem:$0xE220]  }
0x34b: {  	v19 =	vld [tilespmem:$0xE230]  }
0x34c: {  	v16 =	vld [tilespmem:$0xE240]  }
0x34d: {  	v61 =	vld [tilespmem:$0xE250]  }
0x34e: {  	v62 =	vld [tilespmem:$0xE260]  }
0x34f: {  	v17 =	vld [tilespmem:$0xE270]  }
0x350: {  	v63 =	vld [tilespmem:$0xE280]  }
0x351: {  	v36 =	vld [tilespmem:$0xE290]  }
0x352: {  	s17 =	simm.s32 $0x14;
	v12 =	vld [tilespmem:$0xE2A0]  }
0x353: {  	v9 =	vmov s17;
	v24 =	vld [tilespmem:$0xE2B0]  }
0x354: {  	v25 =	vld [tilespmem:$0xE2C0];
	v9 =	vand.u32 $0xFFFFFFF4, v9  }
0x355: {  	v34 =	vld [tilespmem:$0xE2D0];
	v9 =	vbroadcast v9, $0x0  }
0x356: {  	v10 =	vld [tilespmem:$0xE380]  }
0x357: {  	v28 =	vld [tilespmem:$0xE2E0]  }
0x358: {  	s29 =	simm.s32 $0x15;
	v11 =	vld [tilespmem:$0xE390]  }
0x359: {  	v1 =	vmov s29;
	v13 =	vld [tilespmem:$0xE3D0]  }
0x35a: {  	v1 =	vand.u32 $0xFFFFFFF5, v1;
	v30 =	vld [tilespmem:$0xE2F0]  }
0x35b: {  	v1 =	vbroadcast v1, $0x0;
	[tilespmem:$0x1FA20] =	vst v10;
	v10 =	vld.idx.msk [tilespmem:v9+s2+$0x0], $0xffff  }
0x35c: {  	v31 =	vld [tilespmem:$0xE300]  }
0x35d: {  	v35 =	vld [tilespmem:$0xE310];
	[tilespmem:$0x1FA30] =	vst v11  }
0x35e: {  	v11 =	vld [tilespmem:$0xE3A0];
	[tilespmem:$0x1FA70] =	vst v13  }
0x35f: {  	v50 =	vld [tilespmem:$0xE320];
	[tilespmem:$0x1FA80] =	vst v14  }
0x360: {  	[tilespmem:$0x1FA90] =	vst v16;
	v13 =	vadd.s32 v14, v10;
	v14 =	vadd.s32 v16, v10;
	v16 =	vld [tilespmem:$0xE3E0]  }
0x361: {  	s30 =	simm.s32 $0x16;
	v1 =	vld.idx.msk [tilespmem:v1+s2+$0x0], $0xffff  }
0x362: {  	v26 =	vld [tilespmem:$0xE330];
	v9 =	vmov s30  }
0x363: {  	v9 =	vand.u32 $0xFFFFFFF6, v9;
	[tilespmem:$0x1FA40] =	vst v11;
	v11 =	vld [tilespmem:$0xE3B0]  }
0x364: {  	v29 =	vld [tilespmem:$0xE340];
	v9 =	vbroadcast v9, $0x0  }
0x365: {  	[tilespmem:$0x1FAA0] =	vst v16;
	v16 =	vld [tilespmem:$0xE3F0]  }
0x366: {  	v59 =	vld [tilespmem:$0xE350];
	[tilespmem:$0x1FA60] =	vst v12;
	v54 =	vadd.s32 v63, v1  }
0x367: {  	s31 =	simm.s32 $0x17;
	v18 =	vld [tilespmem:$0xE360];
	[tilespmem:$0x1FAB0] =	vst v15;
	v15 =	vadd.s32 v15, v10;
	v58 =	vadd.s32 v62, v10;
	v22 =	vadd.s32 v19, v10  }
0x368: {  	v32 =	vld [tilespmem:$0xE370];
	v13 =	vshll.u32 v13, $0x7;
	[tilespmem:$0x1FA50] =	vst v11;
	v11 =	vadd.s32 v12, v1;
	v12 =	vmov s31  }
0x369: {  	v23 =	vld [tilespmem:$0xE3C0];
	v15 =	vshll.u32 v15, $0x7;
	v13 =	vor.u32 v2, v13;
	v12 =	vand.u32 $0xFFFFFFF7, v12  }
0x36a: {  	s16 =	simm.s32 $0xE840;
	v51 =	vld.idx.msk [tilespmem:v9+s2+$0x0], $0xffff;
	v9 =	vshll.u32 v14, $0x7;
	v12 =	vbroadcast v12, $0x0;
	[tilespmem:$0x1FAC0] =	vst v16;
	v16 =	vadd.s32 v17, v10  }
0x36b: {  	v38 =	vld [tilespmem:s16+$0xFFFFFFC0];
	[tilespmem:$0x1FAD0] =	vst v17;
	v11 =	vshll.u32 v11, $0x7;
	v17 =	vadd.s32 v30, v1;
	v14 =	vshll.u32 v16, $0x7  }
0x36c: {  	v42 =	vld [tilespmem:s16+$0xFFFFFFF0];
	[tilespmem:$0x1FB20] =	vst v9;
	v9 =	vshll.u32 v17, $0x7;
	v17 =	vadd.s32 v28, v1;
	v16 =	vor.u32 v8, v14  }
0x36d: {  	v45 =	vld [tilespmem:s16+$0xFFFFFFD0];
	v14 =	vadd.s32 v25, v1;
	v17 =	vshll.u32 v17, $0x7;
	v57 =	vor.u32 v8, v9  }
0x36e: {  	v47 =	vld [tilespmem:s16+$0x0];
	[tilespmem:$0x1FAE0] =	vst v30;
	v9 =	vadd.s32 v61, v10;
	v60 =	vshll.u32 v14, $0x7;
	v14 =	vor.u32 v7, v17  }
0x36f: {  	v43 =	vld [tilespmem:s16+$0x30];
	[tilespmem:$0x1FAF0] =	vst v62;
	v15 =	vor.u32 v3, v15;
	v20 =	vor.u32 v3, v11;
	v9 =	vshll.u32 v9, $0x7  }
0x370: {  	v52 =	vld.idx.msk [tilespmem:v12+s2+$0x0], $0xffff;
	v12 =	vadd.s32 v34, v1;
	v21 =	vor.u32 v6, v9;
	v9 =	vadd.s32 v35, v51  }
0x371: {  	v44 =	vld [tilespmem:s16+$0xFFFFFFE0];
	[tilespmem:$0x1FB00] =	vst v63;
	v30 =	vmovc v61;
	v61 =	vadd.s32 v36, v1;
	v62 =	vshll.u32 v9, $0x7;
	v9 =	vshll.u32 v12, $0x7  }
0x372: {  	v55 =	vld.idx.msk [tilespmem:v13+s10+$0x0], $0xffff;
	v12 =	vor.u32 v6, v9;
	v9 =	vadd.s32 v24, v1;
	v1 =	vadd.s32 v50, v51  }
0x373: {  	v40 =	vmovc v28;
	v41 =	vmovc v59;
	v22 =	vshll.u32 v22, $0x7;
	v59 =	vadd.s32 v59, v51;
	v1 =	vshll.u32 v1, $0x7;
	v48 =	vld.idx.msk [tilespmem:v14+s10+$0x0], $0xffff  }
0x374: {  	v27 =	vmovc v26;
	v39 =	vmovc v34;
	v14 =	vor.u32 v3, v1;
	v1 =	vshll.u32 v59, $0x7;
	v59 =	vadd.s32 v37, v10;
	v10 =	vld [tilespmem:$0x1FB20]  }
0x375: {  	v33 =	vmovc v32;
	v49 =	vld.idx.msk [tilespmem:v15+s10+$0x0], $0xffff;
	v15 =	vor.u32 v4, v22;
	v11 =	vadd.s32 v26, v51;
	v26 =	vmov v35  }
0x376: {  	v46 =	vld [tilespmem:s16+$0x10];
	v63 =	vadd.s32 v32, v51;
	v32 =	vmovc v29;
	v13 =	vadd.s32 v29, v51;
	v56 =	vadd.s32 v31, v51  }
0x377: {  	v29 =	vmovc v50;
	v11 =	vshll.u32 v11, $0x7;
	v28 =	vmovc v19;
	v34 =	vmov v36;
	v17 =	vadd.s32 v18, v51;
	v51 =	vld.idx.msk [tilespmem:v20+s10+$0x0], $0xffff  }
0x378: {  	[tilespmem:$0x1FB10] =	vst v25;
	v36 =	vmovc v24;
	v25 =	vmovc v37;
	v61 =	vshll.u32 v61, $0x7;
	v35 =	vmov v31;
	v31 =	vmov v18;
	v53 =	vld.idx.msk [tilespmem:v16+s10+$0x0], $0xffff  }
0x379: {  	s18 =	simm.s32 $0xE840;
	s17 =	simm.s32 $0x37;
	v17 =	vshll.u32 v17, $0x7;
	v37 =	vmovc v23;
	v50 =	vld.idx.msk [tilespmem:v21+s10+$0x0], $0xffff;
	v16 =	vor.u32 v5, v10;
	v10 =	vadd.s32 v23, v52  }
.LBB2_14:
0x37a: {  	v18 =	vld [tilespmem:s16+$0x20]  }
0x37b: {  	v12 =	vld.idx.msk [tilespmem:v12+s10+$0x0], $0xffff  }
0x37c: {  	v19 =	vld [tilespmem:$0x1FAA0]  }
0x37d: {  	v20 =	vld [tilespmem:$0x1FAC0]  }
0x37e: {  	v15 =	vld.idx.msk [tilespmem:v15+s10+$0x0], $0xffff  }
0x37f: {  	v21 =	vld [tilespmem:$0x1FA30]  }
0x380: {  	v14 =	vld.idx.msk [tilespmem:v14+s10+$0x0], $0xffff  }
0x381: {  	v17 =	vor.u32 v7, v17;
	v16 =	vld.idx.msk [tilespmem:v16+s10+$0x0], $0xffff  }
0x382: {  	v11 =	vor.u32 v4, v11;
	v22 =	vld [tilespmem:$0x1FA40]  }
0x383: {  	v62 =	vor.u32 v2, v62;
	v57 =	vld.idx.msk [tilespmem:v57+s10+$0x0], $0xffff  }
0x384: {  	v60 =	vor.u32 v5, v60;
	v23 =	vld [tilespmem:$0x1FA70]  }
0x385: {  	v58 =	vshll.u32 v58, $0x7;
	v13 =	vshll.u32 v13, $0x7;
	v9 =	vshll.u32 v9, $0x7;
	v24 =	vld [tilespmem:$0x1FA20]  }
0x386: {  	v61 =	vor.u32 v2, v61;
	v63 =	vshll.u32 v63, $0x7;
	v54 =	vshll.u32 v54, $0x7;
	v17 =	vld.idx.msk [tilespmem:v17+s10+$0x0], $0xffff  }
0x387: {  	v1 =	vor.u32 v6, v1;
	v10 =	vshll.u32 v10, $0x7;
	v59 =	vshll.u32 v59, $0x7;
	v11 =	vld.idx.msk [tilespmem:v11+s10+$0x0], $0xffff  }
0x388: {  	v56 =	vshll.u32 v56, $0x7;
	v13 =	vor.u32 v5, v13;
	v16 =	vadd.f32 v16, v47;
	v47 =	vld.idx.msk [tilespmem:v62+s10+$0x0], $0xffff  }
0x389: {  	v58 =	vor.u32 v7, v58;
	v63 =	vor.u32 v8, v63;
	v45 =	vadd.f32 v55, v45;
	v55 =	vld.idx.msk [tilespmem:v60+s10+$0x0], $0xffff  }
0x38a: {  	v54 =	vor.u32 v0, v54;
	v9 =	vor.u32 v4, v9;
	v10 =	vor.u32 v5, v10;
	v60 =	vld [tilespmem:$0x1FA50]  }
0x38b: {  	v56 =	vor.u32 v0, v56;
	v59 =	vor.u32 v0, v59;
	v43 =	vadd.f32 v53, v43;
	v53 =	vld.idx.msk [tilespmem:v61+s10+$0x0], $0xffff  }
0x38c: {  	v44 =	vadd.f32 v49, v44;
	v19 =	vadd.s32 v19, v52;
	v20 =	vadd.s32 v20, v52;
	v1 =	vld.idx.msk [tilespmem:v1+s10+$0x0], $0xffff  }
0x38d: {  	v21 =	vadd.s32 v21, v52;
	v22 =	vadd.s32 v22, v52;
	v23 =	vadd.s32 v23, v52;
	v13 =	vld.idx.msk [tilespmem:v13+s10+$0x0], $0xffff  }
0x38e: {  	v24 =	vadd.s32 v24, v52;
	v15 =	vadd.f32 v15, v42;
	v19 =	vshll.u32 v19, $0x7;
	v58 =	vld.idx.msk [tilespmem:v58+s10+$0x0], $0xffff  }
0x38f: {  	v20 =	vshll.u32 v20, $0x7;
	v22 =	vshll.u32 v22, $0x7;
	v9 =	vld.idx.msk [tilespmem:v9+s10+$0x0], $0xffff;
	v19 =	vor.u32 v7, v19  }
0x390: {  	v24 =	vshll.u32 v24, $0x7;
	v54 =	vld.idx.msk [tilespmem:v54+s10+$0x0], $0xffff;
	v23 =	vshll.u32 v23, $0x7;
	v20 =	vor.u32 v8, v20  }
0x391: {  	v21 =	vshll.u32 v21, $0x7;
	v10 =	vld.idx.msk [tilespmem:v10+s10+$0x0], $0xffff;
	v43 =	vadd.f32 v57, v43;
	v23 =	vor.u32 v6, v23  }
0x392: {  	v22 =	vor.u32 v3, v22;
	v52 =	vadd.s32 v60, v52;
	v60 =	vld.idx.msk [tilespmem:v63+s10+$0x0], $0xffff;
	v63 =	vadd.f32 v50, v46  }
0x393: {  	v16 =	vadd.f32 v55, v16;
	v55 =	vld.idx.msk [tilespmem:v59+s10+$0x0], $0xffff;
	v57 =	vadd.f32 v53, v45;
	v52 =	vshll.u32 v52, $0x7  }
0x394: {  	v18 =	vadd.f32 v58, v18;
	v9 =	vadd.f32 v9, v15;
	v52 =	vor.u32 v4, v52;
	v19 =	vld.idx.msk [tilespmem:v19+s10+$0x0], $0xffff  }
0x395: {  	v24 =	vor.u32 v0, v24;
	v20 =	vld.idx.msk [tilespmem:v20+s10+$0x0], $0xffff;
	v13 =	vadd.f32 v13, v16;
	v16 =	vadd.f32 v51, v44  }
0x396: {  	v21 =	vor.u32 v2, v21;
	v12 =	vadd.f32 v12, v63;
	v15 =	vld.idx.msk [tilespmem:v23+s10+$0x0], $0xffff;
	v18 =	vadd.f32 v48, v18  }
0x397: {  	v9 =	vadd.f32 v11, v9;
	v10 =	vadd.f32 v10, v13;
	v13 =	vld.idx.msk [tilespmem:v22+s10+$0x0], $0xffff  }
0x398: {  	s19 =	smov.u32 s17;
	v17 =	vadd.f32 v17, v18;
	v18 =	vld.idx.msk [tilespmem:v56+s10+$0x0], $0xffff;
	v43 =	vadd.f32 v60, v43  }
0x399: {  	s20 =	sadd.s32 $0xFFFFFFFD, s19;
	v1 =	vadd.f32 v1, v12;
	v58 =	vadd.f32 v55, v38;
	v52 =	vld.idx.msk [tilespmem:v52+s10+$0x0], $0xffff  }
0x39a: {  	v24 =	vld.idx.msk [tilespmem:v24+s10+$0x0], $0xffff;
	v56 =	vmov s20;
	v17 =	vadd.f32 v19, v17;
	v19 =	vadd.f32 v20, v43  }
0x39b: {  	s30 =	sadd.s32 $0xFFFFFFFE, s19;
	v14 =	vadd.f32 v14, v16;
	v16 =	vld.idx.msk [tilespmem:v21+s10+$0x0], $0xffff;
	v20 =	vand.u32 $0xFFFFFFF4, v56;
	[tilespmem:s16+$0x0] =	vst v10;
	v12 =	vadd.f32 v54, v58  }
0x39c: {  	v1 =	vadd.f32 v15, v1;
	v11 =	vbroadcast v20, $0x0;
	[tilespmem:s16+$0x30] =	vst v19;
	v19 =	vmov s30  }
0x39d: {  	[tilespmem:s16+$0x20] =	vst v17;
	v13 =	vadd.f32 v13, v14;
	v10 =	vand.u32 $0xFFFFFFF5, v19;
	v12 =	vadd.f32 v18, v12  }
0x39e: {  	v17 =	vadd.f32 v47, v57;
	[tilespmem:s16+$0x10] =	vst v1;
	v10 =	vbroadcast v10, $0x0;
	v9 =	vadd.f32 v52, v9  }
0x39f: {  	v15 =	vld [tilespmem:$0x1FAD0];
	[tilespmem:s16+$0xFFFFFFE0] =	vst v13;
	v12 =	vadd.f32 v24, v12  }
0x3a0: {  	v14 =	vld [tilespmem:$0x1FAB0];
	[tilespmem:s16+$0xFFFFFFF0] =	vst v9;
	v9 =	vadd.f32 v16, v17  }
0x3a1: {  	v13 =	vld [tilespmem:$0x1FA90];
	[tilespmem:s16+$0xFFFFFFC0] =	vst v12  }
0x3a2: {  	v12 =	vld [tilespmem:$0x1FA80];
	[tilespmem:s16+$0xFFFFFFD0] =	vst v9  }
0x3a3: {  	s31 =	sadd.s32 $0xFFFFFFFF, s19;
	v16 =	vld.idx.msk [tilespmem:v11+s2+$0x0], $0xffff  }
0x3a4: {  	v9 =	vmov s31;
	v1 =	vld.idx.msk [tilespmem:v10+s2+$0x0], $0xffff  }
0x3a5: {  	v9 =	vand.u32 $0xFFFFFFF6, v9;
	v10 =	vld [tilespmem:$0x1FA60]  }
0x3a6: {  	v17 =	vld [tilespmem:$0x1FAE0];
	v9 =	vbroadcast v9, $0x0  }
0x3a7: {  	v11 =	vmov s19  }
0x3a8: {  	v11 =	vand.u32 $0xFFFFFFF7, v11;
	v13 =	vadd.s32 v13, v16  }
0x3a9: {  	s18 =	sadd.s32 $0x80, s18;
	v11 =	vbroadcast v11, $0x0;
	v19 =	vshll.u32 v13, $0x7;
	v13 =	vld [tilespmem:$0x1FAF0]  }
0x3aa: {  	v43 =	vld [tilespmem:s18+$0x30];
	v10 =	vadd.s32 v10, v1;
	v12 =	vadd.s32 v12, v16;
	v14 =	vadd.s32 v14, v16  }
0x3ab: {  	v46 =	vld [tilespmem:s18+$0x10];
	v15 =	vadd.s32 v15, v16;
	v17 =	vadd.s32 v17, v1;
	v61 =	vadd.s32 v34, v1  }
0x3ac: {  	v12 =	vshll.u32 v12, $0x7;
	v10 =	vshll.u32 v10, $0x7;
	v18 =	vld.idx.msk [tilespmem:v9+s2+$0x0], $0xffff;
	v9 =	vshll.u32 v17, $0x7  }
0x3ad: {  	v38 =	vld [tilespmem:s18+$0xFFFFFFC0];
	v14 =	vshll.u32 v14, $0x7;
	v61 =	vshll.u32 v61, $0x7;
	v57 =	vor.u32 v8, v9  }
0x3ae: {  	v9 =	vadd.s32 v30, v16;
	v58 =	vadd.s32 v13, v16;
	v13 =	vshll.u32 v15, $0x7;
	v15 =	vld [tilespmem:$0x1FB00]  }
0x3af: {  	v42 =	vld [tilespmem:s18+$0xFFFFFFF0];
	v12 =	vor.u32 v2, v12;
	v20 =	vor.u32 v3, v10;
	v9 =	vshll.u32 v9, $0x7  }
0x3b0: {  	v14 =	vor.u32 v3, v14;
	v52 =	vld.idx.msk [tilespmem:v11+s2+$0x0], $0xffff;
	v11 =	vadd.s32 v39, v1;
	v59 =	vor.u32 v6, v9  }
0x3b1: {  	v17 =	vor.u32 v8, v13;
	v13 =	vld [tilespmem:$0x1FB10];
	v10 =	vadd.s32 v27, v18;
	v9 =	vadd.s32 v26, v18  }
0x3b2: {  	v45 =	vld [tilespmem:s18+$0xFFFFFFD0];
	v63 =	vadd.s32 v33, v18;
	v21 =	vadd.s32 v41, v18;
	v56 =	vadd.s32 v35, v18  }
0x3b3: {  	v47 =	vld [tilespmem:s18+$0x0];
	v62 =	vshll.u32 v9, $0x7;
	v54 =	vadd.s32 v15, v1;
	v15 =	vadd.s32 v40, v1  }
0x3b4: {  	v44 =	vld [tilespmem:s18+$0xFFFFFFE0];
	v9 =	vshll.u32 v11, $0x7;
	v11 =	vshll.u32 v10, $0x7;
	v15 =	vshll.u32 v15, $0x7  }
0x3b5: {  	p0 =	sne.s32 s17, $0x3FF7;
	v55 =	vld.idx.msk [tilespmem:v12+s10+$0x0], $0xffff;
	v12 =	vor.u32 v6, v9;
	v9 =	vadd.s32 v36, v1;
	v15 =	vor.u32 v7, v15  }
.Ltmp6:
0x3b6: {  	v50 =	vld.idx.msk [tilespmem:v59+s10+$0x0], $0xffff;
	v59 =	vadd.s32 v25, v16;
	v13 =	vadd.s32 v13, v1;
	v1 =	vadd.s32 v29, v18;
	(pc) =	sbr.rel @p0 .LBB2_14-.Ltmp6, $4  }
0x3b7: {  	v53 =	vld.idx.msk [tilespmem:v17+s10+$0x0], $0xffff;
	v17 =	vadd.s32 v31, v18;
	v60 =	vshll.u32 v13, $0x7;
	v13 =	vadd.s32 v28, v16  }
0x3b8: {  	v49 =	vld.idx.msk [tilespmem:v14+s10+$0x0], $0xffff;
	v1 =	vshll.u32 v1, $0x7;
	v16 =	vor.u32 v5, v19;
	v17 =	vshll.u32 v17, $0x7  }
0x3b9: {  	v51 =	vld.idx.msk [tilespmem:v20+s10+$0x0], $0xffff;
	v10 =	vshll.u32 v13, $0x7;
	v13 =	vadd.s32 v32, v18;
	v14 =	vor.u32 v3, v1  }
0x3ba: {  	s17 =	sadd.s32 $0x20, s17;
	s16 =	smov.u32 s18;
	v1 =	vshll.u32 v21, $0x7;
	v48 =	vld.idx.msk [tilespmem:v15+s10+$0x0], $0xffff;
	v15 =	vor.u32 v4, v10;
	v10 =	vadd.s32 v37, v52  }
0x3bb: {  	_ =	sdelay $0x2  }
0x3bc: {  	v18 =	vld [tilespmem:s16+$0x20]  }
0x3bd: {  	v12 =	vld.idx.msk [tilespmem:v12+s10+$0x0], $0xffff  }
0x3be: {  	v15 =	vld.idx.msk [tilespmem:v15+s10+$0x0], $0xffff  }
0x3bf: {  	v14 =	vld.idx.msk [tilespmem:v14+s10+$0x0], $0xffff  }
0x3c0: {  	v16 =	vld.idx.msk [tilespmem:v16+s10+$0x0], $0xffff  }
0x3c1: {  	v21 =	vld.idx.msk [tilespmem:v57+s10+$0x0], $0xffff  }
0x3c2: {  	v22 =	vld [tilespmem:$0x1FAA0]  }
0x3c3: {  	v25 =	vld [tilespmem:$0x1FAC0]  }
0x3c4: {  	v17 =	vor.u32 v7, v17;
	v27 =	vld [tilespmem:$0x1FA30]  }
0x3c5: {  	v11 =	vor.u32 v4, v11;
	v28 =	vld [tilespmem:$0x1FA20]  }
0x3c6: {  	v20 =	vor.u32 v2, v62;
	v29 =	vld [tilespmem:$0x1FA50]  }
0x3c7: {  	v13 =	vshll.u32 v13, $0x7;
	v19 =	vshll.u32 v58, $0x7;
	v23 =	vor.u32 v5, v60;
	v30 =	vld [tilespmem:$0x1FA40]  }
0x3c8: {  	v24 =	vshll.u32 v63, $0x7;
	v26 =	vshll.u32 v54, $0x7;
	v31 =	vor.u32 v2, v61;
	v32 =	vld [tilespmem:$0x1FA70]  }
0x3c9: {  	v9 =	vshll.u32 v9, $0x7;
	v10 =	vshll.u32 v10, $0x7;
	v1 =	vor.u32 v6, v1;
	v17 =	vld.idx.msk [tilespmem:v17+s10+$0x0], $0xffff  }
0x3ca: {  	v33 =	vadd.f32 v55, v45;
	v34 =	vshll.u32 v59, $0x7;
	v13 =	vor.u32 v5, v13;
	v11 =	vld.idx.msk [tilespmem:v11+s10+$0x0], $0xffff  }
0x3cb: {  	v35 =	vshll.u32 v56, $0x7;
	v19 =	vor.u32 v7, v19;
	v24 =	vor.u32 v8, v24;
	v20 =	vld.idx.msk [tilespmem:v20+s10+$0x0], $0xffff  }
0x3cc: {  	v26 =	vor.u32 v0, v26;
	v10 =	vor.u32 v5, v10;
	v9 =	vor.u32 v4, v9;
	v23 =	vld.idx.msk [tilespmem:v23+s10+$0x0], $0xffff  }
0x3cd: {  	v34 =	vor.u32 v0, v34;
	v35 =	vor.u32 v0, v35;
	v36 =	vadd.f32 v53, v43;
	v31 =	vld.idx.msk [tilespmem:v31+s10+$0x0], $0xffff  }
0x3ce: {  	v57 =	vadd.f32 v49, v44;
	v22 =	vadd.s32 v22, v52;
	v25 =	vadd.s32 v25, v52;
	v1 =	vld.idx.msk [tilespmem:v1+s10+$0x0], $0xffff  }
0x3cf: {  	v27 =	vadd.s32 v27, v52;
	v28 =	vadd.s32 v28, v52;
	v29 =	vadd.s32 v29, v52;
	v13 =	vld.idx.msk [tilespmem:v13+s10+$0x0], $0xffff  }
0x3d0: {  	v30 =	vadd.s32 v30, v52;
	v32 =	vadd.s32 v32, v52;
	v16 =	vadd.f32 v16, v47;
	v19 =	vld.idx.msk [tilespmem:v19+s10+$0x0], $0xffff  }
0x3d1: {  	v15 =	vadd.f32 v15, v42;
	v21 =	vadd.f32 v21, v36;
	v25 =	vshll.u32 v25, $0x7;
	v9 =	vld.idx.msk [tilespmem:v9+s10+$0x0], $0xffff  }
0x3d2: {  	v22 =	vshll.u32 v22, $0x7;
	v28 =	vshll.u32 v28, $0x7;
	v34 =	vld.idx.msk [tilespmem:v34+s10+$0x0], $0xffff;
	v25 =	vor.u32 v8, v25  }
0x3d3: {  	v24 =	vld.idx.msk [tilespmem:v24+s10+$0x0], $0xffff;
	v29 =	vshll.u32 v29, $0x7;
	v30 =	vshll.u32 v30, $0x7;
	v22 =	vor.u32 v7, v22  }
0x3d4: {  	v26 =	vld.idx.msk [tilespmem:v26+s10+$0x0], $0xffff;
	v32 =	vshll.u32 v32, $0x7;
	v29 =	vor.u32 v4, v29;
	v30 =	vor.u32 v3, v30  }
0x3d5: {  	v10 =	vld.idx.msk [tilespmem:v10+s10+$0x0], $0xffff;
	v32 =	vor.u32 v6, v32;
	v16 =	vadd.f32 v23, v16;
	v59 =	vadd.f32 v31, v33  }
0x3d6: {  	v58 =	vld.idx.msk [tilespmem:v35+s10+$0x0], $0xffff;
	v18 =	vadd.f32 v19, v18;
	v19 =	vshll.u32 v27, $0x7;
	v27 =	vadd.f32 v50, v46  }
0x3d7: {  	v28 =	vor.u32 v0, v28;
	v9 =	vadd.f32 v9, v15;
	v60 =	vadd.f32 v34, v38;
	v25 =	vld.idx.msk [tilespmem:v25+s10+$0x0], $0xffff  }
0x3d8: {  	v22 =	vld.idx.msk [tilespmem:v22+s10+$0x0], $0xffff;
	v19 =	vor.u32 v2, v19;
	v13 =	vadd.f32 v13, v16;
	v18 =	vadd.f32 v48, v18  }
0x3d9: {  	v29 =	vld.idx.msk [tilespmem:v29+s10+$0x0], $0xffff;
	v16 =	vadd.f32 v51, v57;
	v12 =	vadd.f32 v12, v27  }
0x3da: {  	v15 =	vld.idx.msk [tilespmem:v32+s10+$0x0], $0xffff;
	v17 =	vadd.f32 v17, v18;
	v18 =	vadd.f32 v24, v21  }
0x3db: {  	v9 =	vadd.f32 v11, v9;
	v10 =	vadd.f32 v10, v13;
	v13 =	vld.idx.msk [tilespmem:v30+s10+$0x0], $0xffff  }
0x3dc: {  	v28 =	vld.idx.msk [tilespmem:v28+s10+$0x0], $0xffff;
	v1 =	vadd.f32 v1, v12;
	v18 =	vadd.f32 v25, v18  }
0x3dd: {  	v17 =	vadd.f32 v22, v17;
	v19 =	vld.idx.msk [tilespmem:v19+s10+$0x0], $0xffff;
	[tilespmem:s16+$0x0] =	vst v10;
	v10 =	vadd.f32 v26, v60  }
0x3de: {  	v11 =	vadd.f32 v14, v16;
	v9 =	vadd.f32 v29, v9;
	[tilespmem:s16+$0x30] =	vst v18  }
0x3df: {  	v1 =	vadd.f32 v15, v1;
	[tilespmem:s16+$0x20] =	vst v17;
	v10 =	vadd.f32 v58, v10  }
0x3e0: {  	v12 =	vadd.f32 v20, v59;
	v11 =	vadd.f32 v13, v11;
	[tilespmem:s16+$0xFFFFFFF0] =	vst v9  }
0x3e1: {  	[tilespmem:s16+$0x10] =	vst v1;
	v10 =	vadd.f32 v28, v10  }
0x3e2: {  	[tilespmem:s16+$0xFFFFFFE0] =	vst v11;
	v9 =	vadd.f32 v19, v12  }
0x3e3: {  	[tilespmem:s16+$0xFFFFFFC0] =	vst v10  }
0x3e4: {  	[tilespmem:s16+$0xFFFFFFD0] =	vst v9  }
0x3e5: {  	v37 =	vld [tilespmem:$0xE400]  }
0x3e6: {  	v14 =	vld [tilespmem:$0xE410]  }
0x3e7: {  	v15 =	vld [tilespmem:$0xE420]  }
0x3e8: {  	v19 =	vld [tilespmem:$0xE430]  }
0x3e9: {  	v16 =	vld [tilespmem:$0xE440]  }
0x3ea: {  	v61 =	vld [tilespmem:$0xE450]  }
0x3eb: {  	v62 =	vld [tilespmem:$0xE460]  }
0x3ec: {  	v17 =	vld [tilespmem:$0xE470]  }
0x3ed: {  	v63 =	vld [tilespmem:$0xE480]  }
0x3ee: {  	v36 =	vld [tilespmem:$0xE490]  }
0x3ef: {  	s17 =	simm.s32 $0x18;
	v12 =	vld [tilespmem:$0xE4A0]  }
0x3f0: {  	v9 =	vmov s17;
	v24 =	vld [tilespmem:$0xE4B0]  }
0x3f1: {  	v25 =	vld [tilespmem:$0xE4C0];
	v9 =	vand.u32 $0xFFFFFFF8, v9  }
0x3f2: {  	v34 =	vld [tilespmem:$0xE4D0];
	v9 =	vbroadcast v9, $0x0  }
0x3f3: {  	v10 =	vld [tilespmem:$0xE580]  }
0x3f4: {  	v28 =	vld [tilespmem:$0xE4E0]  }
0x3f5: {  	s29 =	simm.s32 $0x19;
	v11 =	vld [tilespmem:$0xE590]  }
0x3f6: {  	v1 =	vmov s29;
	v13 =	vld [tilespmem:$0xE5D0]  }
0x3f7: {  	v1 =	vand.u32 $0xFFFFFFF9, v1;
	v30 =	vld [tilespmem:$0xE4F0]  }
0x3f8: {  	v1 =	vbroadcast v1, $0x0;
	[tilespmem:$0x1F910] =	vst v10;
	v10 =	vld.idx.msk [tilespmem:v9+s2+$0x0], $0xffff  }
0x3f9: {  	v31 =	vld [tilespmem:$0xE500]  }
0x3fa: {  	v35 =	vld [tilespmem:$0xE510];
	[tilespmem:$0x1F920] =	vst v11  }
0x3fb: {  	v11 =	vld [tilespmem:$0xE5A0];
	[tilespmem:$0x1F960] =	vst v13  }
0x3fc: {  	v50 =	vld [tilespmem:$0xE520];
	[tilespmem:$0x1F970] =	vst v14  }
0x3fd: {  	[tilespmem:$0x1F980] =	vst v16;
	v13 =	vadd.s32 v14, v10;
	v14 =	vadd.s32 v16, v10;
	v16 =	vld [tilespmem:$0xE5E0]  }
0x3fe: {  	s30 =	simm.s32 $0x1A;
	v1 =	vld.idx.msk [tilespmem:v1+s2+$0x0], $0xffff  }
0x3ff: {  	v26 =	vld [tilespmem:$0xE530];
	v9 =	vmov s30  }
0x400: {  	v9 =	vand.u32 $0xFFFFFFFA, v9;
	[tilespmem:$0x1F930] =	vst v11;
	v11 =	vld [tilespmem:$0xE5B0]  }
0x401: {  	v29 =	vld [tilespmem:$0xE540];
	v9 =	vbroadcast v9, $0x0  }
0x402: {  	[tilespmem:$0x1F990] =	vst v16;
	v16 =	vld [tilespmem:$0xE5F0]  }
0x403: {  	v59 =	vld [tilespmem:$0xE550];
	[tilespmem:$0x1F950] =	vst v12;
	v54 =	vadd.s32 v63, v1  }
0x404: {  	s31 =	simm.s32 $0x1B;
	v18 =	vld [tilespmem:$0xE560];
	[tilespmem:$0x1F9A0] =	vst v15;
	v15 =	vadd.s32 v15, v10;
	v58 =	vadd.s32 v62, v10;
	v22 =	vadd.s32 v19, v10  }
0x405: {  	v32 =	vld [tilespmem:$0xE570];
	v13 =	vshll.u32 v13, $0x7;
	[tilespmem:$0x1F940] =	vst v11;
	v11 =	vadd.s32 v12, v1;
	v12 =	vmov s31  }
0x406: {  	v23 =	vld [tilespmem:$0xE5C0];
	v15 =	vshll.u32 v15, $0x7;
	v13 =	vor.u32 v2, v13;
	v12 =	vand.u32 $0xFFFFFFFB, v12  }
0x407: {  	s16 =	simm.s32 $0xE840;
	v51 =	vld.idx.msk [tilespmem:v9+s2+$0x0], $0xffff;
	v9 =	vshll.u32 v14, $0x7;
	v12 =	vbroadcast v12, $0x0;
	[tilespmem:$0x1F9B0] =	vst v16;
	v16 =	vadd.s32 v17, v10  }
0x408: {  	v38 =	vld [tilespmem:s16+$0xFFFFFFC0];
	[tilespmem:$0x1F9C0] =	vst v17;
	v11 =	vshll.u32 v11, $0x7;
	v17 =	vadd.s32 v30, v1;
	v14 =	vshll.u32 v16, $0x7  }
0x409: {  	v42 =	vld [tilespmem:s16+$0xFFFFFFF0];
	[tilespmem:$0x1FA10] =	vst v9;
	v9 =	vshll.u32 v17, $0x7;
	v17 =	vadd.s32 v28, v1;
	v16 =	vor.u32 v8, v14  }
0x40a: {  	v45 =	vld [tilespmem:s16+$0xFFFFFFD0];
	v14 =	vadd.s32 v25, v1;
	v17 =	vshll.u32 v17, $0x7;
	v57 =	vor.u32 v8, v9  }
0x40b: {  	v47 =	vld [tilespmem:s16+$0x0];
	[tilespmem:$0x1F9D0] =	vst v30;
	v9 =	vadd.s32 v61, v10;
	v60 =	vshll.u32 v14, $0x7;
	v14 =	vor.u32 v7, v17  }
0x40c: {  	v43 =	vld [tilespmem:s16+$0x30];
	[tilespmem:$0x1F9E0] =	vst v62;
	v15 =	vor.u32 v3, v15;
	v20 =	vor.u32 v3, v11;
	v9 =	vshll.u32 v9, $0x7  }
0x40d: {  	v52 =	vld.idx.msk [tilespmem:v12+s2+$0x0], $0xffff;
	v12 =	vadd.s32 v34, v1;
	v21 =	vor.u32 v6, v9;
	v9 =	vadd.s32 v35, v51  }
0x40e: {  	v44 =	vld [tilespmem:s16+$0xFFFFFFE0];
	[tilespmem:$0x1F9F0] =	vst v63;
	v30 =	vmovc v61;
	v61 =	vadd.s32 v36, v1;
	v62 =	vshll.u32 v9, $0x7;
	v9 =	vshll.u32 v12, $0x7  }
0x40f: {  	v55 =	vld.idx.msk [tilespmem:v13+s10+$0x0], $0xffff;
	v12 =	vor.u32 v6, v9;
	v9 =	vadd.s32 v24, v1;
	v1 =	vadd.s32 v50, v51  }
0x410: {  	v40 =	vmovc v28;
	v41 =	vmovc v59;
	v22 =	vshll.u32 v22, $0x7;
	v59 =	vadd.s32 v59, v51;
	v1 =	vshll.u32 v1, $0x7;
	v48 =	vld.idx.msk [tilespmem:v14+s10+$0x0], $0xffff  }
0x411: {  	v27 =	vmovc v26;
	v39 =	vmovc v34;
	v14 =	vor.u32 v3, v1;
	v1 =	vshll.u32 v59, $0x7;
	v59 =	vadd.s32 v37, v10;
	v10 =	vld [tilespmem:$0x1FA10]  }
0x412: {  	v33 =	vmovc v32;
	v49 =	vld.idx.msk [tilespmem:v15+s10+$0x0], $0xffff;
	v15 =	vor.u32 v4, v22;
	v11 =	vadd.s32 v26, v51;
	v26 =	vmov v35  }
0x413: {  	v46 =	vld [tilespmem:s16+$0x10];
	v63 =	vadd.s32 v32, v51;
	v32 =	vmovc v29;
	v13 =	vadd.s32 v29, v51;
	v56 =	vadd.s32 v31, v51  }
0x414: {  	v29 =	vmovc v50;
	v11 =	vshll.u32 v11, $0x7;
	v28 =	vmovc v19;
	v34 =	vmov v36;
	v17 =	vadd.s32 v18, v51;
	v51 =	vld.idx.msk [tilespmem:v20+s10+$0x0], $0xffff  }
0x415: {  	[tilespmem:$0x1FA00] =	vst v25;
	v36 =	vmovc v24;
	v25 =	vmovc v37;
	v61 =	vshll.u32 v61, $0x7;
	v35 =	vmov v31;
	v31 =	vmov v18;
	v53 =	vld.idx.msk [tilespmem:v16+s10+$0x0], $0xffff  }
0x416: {  	s18 =	simm.s32 $0xE840;
	s17 =	simm.s32 $0x3B;
	v17 =	vshll.u32 v17, $0x7;
	v37 =	vmovc v23;
	v50 =	vld.idx.msk [tilespmem:v21+s10+$0x0], $0xffff;
	v16 =	vor.u32 v5, v10;
	v10 =	vadd.s32 v23, v52  }
.LBB2_16:
0x417: {  	v18 =	vld [tilespmem:s16+$0x20]  }
0x418: {  	v12 =	vld.idx.msk [tilespmem:v12+s10+$0x0], $0xffff  }
0x419: {  	v19 =	vld [tilespmem:$0x1F990]  }
0x41a: {  	v20 =	vld [tilespmem:$0x1F9B0]  }
0x41b: {  	v15 =	vld.idx.msk [tilespmem:v15+s10+$0x0], $0xffff  }
0x41c: {  	v21 =	vld [tilespmem:$0x1F920]  }
0x41d: {  	v14 =	vld.idx.msk [tilespmem:v14+s10+$0x0], $0xffff  }
0x41e: {  	v17 =	vor.u32 v7, v17;
	v16 =	vld.idx.msk [tilespmem:v16+s10+$0x0], $0xffff  }
0x41f: {  	v11 =	vor.u32 v4, v11;
	v22 =	vld [tilespmem:$0x1F930]  }
0x420: {  	v62 =	vor.u32 v2, v62;
	v57 =	vld.idx.msk [tilespmem:v57+s10+$0x0], $0xffff  }
0x421: {  	v60 =	vor.u32 v5, v60;
	v23 =	vld [tilespmem:$0x1F960]  }
0x422: {  	v58 =	vshll.u32 v58, $0x7;
	v13 =	vshll.u32 v13, $0x7;
	v9 =	vshll.u32 v9, $0x7;
	v24 =	vld [tilespmem:$0x1F910]  }
0x423: {  	v61 =	vor.u32 v2, v61;
	v63 =	vshll.u32 v63, $0x7;
	v54 =	vshll.u32 v54, $0x7;
	v17 =	vld.idx.msk [tilespmem:v17+s10+$0x0], $0xffff  }
0x424: {  	v1 =	vor.u32 v6, v1;
	v10 =	vshll.u32 v10, $0x7;
	v59 =	vshll.u32 v59, $0x7;
	v11 =	vld.idx.msk [tilespmem:v11+s10+$0x0], $0xffff  }
0x425: {  	v56 =	vshll.u32 v56, $0x7;
	v13 =	vor.u32 v5, v13;
	v16 =	vadd.f32 v16, v47;
	v47 =	vld.idx.msk [tilespmem:v62+s10+$0x0], $0xffff  }
0x426: {  	v58 =	vor.u32 v7, v58;
	v63 =	vor.u32 v8, v63;
	v45 =	vadd.f32 v55, v45;
	v55 =	vld.idx.msk [tilespmem:v60+s10+$0x0], $0xffff  }
0x427: {  	v54 =	vor.u32 v0, v54;
	v9 =	vor.u32 v4, v9;
	v10 =	vor.u32 v5, v10;
	v60 =	vld [tilespmem:$0x1F940]  }
0x428: {  	v56 =	vor.u32 v0, v56;
	v59 =	vor.u32 v0, v59;
	v43 =	vadd.f32 v53, v43;
	v53 =	vld.idx.msk [tilespmem:v61+s10+$0x0], $0xffff  }
0x429: {  	v44 =	vadd.f32 v49, v44;
	v19 =	vadd.s32 v19, v52;
	v20 =	vadd.s32 v20, v52;
	v1 =	vld.idx.msk [tilespmem:v1+s10+$0x0], $0xffff  }
0x42a: {  	v21 =	vadd.s32 v21, v52;
	v22 =	vadd.s32 v22, v52;
	v23 =	vadd.s32 v23, v52;
	v13 =	vld.idx.msk [tilespmem:v13+s10+$0x0], $0xffff  }
0x42b: {  	v24 =	vadd.s32 v24, v52;
	v15 =	vadd.f32 v15, v42;
	v19 =	vshll.u32 v19, $0x7;
	v58 =	vld.idx.msk [tilespmem:v58+s10+$0x0], $0xffff  }
0x42c: {  	v20 =	vshll.u32 v20, $0x7;
	v22 =	vshll.u32 v22, $0x7;
	v9 =	vld.idx.msk [tilespmem:v9+s10+$0x0], $0xffff;
	v19 =	vor.u32 v7, v19  }
0x42d: {  	v24 =	vshll.u32 v24, $0x7;
	v54 =	vld.idx.msk [tilespmem:v54+s10+$0x0], $0xffff;
	v23 =	vshll.u32 v23, $0x7;
	v20 =	vor.u32 v8, v20  }
0x42e: {  	v21 =	vshll.u32 v21, $0x7;
	v10 =	vld.idx.msk [tilespmem:v10+s10+$0x0], $0xffff;
	v43 =	vadd.f32 v57, v43;
	v23 =	vor.u32 v6, v23  }
0x42f: {  	v22 =	vor.u32 v3, v22;
	v52 =	vadd.s32 v60, v52;
	v60 =	vld.idx.msk [tilespmem:v63+s10+$0x0], $0xffff;
	v63 =	vadd.f32 v50, v46  }
0x430: {  	v16 =	vadd.f32 v55, v16;
	v55 =	vld.idx.msk [tilespmem:v59+s10+$0x0], $0xffff;
	v57 =	vadd.f32 v53, v45;
	v52 =	vshll.u32 v52, $0x7  }
0x431: {  	v18 =	vadd.f32 v58, v18;
	v9 =	vadd.f32 v9, v15;
	v52 =	vor.u32 v4, v52;
	v19 =	vld.idx.msk [tilespmem:v19+s10+$0x0], $0xffff  }
0x432: {  	v24 =	vor.u32 v0, v24;
	v20 =	vld.idx.msk [tilespmem:v20+s10+$0x0], $0xffff;
	v13 =	vadd.f32 v13, v16;
	v16 =	vadd.f32 v51, v44  }
0x433: {  	v21 =	vor.u32 v2, v21;
	v12 =	vadd.f32 v12, v63;
	v15 =	vld.idx.msk [tilespmem:v23+s10+$0x0], $0xffff;
	v18 =	vadd.f32 v48, v18  }
0x434: {  	v9 =	vadd.f32 v11, v9;
	v10 =	vadd.f32 v10, v13;
	v13 =	vld.idx.msk [tilespmem:v22+s10+$0x0], $0xffff  }
0x435: {  	s19 =	smov.u32 s17;
	v17 =	vadd.f32 v17, v18;
	v18 =	vld.idx.msk [tilespmem:v56+s10+$0x0], $0xffff;
	v43 =	vadd.f32 v60, v43  }
0x436: {  	s20 =	sadd.s32 $0xFFFFFFFD, s19;
	v1 =	vadd.f32 v1, v12;
	v58 =	vadd.f32 v55, v38;
	v52 =	vld.idx.msk [tilespmem:v52+s10+$0x0], $0xffff  }
0x437: {  	v24 =	vld.idx.msk [tilespmem:v24+s10+$0x0], $0xffff;
	v56 =	vmov s20;
	v17 =	vadd.f32 v19, v17;
	v19 =	vadd.f32 v20, v43  }
0x438: {  	s30 =	sadd.s32 $0xFFFFFFFE, s19;
	v14 =	vadd.f32 v14, v16;
	v16 =	vld.idx.msk [tilespmem:v21+s10+$0x0], $0xffff;
	v20 =	vand.u32 $0xFFFFFFF8, v56;
	[tilespmem:s16+$0x0] =	vst v10;
	v12 =	vadd.f32 v54, v58  }
0x439: {  	v1 =	vadd.f32 v15, v1;
	v11 =	vbroadcast v20, $0x0;
	[tilespmem:s16+$0x30] =	vst v19;
	v19 =	vmov s30  }
0x43a: {  	[tilespmem:s16+$0x20] =	vst v17;
	v13 =	vadd.f32 v13, v14;
	v10 =	vand.u32 $0xFFFFFFF9, v19;
	v12 =	vadd.f32 v18, v12  }
0x43b: {  	v17 =	vadd.f32 v47, v57;
	[tilespmem:s16+$0x10] =	vst v1;
	v10 =	vbroadcast v10, $0x0;
	v9 =	vadd.f32 v52, v9  }
0x43c: {  	v15 =	vld [tilespmem:$0x1F9C0];
	[tilespmem:s16+$0xFFFFFFE0] =	vst v13;
	v12 =	vadd.f32 v24, v12  }
0x43d: {  	v14 =	vld [tilespmem:$0x1F9A0];
	[tilespmem:s16+$0xFFFFFFF0] =	vst v9;
	v9 =	vadd.f32 v16, v17  }
0x43e: {  	v13 =	vld [tilespmem:$0x1F980];
	[tilespmem:s16+$0xFFFFFFC0] =	vst v12  }
0x43f: {  	v12 =	vld [tilespmem:$0x1F970];
	[tilespmem:s16+$0xFFFFFFD0] =	vst v9  }
0x440: {  	s31 =	sadd.s32 $0xFFFFFFFF, s19;
	v16 =	vld.idx.msk [tilespmem:v11+s2+$0x0], $0xffff  }
0x441: {  	v9 =	vmov s31;
	v1 =	vld.idx.msk [tilespmem:v10+s2+$0x0], $0xffff  }
0x442: {  	v9 =	vand.u32 $0xFFFFFFFA, v9;
	v10 =	vld [tilespmem:$0x1F950]  }
0x443: {  	v17 =	vld [tilespmem:$0x1F9D0];
	v9 =	vbroadcast v9, $0x0  }
0x444: {  	v11 =	vmov s19  }
0x445: {  	v11 =	vand.u32 $0xFFFFFFFB, v11;
	v13 =	vadd.s32 v13, v16  }
0x446: {  	s18 =	sadd.s32 $0x80, s18;
	v11 =	vbroadcast v11, $0x0;
	v19 =	vshll.u32 v13, $0x7;
	v13 =	vld [tilespmem:$0x1F9E0]  }
0x447: {  	v43 =	vld [tilespmem:s18+$0x30];
	v10 =	vadd.s32 v10, v1;
	v12 =	vadd.s32 v12, v16;
	v14 =	vadd.s32 v14, v16  }
0x448: {  	v46 =	vld [tilespmem:s18+$0x10];
	v15 =	vadd.s32 v15, v16;
	v17 =	vadd.s32 v17, v1;
	v61 =	vadd.s32 v34, v1  }
0x449: {  	v12 =	vshll.u32 v12, $0x7;
	v10 =	vshll.u32 v10, $0x7;
	v18 =	vld.idx.msk [tilespmem:v9+s2+$0x0], $0xffff;
	v9 =	vshll.u32 v17, $0x7  }
0x44a: {  	v38 =	vld [tilespmem:s18+$0xFFFFFFC0];
	v14 =	vshll.u32 v14, $0x7;
	v61 =	vshll.u32 v61, $0x7;
	v57 =	vor.u32 v8, v9  }
0x44b: {  	v9 =	vadd.s32 v30, v16;
	v58 =	vadd.s32 v13, v16;
	v13 =	vshll.u32 v15, $0x7;
	v15 =	vld [tilespmem:$0x1F9F0]  }
0x44c: {  	v42 =	vld [tilespmem:s18+$0xFFFFFFF0];
	v12 =	vor.u32 v2, v12;
	v20 =	vor.u32 v3, v10;
	v9 =	vshll.u32 v9, $0x7  }
0x44d: {  	v14 =	vor.u32 v3, v14;
	v52 =	vld.idx.msk [tilespmem:v11+s2+$0x0], $0xffff;
	v11 =	vadd.s32 v39, v1;
	v59 =	vor.u32 v6, v9  }
0x44e: {  	v17 =	vor.u32 v8, v13;
	v13 =	vld [tilespmem:$0x1FA00];
	v10 =	vadd.s32 v27, v18;
	v9 =	vadd.s32 v26, v18  }
0x44f: {  	v45 =	vld [tilespmem:s18+$0xFFFFFFD0];
	v63 =	vadd.s32 v33, v18;
	v21 =	vadd.s32 v41, v18;
	v56 =	vadd.s32 v35, v18  }
0x450: {  	v47 =	vld [tilespmem:s18+$0x0];
	v62 =	vshll.u32 v9, $0x7;
	v54 =	vadd.s32 v15, v1;
	v15 =	vadd.s32 v40, v1  }
0x451: {  	v44 =	vld [tilespmem:s18+$0xFFFFFFE0];
	v9 =	vshll.u32 v11, $0x7;
	v11 =	vshll.u32 v10, $0x7;
	v15 =	vshll.u32 v15, $0x7  }
0x452: {  	p0 =	sne.s32 s17, $0x3FFB;
	v55 =	vld.idx.msk [tilespmem:v12+s10+$0x0], $0xffff;
	v12 =	vor.u32 v6, v9;
	v9 =	vadd.s32 v36, v1;
	v15 =	vor.u32 v7, v15  }
.Ltmp7:
0x453: {  	v50 =	vld.idx.msk [tilespmem:v59+s10+$0x0], $0xffff;
	v59 =	vadd.s32 v25, v16;
	v13 =	vadd.s32 v13, v1;
	v1 =	vadd.s32 v29, v18;
	(pc) =	sbr.rel @p0 .LBB2_16-.Ltmp7, $4  }
0x454: {  	v53 =	vld.idx.msk [tilespmem:v17+s10+$0x0], $0xffff;
	v17 =	vadd.s32 v31, v18;
	v60 =	vshll.u32 v13, $0x7;
	v13 =	vadd.s32 v28, v16  }
0x455: {  	v49 =	vld.idx.msk [tilespmem:v14+s10+$0x0], $0xffff;
	v1 =	vshll.u32 v1, $0x7;
	v16 =	vor.u32 v5, v19;
	v17 =	vshll.u32 v17, $0x7  }
0x456: {  	v51 =	vld.idx.msk [tilespmem:v20+s10+$0x0], $0xffff;
	v10 =	vshll.u32 v13, $0x7;
	v13 =	vadd.s32 v32, v18;
	v14 =	vor.u32 v3, v1  }
0x457: {  	s17 =	sadd.s32 $0x20, s17;
	s16 =	smov.u32 s18;
	v1 =	vshll.u32 v21, $0x7;
	v48 =	vld.idx.msk [tilespmem:v15+s10+$0x0], $0xffff;
	v15 =	vor.u32 v4, v10;
	v10 =	vadd.s32 v37, v52  }
0x458: {  	_ =	sdelay $0x2  }
0x459: {  	v18 =	vld [tilespmem:s16+$0x20]  }
0x45a: {  	v12 =	vld.idx.msk [tilespmem:v12+s10+$0x0], $0xffff  }
0x45b: {  	v15 =	vld.idx.msk [tilespmem:v15+s10+$0x0], $0xffff  }
0x45c: {  	v14 =	vld.idx.msk [tilespmem:v14+s10+$0x0], $0xffff  }
0x45d: {  	v16 =	vld.idx.msk [tilespmem:v16+s10+$0x0], $0xffff  }
0x45e: {  	v21 =	vld.idx.msk [tilespmem:v57+s10+$0x0], $0xffff  }
0x45f: {  	v22 =	vld [tilespmem:$0x1F990]  }
0x460: {  	v25 =	vld [tilespmem:$0x1F9B0]  }
0x461: {  	v17 =	vor.u32 v7, v17;
	v27 =	vld [tilespmem:$0x1F920]  }
0x462: {  	v11 =	vor.u32 v4, v11;
	v28 =	vld [tilespmem:$0x1F910]  }
0x463: {  	v20 =	vor.u32 v2, v62;
	v29 =	vld [tilespmem:$0x1F940]  }
0x464: {  	v13 =	vshll.u32 v13, $0x7;
	v19 =	vshll.u32 v58, $0x7;
	v23 =	vor.u32 v5, v60;
	v30 =	vld [tilespmem:$0x1F930]  }
0x465: {  	v24 =	vshll.u32 v63, $0x7;
	v26 =	vshll.u32 v54, $0x7;
	v31 =	vor.u32 v2, v61;
	v32 =	vld [tilespmem:$0x1F960]  }
0x466: {  	v9 =	vshll.u32 v9, $0x7;
	v10 =	vshll.u32 v10, $0x7;
	v1 =	vor.u32 v6, v1;
	v17 =	vld.idx.msk [tilespmem:v17+s10+$0x0], $0xffff  }
0x467: {  	v33 =	vadd.f32 v55, v45;
	v34 =	vshll.u32 v59, $0x7;
	v13 =	vor.u32 v5, v13;
	v11 =	vld.idx.msk [tilespmem:v11+s10+$0x0], $0xffff  }
0x468: {  	v35 =	vshll.u32 v56, $0x7;
	v19 =	vor.u32 v7, v19;
	v24 =	vor.u32 v8, v24;
	v20 =	vld.idx.msk [tilespmem:v20+s10+$0x0], $0xffff  }
0x469: {  	v26 =	vor.u32 v0, v26;
	v10 =	vor.u32 v5, v10;
	v9 =	vor.u32 v4, v9;
	v23 =	vld.idx.msk [tilespmem:v23+s10+$0x0], $0xffff  }
0x46a: {  	v34 =	vor.u32 v0, v34;
	v35 =	vor.u32 v0, v35;
	v36 =	vadd.f32 v53, v43;
	v31 =	vld.idx.msk [tilespmem:v31+s10+$0x0], $0xffff  }
0x46b: {  	v22 =	vadd.s32 v22, v52;
	v25 =	vadd.s32 v25, v52;
	v27 =	vadd.s32 v27, v52;
	v1 =	vld.idx.msk [tilespmem:v1+s10+$0x0], $0xffff  }
0x46c: {  	v28 =	vadd.s32 v28, v52;
	v29 =	vadd.s32 v29, v52;
	v30 =	vadd.s32 v30, v52;
	v13 =	vld.idx.msk [tilespmem:v13+s10+$0x0], $0xffff  }
0x46d: {  	v32 =	vadd.s32 v32, v52;
	v16 =	vadd.f32 v16, v47;
	v22 =	vshll.u32 v22, $0x7;
	v19 =	vld.idx.msk [tilespmem:v19+s10+$0x0], $0xffff  }
0x46e: {  	v15 =	vadd.f32 v15, v42;
	v25 =	vshll.u32 v25, $0x7;
	v9 =	vld.idx.msk [tilespmem:v9+s10+$0x0], $0xffff;
	v22 =	vor.u32 v7, v22  }
0x46f: {  	v21 =	vadd.f32 v21, v36;
	v24 =	vld.idx.msk [tilespmem:v24+s10+$0x0], $0xffff;
	v29 =	vshll.u32 v29, $0x7;
	v25 =	vor.u32 v8, v25  }
0x470: {  	v28 =	vshll.u32 v28, $0x7;
	v32 =	vshll.u32 v32, $0x7;
	v34 =	vld.idx.msk [tilespmem:v34+s10+$0x0], $0xffff;
	v29 =	vor.u32 v4, v29  }
0x471: {  	v30 =	vshll.u32 v30, $0x7;
	v10 =	vld.idx.msk [tilespmem:v10+s10+$0x0], $0xffff;
	v32 =	vor.u32 v6, v32;
	v16 =	vadd.f32 v23, v16  }
0x472: {  	v26 =	vld.idx.msk [tilespmem:v26+s10+$0x0], $0xffff;
	v30 =	vor.u32 v3, v30;
	v23 =	vadd.f32 v49, v44;
	v18 =	vadd.f32 v19, v18  }
0x473: {  	v19 =	vshll.u32 v27, $0x7;
	v27 =	vadd.f32 v50, v46;
	v9 =	vadd.f32 v9, v15;
	v22 =	vld.idx.msk [tilespmem:v22+s10+$0x0], $0xffff  }
0x474: {  	v25 =	vld.idx.msk [tilespmem:v25+s10+$0x0], $0xffff;
	v19 =	vor.u32 v2, v19;
	v13 =	vadd.f32 v13, v16;
	v16 =	vadd.f32 v51, v23  }
0x475: {  	v28 =	vor.u32 v0, v28;
	v29 =	vld.idx.msk [tilespmem:v29+s10+$0x0], $0xffff;
	v23 =	vadd.f32 v34, v38;
	v18 =	vadd.f32 v48, v18  }
0x476: {  	v15 =	vld.idx.msk [tilespmem:v32+s10+$0x0], $0xffff;
	v12 =	vadd.f32 v12, v27;
	v10 =	vadd.f32 v10, v13  }
0x477: {  	v13 =	vld.idx.msk [tilespmem:v30+s10+$0x0], $0xffff;
	v17 =	vadd.f32 v17, v18;
	v18 =	vadd.f32 v24, v21  }
0x478: {  	v9 =	vadd.f32 v11, v9;
	v11 =	vadd.f32 v14, v16;
	v21 =	vld.idx.msk [tilespmem:v35+s10+$0x0], $0xffff  }
0x479: {  	v1 =	vadd.f32 v1, v12;
	v18 =	vadd.f32 v25, v18;
	v19 =	vld.idx.msk [tilespmem:v19+s10+$0x0], $0xffff  }
0x47a: {  	v28 =	vld.idx.msk [tilespmem:v28+s10+$0x0], $0xffff;
	v17 =	vadd.f32 v22, v17;
	v22 =	vadd.f32 v31, v33;
	[tilespmem:s16+$0x0] =	vst v10  }
0x47b: {  	v10 =	vadd.f32 v26, v23;
	v9 =	vadd.f32 v29, v9;
	[tilespmem:s16+$0x30] =	vst v18  }
0x47c: {  	v1 =	vadd.f32 v15, v1;
	[tilespmem:s16+$0x20] =	vst v17;
	v12 =	vadd.f32 v20, v22  }
0x47d: {  	v11 =	vadd.f32 v13, v11;
	[tilespmem:s16+$0xFFFFFFF0] =	vst v9;
	v10 =	vadd.f32 v21, v10  }
0x47e: {  	[tilespmem:s16+$0x10] =	vst v1;
	v9 =	vadd.f32 v19, v12  }
0x47f: {  	[tilespmem:s16+$0xFFFFFFE0] =	vst v11;
	v10 =	vadd.f32 v28, v10  }
0x480: {  	[tilespmem:s16+$0xFFFFFFD0] =	vst v9  }
0x481: {  	[tilespmem:s16+$0xFFFFFFC0] =	vst v10  }
0x482: {  	v15 =	vld [tilespmem:$0xE600]  }
0x483: {  	v12 =	vld [tilespmem:$0xE610]  }
0x484: {  	v39 =	vld [tilespmem:$0xE620]  }
0x485: {  	v13 =	vld [tilespmem:$0xE630]  }
0x486: {  	v10 =	vld [tilespmem:$0xE750]  }
0x487: {  	v16 =	vld [tilespmem:$0xE640]  }
0x488: {  	v14 =	vld [tilespmem:$0xE650]  }
0x489: {  	v20 =	vld [tilespmem:$0xE660]  }
0x48a: {  	v21 =	vld [tilespmem:$0xE670]  }
0x48b: {  	[tilespmem:$0x1F830] =	vst v10;
	v10 =	vld [tilespmem:$0xE780]  }
0x48c: {  	v1 =	vld [tilespmem:$0xE6F0]  }
0x48d: {  	v17 =	vld [tilespmem:$0xE680]  }
0x48e: {  	v18 =	vld [tilespmem:$0xE690]  }
0x48f: {  	v11 =	vld [tilespmem:$0xE6A0]  }
0x490: {  	[tilespmem:$0x1F840] =	vst v10;
	v10 =	vld [tilespmem:$0xE790]  }
0x491: {  	s17 =	simm.s32 $0x1C;
	[tilespmem:$0x1F820] =	vst v1;
	v1 =	vld [tilespmem:$0xE710]  }
0x492: {  	v9 =	vmov s17;
	v22 =	vld [tilespmem:$0xE6B0]  }
0x493: {  	v25 =	vld [tilespmem:$0xE6C0];
	v9 =	vand.u32 $0xFFFFFFFC, v9  }
0x494: {  	v30 =	vld [tilespmem:$0xE6D0];
	v9 =	vbroadcast v9, $0x0  }
0x495: {  	s29 =	simm.s32 $0x1D;
	[tilespmem:$0x1F850] =	vst v10;
	v10 =	vld [tilespmem:$0xE7A0]  }
0x496: {  	v29 =	vld [tilespmem:$0xE6E0];
	[tilespmem:$0x1F900] =	vst v1;
	v1 =	vmov s29  }
0x497: {  	v36 =	vld [tilespmem:$0xE700];
	v1 =	vand.u32 $0xFFFFFFFD, v1  }
0x498: {  	v50 =	vld [tilespmem:$0xE720];
	v1 =	vbroadcast v1, $0x0  }
0x499: {  	v40 =	vld [tilespmem:$0xE730]  }
0x49a: {  	[tilespmem:$0x1F860] =	vst v10;
	v10 =	vld.idx.msk [tilespmem:v9+s2+$0x0], $0xffff  }
0x49b: {  	v9 =	vld [tilespmem:$0xE7B0]  }
0x49c: {  	v62 =	vld [tilespmem:$0xE740]  }
0x49d: {  	s30 =	simm.s32 $0x1E;
	v57 =	vld [tilespmem:$0xE760]  }
0x49e: {  	v41 =	vld.idx.msk [tilespmem:v1+s2+$0x0], $0xffff;
	v1 =	vmov s30  }
0x49f: {  	v59 =	vld [tilespmem:$0xE770];
	v1 =	vand.u32 $0xFFFFFFFE, v1  }
0x4a0: {  	v1 =	vbroadcast v1, $0x0;
	[tilespmem:$0x1F870] =	vst v9;
	v9 =	vld [tilespmem:$0xE7D0]  }
0x4a1: {  	v19 =	vld [tilespmem:$0xE7C0];
	[tilespmem:$0x1F8C0] =	vst v12  }
0x4a2: {  	s17 =	simm.s32 $0xE840;
	v23 =	vld [tilespmem:$0xE7F0];
	[tilespmem:$0x1F8D0] =	vst v13  }
0x4a3: {  	v42 =	vld [tilespmem:s17+$0xFFFFFFF0];
	[tilespmem:$0x1F8E0] =	vst v14;
	v32 =	vmov v18;
	v18 =	vadd.s32 v18, v41;
	v52 =	vadd.s32 v22, v41  }
0x4a4: {  	v45 =	vld [tilespmem:s17+$0xFFFFFFC0];
	[tilespmem:$0x1F8F0] =	vst v15;
	v18 =	vshll.u32 v18, $0x7;
	v12 =	vadd.s32 v12, v10;
	v13 =	vadd.s32 v13, v10  }
0x4a5: {  	v14 =	vadd.s32 v14, v10;
	v15 =	vadd.s32 v15, v10;
	v63 =	vadd.s32 v20, v10;
	[tilespmem:$0x1F880] =	vst v9;
	v9 =	vld [tilespmem:$0xE7E0]  }
0x4a6: {  	v13 =	vshll.u32 v13, $0x7;
	v14 =	vshll.u32 v14, $0x7;
	v58 =	vld.idx.msk [tilespmem:v1+s2+$0x0], $0xffff;
	v1 =	vshll.u32 v15, $0x7  }
0x4a7: {  	v55 =	vld [tilespmem:s17+$0x0];
	[tilespmem:$0x1F8A0] =	vst v11;
	v12 =	vshll.u32 v12, $0x7;
	v63 =	vshll.u32 v63, $0x7;
	v13 =	vor.u32 v4, v13  }
0x4a8: {  	v48 =	vld [tilespmem:s17+$0x30];
	v27 =	vmovc v16;
	v46 =	vor.u32 v6, v14;
	v14 =	vadd.s32 v16, v10;
	v15 =	vor.u32 v0, v1  }
0x4a9: {  	s31 =	simm.s32 $0x1F;
	v44 =	vld [tilespmem:s17+$0xFFFFFFD0];
	v31 =	vmovc v17;
	v1 =	vadd.s32 v17, v41;
	v56 =	vor.u32 v2, v12;
	v16 =	vadd.s32 v25, v41  }
0x4aa: {  	v43 =	vld [tilespmem:s17+$0x10];
	v35 =	vmovc v25;
	v37 =	vmovc v29;
	v17 =	vadd.s32 v29, v41;
	[tilespmem:$0x1F890] =	vst v9;
	v9 =	vadd.s32 v11, v41;
	v11 =	vmov s31  }
0x4ab: {  	v47 =	vld [tilespmem:s17+$0x20];
	[tilespmem:$0x1F8B0] =	vst v23;
	v24 =	vmovc v62;
	v34 =	vmovc v22;
	v14 =	vshll.u32 v14, $0x7;
	v1 =	vshll.u32 v1, $0x7;
	v17 =	vshll.u32 v17, $0x7  }
0x4ac: {  	v26 =	vmovc v57;
	v29 =	vmovc v20;
	v61 =	vshll.u32 v16, $0x7;
	v53 =	vor.u32 v7, v17;
	v54 =	vld.idx.msk [tilespmem:v13+s10+$0x0], $0xffff;
	v9 =	vshll.u32 v9, $0x7  }
0x4ad: {  	v20 =	vor.u32 v0, v1;
	v17 =	vadd.s32 v57, v58;
	v57 =	vld.idx.msk [tilespmem:v15+s10+$0x0], $0xffff;
	v9 =	vor.u32 v3, v9  }
0x4ae: {  	v12 =	vor.u32 v5, v14;
	v14 =	vor.u32 v2, v18;
	v1 =	vadd.s32 v62, v58;
	v56 =	vld.idx.msk [tilespmem:v56+s10+$0x0], $0xffff  }
0x4af: {  	v38 =	vmovc v36;
	v18 =	vadd.s32 v39, v10;
	v60 =	vshll.u32 v1, $0x7;
	v51 =	vld.idx.msk [tilespmem:v11+s2+$0x0], $0xffff;
	v11 =	vadd.s32 v36, v58  }
0x4b0: {  	v33 =	vmovc v40;
	v28 =	vmovc v59;
	v1 =	vadd.s32 v59, v58;
	v59 =	vshll.u32 v11, $0x7;
	v11 =	vadd.s32 v21, v10;
	v10 =	vld [tilespmem:$0x1F900]  }
0x4b1: {  	v23 =	vmovc v19;
	v62 =	vadd.s32 v40, v58;
	v15 =	vadd.s32 v30, v41;
	v17 =	vshll.u32 v17, $0x7;
	v53 =	vld.idx.msk [tilespmem:v53+s10+$0x0], $0xffff  }
0x4b2: {  	v40 =	vmovc v50;
	v13 =	vadd.s32 v50, v58;
	v17 =	vor.u32 v7, v17;
	v50 =	vld.idx.msk [tilespmem:v9+s10+$0x0], $0xffff;
	v9 =	vshll.u32 v15, $0x7  }
0x4b3: {  	v25 =	vmovc v39;
	v12 =	vld.idx.msk [tilespmem:v12+s10+$0x0], $0xffff;
	v36 =	vmovc v30;
	v11 =	vshll.u32 v11, $0x7;
	v15 =	vor.u32 v6, v9;
	v9 =	vshll.u32 v13, $0x7  }
0x4b4: {  	v30 =	vmovc v21;
	v16 =	vor.u32 v8, v11;
	v11 =	vshll.u32 v52, $0x7;
	v52 =	vld.idx.msk [tilespmem:v20+s10+$0x0], $0xffff;
	v13 =	vor.u32 v3, v9  }
0x4b5: {  	s18 =	simm.s32 $0x3F;
	s16 =	simm.s32 $0xE840;
	v49 =	vld [tilespmem:s17+$0xFFFFFFE0];
	v9 =	vor.u32 v5, v61;
	v61 =	vadd.s32 v19, v51;
	v39 =	vmovc v10;
	v10 =	vadd.s32 v10, v58  }
.LBB2_18:
0x4b6: {  	_ = 	snop  }
0x4b7: {  	v14 =	vld.idx.msk [tilespmem:v14+s10+$0x0], $0xffff  }
0x4b8: {  	v19 =	vld [tilespmem:$0x1F830]  }
0x4b9: {  	v15 =	vld.idx.msk [tilespmem:v15+s10+$0x0], $0xffff  }
0x4ba: {  	v20 =	vld [tilespmem:$0x1F880]  }
0x4bb: {  	v16 =	vld.idx.msk [tilespmem:v16+s10+$0x0], $0xffff  }
0x4bc: {  	v21 =	vld [tilespmem:$0x1F890]  }
0x4bd: {  	v13 =	vld.idx.msk [tilespmem:v13+s10+$0x0], $0xffff  }
0x4be: {  	v17 =	vld.idx.msk [tilespmem:v17+s10+$0x0], $0xffff  }
0x4bf: {  	v63 =	vor.u32 v7, v63;
	v22 =	vld [tilespmem:$0x1F8B0]  }
0x4c0: {  	v9 =	vld.idx.msk [tilespmem:v9+s10+$0x0], $0xffff  }
0x4c1: {  	v60 =	vor.u32 v5, v60;
	v45 =	vadd.f32 v57, v45;
	v57 =	vld [tilespmem:$0x1F820]  }
0x4c2: {  	v46 =	vld.idx.msk [tilespmem:v46+s10+$0x0], $0xffff  }
0x4c3: {  	v18 =	vshll.u32 v18, $0x7;
	v11 =	vor.u32 v4, v11;
	v58 =	vadd.s32 v19, v58;
	v19 =	vld [tilespmem:$0x1F870]  }
0x4c4: {  	v1 =	vshll.u32 v1, $0x7;
	v18 =	vor.u32 v3, v18;
	v12 =	vadd.f32 v12, v55;
	v55 =	vld.idx.msk [tilespmem:v63+s10+$0x0], $0xffff  }
0x4c5: {  	v62 =	vshll.u32 v62, $0x7;
	v10 =	vshll.u32 v10, $0x7;
	v1 =	vor.u32 v8, v1;
	v63 =	vld [tilespmem:$0x1F860]  }
0x4c6: {  	v59 =	vor.u32 v0, v59;
	v62 =	vor.u32 v4, v62;
	v41 =	vadd.s32 v57, v41;
	v57 =	vld.idx.msk [tilespmem:v60+s10+$0x0], $0xffff  }
0x4c7: {  	v61 =	vshll.u32 v61, $0x7;
	v10 =	vor.u32 v2, v10;
	v42 =	vadd.f32 v54, v42;
	v60 =	vld [tilespmem:$0x1F850]  }
0x4c8: {  	v44 =	vadd.f32 v56, v44;
	v20 =	vadd.s32 v20, v51;
	v21 =	vadd.s32 v21, v51;
	v11 =	vld.idx.msk [tilespmem:v11+s10+$0x0], $0xffff  }
0x4c9: {  	v16 =	vadd.f32 v16, v48;
	v58 =	vshll.u32 v58, $0x7;
	v18 =	vld.idx.msk [tilespmem:v18+s10+$0x0], $0xffff;
	v41 =	vshll.u32 v41, $0x7  }
0x4ca: {  	v20 =	vshll.u32 v20, $0x7;
	v1 =	vld.idx.msk [tilespmem:v1+s10+$0x0], $0xffff;
	v19 =	vadd.s32 v19, v51;
	v41 =	vor.u32 v8, v41  }
0x4cb: {  	v54 =	vld.idx.msk [tilespmem:v62+s10+$0x0], $0xffff;
	v58 =	vor.u32 v6, v58;
	v63 =	vadd.s32 v63, v51;
	v19 =	vshll.u32 v19, $0x7  }
0x4cc: {  	v19 =	vor.u32 v4, v19;
	v48 =	vadd.s32 v60, v51;
	v60 =	vshll.u32 v63, $0x7;
	v63 =	vld [tilespmem:$0x1F840]  }
0x4cd: {  	v22 =	vadd.s32 v22, v51;
	v10 =	vld.idx.msk [tilespmem:v10+s10+$0x0], $0xffff;
	v20 =	vor.u32 v6, v20;
	v48 =	vshll.u32 v48, $0x7  }
0x4ce: {  	v43 =	vadd.f32 v46, v43;
	v22 =	vshll.u32 v22, $0x7;
	v62 =	vld.idx.msk [tilespmem:v59+s10+$0x0], $0xffff;
	v48 =	vor.u32 v2, v48  }
0x4cf: {  	v21 =	vshll.u32 v21, $0x7;
	v45 =	vadd.f32 v52, v45;
	v22 =	vor.u32 v8, v22;
	v41 =	vld.idx.msk [tilespmem:v41+s10+$0x0], $0xffff  }
0x4d0: {  	v14 =	vadd.f32 v14, v44;
	v9 =	vadd.f32 v9, v12;
	v58 =	vld.idx.msk [tilespmem:v58+s10+$0x0], $0xffff;
	v60 =	vor.u32 v3, v60  }
0x4d1: {  	v21 =	vor.u32 v7, v21;
	v15 =	vadd.f32 v15, v43;
	v19 =	vld.idx.msk [tilespmem:v19+s10+$0x0], $0xffff;
	v63 =	vadd.s32 v63, v51  }
0x4d2: {  	v11 =	vadd.f32 v11, v42;
	v20 =	vld.idx.msk [tilespmem:v20+s10+$0x0], $0xffff;
	v51 =	vshll.u32 v63, $0x7;
	v63 =	vor.u32 v5, v61  }
0x4d3: {  	v47 =	vadd.f32 v55, v47;
	v10 =	vadd.f32 v10, v14;
	v51 =	vor.u32 v0, v51;
	v61 =	vld.idx.msk [tilespmem:v48+s10+$0x0], $0xffff  }
0x4d4: {  	v11 =	vadd.f32 v54, v11;
	v14 =	vld.idx.msk [tilespmem:v22+s10+$0x0], $0xffff;
	v16 =	vadd.f32 v41, v16  }
0x4d5: {  	s19 =	smov.u32 s18;
	v18 =	vadd.f32 v18, v49;
	v12 =	vadd.f32 v58, v15;
	v22 =	vld.idx.msk [tilespmem:v60+s10+$0x0], $0xffff  }
0x4d6: {  	s20 =	sadd.s32 $0xFFFFFFFD, s19;
	v11 =	vadd.f32 v19, v11;
	v1 =	vadd.f32 v1, v16;
	v16 =	vld.idx.msk [tilespmem:v21+s10+$0x0], $0xffff  }
0x4d7: {  	v47 =	vadd.f32 v53, v47;
	v12 =	vadd.f32 v20, v12;
	v19 =	vmov s20;
	v63 =	vld.idx.msk [tilespmem:v63+s10+$0x0], $0xffff  }
0x4d8: {  	s30 =	sadd.s32 $0xFFFFFFFE, s19;
	v18 =	vadd.f32 v50, v18;
	v19 =	vand.u32 $0xFFFFFFFC, v19;
	v15 =	vld.idx.msk [tilespmem:v51+s10+$0x0], $0xffff;
	v10 =	vadd.f32 v61, v10;
	[tilespmem:s16+$0xFFFFFFF0] =	vst v11  }
0x4d9: {  	v11 =	vbroadcast v19, $0x0;
	v19 =	vmov s30;
	[tilespmem:s16+$0x10] =	vst v12;
	v12 =	vadd.f32 v17, v47  }
0x4da: {  	v9 =	vadd.f32 v57, v9;
	v1 =	vadd.f32 v14, v1;
	[tilespmem:s16+$0xFFFFFFD0] =	vst v10;
	v10 =	vand.u32 $0xFFFFFFFD, v19  }
0x4db: {  	v21 =	vadd.f32 v62, v45;
	v12 =	vadd.f32 v16, v12;
	v10 =	vbroadcast v10, $0x0  }
0x4dc: {  	s31 =	sadd.s32 $0xFFFFFFFF, s19;
	v13 =	vadd.f32 v13, v18;
	[tilespmem:s16+$0x30] =	vst v1;
	v9 =	vadd.f32 v63, v9  }
0x4dd: {  	v1 =	vmov s31;
	[tilespmem:s16+$0x20] =	vst v12;
	v15 =	vadd.f32 v15, v21  }
0x4de: {  	v14 =	vld [tilespmem:$0x1F8E0];
	v1 =	vand.u32 $0xFFFFFFFE, v1;
	[tilespmem:s16+$0x0] =	vst v9;
	v9 =	vadd.f32 v22, v13  }
0x4df: {  	v1 =	vbroadcast v1, $0x0;
	v13 =	vld [tilespmem:$0x1F8D0];
	[tilespmem:s16+$0xFFFFFFC0] =	vst v15  }
0x4e0: {  	[tilespmem:s16+$0xFFFFFFE0] =	vst v9;
	v9 =	vld [tilespmem:$0x1F8A0]  }
0x4e1: {  	v41 =	vld.idx.msk [tilespmem:v10+s2+$0x0], $0xffff  }
0x4e2: {  	v12 =	vld.idx.msk [tilespmem:v11+s2+$0x0], $0xffff  }
0x4e3: {  	v11 =	vld [tilespmem:$0x1F8C0]  }
0x4e4: {  	v15 =	vld [tilespmem:$0x1F8F0]  }
0x4e5: {  	v58 =	vld.idx.msk [tilespmem:v1+s2+$0x0], $0xffff;
	_ =	sdelay $0x1  }
0x4e6: {  	v10 =	vmov s19;
	v9 =	vadd.s32 v9, v41  }
0x4e7: {  	v11 =	vadd.s32 v11, v12;
	v13 =	vadd.s32 v13, v12;
	v14 =	vadd.s32 v14, v12  }
0x4e8: {  	s17 =	sadd.s32 $0x80, s17;
	v15 =	vadd.s32 v15, v12;
	v16 =	vadd.s32 v35, v41;
	v17 =	vadd.s32 v37, v41  }
0x4e9: {  	v48 =	vld [tilespmem:s17+$0x30];
	v18 =	vadd.s32 v32, v41;
	v19 =	vadd.s32 v29, v12;
	v62 =	vadd.s32 v33, v58  }
0x4ea: {  	v47 =	vld [tilespmem:s17+$0x20];
	v21 =	vadd.s32 v26, v58;
	v13 =	vshll.u32 v13, $0x7;
	v14 =	vshll.u32 v14, $0x7  }
0x4eb: {  	v42 =	vld [tilespmem:s17+$0xFFFFFFF0];
	v9 =	vshll.u32 v9, $0x7;
	v1 =	vshll.u32 v15, $0x7;
	v11 =	vshll.u32 v11, $0x7  }
0x4ec: {  	v45 =	vld [tilespmem:s17+$0xFFFFFFC0];
	v17 =	vshll.u32 v17, $0x7;
	v18 =	vshll.u32 v18, $0x7;
	v63 =	vshll.u32 v19, $0x7  }
0x4ed: {  	v51 =	vld.idx.msk [tilespmem:v10+s2+$0x0], $0xffff;
	v19 =	vadd.s32 v34, v41;
	v10 =	vshll.u32 v16, $0x7;
	v13 =	vor.u32 v4, v13  }
0x4ee: {  	v55 =	vld [tilespmem:s17+$0x0];
	v16 =	vadd.s32 v38, v58;
	v46 =	vor.u32 v6, v14;
	v15 =	vor.u32 v0, v1  }
0x4ef: {  	v44 =	vld [tilespmem:s17+$0xFFFFFFD0];
	v14 =	vadd.s32 v27, v12;
	v1 =	vadd.s32 v31, v41;
	v9 =	vor.u32 v3, v9  }
0x4f0: {  	v43 =	vld [tilespmem:s17+$0x10];
	v11 =	vor.u32 v2, v11;
	v17 =	vor.u32 v7, v17;
	v59 =	vshll.u32 v16, $0x7  }
0x4f1: {  	v49 =	vld [tilespmem:s17+$0xFFFFFFE0];
	v16 =	vadd.s32 v30, v12;
	v14 =	vshll.u32 v14, $0x7;
	v1 =	vshll.u32 v1, $0x7  }
0x4f2: {  	v16 =	vshll.u32 v16, $0x7;
	v20 =	vor.u32 v0, v1;
	v1 =	vadd.s32 v24, v58;
	v54 =	vld.idx.msk [tilespmem:v13+s10+$0x0], $0xffff  }
0x4f3: {  	p0 =	sne.s32 s18, $0x3FFF;
	v22 =	vor.u32 v5, v14;
	v14 =	vor.u32 v2, v18;
	v16 =	vor.u32 v8, v16;
	v57 =	vld.idx.msk [tilespmem:v15+s10+$0x0], $0xffff  }
.Ltmp8:
0x4f4: {  	v18 =	vadd.s32 v25, v12;
	v60 =	vshll.u32 v1, $0x7;
	v1 =	vadd.s32 v28, v58;
	v50 =	vld.idx.msk [tilespmem:v9+s10+$0x0], $0xffff;
	(pc) =	sbr.rel @p0 .LBB2_18-.Ltmp8, $4  }
0x4f5: {  	v61 =	vadd.s32 v23, v51;
	v13 =	vadd.s32 v40, v58;
	v15 =	vadd.s32 v36, v41;
	v53 =	vld.idx.msk [tilespmem:v17+s10+$0x0], $0xffff  }
0x4f6: {  	v56 =	vld.idx.msk [tilespmem:v11+s10+$0x0], $0xffff;
	v11 =	vshll.u32 v19, $0x7;
	v17 =	vshll.u32 v21, $0x7;
	v9 =	vshll.u32 v15, $0x7  }
0x4f7: {  	v17 =	vor.u32 v7, v17;
	v15 =	vor.u32 v6, v9;
	v9 =	vshll.u32 v13, $0x7;
	v52 =	vld.idx.msk [tilespmem:v20+s10+$0x0], $0xffff  }
0x4f8: {  	s18 =	sadd.s32 $0x20, s18;
	s16 =	smov.u32 s17;
	v12 =	vld.idx.msk [tilespmem:v22+s10+$0x0], $0xffff;
	v13 =	vor.u32 v3, v9;
	v9 =	vor.u32 v5, v10;
	v10 =	vadd.s32 v39, v58  }
0x4f9: {  	_ =	sdelay $0x3  }
0x4fa: {  	v14 =	vld.idx.msk [tilespmem:v14+s10+$0x0], $0xffff  }
0x4fb: {  	v20 =	vld [tilespmem:$0x1F830]  }
0x4fc: {  	v15 =	vld.idx.msk [tilespmem:v15+s10+$0x0], $0xffff  }
0x4fd: {  	v16 =	vld.idx.msk [tilespmem:v16+s10+$0x0], $0xffff  }
0x4fe: {  	v13 =	vld.idx.msk [tilespmem:v13+s10+$0x0], $0xffff  }
0x4ff: {  	v21 =	vld [tilespmem:$0x1F870]  }
0x500: {  	v17 =	vld.idx.msk [tilespmem:v17+s10+$0x0], $0xffff  }
0x501: {  	v24 =	vld [tilespmem:$0x1F880]  }
0x502: {  	v25 =	vld [tilespmem:$0x1F890]  }
0x503: {  	v9 =	vld.idx.msk [tilespmem:v9+s10+$0x0], $0xffff  }
0x504: {  	v19 =	vor.u32 v7, v63;
	v26 =	vld [tilespmem:$0x1F8B0]  }
0x505: {  	v18 =	vshll.u32 v18, $0x7;
	v22 =	vor.u32 v5, v60;
	v23 =	vshll.u32 v62, $0x7;
	v27 =	vld [tilespmem:$0x1F820]  }
0x506: {  	v11 =	vor.u32 v4, v11;
	v1 =	vshll.u32 v1, $0x7;
	v10 =	vshll.u32 v10, $0x7;
	v29 =	vld.idx.msk [tilespmem:v46+s10+$0x0], $0xffff  }
0x507: {  	v28 =	vor.u32 v0, v59;
	v30 =	vld [tilespmem:$0x1F850];
	v32 =	vshll.u32 v61, $0x7;
	v33 =	vadd.f32 v57, v45  }
0x508: {  	v31 =	vld [tilespmem:$0x1F860];
	v35 =	vadd.f32 v54, v42;
	v18 =	vor.u32 v3, v18;
	v1 =	vor.u32 v8, v1  }
0x509: {  	v34 =	vld [tilespmem:$0x1F840];
	v23 =	vor.u32 v4, v23;
	v10 =	vor.u32 v2, v10;
	v36 =	vadd.f32 v56, v44  }
0x50a: {  	v32 =	vor.u32 v5, v32;
	v57 =	vadd.f32 v52, v33;
	v12 =	vadd.f32 v12, v55;
	v19 =	vld.idx.msk [tilespmem:v19+s10+$0x0], $0xffff  }
0x50b: {  	v20 =	vadd.s32 v20, v58;
	v21 =	vadd.s32 v21, v51;
	v24 =	vadd.s32 v24, v51;
	v22 =	vld.idx.msk [tilespmem:v22+s10+$0x0], $0xffff  }
0x50c: {  	v25 =	vadd.s32 v25, v51;
	v26 =	vadd.s32 v26, v51;
	v27 =	vadd.s32 v27, v41;
	v11 =	vld.idx.msk [tilespmem:v11+s10+$0x0], $0xffff  }
0x50d: {  	v30 =	vadd.s32 v30, v51;
	v31 =	vadd.s32 v31, v51;
	v28 =	vld.idx.msk [tilespmem:v28+s10+$0x0], $0xffff;
	v20 =	vshll.u32 v20, $0x7  }
0x50e: {  	v16 =	vadd.f32 v16, v48;
	v18 =	vld.idx.msk [tilespmem:v18+s10+$0x0], $0xffff;
	v27 =	vshll.u32 v27, $0x7;
	v20 =	vor.u32 v6, v20  }
0x50f: {  	v34 =	vadd.s32 v34, v51;
	v21 =	vshll.u32 v21, $0x7;
	v1 =	vld.idx.msk [tilespmem:v1+s10+$0x0], $0xffff;
	v27 =	vor.u32 v8, v27  }
0x510: {  	v29 =	vadd.f32 v29, v43;
	v30 =	vshll.u32 v30, $0x7;
	v23 =	vld.idx.msk [tilespmem:v23+s10+$0x0], $0xffff;
	v21 =	vor.u32 v4, v21  }
0x511: {  	v14 =	vadd.f32 v14, v36;
	v24 =	vshll.u32 v24, $0x7;
	v10 =	vld.idx.msk [tilespmem:v10+s10+$0x0], $0xffff;
	v30 =	vor.u32 v2, v30  }
0x512: {  	v25 =	vshll.u32 v25, $0x7;
	v34 =	vshll.u32 v34, $0x7;
	v56 =	vld.idx.msk [tilespmem:v32+s10+$0x0], $0xffff;
	v24 =	vor.u32 v6, v24  }
0x513: {  	v26 =	vshll.u32 v26, $0x7;
	v31 =	vshll.u32 v31, $0x7;
	v34 =	vor.u32 v0, v34;
	v20 =	vld.idx.msk [tilespmem:v20+s10+$0x0], $0xffff  }
0x514: {  	v9 =	vadd.f32 v9, v12;
	v26 =	vor.u32 v8, v26;
	v15 =	vadd.f32 v15, v29;
	v27 =	vld.idx.msk [tilespmem:v27+s10+$0x0], $0xffff  }
0x515: {  	v31 =	vor.u32 v3, v31;
	v19 =	vadd.f32 v19, v47;
	v11 =	vadd.f32 v11, v35;
	v21 =	vld.idx.msk [tilespmem:v21+s10+$0x0], $0xffff  }
0x516: {  	v25 =	vor.u32 v7, v25;
	v9 =	vadd.f32 v22, v9;
	v62 =	vadd.f32 v28, v57;
	v30 =	vld.idx.msk [tilespmem:v30+s10+$0x0], $0xffff  }
0x517: {  	v18 =	vadd.f32 v18, v49;
	v10 =	vadd.f32 v10, v14;
	v24 =	vld.idx.msk [tilespmem:v24+s10+$0x0], $0xffff  }
0x518: {  	v19 =	vadd.f32 v53, v19;
	v11 =	vadd.f32 v23, v11;
	v58 =	vld.idx.msk [tilespmem:v34+s10+$0x0], $0xffff  }
0x519: {  	v59 =	vld.idx.msk [tilespmem:v26+s10+$0x0], $0xffff;
	v9 =	vadd.f32 v56, v9;
	v15 =	vadd.f32 v20, v15  }
0x51a: {  	v60 =	vld.idx.msk [tilespmem:v31+s10+$0x0], $0xffff;
	v16 =	vadd.f32 v27, v16;
	v11 =	vadd.f32 v21, v11  }
0x51b: {  	v61 =	vld.idx.msk [tilespmem:v25+s10+$0x0], $0xffff;
	v18 =	vadd.f32 v50, v18;
	[tilespmem:s16+$0x0] =	vst v9;
	v10 =	vadd.f32 v30, v10  }
0x51c: {  	v15 =	vadd.f32 v24, v15;
	[tilespmem:s16+$0xFFFFFFF0] =	vst v11;
	v1 =	vadd.f32 v1, v16  }
0x51d: {  	[tilespmem:s16+$0xFFFFFFD0] =	vst v10;
	v10 =	vadd.f32 v13, v18;
	v11 =	vadd.f32 v58, v62  }
0x51e: {  	v63 =	vadd.f32 v17, v19;
	[tilespmem:s16+$0x10] =	vst v15;
	v1 =	vadd.f32 v59, v1  }
0x51f: {  	v9 =	vadd.f32 v60, v10;
	[tilespmem:s16+$0xFFFFFFC0] =	vst v11  }
0x520: {  	s15 =	sadd.s32 $0x1, s15;
	v10 =	vadd.f32 v61, v63;
	[tilespmem:s16+$0x30] =	vst v1  }
0x521: {  	p0 =	sne.s32 s15, s8;
	[tilespmem:s16+$0xFFFFFFE0] =	vst v9  }
.Ltmp9:
0x522: {  	[tilespmem:s16+$0x20] =	vst v10;
	(pc) =	sbr.rel @p0 .LBB2_1-.Ltmp9, $4  }
0x523: {  	[hbm4b:s7+s9] =	stream.strided.scatter [tilespmem:s14], [sflag:$0x1], $0x10000, s10, s9, $0x38;
	[tilespmem:$0x1E800] =	vst v63  }
0x524: {  	_ =	swait.ge [sflag:s3], $0x10000  }
0x525: {  	[sflag:s3] =	ssyncset.done $0x0  }
0x526: {  	v16 =	vimm.f32 $0.0e+00;
	[sflag:s3] =	ssyncadd.s32 $0xFFFF0000  }
0x527: {  	_ =	sfence.sel $0x180000  }
0x528: {  	[bflag:$0x0] =	sbarrier.arrive $0xFFFF  }
0x529: {  	p0 =	sne.s32 s0, $0x0;
	_ =	strace $0x90000047  }
0x52a: {  	s0 =	sadd.s32 @!p0 $0x100000, s1;
	[bflag:$0x2] =	sbarrier.arrive $0xFFFF  }
0x52b: {  	[sflag:s0] =	ssyncadd.tile.s32 @!p0 $0x1;
	_ =	shalt  }
.Lfunc_end2:
_tile_overlayer_lowered:
.L_overlay_start_2:
0x52c: {  	(tag) =	ssettag $0x2  }
0x52d: {  	s0 =	rddreg [dreg:$0x0];
	s2 =	stileid.u32  }
0x52e: {  	s1 =	rddreg [dreg:$0x1];
	p0 =	sne.s32 s2, $0x0  }
0x52f: {  	s3 =	rddreg [dreg:$0x2];
	[bflag:$0x3] =	sbarrier.arrive $0xFFFF;
	s2 =	simm.s32 @!p0 $0x1C01  }
0x530: {  	[timem:s3], [sflag:s2] =	dma.local @!p0 [hbm:s0], s1  }
0x531: {  	s0 =	simm.s32 @!p0 $0x1  }
0x532: {  	_ =	swait.ge @!p0 [sflag:s0], s1  }
0x533: {  	s1 =	ssub.s32 @!p0 $0x0, s1;
	[sflag:s0] =	ssyncset.done @!p0 $0x0  }
0x534: {  	[sflag:s0] =	ssyncadd.s32 @!p0 s1  }
0x535: {  	[bflag:$0x3] =	sbarrier.arrive $0xFFFF  }
0x536: {  	_ =	shalt  }

</sc_bundles>
